<compile_context>
chip_gen: v7x
topology: tpu7x:2x2x1
jax: 0.10.2.dev20260603
libtpu: 0.0.44.dev20260713+nightly
codegen_flags: <defaults>
</compile_context>

<pallas_src>
import functools
import math

import jax
import jax.numpy as jnp
from jax import lax
from jax.experimental import pallas as pl
from jax.experimental.pallas import tpu as pltpu
from jax.experimental.pallas import tpu_sc as plsc

D_MODEL = 768
_SCALE = math.sqrt(D_MODEL)
_LANES = 16
_NBUF = 4
_LEAD = 2


def _emb_lookup_sc(x_flat, embedding, chunk_rows):
    B = x_flat.shape[0]
    info = plsc.get_sparse_core_info()
    nc, ns = info.num_cores, info.num_subcores
    nw = nc * ns
    b_per_w = B // nw
    nch = b_per_w // chunk_rows
    assert nch % _NBUF == 0 and nch >= 2 * _NBUF and _LEAD <= _NBUF - _LEAD
    idx3 = x_flat.reshape(nw, nch, chunk_rows)
    mesh = plsc.VectorSubcoreMesh(core_axis_name="c", subcore_axis_name="s")

    @functools.partial(
        pl.kernel,
        mesh=mesh,
        out_type=jax.ShapeDtypeStruct((B, D_MODEL), jnp.float32),
        scratch_types=[
            pltpu.VMEM((nch, chunk_rows), jnp.int32),
            pltpu.VMEM((_NBUF, chunk_rows, D_MODEL), jnp.float32),
            [pltpu.SemaphoreType.DMA] * _NBUF,
            [pltpu.SemaphoreType.DMA] * _NBUF,
        ],
    )
    def body(idx_hbm, table_hbm, out_hbm, idx_v, rows_v, gsems, ssems):
        cid = lax.axis_index("c")
        sid = lax.axis_index("s")
        wid = sid * nc + cid
        base = wid * b_per_w
        pltpu.sync_copy(idx_hbm.at[wid], idx_v)

        def gather(g, b):
            return pltpu.make_async_copy(
                table_hbm.at[idx_v.at[g]], rows_v.at[b], gsems[b]
            )

        def scatter(g, b):
            return pltpu.make_async_copy(
                rows_v.at[b],
                out_hbm.at[pl.ds(base + g * chunk_rows, chunk_rows)],
                ssems[b],
            )


        for g0 in range(_LEAD):
            gather(g0, g0).start()

        def step(i, carry):
            for b in range(_NBUF):
                g = i * _NBUF + b
                bn = (b + _LEAD) % _NBUF

                @pl.when(g + _LEAD >= _NBUF)
                def _():
                    scatter(g + _LEAD - _NBUF, bn).wait()

                @pl.when(g + _LEAD < nch)
                def _():
                    gather(g + _LEAD, bn).start()

                gather(g, b).wait()

                def row(r, c2):
                    for c in range(D_MODEL // _LANES):
                        sl = pl.ds(c * _LANES, _LANES)
                        rows_v[b, r, sl] = rows_v[b, r, sl] * _SCALE
                    return c2

                lax.fori_loop(0, chunk_rows, row, 0)
                scatter(g, b).start()
            return carry

        lax.fori_loop(0, nch // _NBUF, step, 0)
        for g0 in range(nch - (_NBUF - _LEAD), nch):
            scatter(g0, g0 % _NBUF).wait()

    return body(idx3, embedding)


def kernel(x, embedding):
    b0, b1 = x.shape
    x_flat = x.reshape(b0 * b1).astype(jnp.int32)
    out = _emb_lookup_sc(x_flat, embedding, chunk_rows=32)
    return out.reshape(b0, b1, D_MODEL)

# --- scband reference (transcript-rebuilt; emitter-appended) ---
"""Pipeline reference for scband-shared-embedding-67293547593836 (READ-ONLY COPY).

The authoritative reference and input builder live on the scoring server;
editing this copy changes nothing except your own understanding.
"""

import math
import jax, jax.numpy as jnp
import numpy as np

VOCAB_SIZE = 100000
D_MODEL = 768

def setup_inputs(seed: int = 0) -> dict:
    key = jax.random.key(seed)
    k_idx, k_emb = jax.random.split(key)
    x = jax.random.randint(k_idx, (4, 8192), 0, VOCAB_SIZE, dtype=jnp.int64 if jax.config.jax_enable_x64 else jnp.int32)
    embedding = jax.random.normal(k_emb, (VOCAB_SIZE, D_MODEL), dtype=jnp.float32)
    return {"x": x, "embedding": embedding}

def reference(x, embedding):
    # nn.Embedding lookup: gather rows, then scale by sqrt(d_model)
    out = jnp.take(embedding, x, axis=0)
    return out * math.sqrt(D_MODEL)

if __name__ == "__main__":
    import jax
    _d = setup_inputs()
    print(jax.jit(kernel)(*tuple(_d.values())))

</pallas_src>

<mosaic_0001>
#map = affine_map<(d0, d1) -> (0, 0, 0)>
#map1 = affine_map<(d0, d1) -> (0, 0)>
module attributes {stable_mosaic.version = 14 : i64} {
  func.func @body(%arg0: i32, %arg1: i32, %arg2: memref<32x32x32xi32, #tpu.memory_space<hbm>>, %arg3: memref<100000x768xf32, #tpu.memory_space<hbm>>, %arg4: memref<32768x768xf32, #tpu.memory_space<hbm>>, %arg5: memref<32x32xi32, #tpu.memory_space<vmem>>, %arg6: memref<4x32x768xf32, #tpu.memory_space<vmem>>, %arg7: memref<!tpu.dma_semaphore, #tpu.memory_space<semaphore_mem>>, %arg8: memref<!tpu.dma_semaphore, #tpu.memory_space<semaphore_mem>>, %arg9: memref<!tpu.dma_semaphore, #tpu.memory_space<semaphore_mem>>, %arg10: memref<!tpu.dma_semaphore, #tpu.memory_space<semaphore_mem>>, %arg11: memref<!tpu.dma_semaphore, #tpu.memory_space<semaphore_mem>>, %arg12: memref<!tpu.dma_semaphore, #tpu.memory_space<semaphore_mem>>, %arg13: memref<!tpu.dma_semaphore, #tpu.memory_space<semaphore_mem>>, %arg14: memref<!tpu.dma_semaphore, #tpu.memory_space<semaphore_mem>>) attributes {dimension_semantics = [#tpu.dimension_semantics<core_parallel>, #tpu.dimension_semantics<subcore_parallel>], iteration_bounds = array<i64: 2, 16>, scalar_prefetch = 0 : i64, scratch_operands = 10 : i64, tpu.core_type = #tpu.core_type<sc_vector_subcore>, window_params = [{transform_indices = #map}, {transform_indices = #map1}, {transform_indices = #map1}]} {
    %mul3A = arith.constant 2 : i32
    %mul3A_0 = arith.muli %arg1, %mul3A : i32
    %add3A = arith.addi %mul3A_0, %arg0 : i32
    %mul3A_1 = arith.constant 1024 : i32
    %mul3A_2 = arith.muli %add3A, %mul3A_1 : i32
    "tpu.region"() ({
      %run_scoped3A = tpu.sem_alloc : memref<!tpu.dma_semaphore, #tpu.memory_space<semaphore_mem>>
      %dma_start3A_60 = arith.constant 0 : i32
      %dma_start3A_61 = arith.constant 0 : i32
      %dma_start3A_62 = tpu.memref_slice %arg2[%add3A, %dma_start3A_60, %dma_start3A_61] : memref<32x32x32xi32, #tpu.memory_space<hbm>> -> memref<1x32x32xi32, #tpu.memory_space<hbm>>
      %dma_start3A_63 = tpu.memref_squeeze %dma_start3A_62 : memref<1x32x32xi32, #tpu.memory_space<hbm>> -> memref<32x32xi32, #tpu.memory_space<hbm>>
      %dma_start3A_64 = arith.constant 0 : i32
      %dma_start3A_65 = arith.constant 0 : i32
      %dma_start3A_66 = tpu.memref_slice %arg2[%add3A, %dma_start3A_64, %dma_start3A_65] : memref<32x32x32xi32, #tpu.memory_space<hbm>> -> memref<1x32x32xi32, #tpu.memory_space<hbm>>
      %dma_start3A_67 = tpu.memref_squeeze %dma_start3A_66 : memref<1x32x32xi32, #tpu.memory_space<hbm>> -> memref<32x32xi32, #tpu.memory_space<hbm>>
      tpu.enqueue_dma source(%dma_start3A_67 : memref<32x32xi32, #tpu.memory_space<hbm>>) target(%arg5 : memref<32x32xi32, #tpu.memory_space<vmem>>) target_semaphore(%run_scoped3A : memref<!tpu.dma_semaphore, #tpu.memory_space<semaphore_mem>>)
      %dma_wait3A_68 = arith.constant 0 : i32
      %dma_wait3A_69 = arith.constant 0 : i32
      %dma_wait3A_70 = tpu.memref_slice %arg2[%add3A, %dma_wait3A_68, %dma_wait3A_69] : memref<32x32x32xi32, #tpu.memory_space<hbm>> -> memref<1x32x32xi32, #tpu.memory_space<hbm>>
      %dma_wait3A_71 = tpu.memref_squeeze %dma_wait3A_70 : memref<1x32x32xi32, #tpu.memory_space<hbm>> -> memref<32x32xi32, #tpu.memory_space<hbm>>
      %dma_wait3A_72 = arith.constant 0 : i32
      %dma_wait3A_73 = arith.constant 0 : i32
      %dma_wait3A_74 = tpu.memref_slice %arg2[%add3A, %dma_wait3A_72, %dma_wait3A_73] : memref<32x32x32xi32, #tpu.memory_space<hbm>> -> memref<1x32x32xi32, #tpu.memory_space<hbm>>
      %dma_wait3A_75 = tpu.memref_squeeze %dma_wait3A_74 : memref<1x32x32xi32, #tpu.memory_space<hbm>> -> memref<32x32xi32, #tpu.memory_space<hbm>>
      tpu.wait_dma2 semaphore(%run_scoped3A : memref<!tpu.dma_semaphore, #tpu.memory_space<semaphore_mem>>) src(%dma_wait3A_75 : memref<32x32xi32, #tpu.memory_space<hbm>>) dst(%arg5 : memref<32x32xi32, #tpu.memory_space<vmem>>)
      tpu.yield
    }) : () -> ()
    %dma_start3A = arith.constant 0 : i32
    %dma_start3A_3 = arith.constant 0 : i32
    %dma_start3A_4 = arith.constant 0 : i32
    %dma_start3A_5 = arith.constant 0 : i32
    %dma_start3A_6 = tpu.memref_slice %arg6[%dma_start3A_3, %dma_start3A_4, %dma_start3A_5] : memref<4x32x768xf32, #tpu.memory_space<vmem>> -> memref<1x32x768xf32, #tpu.memory_space<vmem>>
    %dma_start3A_7 = tpu.memref_squeeze %dma_start3A_6 : memref<1x32x768xf32, #tpu.memory_space<vmem>> -> memref<32x768xf32, #tpu.memory_space<vmem>>
    %dma_start3A_8 = arith.constant 0 : i32
    %dma_start3A_9 = tpu.memref_slice %arg5[%dma_start3A, %dma_start3A_8] : memref<32x32xi32, #tpu.memory_space<vmem>> -> memref<1x32xi32, #tpu.memory_space<vmem>>
    %dma_start3A_10 = tpu.memref_squeeze %dma_start3A_9 : memref<1x32xi32, #tpu.memory_space<vmem>> -> memref<32xi32, #tpu.memory_space<vmem>>
    %dma_start3A_11 = arith.constant 0 : i32
    %dma_start3A_12 = arith.constant 0 : i32
    %dma_start3A_13 = tpu.memref_slice %arg3[%dma_start3A_11, %dma_start3A_12] : memref<100000x768xf32, #tpu.memory_space<hbm>> -> memref<100000x768xf32, #tpu.memory_space<hbm>>
    tpu.enqueue_indirect_dma source(%dma_start3A_13 : memref<100000x768xf32, #tpu.memory_space<hbm>>) target(%dma_start3A_7 : memref<32x768xf32, #tpu.memory_space<vmem>>) offsets(%dma_start3A_10 : memref<32xi32, #tpu.memory_space<vmem>>) semaphore(%arg7 : memref<!tpu.dma_semaphore, #tpu.memory_space<semaphore_mem>>)
    %dma_start3A_14 = arith.constant 1 : i32
    %dma_start3A_15 = arith.constant 1 : i32
    %dma_start3A_16 = arith.constant 0 : i32
    %dma_start3A_17 = arith.constant 0 : i32
    %dma_start3A_18 = tpu.memref_slice %arg6[%dma_start3A_15, %dma_start3A_16, %dma_start3A_17] : memref<4x32x768xf32, #tpu.memory_space<vmem>> -> memref<1x32x768xf32, #tpu.memory_space<vmem>>
    %dma_start3A_19 = tpu.memref_squeeze %dma_start3A_18 : memref<1x32x768xf32, #tpu.memory_space<vmem>> -> memref<32x768xf32, #tpu.memory_space<vmem>>
    %dma_start3A_20 = arith.constant 0 : i32
    %dma_start3A_21 = tpu.memref_slice %arg5[%dma_start3A_14, %dma_start3A_20] : memref<32x32xi32, #tpu.memory_space<vmem>> -> memref<1x32xi32, #tpu.memory_space<vmem>>
    %dma_start3A_22 = tpu.memref_squeeze %dma_start3A_21 : memref<1x32xi32, #tpu.memory_space<vmem>> -> memref<32xi32, #tpu.memory_space<vmem>>
    %dma_start3A_23 = arith.constant 0 : i32
    %dma_start3A_24 = arith.constant 0 : i32
    %dma_start3A_25 = tpu.memref_slice %arg3[%dma_start3A_23, %dma_start3A_24] : memref<100000x768xf32, #tpu.memory_space<hbm>> -> memref<100000x768xf32, #tpu.memory_space<hbm>>
    tpu.enqueue_indirect_dma source(%dma_start3A_25 : memref<100000x768xf32, #tpu.memory_space<hbm>>) target(%dma_start3A_19 : memref<32x768xf32, #tpu.memory_space<vmem>>) offsets(%dma_start3A_22 : memref<32xi32, #tpu.memory_space<vmem>>) semaphore(%arg8 : memref<!tpu.dma_semaphore, #tpu.memory_space<semaphore_mem>>)
    %scan3A = arith.constant 0 : i32
    %scan3A_26 = arith.constant 0 : i32
    %scan3A_27 = arith.constant 8 : i32
    %scan3A_28 = arith.addi %scan3A_26, %scan3A_27 : i32
    %scan3A_29 = arith.constant 1 : i32
    scf.for %scan3A_60 = %scan3A_26 to %scan3A_28 step %scan3A_29  : i32 {
      %mul3A_61 = arith.constant 4 : i32
      %mul3A_62 = arith.muli %scan3A_60, %mul3A_61 : i32
      %add3A_63 = arith.constant 0 : i32
      %add3A_64 = arith.addi %mul3A_62, %add3A_63 : i32
      %add3A_65 = arith.constant 2 : i32
      %add3A_66 = arith.addi %add3A_64, %add3A_65 : i32
      %ge3A = arith.constant 4 : i32
      %ge3A_67 = arith.cmpi sge, %add3A_66, %ge3A : i32
      %convert_element_type3A = arith.extui %ge3A_67 : i1 to i32
      %cond3A = arith.constant 0 : i32
      %cond3A_68 = arith.cmpi ne, %convert_element_type3A, %cond3A : i32
      scf.if %cond3A_68 {
        %add3A_261 = arith.constant 2 : i32
        %add3A_262 = arith.addi %add3A_64, %add3A_261 : i32
        %sub3A = arith.constant 4 : i32
        %sub3A_263 = arith.subi %add3A_262, %sub3A : i32
        %mul3A_264 = arith.constant 32 : i32
        %mul3A_265 = arith.muli %sub3A_263, %mul3A_264 : i32
        %add3A_266 = arith.addi %mul3A_2, %mul3A_265 : i32
        %dma_wait3A_267 = arith.constant 2 : i32
        %dma_wait3A_268 = arith.constant 0 : i32
        %dma_wait3A_269 = arith.constant 0 : i32
        %dma_wait3A_270 = tpu.memref_slice %arg6[%dma_wait3A_267, %dma_wait3A_268, %dma_wait3A_269] : memref<4x32x768xf32, #tpu.memory_space<vmem>> -> memref<1x32x768xf32, #tpu.memory_space<vmem>>
        %dma_wait3A_271 = tpu.memref_squeeze %dma_wait3A_270 : memref<1x32x768xf32, #tpu.memory_space<vmem>> -> memref<32x768xf32, #tpu.memory_space<vmem>>
        %dma_wait3A_272 = arith.constant 0 : i32
        %dma_wait3A_273 = tpu.memref_slice %arg4[%add3A_266, %dma_wait3A_272] : memref<32768x768xf32, #tpu.memory_space<hbm>> -> memref<32x768xf32, #tpu.memory_space<hbm>>
        %dma_wait3A_274 = arith.constant 0 : i32
        %dma_wait3A_275 = tpu.memref_slice %arg4[%add3A_266, %dma_wait3A_274] : memref<32768x768xf32, #tpu.memory_space<hbm>> -> memref<32x768xf32, #tpu.memory_space<hbm>>
        %dma_wait3A_276 = arith.constant 0 : i32
        %dma_wait3A_277 = arith.constant 0 : i32
        %dma_wait3A_278 = tpu.memref_slice %arg6[%dma_wait3A_267, %dma_wait3A_276, %dma_wait3A_277] : memref<4x32x768xf32, #tpu.memory_space<vmem>> -> memref<1x32x768xf32, #tpu.memory_space<vmem>>
        %dma_wait3A_279 = tpu.memref_squeeze %dma_wait3A_278 : memref<1x32x768xf32, #tpu.memory_space<vmem>> -> memref<32x768xf32, #tpu.memory_space<vmem>>
        tpu.wait_dma2 semaphore(%arg13 : memref<!tpu.dma_semaphore, #tpu.memory_space<semaphore_mem>>) src(%dma_wait3A_279 : memref<32x768xf32, #tpu.memory_space<vmem>>) dst(%dma_wait3A_275 : memref<32x768xf32, #tpu.memory_space<hbm>>)
      } else {
      }
      %add3A_69 = arith.constant 2 : i32
      %add3A_70 = arith.addi %add3A_64, %add3A_69 : i32
      %lt3A = arith.constant 32 : i32
      %lt3A_71 = arith.cmpi slt, %add3A_70, %lt3A : i32
      %convert_element_type3A_72 = arith.extui %lt3A_71 : i1 to i32
      %cond3A_73 = arith.constant 0 : i32
      %cond3A_74 = arith.cmpi ne, %convert_element_type3A_72, %cond3A_73 : i32
      scf.if %cond3A_74 {
        %add3A_261 = arith.constant 2 : i32
        %add3A_262 = arith.addi %add3A_64, %add3A_261 : i32
        %dma_start3A_263 = arith.constant 2 : i32
        %dma_start3A_264 = arith.constant 0 : i32
        %dma_start3A_265 = arith.constant 0 : i32
        %dma_start3A_266 = tpu.memref_slice %arg6[%dma_start3A_263, %dma_start3A_264, %dma_start3A_265] : memref<4x32x768xf32, #tpu.memory_space<vmem>> -> memref<1x32x768xf32, #tpu.memory_space<vmem>>
        %dma_start3A_267 = tpu.memref_squeeze %dma_start3A_266 : memref<1x32x768xf32, #tpu.memory_space<vmem>> -> memref<32x768xf32, #tpu.memory_space<vmem>>
        %dma_start3A_268 = arith.constant 0 : i32
        %dma_start3A_269 = tpu.memref_slice %arg5[%add3A_262, %dma_start3A_268] : memref<32x32xi32, #tpu.memory_space<vmem>> -> memref<1x32xi32, #tpu.memory_space<vmem>>
        %dma_start3A_270 = tpu.memref_squeeze %dma_start3A_269 : memref<1x32xi32, #tpu.memory_space<vmem>> -> memref<32xi32, #tpu.memory_space<vmem>>
        %dma_start3A_271 = arith.constant 0 : i32
        %dma_start3A_272 = arith.constant 0 : i32
        %dma_start3A_273 = tpu.memref_slice %arg3[%dma_start3A_271, %dma_start3A_272] : memref<100000x768xf32, #tpu.memory_space<hbm>> -> memref<100000x768xf32, #tpu.memory_space<hbm>>
        tpu.enqueue_indirect_dma source(%dma_start3A_273 : memref<100000x768xf32, #tpu.memory_space<hbm>>) target(%dma_start3A_267 : memref<32x768xf32, #tpu.memory_space<vmem>>) offsets(%dma_start3A_270 : memref<32xi32, #tpu.memory_space<vmem>>) semaphore(%arg9 : memref<!tpu.dma_semaphore, #tpu.memory_space<semaphore_mem>>)
      } else {
      }
      %dma_wait3A_75 = arith.constant 0 : i32
      %dma_wait3A_76 = arith.constant 0 : i32
      %dma_wait3A_77 = arith.constant 0 : i32
      %dma_wait3A_78 = tpu.memref_slice %arg6[%dma_wait3A_75, %dma_wait3A_76, %dma_wait3A_77] : memref<4x32x768xf32, #tpu.memory_space<vmem>> -> memref<1x32x768xf32, #tpu.memory_space<vmem>>
      %dma_wait3A_79 = tpu.memref_squeeze %dma_wait3A_78 : memref<1x32x768xf32, #tpu.memory_space<vmem>> -> memref<32x768xf32, #tpu.memory_space<vmem>>
      %dma_wait3A_80 = arith.constant 0 : i32
      %dma_wait3A_81 = tpu.memref_slice %arg5[%add3A_64, %dma_wait3A_80] : memref<32x32xi32, #tpu.memory_space<vmem>> -> memref<1x32xi32, #tpu.memory_space<vmem>>
      %dma_wait3A_82 = tpu.memref_squeeze %dma_wait3A_81 : memref<1x32xi32, #tpu.memory_space<vmem>> -> memref<32xi32, #tpu.memory_space<vmem>>
      %dma_wait3A_83 = arith.constant 0 : i32
      %dma_wait3A_84 = arith.constant 0 : i32
      %dma_wait3A_85 = tpu.memref_slice %arg3[%dma_wait3A_83, %dma_wait3A_84] : memref<100000x768xf32, #tpu.memory_space<hbm>> -> memref<100000x768xf32, #tpu.memory_space<hbm>>
      tpu.wait_indirect_dma semaphore(%arg7 : memref<!tpu.dma_semaphore, #tpu.memory_space<semaphore_mem>>) src(%dma_wait3A_85 : memref<100000x768xf32, #tpu.memory_space<hbm>>) dst(%dma_wait3A_79 : memref<32x768xf32, #tpu.memory_space<vmem>>)
      %scan3A_86 = arith.constant 0 : i32
      %scan3A_87 = arith.constant 0 : i32
      %scan3A_88 = arith.constant 32 : i32
      %scan3A_89 = arith.addi %scan3A_87, %scan3A_88 : i32
      %scan3A_90 = arith.constant 1 : i32
      scf.for %scan3A_261 = %scan3A_87 to %scan3A_89 step %scan3A_90  : i32 {
        %get3A = arith.constant 0 : i32
        %get3A_262 = arith.index_cast %get3A : i32 to index
        %get3A_263 = arith.index_cast %scan3A_261 : i32 to index
        %get3A_264 = arith.constant 0 : index
        %get3A_265 = tpu.vector_load %arg6[%get3A_262, %get3A_263, %get3A_264] {strides = array<i32>} : memref<4x32x768xf32, #tpu.memory_space<vmem>>, vector<1x1x16xf32>,
        %get3A_266 = vector.shape_cast %get3A_265 : vector<1x1x16xf32> to vector<16xf32>
        %mul3A_267 = arith.constant 27.7128124 : f32
        %mul3A_268 = vector.broadcast %mul3A_267 : f32 to vector<16xf32>
        %mul3A_269 = arith.mulf %get3A_266, %mul3A_268 : vector<16xf32>
        %swap3A = arith.constant 0 : i32
        %swap3A_270 = arith.index_cast %swap3A : i32 to index
        %swap3A_271 = arith.index_cast %scan3A_261 : i32 to index
        %swap3A_272 = arith.constant 0 : index
        %swap3A_273 = tpu.vector_load %arg6[%swap3A_270, %swap3A_271, %swap3A_272] {strides = array<i32>} : memref<4x32x768xf32, #tpu.memory_space<vmem>>, vector<1x1x16xf32>,
        %swap3A_274 = vector.shape_cast %swap3A_273 : vector<1x1x16xf32> to vector<16xf32>
        %swap3A_275 = vector.shape_cast %mul3A_269 : vector<16xf32> to vector<1x1x16xf32>
        tpu.vector_store %arg6[%swap3A_270, %swap3A_271, %swap3A_272], %swap3A_275 {strides = array<i32>} : memref<4x32x768xf32, #tpu.memory_space<vmem>>, vector<1x1x16xf32>,
        %get3A_276 = arith.constant 0 : i32
        %get3A_277 = arith.index_cast %get3A_276 : i32 to index
        %get3A_278 = arith.index_cast %scan3A_261 : i32 to index
        %get3A_279 = arith.constant 16 : index
        %get3A_280 = tpu.vector_load %arg6[%get3A_277, %get3A_278, %get3A_279] {strides = array<i32>} : memref<4x32x768xf32, #tpu.memory_space<vmem>>, vector<1x1x16xf32>,
        %get3A_281 = vector.shape_cast %get3A_280 : vector<1x1x16xf32> to vector<16xf32>
        %mul3A_282 = arith.constant 27.7128124 : f32
        %mul3A_283 = vector.broadcast %mul3A_282 : f32 to vector<16xf32>
        %mul3A_284 = arith.mulf %get3A_281, %mul3A_283 : vector<16xf32>
        %swap3A_285 = arith.constant 0 : i32
        %swap3A_286 = arith.index_cast %swap3A_285 : i32 to index
        %swap3A_287 = arith.index_cast %scan3A_261 : i32 to index
        %swap3A_288 = arith.constant 16 : index
        %swap3A_289 = tpu.vector_load %arg6[%swap3A_286, %swap3A_287, %swap3A_288] {strides = array<i32>} : memref<4x32x768xf32, #tpu.memory_space<vmem>>, vector<1x1x16xf32>,
        %swap3A_290 = vector.shape_cast %swap3A_289 : vector<1x1x16xf32> to vector<16xf32>
        %swap3A_291 = vector.shape_cast %mul3A_284 : vector<16xf32> to vector<1x1x16xf32>
        tpu.vector_store %arg6[%swap3A_286, %swap3A_287, %swap3A_288], %swap3A_291 {strides = array<i32>} : memref<4x32x768xf32, #tpu.memory_space<vmem>>, vector<1x1x16xf32>,
        %get3A_292 = arith.constant 0 : i32
        %get3A_293 = arith.index_cast %get3A_292 : i32 to index
        %get3A_294 = arith.index_cast %scan3A_261 : i32 to index
        %get3A_295 = arith.constant 32 : index
        %get3A_296 = tpu.vector_load %arg6[%get3A_293, %get3A_294, %get3A_295] {strides = array<i32>} : memref<4x32x768xf32, #tpu.memory_space<vmem>>, vector<1x1x16xf32>,
        %get3A_297 = vector.shape_cast %get3A_296 : vector<1x1x16xf32> to vector<16xf32>
        %mul3A_298 = arith.constant 27.7128124 : f32
        %mul3A_299 = vector.broadcast %mul3A_298 : f32 to vector<16xf32>
        %mul3A_300 = arith.mulf %get3A_297, %mul3A_299 : vector<16xf32>
        %swap3A_301 = arith.constant 0 : i32
        %swap3A_302 = arith.index_cast %swap3A_301 : i32 to index
        %swap3A_303 = arith.index_cast %scan3A_261 : i32 to index
        %swap3A_304 = arith.constant 32 : index
        %swap3A_305 = tpu.vector_load %arg6[%swap3A_302, %swap3A_303, %swap3A_304] {strides = array<i32>} : memref<4x32x768xf32, #tpu.memory_space<vmem>>, vector<1x1x16xf32>,
        %swap3A_306 = vector.shape_cast %swap3A_305 : vector<1x1x16xf32> to vector<16xf32>
        %swap3A_307 = vector.shape_cast %mul3A_300 : vector<16xf32> to vector<1x1x16xf32>
        tpu.vector_store %arg6[%swap3A_302, %swap3A_303, %swap3A_304], %swap3A_307 {strides = array<i32>} : memref<4x32x768xf32, #tpu.memory_space<vmem>>, vector<1x1x16xf32>,
        %get3A_308 = arith.constant 0 : i32
        %get3A_309 = arith.index_cast %get3A_308 : i32 to index
        %get3A_310 = arith.index_cast %scan3A_261 : i32 to index
        %get3A_311 = arith.constant 48 : index
        %get3A_312 = tpu.vector_load %arg6[%get3A_309, %get3A_310, %get3A_311] {strides = array<i32>} : memref<4x32x768xf32, #tpu.memory_space<vmem>>, vector<1x1x16xf32>,
        %get3A_313 = vector.shape_cast %get3A_312 : vector<1x1x16xf32> to vector<16xf32>
        %mul3A_314 = arith.constant 27.7128124 : f32
        %mul3A_315 = vector.broadcast %mul3A_314 : f32 to vector<16xf32>
        %mul3A_316 = arith.mulf %get3A_313, %mul3A_315 : vector<16xf32>
        %swap3A_317 = arith.constant 0 : i32
        %swap3A_318 = arith.index_cast %swap3A_317 : i32 to index
        %swap3A_319 = arith.index_cast %scan3A_261 : i32 to index
        %swap3A_320 = arith.constant 48 : index
        %swap3A_321 = tpu.vector_load %arg6[%swap3A_318, %swap3A_319, %swap3A_320] {strides = array<i32>} : memref<4x32x768xf32, #tpu.memory_space<vmem>>, vector<1x1x16xf32>,
        %swap3A_322 = vector.shape_cast %swap3A_321 : vector<1x1x16xf32> to vector<16xf32>
        %swap3A_323 = vector.shape_cast %mul3A_316 : vector<16xf32> to vector<1x1x16xf32>
        tpu.vector_store %arg6[%swap3A_318, %swap3A_319, %swap3A_320], %swap3A_323 {strides = array<i32>} : memref<4x32x768xf32, #tpu.memory_space<vmem>>, vector<1x1x16xf32>,
        %get3A_324 = arith.constant 0 : i32
        %get3A_325 = arith.index_cast %get3A_324 : i32 to index
        %get3A_326 = arith.index_cast %scan3A_261 : i32 to index
        %get3A_327 = arith.constant 64 : index
        %get3A_328 = tpu.vector_load %arg6[%get3A_325, %get3A_326, %get3A_327] {strides = array<i32>} : memref<4x32x768xf32, #tpu.memory_space<vmem>>, vector<1x1x16xf32>,
        %get3A_329 = vector.shape_cast %get3A_328 : vector<1x1x16xf32> to vector<16xf32>
        %mul3A_330 = arith.constant 27.7128124 : f32
        %mul3A_331 = vector.broadcast %mul3A_330 : f32 to vector<16xf32>
        %mul3A_332 = arith.mulf %get3A_329, %mul3A_331 : vector<16xf32>
        %swap3A_333 = arith.constant 0 : i32
        %swap3A_334 = arith.index_cast %swap3A_333 : i32 to index
        %swap3A_335 = arith.index_cast %scan3A_261 : i32 to index
        %swap3A_336 = arith.constant 64 : index
        %swap3A_337 = tpu.vector_load %arg6[%swap3A_334, %swap3A_335, %swap3A_336] {strides = array<i32>} : memref<4x32x768xf32, #tpu.memory_space<vmem>>, vector<1x1x16xf32>,
        %swap3A_338 = vector.shape_cast %swap3A_337 : vector<1x1x16xf32> to vector<16xf32>
        %swap3A_339 = vector.shape_cast %mul3A_332 : vector<16xf32> to vector<1x1x16xf32>
        tpu.vector_store %arg6[%swap3A_334, %swap3A_335, %swap3A_336], %swap3A_339 {strides = array<i32>} : memref<4x32x768xf32, #tpu.memory_space<vmem>>, vector<1x1x16xf32>,
        %get3A_340 = arith.constant 0 : i32
        %get3A_341 = arith.index_cast %get3A_340 : i32 to index
        %get3A_342 = arith.index_cast %scan3A_261 : i32 to index
        %get3A_343 = arith.constant 80 : index
        %get3A_344 = tpu.vector_load %arg6[%get3A_341, %get3A_342, %get3A_343] {strides = array<i32>} : memref<4x32x768xf32, #tpu.memory_space<vmem>>, vector<1x1x16xf32>,
        %get3A_345 = vector.shape_cast %get3A_344 : vector<1x1x16xf32> to vector<16xf32>
        %mul3A_346 = arith.constant 27.7128124 : f32
        %mul3A_347 = vector.broadcast %mul3A_346 : f32 to vector<16xf32>
        %mul3A_348 = arith.mulf %get3A_345, %mul3A_347 : vector<16xf32>
        %swap3A_349 = arith.constant 0 : i32
        %swap3A_350 = arith.index_cast %swap3A_349 : i32 to index
        %swap3A_351 = arith.index_cast %scan3A_261 : i32 to index
        %swap3A_352 = arith.constant 80 : index
        %swap3A_353 = tpu.vector_load %arg6[%swap3A_350, %swap3A_351, %swap3A_352] {strides = array<i32>} : memref<4x32x768xf32, #tpu.memory_space<vmem>>, vector<1x1x16xf32>,
        %swap3A_354 = vector.shape_cast %swap3A_353 : vector<1x1x16xf32> to vector<16xf32>
        %swap3A_355 = vector.shape_cast %mul3A_348 : vector<16xf32> to vector<1x1x16xf32>
        tpu.vector_store %arg6[%swap3A_350, %swap3A_351, %swap3A_352], %swap3A_355 {strides = array<i32>} : memref<4x32x768xf32, #tpu.memory_space<vmem>>, vector<1x1x16xf32>,
        %get3A_356 = arith.constant 0 : i32
        %get3A_357 = arith.index_cast %get3A_356 : i32 to index
        %get3A_358 = arith.index_cast %scan3A_261 : i32 to index
        %get3A_359 = arith.constant 96 : index
        %get3A_360 = tpu.vector_load %arg6[%get3A_357, %get3A_358, %get3A_359] {strides = array<i32>} : memref<4x32x768xf32, #tpu.memory_space<vmem>>, vector<1x1x16xf32>,
        %get3A_361 = vector.shape_cast %get3A_360 : vector<1x1x16xf32> to vector<16xf32>
        %mul3A_362 = arith.constant 27.7128124 : f32
        %mul3A_363 = vector.broadcast %mul3A_362 : f32 to vector<16xf32>
        %mul3A_364 = arith.mulf %get3A_361, %mul3A_363 : vector<16xf32>
        %swap3A_365 = arith.constant 0 : i32
        %swap3A_366 = arith.index_cast %swap3A_365 : i32 to index
        %swap3A_367 = arith.index_cast %scan3A_261 : i32 to index
        %swap3A_368 = arith.constant 96 : index
        %swap3A_369 = tpu.vector_load %arg6[%swap3A_366, %swap3A_367, %swap3A_368] {strides = array<i32>} : memref<4x32x768xf32, #tpu.memory_space<vmem>>, vector<1x1x16xf32>,
        %swap3A_370 = vector.shape_cast %swap3A_369 : vector<1x1x16xf32> to vector<16xf32>
        %swap3A_371 = vector.shape_cast %mul3A_364 : vector<16xf32> to vector<1x1x16xf32>
        tpu.vector_store %arg6[%swap3A_366, %swap3A_367, %swap3A_368], %swap3A_371 {strides = array<i32>} : memref<4x32x768xf32, #tpu.memory_space<vmem>>, vector<1x1x16xf32>,
        %get3A_372 = arith.constant 0 : i32
        %get3A_373 = arith.index_cast %get3A_372 : i32 to index
        %get3A_374 = arith.index_cast %scan3A_261 : i32 to index
        %get3A_375 = arith.constant 112 : index
        %get3A_376 = tpu.vector_load %arg6[%get3A_373, %get3A_374, %get3A_375] {strides = array<i32>} : memref<4x32x768xf32, #tpu.memory_space<vmem>>, vector<1x1x16xf32>,
        %get3A_377 = vector.shape_cast %get3A_376 : vector<1x1x16xf32> to vector<16xf32>
        %mul3A_378 = arith.constant 27.7128124 : f32
        %mul3A_379 = vector.broadcast %mul3A_378 : f32 to vector<16xf32>
        %mul3A_380 = arith.mulf %get3A_377, %mul3A_379 : vector<16xf32>
        %swap3A_381 = arith.constant 0 : i32
        %swap3A_382 = arith.index_cast %swap3A_381 : i32 to index
        %swap3A_383 = arith.index_cast %scan3A_261 : i32 to index
        %swap3A_384 = arith.constant 112 : index
        %swap3A_385 = tpu.vector_load %arg6[%swap3A_382, %swap3A_383, %swap3A_384] {strides = array<i32>} : memref<4x32x768xf32, #tpu.memory_space<vmem>>, vector<1x1x16xf32>,
        %swap3A_386 = vector.shape_cast %swap3A_385 : vector<1x1x16xf32> to vector<16xf32>
        %swap3A_387 = vector.shape_cast %mul3A_380 : vector<16xf32> to vector<1x1x16xf32>
        tpu.vector_store %arg6[%swap3A_382, %swap3A_383, %swap3A_384], %swap3A_387 {strides = array<i32>} : memref<4x32x768xf32, #tpu.memory_space<vmem>>, vector<1x1x16xf32>,
        %get3A_388 = arith.constant 0 : i32
        %get3A_389 = arith.index_cast %get3A_388 : i32 to index
        %get3A_390 = arith.index_cast %scan3A_261 : i32 to index
        %get3A_391 = arith.constant 128 : index
        %get3A_392 = tpu.vector_load %arg6[%get3A_389, %get3A_390, %get3A_391] {strides = array<i32>} : memref<4x32x768xf32, #tpu.memory_space<vmem>>, vector<1x1x16xf32>,
        %get3A_393 = vector.shape_cast %get3A_392 : vector<1x1x16xf32> to vector<16xf32>
        %mul3A_394 = arith.constant 27.7128124 : f32
        %mul3A_395 = vector.broadcast %mul3A_394 : f32 to vector<16xf32>
        %mul3A_396 = arith.mulf %get3A_393, %mul3A_395 : vector<16xf32>
        %swap3A_397 = arith.constant 0 : i32
        %swap3A_398 = arith.index_cast %swap3A_397 : i32 to index
        %swap3A_399 = arith.index_cast %scan3A_261 : i32 to index
        %swap3A_400 = arith.constant 128 : index
        %swap3A_401 = tpu.vector_load %arg6[%swap3A_398, %swap3A_399, %swap3A_400] {strides = array<i32>} : memref<4x32x768xf32, #tpu.memory_space<vmem>>, vector<1x1x16xf32>,
        %swap3A_402 = vector.shape_cast %swap3A_401 : vector<1x1x16xf32> to vector<16xf32>
        %swap3A_403 = vector.shape_cast %mul3A_396 : vector<16xf32> to vector<1x1x16xf32>
        tpu.vector_store %arg6[%swap3A_398, %swap3A_399, %swap3A_400], %swap3A_403 {strides = array<i32>} : memref<4x32x768xf32, #tpu.memory_space<vmem>>, vector<1x1x16xf32>,
        %get3A_404 = arith.constant 0 : i32
        %get3A_405 = arith.index_cast %get3A_404 : i32 to index
        %get3A_406 = arith.index_cast %scan3A_261 : i32 to index
        %get3A_407 = arith.constant 144 : index
        %get3A_408 = tpu.vector_load %arg6[%get3A_405, %get3A_406, %get3A_407] {strides = array<i32>} : memref<4x32x768xf32, #tpu.memory_space<vmem>>, vector<1x1x16xf32>,
        %get3A_409 = vector.shape_cast %get3A_408 : vector<1x1x16xf32> to vector<16xf32>
        %mul3A_410 = arith.constant 27.7128124 : f32
        %mul3A_411 = vector.broadcast %mul3A_410 : f32 to vector<16xf32>
        %mul3A_412 = arith.mulf %get3A_409, %mul3A_411 : vector<16xf32>
        %swap3A_413 = arith.constant 0 : i32
        %swap3A_414 = arith.index_cast %swap3A_413 : i32 to index
        %swap3A_415 = arith.index_cast %scan3A_261 : i32 to index
        %swap3A_416 = arith.constant 144 : index
        %swap3A_417 = tpu.vector_load %arg6[%swap3A_414, %swap3A_415, %swap3A_416] {strides = array<i32>} : memref<4x32x768xf32, #tpu.memory_space<vmem>>, vector<1x1x16xf32>,
        %swap3A_418 = vector.shape_cast %swap3A_417 : vector<1x1x16xf32> to vector<16xf32>
        %swap3A_419 = vector.shape_cast %mul3A_412 : vector<16xf32> to vector<1x1x16xf32>
        tpu.vector_store %arg6[%swap3A_414, %swap3A_415, %swap3A_416], %swap3A_419 {strides = array<i32>} : memref<4x32x768xf32, #tpu.memory_space<vmem>>, vector<1x1x16xf32>,
        %get3A_420 = arith.constant 0 : i32
        %get3A_421 = arith.index_cast %get3A_420 : i32 to index
        %get3A_422 = arith.index_cast %scan3A_261 : i32 to index
        %get3A_423 = arith.constant 160 : index
        %get3A_424 = tpu.vector_load %arg6[%get3A_421, %get3A_422, %get3A_423] {strides = array<i32>} : memref<4x32x768xf32, #tpu.memory_space<vmem>>, vector<1x1x16xf32>,
        %get3A_425 = vector.shape_cast %get3A_424 : vector<1x1x16xf32> to vector<16xf32>
        %mul3A_426 = arith.constant 27.7128124 : f32
        %mul3A_427 = vector.broadcast %mul3A_426 : f32 to vector<16xf32>
        %mul3A_428 = arith.mulf %get3A_425, %mul3A_427 : vector<16xf32>
        %swap3A_429 = arith.constant 0 : i32
        %swap3A_430 = arith.index_cast %swap3A_429 : i32 to index
        %swap3A_431 = arith.index_cast %scan3A_261 : i32 to index
        %swap3A_432 = arith.constant 160 : index
        %swap3A_433 = tpu.vector_load %arg6[%swap3A_430, %swap3A_431, %swap3A_432] {strides = array<i32>} : memref<4x32x768xf32, #tpu.memory_space<vmem>>, vector<1x1x16xf32>,
        %swap3A_434 = vector.shape_cast %swap3A_433 : vector<1x1x16xf32> to vector<16xf32>
        %swap3A_435 = vector.shape_cast %mul3A_428 : vector<16xf32> to vector<1x1x16xf32>
        tpu.vector_store %arg6[%swap3A_430, %swap3A_431, %swap3A_432], %swap3A_435 {strides = array<i32>} : memref<4x32x768xf32, #tpu.memory_space<vmem>>, vector<1x1x16xf32>,
        %get3A_436 = arith.constant 0 : i32
        %get3A_437 = arith.index_cast %get3A_436 : i32 to index
        %get3A_438 = arith.index_cast %scan3A_261 : i32 to index
        %get3A_439 = arith.constant 176 : index
        %get3A_440 = tpu.vector_load %arg6[%get3A_437, %get3A_438, %get3A_439] {strides = array<i32>} : memref<4x32x768xf32, #tpu.memory_space<vmem>>, vector<1x1x16xf32>,
        %get3A_441 = vector.shape_cast %get3A_440 : vector<1x1x16xf32> to vector<16xf32>
        %mul3A_442 = arith.constant 27.7128124 : f32
        %mul3A_443 = vector.broadcast %mul3A_442 : f32 to vector<16xf32>
        %mul3A_444 = arith.mulf %get3A_441, %mul3A_443 : vector<16xf32>
        %swap3A_445 = arith.constant 0 : i32
        %swap3A_446 = arith.index_cast %swap3A_445 : i32 to index
        %swap3A_447 = arith.index_cast %scan3A_261 : i32 to index
        %swap3A_448 = arith.constant 176 : index
        %swap3A_449 = tpu.vector_load %arg6[%swap3A_446, %swap3A_447, %swap3A_448] {strides = array<i32>} : memref<4x32x768xf32, #tpu.memory_space<vmem>>, vector<1x1x16xf32>,
        %swap3A_450 = vector.shape_cast %swap3A_449 : vector<1x1x16xf32> to vector<16xf32>
        %swap3A_451 = vector.shape_cast %mul3A_444 : vector<16xf32> to vector<1x1x16xf32>
        tpu.vector_store %arg6[%swap3A_446, %swap3A_447, %swap3A_448], %swap3A_451 {strides = array<i32>} : memref<4x32x768xf32, #tpu.memory_space<vmem>>, vector<1x1x16xf32>,
        %get3A_452 = arith.constant 0 : i32
        %get3A_453 = arith.index_cast %get3A_452 : i32 to index
        %get3A_454 = arith.index_cast %scan3A_261 : i32 to index
        %get3A_455 = arith.constant 192 : index
        %get3A_456 = tpu.vector_load %arg6[%get3A_453, %get3A_454, %get3A_455] {strides = array<i32>} : memref<4x32x768xf32, #tpu.memory_space<vmem>>, vector<1x1x16xf32>,
        %get3A_457 = vector.shape_cast %get3A_456 : vector<1x1x16xf32> to vector<16xf32>
        %mul3A_458 = arith.constant 27.7128124 : f32
        %mul3A_459 = vector.broadcast %mul3A_458 : f32 to vector<16xf32>
        %mul3A_460 = arith.mulf %get3A_457, %mul3A_459 : vector<16xf32>
        %swap3A_461 = arith.constant 0 : i32
        %swap3A_462 = arith.index_cast %swap3A_461 : i32 to index
        %swap3A_463 = arith.index_cast %scan3A_261 : i32 to index
        %swap3A_464 = arith.constant 192 : index
        %swap3A_465 = tpu.vector_load %arg6[%swap3A_462, %swap3A_463, %swap3A_464] {strides = array<i32>} : memref<4x32x768xf32, #tpu.memory_space<vmem>>, vector<1x1x16xf32>,
        %swap3A_466 = vector.shape_cast %swap3A_465 : vector<1x1x16xf32> to vector<16xf32>
        %swap3A_467 = vector.shape_cast %mul3A_460 : vector<16xf32> to vector<1x1x16xf32>
        tpu.vector_store %arg6[%swap3A_462, %swap3A_463, %swap3A_464], %swap3A_467 {strides = array<i32>} : memref<4x32x768xf32, #tpu.memory_space<vmem>>, vector<1x1x16xf32>,
        %get3A_468 = arith.constant 0 : i32
        %get3A_469 = arith.index_cast %get3A_468 : i32 to index
        %get3A_470 = arith.index_cast %scan3A_261 : i32 to index
        %get3A_471 = arith.constant 208 : index
        %get3A_472 = tpu.vector_load %arg6[%get3A_469, %get3A_470, %get3A_471] {strides = array<i32>} : memref<4x32x768xf32, #tpu.memory_space<vmem>>, vector<1x1x16xf32>,
        %get3A_473 = vector.shape_cast %get3A_472 : vector<1x1x16xf32> to vector<16xf32>
        %mul3A_474 = arith.constant 27.7128124 : f32
        %mul3A_475 = vector.broadcast %mul3A_474 : f32 to vector<16xf32>
        %mul3A_476 = arith.mulf %get3A_473, %mul3A_475 : vector<16xf32>
        %swap3A_477 = arith.constant 0 : i32
        %swap3A_478 = arith.index_cast %swap3A_477 : i32 to index
        %swap3A_479 = arith.index_cast %scan3A_261 : i32 to index
        %swap3A_480 = arith.constant 208 : index
        %swap3A_481 = tpu.vector_load %arg6[%swap3A_478, %swap3A_479, %swap3A_480] {strides = array<i32>} : memref<4x32x768xf32, #tpu.memory_space<vmem>>, vector<1x1x16xf32>,
        %swap3A_482 = vector.shape_cast %swap3A_481 : vector<1x1x16xf32> to vector<16xf32>
        %swap3A_483 = vector.shape_cast %mul3A_476 : vector<16xf32> to vector<1x1x16xf32>
        tpu.vector_store %arg6[%swap3A_478, %swap3A_479, %swap3A_480], %swap3A_483 {strides = array<i32>} : memref<4x32x768xf32, #tpu.memory_space<vmem>>, vector<1x1x16xf32>,
        %get3A_484 = arith.constant 0 : i32
        %get3A_485 = arith.index_cast %get3A_484 : i32 to index
        %get3A_486 = arith.index_cast %scan3A_261 : i32 to index
        %get3A_487 = arith.constant 224 : index
        %get3A_488 = tpu.vector_load %arg6[%get3A_485, %get3A_486, %get3A_487] {strides = array<i32>} : memref<4x32x768xf32, #tpu.memory_space<vmem>>, vector<1x1x16xf32>,
        %get3A_489 = vector.shape_cast %get3A_488 : vector<1x1x16xf32> to vector<16xf32>
        %mul3A_490 = arith.constant 27.7128124 : f32
        %mul3A_491 = vector.broadcast %mul3A_490 : f32 to vector<16xf32>
        %mul3A_492 = arith.mulf %get3A_489, %mul3A_491 : vector<16xf32>
        %swap3A_493 = arith.constant 0 : i32
        %swap3A_494 = arith.index_cast %swap3A_493 : i32 to index
        %swap3A_495 = arith.index_cast %scan3A_261 : i32 to index
        %swap3A_496 = arith.constant 224 : index
        %swap3A_497 = tpu.vector_load %arg6[%swap3A_494, %swap3A_495, %swap3A_496] {strides = array<i32>} : memref<4x32x768xf32, #tpu.memory_space<vmem>>, vector<1x1x16xf32>,
        %swap3A_498 = vector.shape_cast %swap3A_497 : vector<1x1x16xf32> to vector<16xf32>
        %swap3A_499 = vector.shape_cast %mul3A_492 : vector<16xf32> to vector<1x1x16xf32>
        tpu.vector_store %arg6[%swap3A_494, %swap3A_495, %swap3A_496], %swap3A_499 {strides = array<i32>} : memref<4x32x768xf32, #tpu.memory_space<vmem>>, vector<1x1x16xf32>,
        %get3A_500 = arith.constant 0 : i32
        %get3A_501 = arith.index_cast %get3A_500 : i32 to index
        %get3A_502 = arith.index_cast %scan3A_261 : i32 to index
        %get3A_503 = arith.constant 240 : index
        %get3A_504 = tpu.vector_load %arg6[%get3A_501, %get3A_502, %get3A_503] {strides = array<i32>} : memref<4x32x768xf32, #tpu.memory_space<vmem>>, vector<1x1x16xf32>,
        %get3A_505 = vector.shape_cast %get3A_504 : vector<1x1x16xf32> to vector<16xf32>
        %mul3A_506 = arith.constant 27.7128124 : f32
        %mul3A_507 = vector.broadcast %mul3A_506 : f32 to vector<16xf32>
        %mul3A_508 = arith.mulf %get3A_505, %mul3A_507 : vector<16xf32>
        %swap3A_509 = arith.constant 0 : i32
        %swap3A_510 = arith.index_cast %swap3A_509 : i32 to index
        %swap3A_511 = arith.index_cast %scan3A_261 : i32 to index
        %swap3A_512 = arith.constant 240 : index
        %swap3A_513 = tpu.vector_load %arg6[%swap3A_510, %swap3A_511, %swap3A_512] {strides = array<i32>} : memref<4x32x768xf32, #tpu.memory_space<vmem>>, vector<1x1x16xf32>,
        %swap3A_514 = vector.shape_cast %swap3A_513 : vector<1x1x16xf32> to vector<16xf32>
        %swap3A_515 = vector.shape_cast %mul3A_508 : vector<16xf32> to vector<1x1x16xf32>
        tpu.vector_store %arg6[%swap3A_510, %swap3A_511, %swap3A_512], %swap3A_515 {strides = array<i32>} : memref<4x32x768xf32, #tpu.memory_space<vmem>>, vector<1x1x16xf32>,
        %get3A_516 = arith.constant 0 : i32
        %get3A_517 = arith.index_cast %get3A_516 : i32 to index
        %get3A_518 = arith.index_cast %scan3A_261 : i32 to index
        %get3A_519 = arith.constant 256 : index
        %get3A_520 = tpu.vector_load %arg6[%get3A_517, %get3A_518, %get3A_519] {strides = array<i32>} : memref<4x32x768xf32, #tpu.memory_space<vmem>>, vector<1x1x16xf32>,
        %get3A_521 = vector.shape_cast %get3A_520 : vector<1x1x16xf32> to vector<16xf32>
        %mul3A_522 = arith.constant 27.7128124 : f32
        %mul3A_523 = vector.broadcast %mul3A_522 : f32 to vector<16xf32>
        %mul3A_524 = arith.mulf %get3A_521, %mul3A_523 : vector<16xf32>
        %swap3A_525 = arith.constant 0 : i32
        %swap3A_526 = arith.index_cast %swap3A_525 : i32 to index
        %swap3A_527 = arith.index_cast %scan3A_261 : i32 to index
        %swap3A_528 = arith.constant 256 : index
        %swap3A_529 = tpu.vector_load %arg6[%swap3A_526, %swap3A_527, %swap3A_528] {strides = array<i32>} : memref<4x32x768xf32, #tpu.memory_space<vmem>>, vector<1x1x16xf32>,
        %swap3A_530 = vector.shape_cast %swap3A_529 : vector<1x1x16xf32> to vector<16xf32>
        %swap3A_531 = vector.shape_cast %mul3A_524 : vector<16xf32> to vector<1x1x16xf32>
        tpu.vector_store %arg6[%swap3A_526, %swap3A_527, %swap3A_528], %swap3A_531 {strides = array<i32>} : memref<4x32x768xf32, #tpu.memory_space<vmem>>, vector<1x1x16xf32>,
        %get3A_532 = arith.constant 0 : i32
        %get3A_533 = arith.index_cast %get3A_532 : i32 to index
        %get3A_534 = arith.index_cast %scan3A_261 : i32 to index
        %get3A_535 = arith.constant 272 : index
        %get3A_536 = tpu.vector_load %arg6[%get3A_533, %get3A_534, %get3A_535] {strides = array<i32>} : memref<4x32x768xf32, #tpu.memory_space<vmem>>, vector<1x1x16xf32>,
        %get3A_537 = vector.shape_cast %get3A_536 : vector<1x1x16xf32> to vector<16xf32>
        %mul3A_538 = arith.constant 27.7128124 : f32
        %mul3A_539 = vector.broadcast %mul3A_538 : f32 to vector<16xf32>
        %mul3A_540 = arith.mulf %get3A_537, %mul3A_539 : vector<16xf32>
        %swap3A_541 = arith.constant 0 : i32
        %swap3A_542 = arith.index_cast %swap3A_541 : i32 to index
        %swap3A_543 = arith.index_cast %scan3A_261 : i32 to index
        %swap3A_544 = arith.constant 272 : index
        %swap3A_545 = tpu.vector_load %arg6[%swap3A_542, %swap3A_543, %swap3A_544] {strides = array<i32>} : memref<4x32x768xf32, #tpu.memory_space<vmem>>, vector<1x1x16xf32>,
        %swap3A_546 = vector.shape_cast %swap3A_545 : vector<1x1x16xf32> to vector<16xf32>
        %swap3A_547 = vector.shape_cast %mul3A_540 : vector<16xf32> to vector<1x1x16xf32>
        tpu.vector_store %arg6[%swap3A_542, %swap3A_543, %swap3A_544], %swap3A_547 {strides = array<i32>} : memref<4x32x768xf32, #tpu.memory_space<vmem>>, vector<1x1x16xf32>,
        %get3A_548 = arith.constant 0 : i32
        %get3A_549 = arith.index_cast %get3A_548 : i32 to index
        %get3A_550 = arith.index_cast %scan3A_261 : i32 to index
        %get3A_551 = arith.constant 288 : index
        %get3A_552 = tpu.vector_load %arg6[%get3A_549, %get3A_550, %get3A_551] {strides = array<i32>} : memref<4x32x768xf32, #tpu.memory_space<vmem>>, vector<1x1x16xf32>,
        %get3A_553 = vector.shape_cast %get3A_552 : vector<1x1x16xf32> to vector<16xf32>
        %mul3A_554 = arith.constant 27.7128124 : f32
        %mul3A_555 = vector.broadcast %mul3A_554 : f32 to vector<16xf32>
        %mul3A_556 = arith.mulf %get3A_553, %mul3A_555 : vector<16xf32>
        %swap3A_557 = arith.constant 0 : i32
        %swap3A_558 = arith.index_cast %swap3A_557 : i32 to index
        %swap3A_559 = arith.index_cast %scan3A_261 : i32 to index
        %swap3A_560 = arith.constant 288 : index
        %swap3A_561 = tpu.vector_load %arg6[%swap3A_558, %swap3A_559, %swap3A_560] {strides = array<i32>} : memref<4x32x768xf32, #tpu.memory_space<vmem>>, vector<1x1x16xf32>,
        %swap3A_562 = vector.shape_cast %swap3A_561 : vector<1x1x16xf32> to vector<16xf32>
        %swap3A_563 = vector.shape_cast %mul3A_556 : vector<16xf32> to vector<1x1x16xf32>
        tpu.vector_store %arg6[%swap3A_558, %swap3A_559, %swap3A_560], %swap3A_563 {strides = array<i32>} : memref<4x32x768xf32, #tpu.memory_space<vmem>>, vector<1x1x16xf32>,
        %get3A_564 = arith.constant 0 : i32
        %get3A_565 = arith.index_cast %get3A_564 : i32 to index
        %get3A_566 = arith.index_cast %scan3A_261 : i32 to index
        %get3A_567 = arith.constant 304 : index
        %get3A_568 = tpu.vector_load %arg6[%get3A_565, %get3A_566, %get3A_567] {strides = array<i32>} : memref<4x32x768xf32, #tpu.memory_space<vmem>>, vector<1x1x16xf32>,
        %get3A_569 = vector.shape_cast %get3A_568 : vector<1x1x16xf32> to vector<16xf32>
        %mul3A_570 = arith.constant 27.7128124 : f32
        %mul3A_571 = vector.broadcast %mul3A_570 : f32 to vector<16xf32>
        %mul3A_572 = arith.mulf %get3A_569, %mul3A_571 : vector<16xf32>
        %swap3A_573 = arith.constant 0 : i32
        %swap3A_574 = arith.index_cast %swap3A_573 : i32 to index
        %swap3A_575 = arith.index_cast %scan3A_261 : i32 to index
        %swap3A_576 = arith.constant 304 : index
        %swap3A_577 = tpu.vector_load %arg6[%swap3A_574, %swap3A_575, %swap3A_576] {strides = array<i32>} : memref<4x32x768xf32, #tpu.memory_space<vmem>>, vector<1x1x16xf32>,
        %swap3A_578 = vector.shape_cast %swap3A_577 : vector<1x1x16xf32> to vector<16xf32>
        %swap3A_579 = vector.shape_cast %mul3A_572 : vector<16xf32> to vector<1x1x16xf32>
        tpu.vector_store %arg6[%swap3A_574, %swap3A_575, %swap3A_576], %swap3A_579 {strides = array<i32>} : memref<4x32x768xf32, #tpu.memory_space<vmem>>, vector<1x1x16xf32>,
        %get3A_580 = arith.constant 0 : i32
        %get3A_581 = arith.index_cast %get3A_580 : i32 to index
        %get3A_582 = arith.index_cast %scan3A_261 : i32 to index
        %get3A_583 = arith.constant 320 : index
        %get3A_584 = tpu.vector_load %arg6[%get3A_581, %get3A_582, %get3A_583] {strides = array<i32>} : memref<4x32x768xf32, #tpu.memory_space<vmem>>, vector<1x1x16xf32>,
        %get3A_585 = vector.shape_cast %get3A_584 : vector<1x1x16xf32> to vector<16xf32>
        %mul3A_586 = arith.constant 27.7128124 : f32
        %mul3A_587 = vector.broadcast %mul3A_586 : f32 to vector<16xf32>
        %mul3A_588 = arith.mulf %get3A_585, %mul3A_587 : vector<16xf32>
        %swap3A_589 = arith.constant 0 : i32
        %swap3A_590 = arith.index_cast %swap3A_589 : i32 to index
        %swap3A_591 = arith.index_cast %scan3A_261 : i32 to index
        %swap3A_592 = arith.constant 320 : index
        %swap3A_593 = tpu.vector_load %arg6[%swap3A_590, %swap3A_591, %swap3A_592] {strides = array<i32>} : memref<4x32x768xf32, #tpu.memory_space<vmem>>, vector<1x1x16xf32>,
        %swap3A_594 = vector.shape_cast %swap3A_593 : vector<1x1x16xf32> to vector<16xf32>
        %swap3A_595 = vector.shape_cast %mul3A_588 : vector<16xf32> to vector<1x1x16xf32>
        tpu.vector_store %arg6[%swap3A_590, %swap3A_591, %swap3A_592], %swap3A_595 {strides = array<i32>} : memref<4x32x768xf32, #tpu.memory_space<vmem>>, vector<1x1x16xf32>,
        %get3A_596 = arith.constant 0 : i32
        %get3A_597 = arith.index_cast %get3A_596 : i32 to index
        %get3A_598 = arith.index_cast %scan3A_261 : i32 to index
        %get3A_599 = arith.constant 336 : index
        %get3A_600 = tpu.vector_load %arg6[%get3A_597, %get3A_598, %get3A_599] {strides = array<i32>} : memref<4x32x768xf32, #tpu.memory_space<vmem>>, vector<1x1x16xf32>,
        %get3A_601 = vector.shape_cast %get3A_600 : vector<1x1x16xf32> to vector<16xf32>
        %mul3A_602 = arith.constant 27.7128124 : f32
        %mul3A_603 = vector.broadcast %mul3A_602 : f32 to vector<16xf32>
        %mul3A_604 = arith.mulf %get3A_601, %mul3A_603 : vector<16xf32>
        %swap3A_605 = arith.constant 0 : i32
        %swap3A_606 = arith.index_cast %swap3A_605 : i32 to index
        %swap3A_607 = arith.index_cast %scan3A_261 : i32 to index
        %swap3A_608 = arith.constant 336 : index
        %swap3A_609 = tpu.vector_load %arg6[%swap3A_606, %swap3A_607, %swap3A_608] {strides = array<i32>} : memref<4x32x768xf32, #tpu.memory_space<vmem>>, vector<1x1x16xf32>,
        %swap3A_610 = vector.shape_cast %swap3A_609 : vector<1x1x16xf32> to vector<16xf32>
        %swap3A_611 = vector.shape_cast %mul3A_604 : vector<16xf32> to vector<1x1x16xf32>
        tpu.vector_store %arg6[%swap3A_606, %swap3A_607, %swap3A_608], %swap3A_611 {strides = array<i32>} : memref<4x32x768xf32, #tpu.memory_space<vmem>>, vector<1x1x16xf32>,
        %get3A_612 = arith.constant 0 : i32
        %get3A_613 = arith.index_cast %get3A_612 : i32 to index
        %get3A_614 = arith.index_cast %scan3A_261 : i32 to index
        %get3A_615 = arith.constant 352 : index
        %get3A_616 = tpu.vector_load %arg6[%get3A_613, %get3A_614, %get3A_615] {strides = array<i32>} : memref<4x32x768xf32, #tpu.memory_space<vmem>>, vector<1x1x16xf32>,
        %get3A_617 = vector.shape_cast %get3A_616 : vector<1x1x16xf32> to vector<16xf32>
        %mul3A_618 = arith.constant 27.7128124 : f32
        %mul3A_619 = vector.broadcast %mul3A_618 : f32 to vector<16xf32>
        %mul3A_620 = arith.mulf %get3A_617, %mul3A_619 : vector<16xf32>
        %swap3A_621 = arith.constant 0 : i32
        %swap3A_622 = arith.index_cast %swap3A_621 : i32 to index
        %swap3A_623 = arith.index_cast %scan3A_261 : i32 to index
        %swap3A_624 = arith.constant 352 : index
        %swap3A_625 = tpu.vector_load %arg6[%swap3A_622, %swap3A_623, %swap3A_624] {strides = array<i32>} : memref<4x32x768xf32, #tpu.memory_space<vmem>>, vector<1x1x16xf32>,
        %swap3A_626 = vector.shape_cast %swap3A_625 : vector<1x1x16xf32> to vector<16xf32>
        %swap3A_627 = vector.shape_cast %mul3A_620 : vector<16xf32> to vector<1x1x16xf32>
        tpu.vector_store %arg6[%swap3A_622, %swap3A_623, %swap3A_624], %swap3A_627 {strides = array<i32>} : memref<4x32x768xf32, #tpu.memory_space<vmem>>, vector<1x1x16xf32>,
        %get3A_628 = arith.constant 0 : i32
        %get3A_629 = arith.index_cast %get3A_628 : i32 to index
        %get3A_630 = arith.index_cast %scan3A_261 : i32 to index
        %get3A_631 = arith.constant 368 : index
        %get3A_632 = tpu.vector_load %arg6[%get3A_629, %get3A_630, %get3A_631] {strides = array<i32>} : memref<4x32x768xf32, #tpu.memory_space<vmem>>, vector<1x1x16xf32>,
        %get3A_633 = vector.shape_cast %get3A_632 : vector<1x1x16xf32> to vector<16xf32>
        %mul3A_634 = arith.constant 27.7128124 : f32
        %mul3A_635 = vector.broadcast %mul3A_634 : f32 to vector<16xf32>
        %mul3A_636 = arith.mulf %get3A_633, %mul3A_635 : vector<16xf32>
        %swap3A_637 = arith.constant 0 : i32
        %swap3A_638 = arith.index_cast %swap3A_637 : i32 to index
        %swap3A_639 = arith.index_cast %scan3A_261 : i32 to index
        %swap3A_640 = arith.constant 368 : index
        %swap3A_641 = tpu.vector_load %arg6[%swap3A_638, %swap3A_639, %swap3A_640] {strides = array<i32>} : memref<4x32x768xf32, #tpu.memory_space<vmem>>, vector<1x1x16xf32>,
        %swap3A_642 = vector.shape_cast %swap3A_641 : vector<1x1x16xf32> to vector<16xf32>
        %swap3A_643 = vector.shape_cast %mul3A_636 : vector<16xf32> to vector<1x1x16xf32>
        tpu.vector_store %arg6[%swap3A_638, %swap3A_639, %swap3A_640], %swap3A_643 {strides = array<i32>} : memref<4x32x768xf32, #tpu.memory_space<vmem>>, vector<1x1x16xf32>,
        %get3A_644 = arith.constant 0 : i32
        %get3A_645 = arith.index_cast %get3A_644 : i32 to index
        %get3A_646 = arith.index_cast %scan3A_261 : i32 to index
        %get3A_647 = arith.constant 384 : index
        %get3A_648 = tpu.vector_load %arg6[%get3A_645, %get3A_646, %get3A_647] {strides = array<i32>} : memref<4x32x768xf32, #tpu.memory_space<vmem>>, vector<1x1x16xf32>,
        %get3A_649 = vector.shape_cast %get3A_648 : vector<1x1x16xf32> to vector<16xf32>
        %mul3A_650 = arith.constant 27.7128124 : f32
        %mul3A_651 = vector.broadcast %mul3A_650 : f32 to vector<16xf32>
        %mul3A_652 = arith.mulf %get3A_649, %mul3A_651 : vector<16xf32>
        %swap3A_653 = arith.constant 0 : i32
        %swap3A_654 = arith.index_cast %swap3A_653 : i32 to index
        %swap3A_655 = arith.index_cast %scan3A_261 : i32 to index
        %swap3A_656 = arith.constant 384 : index
        %swap3A_657 = tpu.vector_load %arg6[%swap3A_654, %swap3A_655, %swap3A_656] {strides = array<i32>} : memref<4x32x768xf32, #tpu.memory_space<vmem>>, vector<1x1x16xf32>,
        %swap3A_658 = vector.shape_cast %swap3A_657 : vector<1x1x16xf32> to vector<16xf32>
        %swap3A_659 = vector.shape_cast %mul3A_652 : vector<16xf32> to vector<1x1x16xf32>
        tpu.vector_store %arg6[%swap3A_654, %swap3A_655, %swap3A_656], %swap3A_659 {strides = array<i32>} : memref<4x32x768xf32, #tpu.memory_space<vmem>>, vector<1x1x16xf32>,
        %get3A_660 = arith.constant 0 : i32
        %get3A_661 = arith.index_cast %get3A_660 : i32 to index
        %get3A_662 = arith.index_cast %scan3A_261 : i32 to index
        %get3A_663 = arith.constant 400 : index
        %get3A_664 = tpu.vector_load %arg6[%get3A_661, %get3A_662, %get3A_663] {strides = array<i32>} : memref<4x32x768xf32, #tpu.memory_space<vmem>>, vector<1x1x16xf32>,
        %get3A_665 = vector.shape_cast %get3A_664 : vector<1x1x16xf32> to vector<16xf32>
        %mul3A_666 = arith.constant 27.7128124 : f32
        %mul3A_667 = vector.broadcast %mul3A_666 : f32 to vector<16xf32>
        %mul3A_668 = arith.mulf %get3A_665, %mul3A_667 : vector<16xf32>
        %swap3A_669 = arith.constant 0 : i32
        %swap3A_670 = arith.index_cast %swap3A_669 : i32 to index
        %swap3A_671 = arith.index_cast %scan3A_261 : i32 to index
        %swap3A_672 = arith.constant 400 : index
        %swap3A_673 = tpu.vector_load %arg6[%swap3A_670, %swap3A_671, %swap3A_672] {strides = array<i32>} : memref<4x32x768xf32, #tpu.memory_space<vmem>>, vector<1x1x16xf32>,
        %swap3A_674 = vector.shape_cast %swap3A_673 : vector<1x1x16xf32> to vector<16xf32>
        %swap3A_675 = vector.shape_cast %mul3A_668 : vector<16xf32> to vector<1x1x16xf32>
        tpu.vector_store %arg6[%swap3A_670, %swap3A_671, %swap3A_672], %swap3A_675 {strides = array<i32>} : memref<4x32x768xf32, #tpu.memory_space<vmem>>, vector<1x1x16xf32>,
        %get3A_676 = arith.constant 0 : i32
        %get3A_677 = arith.index_cast %get3A_676 : i32 to index
        %get3A_678 = arith.index_cast %scan3A_261 : i32 to index
        %get3A_679 = arith.constant 416 : index
        %get3A_680 = tpu.vector_load %arg6[%get3A_677, %get3A_678, %get3A_679] {strides = array<i32>} : memref<4x32x768xf32, #tpu.memory_space<vmem>>, vector<1x1x16xf32>,
        %get3A_681 = vector.shape_cast %get3A_680 : vector<1x1x16xf32> to vector<16xf32>
        %mul3A_682 = arith.constant 27.7128124 : f32
        %mul3A_683 = vector.broadcast %mul3A_682 : f32 to vector<16xf32>
        %mul3A_684 = arith.mulf %get3A_681, %mul3A_683 : vector<16xf32>
        %swap3A_685 = arith.constant 0 : i32
        %swap3A_686 = arith.index_cast %swap3A_685 : i32 to index
        %swap3A_687 = arith.index_cast %scan3A_261 : i32 to index
        %swap3A_688 = arith.constant 416 : index
        %swap3A_689 = tpu.vector_load %arg6[%swap3A_686, %swap3A_687, %swap3A_688] {strides = array<i32>} : memref<4x32x768xf32, #tpu.memory_space<vmem>>, vector<1x1x16xf32>,
        %swap3A_690 = vector.shape_cast %swap3A_689 : vector<1x1x16xf32> to vector<16xf32>
        %swap3A_691 = vector.shape_cast %mul3A_684 : vector<16xf32> to vector<1x1x16xf32>
        tpu.vector_store %arg6[%swap3A_686, %swap3A_687, %swap3A_688], %swap3A_691 {strides = array<i32>} : memref<4x32x768xf32, #tpu.memory_space<vmem>>, vector<1x1x16xf32>,
        %get3A_692 = arith.constant 0 : i32
        %get3A_693 = arith.index_cast %get3A_692 : i32 to index
        %get3A_694 = arith.index_cast %scan3A_261 : i32 to index
        %get3A_695 = arith.constant 432 : index
        %get3A_696 = tpu.vector_load %arg6[%get3A_693, %get3A_694, %get3A_695] {strides = array<i32>} : memref<4x32x768xf32, #tpu.memory_space<vmem>>, vector<1x1x16xf32>,
        %get3A_697 = vector.shape_cast %get3A_696 : vector<1x1x16xf32> to vector<16xf32>
        %mul3A_698 = arith.constant 27.7128124 : f32
        %mul3A_699 = vector.broadcast %mul3A_698 : f32 to vector<16xf32>
        %mul3A_700 = arith.mulf %get3A_697, %mul3A_699 : vector<16xf32>
        %swap3A_701 = arith.constant 0 : i32
        %swap3A_702 = arith.index_cast %swap3A_701 : i32 to index
        %swap3A_703 = arith.index_cast %scan3A_261 : i32 to index
        %swap3A_704 = arith.constant 432 : index
        %swap3A_705 = tpu.vector_load %arg6[%swap3A_702, %swap3A_703, %swap3A_704] {strides = array<i32>} : memref<4x32x768xf32, #tpu.memory_space<vmem>>, vector<1x1x16xf32>,
        %swap3A_706 = vector.shape_cast %swap3A_705 : vector<1x1x16xf32> to vector<16xf32>
        %swap3A_707 = vector.shape_cast %mul3A_700 : vector<16xf32> to vector<1x1x16xf32>
        tpu.vector_store %arg6[%swap3A_702, %swap3A_703, %swap3A_704], %swap3A_707 {strides = array<i32>} : memref<4x32x768xf32, #tpu.memory_space<vmem>>, vector<1x1x16xf32>,
        %get3A_708 = arith.constant 0 : i32
        %get3A_709 = arith.index_cast %get3A_708 : i32 to index
        %get3A_710 = arith.index_cast %scan3A_261 : i32 to index
        %get3A_711 = arith.constant 448 : index
        %get3A_712 = tpu.vector_load %arg6[%get3A_709, %get3A_710, %get3A_711] {strides = array<i32>} : memref<4x32x768xf32, #tpu.memory_space<vmem>>, vector<1x1x16xf32>,
        %get3A_713 = vector.shape_cast %get3A_712 : vector<1x1x16xf32> to vector<16xf32>
        %mul3A_714 = arith.constant 27.7128124 : f32
        %mul3A_715 = vector.broadcast %mul3A_714 : f32 to vector<16xf32>
        %mul3A_716 = arith.mulf %get3A_713, %mul3A_715 : vector<16xf32>
        %swap3A_717 = arith.constant 0 : i32
        %swap3A_718 = arith.index_cast %swap3A_717 : i32 to index
        %swap3A_719 = arith.index_cast %scan3A_261 : i32 to index
        %swap3A_720 = arith.constant 448 : index
        %swap3A_721 = tpu.vector_load %arg6[%swap3A_718, %swap3A_719, %swap3A_720] {strides = array<i32>} : memref<4x32x768xf32, #tpu.memory_space<vmem>>, vector<1x1x16xf32>,
        %swap3A_722 = vector.shape_cast %swap3A_721 : vector<1x1x16xf32> to vector<16xf32>
        %swap3A_723 = vector.shape_cast %mul3A_716 : vector<16xf32> to vector<1x1x16xf32>
        tpu.vector_store %arg6[%swap3A_718, %swap3A_719, %swap3A_720], %swap3A_723 {strides = array<i32>} : memref<4x32x768xf32, #tpu.memory_space<vmem>>, vector<1x1x16xf32>,
        %get3A_724 = arith.constant 0 : i32
        %get3A_725 = arith.index_cast %get3A_724 : i32 to index
        %get3A_726 = arith.index_cast %scan3A_261 : i32 to index
        %get3A_727 = arith.constant 464 : index
        %get3A_728 = tpu.vector_load %arg6[%get3A_725, %get3A_726, %get3A_727] {strides = array<i32>} : memref<4x32x768xf32, #tpu.memory_space<vmem>>, vector<1x1x16xf32>,
        %get3A_729 = vector.shape_cast %get3A_728 : vector<1x1x16xf32> to vector<16xf32>
        %mul3A_730 = arith.constant 27.7128124 : f32
        %mul3A_731 = vector.broadcast %mul3A_730 : f32 to vector<16xf32>
        %mul3A_732 = arith.mulf %get3A_729, %mul3A_731 : vector<16xf32>
        %swap3A_733 = arith.constant 0 : i32
        %swap3A_734 = arith.index_cast %swap3A_733 : i32 to index
        %swap3A_735 = arith.index_cast %scan3A_261 : i32 to index
        %swap3A_736 = arith.constant 464 : index
        %swap3A_737 = tpu.vector_load %arg6[%swap3A_734, %swap3A_735, %swap3A_736] {strides = array<i32>} : memref<4x32x768xf32, #tpu.memory_space<vmem>>, vector<1x1x16xf32>,
        %swap3A_738 = vector.shape_cast %swap3A_737 : vector<1x1x16xf32> to vector<16xf32>
        %swap3A_739 = vector.shape_cast %mul3A_732 : vector<16xf32> to vector<1x1x16xf32>
        tpu.vector_store %arg6[%swap3A_734, %swap3A_735, %swap3A_736], %swap3A_739 {strides = array<i32>} : memref<4x32x768xf32, #tpu.memory_space<vmem>>, vector<1x1x16xf32>,
        %get3A_740 = arith.constant 0 : i32
        %get3A_741 = arith.index_cast %get3A_740 : i32 to index
        %get3A_742 = arith.index_cast %scan3A_261 : i32 to index
        %get3A_743 = arith.constant 480 : index
        %get3A_744 = tpu.vector_load %arg6[%get3A_741, %get3A_742, %get3A_743] {strides = array<i32>} : memref<4x32x768xf32, #tpu.memory_space<vmem>>, vector<1x1x16xf32>,
        %get3A_745 = vector.shape_cast %get3A_744 : vector<1x1x16xf32> to vector<16xf32>
        %mul3A_746 = arith.constant 27.7128124 : f32
        %mul3A_747 = vector.broadcast %mul3A_746 : f32 to vector<16xf32>
        %mul3A_748 = arith.mulf %get3A_745, %mul3A_747 : vector<16xf32>
        %swap3A_749 = arith.constant 0 : i32
        %swap3A_750 = arith.index_cast %swap3A_749 : i32 to index
        %swap3A_751 = arith.index_cast %scan3A_261 : i32 to index
        %swap3A_752 = arith.constant 480 : index
        %swap3A_753 = tpu.vector_load %arg6[%swap3A_750, %swap3A_751, %swap3A_752] {strides = array<i32>} : memref<4x32x768xf32, #tpu.memory_space<vmem>>, vector<1x1x16xf32>,
        %swap3A_754 = vector.shape_cast %swap3A_753 : vector<1x1x16xf32> to vector<16xf32>
        %swap3A_755 = vector.shape_cast %mul3A_748 : vector<16xf32> to vector<1x1x16xf32>
        tpu.vector_store %arg6[%swap3A_750, %swap3A_751, %swap3A_752], %swap3A_755 {strides = array<i32>} : memref<4x32x768xf32, #tpu.memory_space<vmem>>, vector<1x1x16xf32>,
        %get3A_756 = arith.constant 0 : i32
        %get3A_757 = arith.index_cast %get3A_756 : i32 to index
        %get3A_758 = arith.index_cast %scan3A_261 : i32 to index
        %get3A_759 = arith.constant 496 : index
        %get3A_760 = tpu.vector_load %arg6[%get3A_757, %get3A_758, %get3A_759] {strides = array<i32>} : memref<4x32x768xf32, #tpu.memory_space<vmem>>, vector<1x1x16xf32>,
        %get3A_761 = vector.shape_cast %get3A_760 : vector<1x1x16xf32> to vector<16xf32>
        %mul3A_762 = arith.constant 27.7128124 : f32
        %mul3A_763 = vector.broadcast %mul3A_762 : f32 to vector<16xf32>
        %mul3A_764 = arith.mulf %get3A_761, %mul3A_763 : vector<16xf32>
        %swap3A_765 = arith.constant 0 : i32
        %swap3A_766 = arith.index_cast %swap3A_765 : i32 to index
        %swap3A_767 = arith.index_cast %scan3A_261 : i32 to index
        %swap3A_768 = arith.constant 496 : index
        %swap3A_769 = tpu.vector_load %arg6[%swap3A_766, %swap3A_767, %swap3A_768] {strides = array<i32>} : memref<4x32x768xf32, #tpu.memory_space<vmem>>, vector<1x1x16xf32>,
        %swap3A_770 = vector.shape_cast %swap3A_769 : vector<1x1x16xf32> to vector<16xf32>
        %swap3A_771 = vector.shape_cast %mul3A_764 : vector<16xf32> to vector<1x1x16xf32>
        tpu.vector_store %arg6[%swap3A_766, %swap3A_767, %swap3A_768], %swap3A_771 {strides = array<i32>} : memref<4x32x768xf32, #tpu.memory_space<vmem>>, vector<1x1x16xf32>,
        %get3A_772 = arith.constant 0 : i32
        %get3A_773 = arith.index_cast %get3A_772 : i32 to index
        %get3A_774 = arith.index_cast %scan3A_261 : i32 to index
        %get3A_775 = arith.constant 512 : index
        %get3A_776 = tpu.vector_load %arg6[%get3A_773, %get3A_774, %get3A_775] {strides = array<i32>} : memref<4x32x768xf32, #tpu.memory_space<vmem>>, vector<1x1x16xf32>,
        %get3A_777 = vector.shape_cast %get3A_776 : vector<1x1x16xf32> to vector<16xf32>
        %mul3A_778 = arith.constant 27.7128124 : f32
        %mul3A_779 = vector.broadcast %mul3A_778 : f32 to vector<16xf32>
        %mul3A_780 = arith.mulf %get3A_777, %mul3A_779 : vector<16xf32>
        %swap3A_781 = arith.constant 0 : i32
        %swap3A_782 = arith.index_cast %swap3A_781 : i32 to index
        %swap3A_783 = arith.index_cast %scan3A_261 : i32 to index
        %swap3A_784 = arith.constant 512 : index
        %swap3A_785 = tpu.vector_load %arg6[%swap3A_782, %swap3A_783, %swap3A_784] {strides = array<i32>} : memref<4x32x768xf32, #tpu.memory_space<vmem>>, vector<1x1x16xf32>,
        %swap3A_786 = vector.shape_cast %swap3A_785 : vector<1x1x16xf32> to vector<16xf32>
        %swap3A_787 = vector.shape_cast %mul3A_780 : vector<16xf32> to vector<1x1x16xf32>
        tpu.vector_store %arg6[%swap3A_782, %swap3A_783, %swap3A_784], %swap3A_787 {strides = array<i32>} : memref<4x32x768xf32, #tpu.memory_space<vmem>>, vector<1x1x16xf32>,
        %get3A_788 = arith.constant 0 : i32
        %get3A_789 = arith.index_cast %get3A_788 : i32 to index
        %get3A_790 = arith.index_cast %scan3A_261 : i32 to index
        %get3A_791 = arith.constant 528 : index
        %get3A_792 = tpu.vector_load %arg6[%get3A_789, %get3A_790, %get3A_791] {strides = array<i32>} : memref<4x32x768xf32, #tpu.memory_space<vmem>>, vector<1x1x16xf32>,
        %get3A_793 = vector.shape_cast %get3A_792 : vector<1x1x16xf32> to vector<16xf32>
        %mul3A_794 = arith.constant 27.7128124 : f32
        %mul3A_795 = vector.broadcast %mul3A_794 : f32 to vector<16xf32>
        %mul3A_796 = arith.mulf %get3A_793, %mul3A_795 : vector<16xf32>
        %swap3A_797 = arith.constant 0 : i32
        %swap3A_798 = arith.index_cast %swap3A_797 : i32 to index
        %swap3A_799 = arith.index_cast %scan3A_261 : i32 to index
        %swap3A_800 = arith.constant 528 : index
        %swap3A_801 = tpu.vector_load %arg6[%swap3A_798, %swap3A_799, %swap3A_800] {strides = array<i32>} : memref<4x32x768xf32, #tpu.memory_space<vmem>>, vector<1x1x16xf32>,
        %swap3A_802 = vector.shape_cast %swap3A_801 : vector<1x1x16xf32> to vector<16xf32>
        %swap3A_803 = vector.shape_cast %mul3A_796 : vector<16xf32> to vector<1x1x16xf32>
        tpu.vector_store %arg6[%swap3A_798, %swap3A_799, %swap3A_800], %swap3A_803 {strides = array<i32>} : memref<4x32x768xf32, #tpu.memory_space<vmem>>, vector<1x1x16xf32>,
        %get3A_804 = arith.constant 0 : i32
        %get3A_805 = arith.index_cast %get3A_804 : i32 to index
        %get3A_806 = arith.index_cast %scan3A_261 : i32 to index
        %get3A_807 = arith.constant 544 : index
        %get3A_808 = tpu.vector_load %arg6[%get3A_805, %get3A_806, %get3A_807] {strides = array<i32>} : memref<4x32x768xf32, #tpu.memory_space<vmem>>, vector<1x1x16xf32>,
        %get3A_809 = vector.shape_cast %get3A_808 : vector<1x1x16xf32> to vector<16xf32>
        %mul3A_810 = arith.constant 27.7128124 : f32
        %mul3A_811 = vector.broadcast %mul3A_810 : f32 to vector<16xf32>
        %mul3A_812 = arith.mulf %get3A_809, %mul3A_811 : vector<16xf32>
        %swap3A_813 = arith.constant 0 : i32
        %swap3A_814 = arith.index_cast %swap3A_813 : i32 to index
        %swap3A_815 = arith.index_cast %scan3A_261 : i32 to index
        %swap3A_816 = arith.constant 544 : index
        %swap3A_817 = tpu.vector_load %arg6[%swap3A_814, %swap3A_815, %swap3A_816] {strides = array<i32>} : memref<4x32x768xf32, #tpu.memory_space<vmem>>, vector<1x1x16xf32>,
        %swap3A_818 = vector.shape_cast %swap3A_817 : vector<1x1x16xf32> to vector<16xf32>
        %swap3A_819 = vector.shape_cast %mul3A_812 : vector<16xf32> to vector<1x1x16xf32>
        tpu.vector_store %arg6[%swap3A_814, %swap3A_815, %swap3A_816], %swap3A_819 {strides = array<i32>} : memref<4x32x768xf32, #tpu.memory_space<vmem>>, vector<1x1x16xf32>,
        %get3A_820 = arith.constant 0 : i32
        %get3A_821 = arith.index_cast %get3A_820 : i32 to index
        %get3A_822 = arith.index_cast %scan3A_261 : i32 to index
        %get3A_823 = arith.constant 560 : index
        %get3A_824 = tpu.vector_load %arg6[%get3A_821, %get3A_822, %get3A_823] {strides = array<i32>} : memref<4x32x768xf32, #tpu.memory_space<vmem>>, vector<1x1x16xf32>,
        %get3A_825 = vector.shape_cast %get3A_824 : vector<1x1x16xf32> to vector<16xf32>
        %mul3A_826 = arith.constant 27.7128124 : f32
        %mul3A_827 = vector.broadcast %mul3A_826 : f32 to vector<16xf32>
        %mul3A_828 = arith.mulf %get3A_825, %mul3A_827 : vector<16xf32>
        %swap3A_829 = arith.constant 0 : i32
        %swap3A_830 = arith.index_cast %swap3A_829 : i32 to index
        %swap3A_831 = arith.index_cast %scan3A_261 : i32 to index
        %swap3A_832 = arith.constant 560 : index
        %swap3A_833 = tpu.vector_load %arg6[%swap3A_830, %swap3A_831, %swap3A_832] {strides = array<i32>} : memref<4x32x768xf32, #tpu.memory_space<vmem>>, vector<1x1x16xf32>,
        %swap3A_834 = vector.shape_cast %swap3A_833 : vector<1x1x16xf32> to vector<16xf32>
        %swap3A_835 = vector.shape_cast %mul3A_828 : vector<16xf32> to vector<1x1x16xf32>
        tpu.vector_store %arg6[%swap3A_830, %swap3A_831, %swap3A_832], %swap3A_835 {strides = array<i32>} : memref<4x32x768xf32, #tpu.memory_space<vmem>>, vector<1x1x16xf32>,
        %get3A_836 = arith.constant 0 : i32
        %get3A_837 = arith.index_cast %get3A_836 : i32 to index
        %get3A_838 = arith.index_cast %scan3A_261 : i32 to index
        %get3A_839 = arith.constant 576 : index
        %get3A_840 = tpu.vector_load %arg6[%get3A_837, %get3A_838, %get3A_839] {strides = array<i32>} : memref<4x32x768xf32, #tpu.memory_space<vmem>>, vector<1x1x16xf32>,
        %get3A_841 = vector.shape_cast %get3A_840 : vector<1x1x16xf32> to vector<16xf32>
        %mul3A_842 = arith.constant 27.7128124 : f32
        %mul3A_843 = vector.broadcast %mul3A_842 : f32 to vector<16xf32>
        %mul3A_844 = arith.mulf %get3A_841, %mul3A_843 : vector<16xf32>
        %swap3A_845 = arith.constant 0 : i32
        %swap3A_846 = arith.index_cast %swap3A_845 : i32 to index
        %swap3A_847 = arith.index_cast %scan3A_261 : i32 to index
        %swap3A_848 = arith.constant 576 : index
        %swap3A_849 = tpu.vector_load %arg6[%swap3A_846, %swap3A_847, %swap3A_848] {strides = array<i32>} : memref<4x32x768xf32, #tpu.memory_space<vmem>>, vector<1x1x16xf32>,
        %swap3A_850 = vector.shape_cast %swap3A_849 : vector<1x1x16xf32> to vector<16xf32>
        %swap3A_851 = vector.shape_cast %mul3A_844 : vector<16xf32> to vector<1x1x16xf32>
        tpu.vector_store %arg6[%swap3A_846, %swap3A_847, %swap3A_848], %swap3A_851 {strides = array<i32>} : memref<4x32x768xf32, #tpu.memory_space<vmem>>, vector<1x1x16xf32>,
        %get3A_852 = arith.constant 0 : i32
        %get3A_853 = arith.index_cast %get3A_852 : i32 to index
        %get3A_854 = arith.index_cast %scan3A_261 : i32 to index
        %get3A_855 = arith.constant 592 : index
        %get3A_856 = tpu.vector_load %arg6[%get3A_853, %get3A_854, %get3A_855] {strides = array<i32>} : memref<4x32x768xf32, #tpu.memory_space<vmem>>, vector<1x1x16xf32>,
        %get3A_857 = vector.shape_cast %get3A_856 : vector<1x1x16xf32> to vector<16xf32>
        %mul3A_858 = arith.constant 27.7128124 : f32
        %mul3A_859 = vector.broadcast %mul3A_858 : f32 to vector<16xf32>
        %mul3A_860 = arith.mulf %get3A_857, %mul3A_859 : vector<16xf32>
        %swap3A_861 = arith.constant 0 : i32
        %swap3A_862 = arith.index_cast %swap3A_861 : i32 to index
        %swap3A_863 = arith.index_cast %scan3A_261 : i32 to index
        %swap3A_864 = arith.constant 592 : index
        %swap3A_865 = tpu.vector_load %arg6[%swap3A_862, %swap3A_863, %swap3A_864] {strides = array<i32>} : memref<4x32x768xf32, #tpu.memory_space<vmem>>, vector<1x1x16xf32>,
        %swap3A_866 = vector.shape_cast %swap3A_865 : vector<1x1x16xf32> to vector<16xf32>
        %swap3A_867 = vector.shape_cast %mul3A_860 : vector<16xf32> to vector<1x1x16xf32>
        tpu.vector_store %arg6[%swap3A_862, %swap3A_863, %swap3A_864], %swap3A_867 {strides = array<i32>} : memref<4x32x768xf32, #tpu.memory_space<vmem>>, vector<1x1x16xf32>,
        %get3A_868 = arith.constant 0 : i32
        %get3A_869 = arith.index_cast %get3A_868 : i32 to index
        %get3A_870 = arith.index_cast %scan3A_261 : i32 to index
        %get3A_871 = arith.constant 608 : index
        %get3A_872 = tpu.vector_load %arg6[%get3A_869, %get3A_870, %get3A_871] {strides = array<i32>} : memref<4x32x768xf32, #tpu.memory_space<vmem>>, vector<1x1x16xf32>,
        %get3A_873 = vector.shape_cast %get3A_872 : vector<1x1x16xf32> to vector<16xf32>
        %mul3A_874 = arith.constant 27.7128124 : f32
        %mul3A_875 = vector.broadcast %mul3A_874 : f32 to vector<16xf32>
        %mul3A_876 = arith.mulf %get3A_873, %mul3A_875 : vector<16xf32>
        %swap3A_877 = arith.constant 0 : i32
        %swap3A_878 = arith.index_cast %swap3A_877 : i32 to index
        %swap3A_879 = arith.index_cast %scan3A_261 : i32 to index
        %swap3A_880 = arith.constant 608 : index
        %swap3A_881 = tpu.vector_load %arg6[%swap3A_878, %swap3A_879, %swap3A_880] {strides = array<i32>} : memref<4x32x768xf32, #tpu.memory_space<vmem>>, vector<1x1x16xf32>,
        %swap3A_882 = vector.shape_cast %swap3A_881 : vector<1x1x16xf32> to vector<16xf32>
        %swap3A_883 = vector.shape_cast %mul3A_876 : vector<16xf32> to vector<1x1x16xf32>
        tpu.vector_store %arg6[%swap3A_878, %swap3A_879, %swap3A_880], %swap3A_883 {strides = array<i32>} : memref<4x32x768xf32, #tpu.memory_space<vmem>>, vector<1x1x16xf32>,
        %get3A_884 = arith.constant 0 : i32
        %get3A_885 = arith.index_cast %get3A_884 : i32 to index
        %get3A_886 = arith.index_cast %scan3A_261 : i32 to index
        %get3A_887 = arith.constant 624 : index
        %get3A_888 = tpu.vector_load %arg6[%get3A_885, %get3A_886, %get3A_887] {strides = array<i32>} : memref<4x32x768xf32, #tpu.memory_space<vmem>>, vector<1x1x16xf32>,
        %get3A_889 = vector.shape_cast %get3A_888 : vector<1x1x16xf32> to vector<16xf32>
        %mul3A_890 = arith.constant 27.7128124 : f32
        %mul3A_891 = vector.broadcast %mul3A_890 : f32 to vector<16xf32>
        %mul3A_892 = arith.mulf %get3A_889, %mul3A_891 : vector<16xf32>
        %swap3A_893 = arith.constant 0 : i32
        %swap3A_894 = arith.index_cast %swap3A_893 : i32 to index
        %swap3A_895 = arith.index_cast %scan3A_261 : i32 to index
        %swap3A_896 = arith.constant 624 : index
        %swap3A_897 = tpu.vector_load %arg6[%swap3A_894, %swap3A_895, %swap3A_896] {strides = array<i32>} : memref<4x32x768xf32, #tpu.memory_space<vmem>>, vector<1x1x16xf32>,
        %swap3A_898 = vector.shape_cast %swap3A_897 : vector<1x1x16xf32> to vector<16xf32>
        %swap3A_899 = vector.shape_cast %mul3A_892 : vector<16xf32> to vector<1x1x16xf32>
        tpu.vector_store %arg6[%swap3A_894, %swap3A_895, %swap3A_896], %swap3A_899 {strides = array<i32>} : memref<4x32x768xf32, #tpu.memory_space<vmem>>, vector<1x1x16xf32>,
        %get3A_900 = arith.constant 0 : i32
        %get3A_901 = arith.index_cast %get3A_900 : i32 to index
        %get3A_902 = arith.index_cast %scan3A_261 : i32 to index
        %get3A_903 = arith.constant 640 : index
        %get3A_904 = tpu.vector_load %arg6[%get3A_901, %get3A_902, %get3A_903] {strides = array<i32>} : memref<4x32x768xf32, #tpu.memory_space<vmem>>, vector<1x1x16xf32>,
        %get3A_905 = vector.shape_cast %get3A_904 : vector<1x1x16xf32> to vector<16xf32>
        %mul3A_906 = arith.constant 27.7128124 : f32
        %mul3A_907 = vector.broadcast %mul3A_906 : f32 to vector<16xf32>
        %mul3A_908 = arith.mulf %get3A_905, %mul3A_907 : vector<16xf32>
        %swap3A_909 = arith.constant 0 : i32
        %swap3A_910 = arith.index_cast %swap3A_909 : i32 to index
        %swap3A_911 = arith.index_cast %scan3A_261 : i32 to index
        %swap3A_912 = arith.constant 640 : index
        %swap3A_913 = tpu.vector_load %arg6[%swap3A_910, %swap3A_911, %swap3A_912] {strides = array<i32>} : memref<4x32x768xf32, #tpu.memory_space<vmem>>, vector<1x1x16xf32>,
        %swap3A_914 = vector.shape_cast %swap3A_913 : vector<1x1x16xf32> to vector<16xf32>
        %swap3A_915 = vector.shape_cast %mul3A_908 : vector<16xf32> to vector<1x1x16xf32>
        tpu.vector_store %arg6[%swap3A_910, %swap3A_911, %swap3A_912], %swap3A_915 {strides = array<i32>} : memref<4x32x768xf32, #tpu.memory_space<vmem>>, vector<1x1x16xf32>,
        %get3A_916 = arith.constant 0 : i32
        %get3A_917 = arith.index_cast %get3A_916 : i32 to index
        %get3A_918 = arith.index_cast %scan3A_261 : i32 to index
        %get3A_919 = arith.constant 656 : index
        %get3A_920 = tpu.vector_load %arg6[%get3A_917, %get3A_918, %get3A_919] {strides = array<i32>} : memref<4x32x768xf32, #tpu.memory_space<vmem>>, vector<1x1x16xf32>,
        %get3A_921 = vector.shape_cast %get3A_920 : vector<1x1x16xf32> to vector<16xf32>
        %mul3A_922 = arith.constant 27.7128124 : f32
        %mul3A_923 = vector.broadcast %mul3A_922 : f32 to vector<16xf32>
        %mul3A_924 = arith.mulf %get3A_921, %mul3A_923 : vector<16xf32>
        %swap3A_925 = arith.constant 0 : i32
        %swap3A_926 = arith.index_cast %swap3A_925 : i32 to index
        %swap3A_927 = arith.index_cast %scan3A_261 : i32 to index
        %swap3A_928 = arith.constant 656 : index
        %swap3A_929 = tpu.vector_load %arg6[%swap3A_926, %swap3A_927, %swap3A_928] {strides = array<i32>} : memref<4x32x768xf32, #tpu.memory_space<vmem>>, vector<1x1x16xf32>,
        %swap3A_930 = vector.shape_cast %swap3A_929 : vector<1x1x16xf32> to vector<16xf32>
        %swap3A_931 = vector.shape_cast %mul3A_924 : vector<16xf32> to vector<1x1x16xf32>
        tpu.vector_store %arg6[%swap3A_926, %swap3A_927, %swap3A_928], %swap3A_931 {strides = array<i32>} : memref<4x32x768xf32, #tpu.memory_space<vmem>>, vector<1x1x16xf32>,
        %get3A_932 = arith.constant 0 : i32
        %get3A_933 = arith.index_cast %get3A_932 : i32 to index
        %get3A_934 = arith.index_cast %scan3A_261 : i32 to index
        %get3A_935 = arith.constant 672 : index
        %get3A_936 = tpu.vector_load %arg6[%get3A_933, %get3A_934, %get3A_935] {strides = array<i32>} : memref<4x32x768xf32, #tpu.memory_space<vmem>>, vector<1x1x16xf32>,
        %get3A_937 = vector.shape_cast %get3A_936 : vector<1x1x16xf32> to vector<16xf32>
        %mul3A_938 = arith.constant 27.7128124 : f32
        %mul3A_939 = vector.broadcast %mul3A_938 : f32 to vector<16xf32>
        %mul3A_940 = arith.mulf %get3A_937, %mul3A_939 : vector<16xf32>
        %swap3A_941 = arith.constant 0 : i32
        %swap3A_942 = arith.index_cast %swap3A_941 : i32 to index
        %swap3A_943 = arith.index_cast %scan3A_261 : i32 to index
        %swap3A_944 = arith.constant 672 : index
        %swap3A_945 = tpu.vector_load %arg6[%swap3A_942, %swap3A_943, %swap3A_944] {strides = array<i32>} : memref<4x32x768xf32, #tpu.memory_space<vmem>>, vector<1x1x16xf32>,
        %swap3A_946 = vector.shape_cast %swap3A_945 : vector<1x1x16xf32> to vector<16xf32>
        %swap3A_947 = vector.shape_cast %mul3A_940 : vector<16xf32> to vector<1x1x16xf32>
        tpu.vector_store %arg6[%swap3A_942, %swap3A_943, %swap3A_944], %swap3A_947 {strides = array<i32>} : memref<4x32x768xf32, #tpu.memory_space<vmem>>, vector<1x1x16xf32>,
        %get3A_948 = arith.constant 0 : i32
        %get3A_949 = arith.index_cast %get3A_948 : i32 to index
        %get3A_950 = arith.index_cast %scan3A_261 : i32 to index
        %get3A_951 = arith.constant 688 : index
        %get3A_952 = tpu.vector_load %arg6[%get3A_949, %get3A_950, %get3A_951] {strides = array<i32>} : memref<4x32x768xf32, #tpu.memory_space<vmem>>, vector<1x1x16xf32>,
        %get3A_953 = vector.shape_cast %get3A_952 : vector<1x1x16xf32> to vector<16xf32>
        %mul3A_954 = arith.constant 27.7128124 : f32
        %mul3A_955 = vector.broadcast %mul3A_954 : f32 to vector<16xf32>
        %mul3A_956 = arith.mulf %get3A_953, %mul3A_955 : vector<16xf32>
        %swap3A_957 = arith.constant 0 : i32
        %swap3A_958 = arith.index_cast %swap3A_957 : i32 to index
        %swap3A_959 = arith.index_cast %scan3A_261 : i32 to index
        %swap3A_960 = arith.constant 688 : index
        %swap3A_961 = tpu.vector_load %arg6[%swap3A_958, %swap3A_959, %swap3A_960] {strides = array<i32>} : memref<4x32x768xf32, #tpu.memory_space<vmem>>, vector<1x1x16xf32>,
        %swap3A_962 = vector.shape_cast %swap3A_961 : vector<1x1x16xf32> to vector<16xf32>
        %swap3A_963 = vector.shape_cast %mul3A_956 : vector<16xf32> to vector<1x1x16xf32>
        tpu.vector_store %arg6[%swap3A_958, %swap3A_959, %swap3A_960], %swap3A_963 {strides = array<i32>} : memref<4x32x768xf32, #tpu.memory_space<vmem>>, vector<1x1x16xf32>,
        %get3A_964 = arith.constant 0 : i32
        %get3A_965 = arith.index_cast %get3A_964 : i32 to index
        %get3A_966 = arith.index_cast %scan3A_261 : i32 to index
        %get3A_967 = arith.constant 704 : index
        %get3A_968 = tpu.vector_load %arg6[%get3A_965, %get3A_966, %get3A_967] {strides = array<i32>} : memref<4x32x768xf32, #tpu.memory_space<vmem>>, vector<1x1x16xf32>,
        %get3A_969 = vector.shape_cast %get3A_968 : vector<1x1x16xf32> to vector<16xf32>
        %mul3A_970 = arith.constant 27.7128124 : f32
        %mul3A_971 = vector.broadcast %mul3A_970 : f32 to vector<16xf32>
        %mul3A_972 = arith.mulf %get3A_969, %mul3A_971 : vector<16xf32>
        %swap3A_973 = arith.constant 0 : i32
        %swap3A_974 = arith.index_cast %swap3A_973 : i32 to index
        %swap3A_975 = arith.index_cast %scan3A_261 : i32 to index
        %swap3A_976 = arith.constant 704 : index
        %swap3A_977 = tpu.vector_load %arg6[%swap3A_974, %swap3A_975, %swap3A_976] {strides = array<i32>} : memref<4x32x768xf32, #tpu.memory_space<vmem>>, vector<1x1x16xf32>,
        %swap3A_978 = vector.shape_cast %swap3A_977 : vector<1x1x16xf32> to vector<16xf32>
        %swap3A_979 = vector.shape_cast %mul3A_972 : vector<16xf32> to vector<1x1x16xf32>
        tpu.vector_store %arg6[%swap3A_974, %swap3A_975, %swap3A_976], %swap3A_979 {strides = array<i32>} : memref<4x32x768xf32, #tpu.memory_space<vmem>>, vector<1x1x16xf32>,
        %get3A_980 = arith.constant 0 : i32
        %get3A_981 = arith.index_cast %get3A_980 : i32 to index
        %get3A_982 = arith.index_cast %scan3A_261 : i32 to index
        %get3A_983 = arith.constant 720 : index
        %get3A_984 = tpu.vector_load %arg6[%get3A_981, %get3A_982, %get3A_983] {strides = array<i32>} : memref<4x32x768xf32, #tpu.memory_space<vmem>>, vector<1x1x16xf32>,
        %get3A_985 = vector.shape_cast %get3A_984 : vector<1x1x16xf32> to vector<16xf32>
        %mul3A_986 = arith.constant 27.7128124 : f32
        %mul3A_987 = vector.broadcast %mul3A_986 : f32 to vector<16xf32>
        %mul3A_988 = arith.mulf %get3A_985, %mul3A_987 : vector<16xf32>
        %swap3A_989 = arith.constant 0 : i32
        %swap3A_990 = arith.index_cast %swap3A_989 : i32 to index
        %swap3A_991 = arith.index_cast %scan3A_261 : i32 to index
        %swap3A_992 = arith.constant 720 : index
        %swap3A_993 = tpu.vector_load %arg6[%swap3A_990, %swap3A_991, %swap3A_992] {strides = array<i32>} : memref<4x32x768xf32, #tpu.memory_space<vmem>>, vector<1x1x16xf32>,
        %swap3A_994 = vector.shape_cast %swap3A_993 : vector<1x1x16xf32> to vector<16xf32>
        %swap3A_995 = vector.shape_cast %mul3A_988 : vector<16xf32> to vector<1x1x16xf32>
        tpu.vector_store %arg6[%swap3A_990, %swap3A_991, %swap3A_992], %swap3A_995 {strides = array<i32>} : memref<4x32x768xf32, #tpu.memory_space<vmem>>, vector<1x1x16xf32>,
        %get3A_996 = arith.constant 0 : i32
        %get3A_997 = arith.index_cast %get3A_996 : i32 to index
        %get3A_998 = arith.index_cast %scan3A_261 : i32 to index
        %get3A_999 = arith.constant 736 : index
        %get3A_1000 = tpu.vector_load %arg6[%get3A_997, %get3A_998, %get3A_999] {strides = array<i32>} : memref<4x32x768xf32, #tpu.memory_space<vmem>>, vector<1x1x16xf32>,
        %get3A_1001 = vector.shape_cast %get3A_1000 : vector<1x1x16xf32> to vector<16xf32>
        %mul3A_1002 = arith.constant 27.7128124 : f32
        %mul3A_1003 = vector.broadcast %mul3A_1002 : f32 to vector<16xf32>
        %mul3A_1004 = arith.mulf %get3A_1001, %mul3A_1003 : vector<16xf32>
        %swap3A_1005 = arith.constant 0 : i32
        %swap3A_1006 = arith.index_cast %swap3A_1005 : i32 to index
        %swap3A_1007 = arith.index_cast %scan3A_261 : i32 to index
        %swap3A_1008 = arith.constant 736 : index
        %swap3A_1009 = tpu.vector_load %arg6[%swap3A_1006, %swap3A_1007, %swap3A_1008] {strides = array<i32>} : memref<4x32x768xf32, #tpu.memory_space<vmem>>, vector<1x1x16xf32>,
        %swap3A_1010 = vector.shape_cast %swap3A_1009 : vector<1x1x16xf32> to vector<16xf32>
        %swap3A_1011 = vector.shape_cast %mul3A_1004 : vector<16xf32> to vector<1x1x16xf32>
        tpu.vector_store %arg6[%swap3A_1006, %swap3A_1007, %swap3A_1008], %swap3A_1011 {strides = array<i32>} : memref<4x32x768xf32, #tpu.memory_space<vmem>>, vector<1x1x16xf32>,
        %get3A_1012 = arith.constant 0 : i32
        %get3A_1013 = arith.index_cast %get3A_1012 : i32 to index
        %get3A_1014 = arith.index_cast %scan3A_261 : i32 to index
        %get3A_1015 = arith.constant 752 : index
        %get3A_1016 = tpu.vector_load %arg6[%get3A_1013, %get3A_1014, %get3A_1015] {strides = array<i32>} : memref<4x32x768xf32, #tpu.memory_space<vmem>>, vector<1x1x16xf32>,
        %get3A_1017 = vector.shape_cast %get3A_1016 : vector<1x1x16xf32> to vector<16xf32>
        %mul3A_1018 = arith.constant 27.7128124 : f32
        %mul3A_1019 = vector.broadcast %mul3A_1018 : f32 to vector<16xf32>
        %mul3A_1020 = arith.mulf %get3A_1017, %mul3A_1019 : vector<16xf32>
        %swap3A_1021 = arith.constant 0 : i32
        %swap3A_1022 = arith.index_cast %swap3A_1021 : i32 to index
        %swap3A_1023 = arith.index_cast %scan3A_261 : i32 to index
        %swap3A_1024 = arith.constant 752 : index
        %swap3A_1025 = tpu.vector_load %arg6[%swap3A_1022, %swap3A_1023, %swap3A_1024] {strides = array<i32>} : memref<4x32x768xf32, #tpu.memory_space<vmem>>, vector<1x1x16xf32>,
        %swap3A_1026 = vector.shape_cast %swap3A_1025 : vector<1x1x16xf32> to vector<16xf32>
        %swap3A_1027 = vector.shape_cast %mul3A_1020 : vector<16xf32> to vector<1x1x16xf32>
        tpu.vector_store %arg6[%swap3A_1022, %swap3A_1023, %swap3A_1024], %swap3A_1027 {strides = array<i32>} : memref<4x32x768xf32, #tpu.memory_space<vmem>>, vector<1x1x16xf32>,
      }
      %scan3A_91 = arith.constant 32 : i32
      %mul3A_92 = arith.constant 32 : i32
      %mul3A_93 = arith.muli %add3A_64, %mul3A_92 : i32
      %add3A_94 = arith.addi %mul3A_2, %mul3A_93 : i32
      %dma_start3A_95 = arith.constant 0 : i32
      %dma_start3A_96 = arith.constant 0 : i32
      %dma_start3A_97 = arith.constant 0 : i32
      %dma_start3A_98 = tpu.memref_slice %arg6[%dma_start3A_95, %dma_start3A_96, %dma_start3A_97] : memref<4x32x768xf32, #tpu.memory_space<vmem>> -> memref<1x32x768xf32, #tpu.memory_space<vmem>>
      %dma_start3A_99 = tpu.memref_squeeze %dma_start3A_98 : memref<1x32x768xf32, #tpu.memory_space<vmem>> -> memref<32x768xf32, #tpu.memory_space<vmem>>
      %dma_start3A_100 = arith.constant 0 : i32
      %dma_start3A_101 = tpu.memref_slice %arg4[%add3A_94, %dma_start3A_100] : memref<32768x768xf32, #tpu.memory_space<hbm>> -> memref<32x768xf32, #tpu.memory_space<hbm>>
      %dma_start3A_102 = arith.constant 0 : i32
      %dma_start3A_103 = tpu.memref_slice %arg4[%add3A_94, %dma_start3A_102] : memref<32768x768xf32, #tpu.memory_space<hbm>> -> memref<32x768xf32, #tpu.memory_space<hbm>>
      %dma_start3A_104 = arith.constant 0 : i32
      %dma_start3A_105 = arith.constant 0 : i32
      %dma_start3A_106 = tpu.memref_slice %arg6[%dma_start3A_95, %dma_start3A_104, %dma_start3A_105] : memref<4x32x768xf32, #tpu.memory_space<vmem>> -> memref<1x32x768xf32, #tpu.memory_space<vmem>>
      %dma_start3A_107 = tpu.memref_squeeze %dma_start3A_106 : memref<1x32x768xf32, #tpu.memory_space<vmem>> -> memref<32x768xf32, #tpu.memory_space<vmem>>
      tpu.enqueue_dma source(%dma_start3A_107 : memref<32x768xf32, #tpu.memory_space<vmem>>) target(%dma_start3A_103 : memref<32x768xf32, #tpu.memory_space<hbm>>) target_semaphore(%arg11 : memref<!tpu.dma_semaphore, #tpu.memory_space<semaphore_mem>>)
      %mul3A_108 = arith.constant 4 : i32
      %mul3A_109 = arith.muli %scan3A_60, %mul3A_108 : i32
      %add3A_110 = arith.constant 1 : i32
      %add3A_111 = arith.addi %mul3A_109, %add3A_110 : i32
      %add3A_112 = arith.constant 2 : i32
      %add3A_113 = arith.addi %add3A_111, %add3A_112 : i32
      %ge3A_114 = arith.constant 4 : i32
      %ge3A_115 = arith.cmpi sge, %add3A_113, %ge3A_114 : i32
      %convert_element_type3A_116 = arith.extui %ge3A_115 : i1 to i32
      %cond3A_117 = arith.constant 0 : i32
      %cond3A_118 = arith.cmpi ne, %convert_element_type3A_116, %cond3A_117 : i32
      scf.if %cond3A_118 {
        %add3A_261 = arith.constant 2 : i32
        %add3A_262 = arith.addi %add3A_111, %add3A_261 : i32
        %sub3A = arith.constant 4 : i32
        %sub3A_263 = arith.subi %add3A_262, %sub3A : i32
        %mul3A_264 = arith.constant 32 : i32
        %mul3A_265 = arith.muli %sub3A_263, %mul3A_264 : i32
        %add3A_266 = arith.addi %mul3A_2, %mul3A_265 : i32
        %dma_wait3A_267 = arith.constant 3 : i32
        %dma_wait3A_268 = arith.constant 0 : i32
        %dma_wait3A_269 = arith.constant 0 : i32
        %dma_wait3A_270 = tpu.memref_slice %arg6[%dma_wait3A_267, %dma_wait3A_268, %dma_wait3A_269] : memref<4x32x768xf32, #tpu.memory_space<vmem>> -> memref<1x32x768xf32, #tpu.memory_space<vmem>>
        %dma_wait3A_271 = tpu.memref_squeeze %dma_wait3A_270 : memref<1x32x768xf32, #tpu.memory_space<vmem>> -> memref<32x768xf32, #tpu.memory_space<vmem>>
        %dma_wait3A_272 = arith.constant 0 : i32
        %dma_wait3A_273 = tpu.memref_slice %arg4[%add3A_266, %dma_wait3A_272] : memref<32768x768xf32, #tpu.memory_space<hbm>> -> memref<32x768xf32, #tpu.memory_space<hbm>>
        %dma_wait3A_274 = arith.constant 0 : i32
        %dma_wait3A_275 = tpu.memref_slice %arg4[%add3A_266, %dma_wait3A_274] : memref<32768x768xf32, #tpu.memory_space<hbm>> -> memref<32x768xf32, #tpu.memory_space<hbm>>
        %dma_wait3A_276 = arith.constant 0 : i32
        %dma_wait3A_277 = arith.constant 0 : i32
        %dma_wait3A_278 = tpu.memref_slice %arg6[%dma_wait3A_267, %dma_wait3A_276, %dma_wait3A_277] : memref<4x32x768xf32, #tpu.memory_space<vmem>> -> memref<1x32x768xf32, #tpu.memory_space<vmem>>
        %dma_wait3A_279 = tpu.memref_squeeze %dma_wait3A_278 : memref<1x32x768xf32, #tpu.memory_space<vmem>> -> memref<32x768xf32, #tpu.memory_space<vmem>>
        tpu.wait_dma2 semaphore(%arg14 : memref<!tpu.dma_semaphore, #tpu.memory_space<semaphore_mem>>) src(%dma_wait3A_279 : memref<32x768xf32, #tpu.memory_space<vmem>>) dst(%dma_wait3A_275 : memref<32x768xf32, #tpu.memory_space<hbm>>)
      } else {
      }
      %add3A_119 = arith.constant 2 : i32
      %add3A_120 = arith.addi %add3A_111, %add3A_119 : i32
      %lt3A_121 = arith.constant 32 : i32
      %lt3A_122 = arith.cmpi slt, %add3A_120, %lt3A_121 : i32
      %convert_element_type3A_123 = arith.extui %lt3A_122 : i1 to i32
      %cond3A_124 = arith.constant 0 : i32
      %cond3A_125 = arith.cmpi ne, %convert_element_type3A_123, %cond3A_124 : i32
      scf.if %cond3A_125 {
        %add3A_261 = arith.constant 2 : i32
        %add3A_262 = arith.addi %add3A_111, %add3A_261 : i32
        %dma_start3A_263 = arith.constant 3 : i32
        %dma_start3A_264 = arith.constant 0 : i32
        %dma_start3A_265 = arith.constant 0 : i32
        %dma_start3A_266 = tpu.memref_slice %arg6[%dma_start3A_263, %dma_start3A_264, %dma_start3A_265] : memref<4x32x768xf32, #tpu.memory_space<vmem>> -> memref<1x32x768xf32, #tpu.memory_space<vmem>>
        %dma_start3A_267 = tpu.memref_squeeze %dma_start3A_266 : memref<1x32x768xf32, #tpu.memory_space<vmem>> -> memref<32x768xf32, #tpu.memory_space<vmem>>
        %dma_start3A_268 = arith.constant 0 : i32
        %dma_start3A_269 = tpu.memref_slice %arg5[%add3A_262, %dma_start3A_268] : memref<32x32xi32, #tpu.memory_space<vmem>> -> memref<1x32xi32, #tpu.memory_space<vmem>>
        %dma_start3A_270 = tpu.memref_squeeze %dma_start3A_269 : memref<1x32xi32, #tpu.memory_space<vmem>> -> memref<32xi32, #tpu.memory_space<vmem>>
        %dma_start3A_271 = arith.constant 0 : i32
        %dma_start3A_272 = arith.constant 0 : i32
        %dma_start3A_273 = tpu.memref_slice %arg3[%dma_start3A_271, %dma_start3A_272] : memref<100000x768xf32, #tpu.memory_space<hbm>> -> memref<100000x768xf32, #tpu.memory_space<hbm>>
        tpu.enqueue_indirect_dma source(%dma_start3A_273 : memref<100000x768xf32, #tpu.memory_space<hbm>>) target(%dma_start3A_267 : memref<32x768xf32, #tpu.memory_space<vmem>>) offsets(%dma_start3A_270 : memref<32xi32, #tpu.memory_space<vmem>>) semaphore(%arg10 : memref<!tpu.dma_semaphore, #tpu.memory_space<semaphore_mem>>)
      } else {
      }
      %dma_wait3A_126 = arith.constant 1 : i32
      %dma_wait3A_127 = arith.constant 0 : i32
      %dma_wait3A_128 = arith.constant 0 : i32
      %dma_wait3A_129 = tpu.memref_slice %arg6[%dma_wait3A_126, %dma_wait3A_127, %dma_wait3A_128] : memref<4x32x768xf32, #tpu.memory_space<vmem>> -> memref<1x32x768xf32, #tpu.memory_space<vmem>>
      %dma_wait3A_130 = tpu.memref_squeeze %dma_wait3A_129 : memref<1x32x768xf32, #tpu.memory_space<vmem>> -> memref<32x768xf32, #tpu.memory_space<vmem>>
      %dma_wait3A_131 = arith.constant 0 : i32
      %dma_wait3A_132 = tpu.memref_slice %arg5[%add3A_111, %dma_wait3A_131] : memref<32x32xi32, #tpu.memory_space<vmem>> -> memref<1x32xi32, #tpu.memory_space<vmem>>
      %dma_wait3A_133 = tpu.memref_squeeze %dma_wait3A_132 : memref<1x32xi32, #tpu.memory_space<vmem>> -> memref<32xi32, #tpu.memory_space<vmem>>
      %dma_wait3A_134 = arith.constant 0 : i32
      %dma_wait3A_135 = arith.constant 0 : i32
      %dma_wait3A_136 = tpu.memref_slice %arg3[%dma_wait3A_134, %dma_wait3A_135] : memref<100000x768xf32, #tpu.memory_space<hbm>> -> memref<100000x768xf32, #tpu.memory_space<hbm>>
      tpu.wait_indirect_dma semaphore(%arg8 : memref<!tpu.dma_semaphore, #tpu.memory_space<semaphore_mem>>) src(%dma_wait3A_136 : memref<100000x768xf32, #tpu.memory_space<hbm>>) dst(%dma_wait3A_130 : memref<32x768xf32, #tpu.memory_space<vmem>>)
      %scan3A_137 = arith.constant 0 : i32
      %scan3A_138 = arith.constant 0 : i32
      %scan3A_139 = arith.constant 32 : i32
      %scan3A_140 = arith.addi %scan3A_138, %scan3A_139 : i32
      %scan3A_141 = arith.constant 1 : i32
      scf.for %scan3A_261 = %scan3A_138 to %scan3A_140 step %scan3A_141  : i32 {
        %get3A = arith.constant 1 : i32
        %get3A_262 = arith.index_cast %get3A : i32 to index
        %get3A_263 = arith.index_cast %scan3A_261 : i32 to index
        %get3A_264 = arith.constant 0 : index
        %get3A_265 = tpu.vector_load %arg6[%get3A_262, %get3A_263, %get3A_264] {strides = array<i32>} : memref<4x32x768xf32, #tpu.memory_space<vmem>>, vector<1x1x16xf32>,
        %get3A_266 = vector.shape_cast %get3A_265 : vector<1x1x16xf32> to vector<16xf32>
        %mul3A_267 = arith.constant 27.7128124 : f32
        %mul3A_268 = vector.broadcast %mul3A_267 : f32 to vector<16xf32>
        %mul3A_269 = arith.mulf %get3A_266, %mul3A_268 : vector<16xf32>
        %swap3A = arith.constant 1 : i32
        %swap3A_270 = arith.index_cast %swap3A : i32 to index
        %swap3A_271 = arith.index_cast %scan3A_261 : i32 to index
        %swap3A_272 = arith.constant 0 : index
        %swap3A_273 = tpu.vector_load %arg6[%swap3A_270, %swap3A_271, %swap3A_272] {strides = array<i32>} : memref<4x32x768xf32, #tpu.memory_space<vmem>>, vector<1x1x16xf32>,
        %swap3A_274 = vector.shape_cast %swap3A_273 : vector<1x1x16xf32> to vector<16xf32>
        %swap3A_275 = vector.shape_cast %mul3A_269 : vector<16xf32> to vector<1x1x16xf32>
        tpu.vector_store %arg6[%swap3A_270, %swap3A_271, %swap3A_272], %swap3A_275 {strides = array<i32>} : memref<4x32x768xf32, #tpu.memory_space<vmem>>, vector<1x1x16xf32>,
        %get3A_276 = arith.constant 1 : i32
        %get3A_277 = arith.index_cast %get3A_276 : i32 to index
        %get3A_278 = arith.index_cast %scan3A_261 : i32 to index
        %get3A_279 = arith.constant 16 : index
        %get3A_280 = tpu.vector_load %arg6[%get3A_277, %get3A_278, %get3A_279] {strides = array<i32>} : memref<4x32x768xf32, #tpu.memory_space<vmem>>, vector<1x1x16xf32>,
        %get3A_281 = vector.shape_cast %get3A_280 : vector<1x1x16xf32> to vector<16xf32>
        %mul3A_282 = arith.constant 27.7128124 : f32
        %mul3A_283 = vector.broadcast %mul3A_282 : f32 to vector<16xf32>
        %mul3A_284 = arith.mulf %get3A_281, %mul3A_283 : vector<16xf32>
        %swap3A_285 = arith.constant 1 : i32
        %swap3A_286 = arith.index_cast %swap3A_285 : i32 to index
        %swap3A_287 = arith.index_cast %scan3A_261 : i32 to index
        %swap3A_288 = arith.constant 16 : index
        %swap3A_289 = tpu.vector_load %arg6[%swap3A_286, %swap3A_287, %swap3A_288] {strides = array<i32>} : memref<4x32x768xf32, #tpu.memory_space<vmem>>, vector<1x1x16xf32>,
        %swap3A_290 = vector.shape_cast %swap3A_289 : vector<1x1x16xf32> to vector<16xf32>
        %swap3A_291 = vector.shape_cast %mul3A_284 : vector<16xf32> to vector<1x1x16xf32>
        tpu.vector_store %arg6[%swap3A_286, %swap3A_287, %swap3A_288], %swap3A_291 {strides = array<i32>} : memref<4x32x768xf32, #tpu.memory_space<vmem>>, vector<1x1x16xf32>,
        %get3A_292 = arith.constant 1 : i32
        %get3A_293 = arith.index_cast %get3A_292 : i32 to index
        %get3A_294 = arith.index_cast %scan3A_261 : i32 to index
        %get3A_295 = arith.constant 32 : index
        %get3A_296 = tpu.vector_load %arg6[%get3A_293, %get3A_294, %get3A_295] {strides = array<i32>} : memref<4x32x768xf32, #tpu.memory_space<vmem>>, vector<1x1x16xf32>,
        %get3A_297 = vector.shape_cast %get3A_296 : vector<1x1x16xf32> to vector<16xf32>
        %mul3A_298 = arith.constant 27.7128124 : f32
        %mul3A_299 = vector.broadcast %mul3A_298 : f32 to vector<16xf32>
        %mul3A_300 = arith.mulf %get3A_297, %mul3A_299 : vector<16xf32>
        %swap3A_301 = arith.constant 1 : i32
        %swap3A_302 = arith.index_cast %swap3A_301 : i32 to index
        %swap3A_303 = arith.index_cast %scan3A_261 : i32 to index
        %swap3A_304 = arith.constant 32 : index
        %swap3A_305 = tpu.vector_load %arg6[%swap3A_302, %swap3A_303, %swap3A_304] {strides = array<i32>} : memref<4x32x768xf32, #tpu.memory_space<vmem>>, vector<1x1x16xf32>,
        %swap3A_306 = vector.shape_cast %swap3A_305 : vector<1x1x16xf32> to vector<16xf32>
        %swap3A_307 = vector.shape_cast %mul3A_300 : vector<16xf32> to vector<1x1x16xf32>
        tpu.vector_store %arg6[%swap3A_302, %swap3A_303, %swap3A_304], %swap3A_307 {strides = array<i32>} : memref<4x32x768xf32, #tpu.memory_space<vmem>>, vector<1x1x16xf32>,
        %get3A_308 = arith.constant 1 : i32
        %get3A_309 = arith.index_cast %get3A_308 : i32 to index
        %get3A_310 = arith.index_cast %scan3A_261 : i32 to index
        %get3A_311 = arith.constant 48 : index
        %get3A_312 = tpu.vector_load %arg6[%get3A_309, %get3A_310, %get3A_311] {strides = array<i32>} : memref<4x32x768xf32, #tpu.memory_space<vmem>>, vector<1x1x16xf32>,
        %get3A_313 = vector.shape_cast %get3A_312 : vector<1x1x16xf32> to vector<16xf32>
        %mul3A_314 = arith.constant 27.7128124 : f32
        %mul3A_315 = vector.broadcast %mul3A_314 : f32 to vector<16xf32>
        %mul3A_316 = arith.mulf %get3A_313, %mul3A_315 : vector<16xf32>
        %swap3A_317 = arith.constant 1 : i32
        %swap3A_318 = arith.index_cast %swap3A_317 : i32 to index
        %swap3A_319 = arith.index_cast %scan3A_261 : i32 to index
        %swap3A_320 = arith.constant 48 : index
        %swap3A_321 = tpu.vector_load %arg6[%swap3A_318, %swap3A_319, %swap3A_320] {strides = array<i32>} : memref<4x32x768xf32, #tpu.memory_space<vmem>>, vector<1x1x16xf32>,
        %swap3A_322 = vector.shape_cast %swap3A_321 : vector<1x1x16xf32> to vector<16xf32>
        %swap3A_323 = vector.shape_cast %mul3A_316 : vector<16xf32> to vector<1x1x16xf32>
        tpu.vector_store %arg6[%swap3A_318, %swap3A_319, %swap3A_320], %swap3A_323 {strides = array<i32>} : memref<4x32x768xf32, #tpu.memory_space<vmem>>, vector<1x1x16xf32>,
        %get3A_324 = arith.constant 1 : i32
        %get3A_325 = arith.index_cast %get3A_324 : i32 to index
        %get3A_326 = arith.index_cast %scan3A_261 : i32 to index
        %get3A_327 = arith.constant 64 : index
        %get3A_328 = tpu.vector_load %arg6[%get3A_325, %get3A_326, %get3A_327] {strides = array<i32>} : memref<4x32x768xf32, #tpu.memory_space<vmem>>, vector<1x1x16xf32>,
        %get3A_329 = vector.shape_cast %get3A_328 : vector<1x1x16xf32> to vector<16xf32>
        %mul3A_330 = arith.constant 27.7128124 : f32
        %mul3A_331 = vector.broadcast %mul3A_330 : f32 to vector<16xf32>
        %mul3A_332 = arith.mulf %get3A_329, %mul3A_331 : vector<16xf32>
        %swap3A_333 = arith.constant 1 : i32
        %swap3A_334 = arith.index_cast %swap3A_333 : i32 to index
        %swap3A_335 = arith.index_cast %scan3A_261 : i32 to index
        %swap3A_336 = arith.constant 64 : index
        %swap3A_337 = tpu.vector_load %arg6[%swap3A_334, %swap3A_335, %swap3A_336] {strides = array<i32>} : memref<4x32x768xf32, #tpu.memory_space<vmem>>, vector<1x1x16xf32>,
        %swap3A_338 = vector.shape_cast %swap3A_337 : vector<1x1x16xf32> to vector<16xf32>
        %swap3A_339 = vector.shape_cast %mul3A_332 : vector<16xf32> to vector<1x1x16xf32>
        tpu.vector_store %arg6[%swap3A_334, %swap3A_335, %swap3A_336], %swap3A_339 {strides = array<i32>} : memref<4x32x768xf32, #tpu.memory_space<vmem>>, vector<1x1x16xf32>,
        %get3A_340 = arith.constant 1 : i32
        %get3A_341 = arith.index_cast %get3A_340 : i32 to index
        %get3A_342 = arith.index_cast %scan3A_261 : i32 to index
        %get3A_343 = arith.constant 80 : index
        %get3A_344 = tpu.vector_load %arg6[%get3A_341, %get3A_342, %get3A_343] {strides = array<i32>} : memref<4x32x768xf32, #tpu.memory_space<vmem>>, vector<1x1x16xf32>,
        %get3A_345 = vector.shape_cast %get3A_344 : vector<1x1x16xf32> to vector<16xf32>
        %mul3A_346 = arith.constant 27.7128124 : f32
        %mul3A_347 = vector.broadcast %mul3A_346 : f32 to vector<16xf32>
        %mul3A_348 = arith.mulf %get3A_345, %mul3A_347 : vector<16xf32>
        %swap3A_349 = arith.constant 1 : i32
        %swap3A_350 = arith.index_cast %swap3A_349 : i32 to index
        %swap3A_351 = arith.index_cast %scan3A_261 : i32 to index
        %swap3A_352 = arith.constant 80 : index
        %swap3A_353 = tpu.vector_load %arg6[%swap3A_350, %swap3A_351, %swap3A_352] {strides = array<i32>} : memref<4x32x768xf32, #tpu.memory_space<vmem>>, vector<1x1x16xf32>,
        %swap3A_354 = vector.shape_cast %swap3A_353 : vector<1x1x16xf32> to vector<16xf32>
        %swap3A_355 = vector.shape_cast %mul3A_348 : vector<16xf32> to vector<1x1x16xf32>
        tpu.vector_store %arg6[%swap3A_350, %swap3A_351, %swap3A_352], %swap3A_355 {strides = array<i32>} : memref<4x32x768xf32, #tpu.memory_space<vmem>>, vector<1x1x16xf32>,
        %get3A_356 = arith.constant 1 : i32
        %get3A_357 = arith.index_cast %get3A_356 : i32 to index
        %get3A_358 = arith.index_cast %scan3A_261 : i32 to index
        %get3A_359 = arith.constant 96 : index
        %get3A_360 = tpu.vector_load %arg6[%get3A_357, %get3A_358, %get3A_359] {strides = array<i32>} : memref<4x32x768xf32, #tpu.memory_space<vmem>>, vector<1x1x16xf32>,
        %get3A_361 = vector.shape_cast %get3A_360 : vector<1x1x16xf32> to vector<16xf32>
        %mul3A_362 = arith.constant 27.7128124 : f32
        %mul3A_363 = vector.broadcast %mul3A_362 : f32 to vector<16xf32>
        %mul3A_364 = arith.mulf %get3A_361, %mul3A_363 : vector<16xf32>
        %swap3A_365 = arith.constant 1 : i32
        %swap3A_366 = arith.index_cast %swap3A_365 : i32 to index
        %swap3A_367 = arith.index_cast %scan3A_261 : i32 to index
        %swap3A_368 = arith.constant 96 : index
        %swap3A_369 = tpu.vector_load %arg6[%swap3A_366, %swap3A_367, %swap3A_368] {strides = array<i32>} : memref<4x32x768xf32, #tpu.memory_space<vmem>>, vector<1x1x16xf32>,
        %swap3A_370 = vector.shape_cast %swap3A_369 : vector<1x1x16xf32> to vector<16xf32>
        %swap3A_371 = vector.shape_cast %mul3A_364 : vector<16xf32> to vector<1x1x16xf32>
        tpu.vector_store %arg6[%swap3A_366, %swap3A_367, %swap3A_368], %swap3A_371 {strides = array<i32>} : memref<4x32x768xf32, #tpu.memory_space<vmem>>, vector<1x1x16xf32>,
        %get3A_372 = arith.constant 1 : i32
        %get3A_373 = arith.index_cast %get3A_372 : i32 to index
        %get3A_374 = arith.index_cast %scan3A_261 : i32 to index
        %get3A_375 = arith.constant 112 : index
        %get3A_376 = tpu.vector_load %arg6[%get3A_373, %get3A_374, %get3A_375] {strides = array<i32>} : memref<4x32x768xf32, #tpu.memory_space<vmem>>, vector<1x1x16xf32>,
        %get3A_377 = vector.shape_cast %get3A_376 : vector<1x1x16xf32> to vector<16xf32>
        %mul3A_378 = arith.constant 27.7128124 : f32
        %mul3A_379 = vector.broadcast %mul3A_378 : f32 to vector<16xf32>
        %mul3A_380 = arith.mulf %get3A_377, %mul3A_379 : vector<16xf32>
        %swap3A_381 = arith.constant 1 : i32
        %swap3A_382 = arith.index_cast %swap3A_381 : i32 to index
        %swap3A_383 = arith.index_cast %scan3A_261 : i32 to index
        %swap3A_384 = arith.constant 112 : index
        %swap3A_385 = tpu.vector_load %arg6[%swap3A_382, %swap3A_383, %swap3A_384] {strides = array<i32>} : memref<4x32x768xf32, #tpu.memory_space<vmem>>, vector<1x1x16xf32>,
        %swap3A_386 = vector.shape_cast %swap3A_385 : vector<1x1x16xf32> to vector<16xf32>
        %swap3A_387 = vector.shape_cast %mul3A_380 : vector<16xf32> to vector<1x1x16xf32>
        tpu.vector_store %arg6[%swap3A_382, %swap3A_383, %swap3A_384], %swap3A_387 {strides = array<i32>} : memref<4x32x768xf32, #tpu.memory_space<vmem>>, vector<1x1x16xf32>,
        %get3A_388 = arith.constant 1 : i32
        %get3A_389 = arith.index_cast %get3A_388 : i32 to index
        %get3A_390 = arith.index_cast %scan3A_261 : i32 to index
        %get3A_391 = arith.constant 128 : index
        %get3A_392 = tpu.vector_load %arg6[%get3A_389, %get3A_390, %get3A_391] {strides = array<i32>} : memref<4x32x768xf32, #tpu.memory_space<vmem>>, vector<1x1x16xf32>,
        %get3A_393 = vector.shape_cast %get3A_392 : vector<1x1x16xf32> to vector<16xf32>
        %mul3A_394 = arith.constant 27.7128124 : f32
        %mul3A_395 = vector.broadcast %mul3A_394 : f32 to vector<16xf32>
        %mul3A_396 = arith.mulf %get3A_393, %mul3A_395 : vector<16xf32>
        %swap3A_397 = arith.constant 1 : i32
        %swap3A_398 = arith.index_cast %swap3A_397 : i32 to index
        %swap3A_399 = arith.index_cast %scan3A_261 : i32 to index
        %swap3A_400 = arith.constant 128 : index
        %swap3A_401 = tpu.vector_load %arg6[%swap3A_398, %swap3A_399, %swap3A_400] {strides = array<i32>} : memref<4x32x768xf32, #tpu.memory_space<vmem>>, vector<1x1x16xf32>,
        %swap3A_402 = vector.shape_cast %swap3A_401 : vector<1x1x16xf32> to vector<16xf32>
        %swap3A_403 = vector.shape_cast %mul3A_396 : vector<16xf32> to vector<1x1x16xf32>
        tpu.vector_store %arg6[%swap3A_398, %swap3A_399, %swap3A_400], %swap3A_403 {strides = array<i32>} : memref<4x32x768xf32, #tpu.memory_space<vmem>>, vector<1x1x16xf32>,
        %get3A_404 = arith.constant 1 : i32
        %get3A_405 = arith.index_cast %get3A_404 : i32 to index
        %get3A_406 = arith.index_cast %scan3A_261 : i32 to index
        %get3A_407 = arith.constant 144 : index
        %get3A_408 = tpu.vector_load %arg6[%get3A_405, %get3A_406, %get3A_407] {strides = array<i32>} : memref<4x32x768xf32, #tpu.memory_space<vmem>>, vector<1x1x16xf32>,
        %get3A_409 = vector.shape_cast %get3A_408 : vector<1x1x16xf32> to vector<16xf32>
        %mul3A_410 = arith.constant 27.7128124 : f32
        %mul3A_411 = vector.broadcast %mul3A_410 : f32 to vector<16xf32>
        %mul3A_412 = arith.mulf %get3A_409, %mul3A_411 : vector<16xf32>
        %swap3A_413 = arith.constant 1 : i32
        %swap3A_414 = arith.index_cast %swap3A_413 : i32 to index
        %swap3A_415 = arith.index_cast %scan3A_261 : i32 to index
        %swap3A_416 = arith.constant 144 : index
        %swap3A_417 = tpu.vector_load %arg6[%swap3A_414, %swap3A_415, %swap3A_416] {strides = array<i32>} : memref<4x32x768xf32, #tpu.memory_space<vmem>>, vector<1x1x16xf32>,
        %swap3A_418 = vector.shape_cast %swap3A_417 : vector<1x1x16xf32> to vector<16xf32>
        %swap3A_419 = vector.shape_cast %mul3A_412 : vector<16xf32> to vector<1x1x16xf32>
        tpu.vector_store %arg6[%swap3A_414, %swap3A_415, %swap3A_416], %swap3A_419 {strides = array<i32>} : memref<4x32x768xf32, #tpu.memory_space<vmem>>, vector<1x1x16xf32>,
        %get3A_420 = arith.constant 1 : i32
        %get3A_421 = arith.index_cast %get3A_420 : i32 to index
        %get3A_422 = arith.index_cast %scan3A_261 : i32 to index
        %get3A_423 = arith.constant 160 : index
        %get3A_424 = tpu.vector_load %arg6[%get3A_421, %get3A_422, %get3A_423] {strides = array<i32>} : memref<4x32x768xf32, #tpu.memory_space<vmem>>, vector<1x1x16xf32>,
        %get3A_425 = vector.shape_cast %get3A_424 : vector<1x1x16xf32> to vector<16xf32>
        %mul3A_426 = arith.constant 27.7128124 : f32
        %mul3A_427 = vector.broadcast %mul3A_426 : f32 to vector<16xf32>
        %mul3A_428 = arith.mulf %get3A_425, %mul3A_427 : vector<16xf32>
        %swap3A_429 = arith.constant 1 : i32
        %swap3A_430 = arith.index_cast %swap3A_429 : i32 to index
        %swap3A_431 = arith.index_cast %scan3A_261 : i32 to index
        %swap3A_432 = arith.constant 160 : index
        %swap3A_433 = tpu.vector_load %arg6[%swap3A_430, %swap3A_431, %swap3A_432] {strides = array<i32>} : memref<4x32x768xf32, #tpu.memory_space<vmem>>, vector<1x1x16xf32>,
        %swap3A_434 = vector.shape_cast %swap3A_433 : vector<1x1x16xf32> to vector<16xf32>
        %swap3A_435 = vector.shape_cast %mul3A_428 : vector<16xf32> to vector<1x1x16xf32>
        tpu.vector_store %arg6[%swap3A_430, %swap3A_431, %swap3A_432], %swap3A_435 {strides = array<i32>} : memref<4x32x768xf32, #tpu.memory_space<vmem>>, vector<1x1x16xf32>,
        %get3A_436 = arith.constant 1 : i32
        %get3A_437 = arith.index_cast %get3A_436 : i32 to index
        %get3A_438 = arith.index_cast %scan3A_261 : i32 to index
        %get3A_439 = arith.constant 176 : index
        %get3A_440 = tpu.vector_load %arg6[%get3A_437, %get3A_438, %get3A_439] {strides = array<i32>} : memref<4x32x768xf32, #tpu.memory_space<vmem>>, vector<1x1x16xf32>,
        %get3A_441 = vector.shape_cast %get3A_440 : vector<1x1x16xf32> to vector<16xf32>
        %mul3A_442 = arith.constant 27.7128124 : f32
        %mul3A_443 = vector.broadcast %mul3A_442 : f32 to vector<16xf32>
        %mul3A_444 = arith.mulf %get3A_441, %mul3A_443 : vector<16xf32>
        %swap3A_445 = arith.constant 1 : i32
        %swap3A_446 = arith.index_cast %swap3A_445 : i32 to index
        %swap3A_447 = arith.index_cast %scan3A_261 : i32 to index
        %swap3A_448 = arith.constant 176 : index
        %swap3A_449 = tpu.vector_load %arg6[%swap3A_446, %swap3A_447, %swap3A_448] {strides = array<i32>} : memref<4x32x768xf32, #tpu.memory_space<vmem>>, vector<1x1x16xf32>,
        %swap3A_450 = vector.shape_cast %swap3A_449 : vector<1x1x16xf32> to vector<16xf32>
        %swap3A_451 = vector.shape_cast %mul3A_444 : vector<16xf32> to vector<1x1x16xf32>
        tpu.vector_store %arg6[%swap3A_446, %swap3A_447, %swap3A_448], %swap3A_451 {strides = array<i32>} : memref<4x32x768xf32, #tpu.memory_space<vmem>>, vector<1x1x16xf32>,
        %get3A_452 = arith.constant 1 : i32
        %get3A_453 = arith.index_cast %get3A_452 : i32 to index
        %get3A_454 = arith.index_cast %scan3A_261 : i32 to index
        %get3A_455 = arith.constant 192 : index
        %get3A_456 = tpu.vector_load %arg6[%get3A_453, %get3A_454, %get3A_455] {strides = array<i32>} : memref<4x32x768xf32, #tpu.memory_space<vmem>>, vector<1x1x16xf32>,
        %get3A_457 = vector.shape_cast %get3A_456 : vector<1x1x16xf32> to vector<16xf32>
        %mul3A_458 = arith.constant 27.7128124 : f32
        %mul3A_459 = vector.broadcast %mul3A_458 : f32 to vector<16xf32>
        %mul3A_460 = arith.mulf %get3A_457, %mul3A_459 : vector<16xf32>
        %swap3A_461 = arith.constant 1 : i32
        %swap3A_462 = arith.index_cast %swap3A_461 : i32 to index
        %swap3A_463 = arith.index_cast %scan3A_261 : i32 to index
        %swap3A_464 = arith.constant 192 : index
        %swap3A_465 = tpu.vector_load %arg6[%swap3A_462, %swap3A_463, %swap3A_464] {strides = array<i32>} : memref<4x32x768xf32, #tpu.memory_space<vmem>>, vector<1x1x16xf32>,
        %swap3A_466 = vector.shape_cast %swap3A_465 : vector<1x1x16xf32> to vector<16xf32>
        %swap3A_467 = vector.shape_cast %mul3A_460 : vector<16xf32> to vector<1x1x16xf32>
        tpu.vector_store %arg6[%swap3A_462, %swap3A_463, %swap3A_464], %swap3A_467 {strides = array<i32>} : memref<4x32x768xf32, #tpu.memory_space<vmem>>, vector<1x1x16xf32>,
        %get3A_468 = arith.constant 1 : i32
        %get3A_469 = arith.index_cast %get3A_468 : i32 to index
        %get3A_470 = arith.index_cast %scan3A_261 : i32 to index
        %get3A_471 = arith.constant 208 : index
        %get3A_472 = tpu.vector_load %arg6[%get3A_469, %get3A_470, %get3A_471] {strides = array<i32>} : memref<4x32x768xf32, #tpu.memory_space<vmem>>, vector<1x1x16xf32>,
        %get3A_473 = vector.shape_cast %get3A_472 : vector<1x1x16xf32> to vector<16xf32>
        %mul3A_474 = arith.constant 27.7128124 : f32
        %mul3A_475 = vector.broadcast %mul3A_474 : f32 to vector<16xf32>
        %mul3A_476 = arith.mulf %get3A_473, %mul3A_475 : vector<16xf32>
        %swap3A_477 = arith.constant 1 : i32
        %swap3A_478 = arith.index_cast %swap3A_477 : i32 to index
        %swap3A_479 = arith.index_cast %scan3A_261 : i32 to index
        %swap3A_480 = arith.constant 208 : index
        %swap3A_481 = tpu.vector_load %arg6[%swap3A_478, %swap3A_479, %swap3A_480] {strides = array<i32>} : memref<4x32x768xf32, #tpu.memory_space<vmem>>, vector<1x1x16xf32>,
        %swap3A_482 = vector.shape_cast %swap3A_481 : vector<1x1x16xf32> to vector<16xf32>
        %swap3A_483 = vector.shape_cast %mul3A_476 : vector<16xf32> to vector<1x1x16xf32>
        tpu.vector_store %arg6[%swap3A_478, %swap3A_479, %swap3A_480], %swap3A_483 {strides = array<i32>} : memref<4x32x768xf32, #tpu.memory_space<vmem>>, vector<1x1x16xf32>,
        %get3A_484 = arith.constant 1 : i32
        %get3A_485 = arith.index_cast %get3A_484 : i32 to index
        %get3A_486 = arith.index_cast %scan3A_261 : i32 to index
        %get3A_487 = arith.constant 224 : index
        %get3A_488 = tpu.vector_load %arg6[%get3A_485, %get3A_486, %get3A_487] {strides = array<i32>} : memref<4x32x768xf32, #tpu.memory_space<vmem>>, vector<1x1x16xf32>,
        %get3A_489 = vector.shape_cast %get3A_488 : vector<1x1x16xf32> to vector<16xf32>
        %mul3A_490 = arith.constant 27.7128124 : f32
        %mul3A_491 = vector.broadcast %mul3A_490 : f32 to vector<16xf32>
        %mul3A_492 = arith.mulf %get3A_489, %mul3A_491 : vector<16xf32>
        %swap3A_493 = arith.constant 1 : i32
        %swap3A_494 = arith.index_cast %swap3A_493 : i32 to index
        %swap3A_495 = arith.index_cast %scan3A_261 : i32 to index
        %swap3A_496 = arith.constant 224 : index
        %swap3A_497 = tpu.vector_load %arg6[%swap3A_494, %swap3A_495, %swap3A_496] {strides = array<i32>} : memref<4x32x768xf32, #tpu.memory_space<vmem>>, vector<1x1x16xf32>,
        %swap3A_498 = vector.shape_cast %swap3A_497 : vector<1x1x16xf32> to vector<16xf32>
        %swap3A_499 = vector.shape_cast %mul3A_492 : vector<16xf32> to vector<1x1x16xf32>
        tpu.vector_store %arg6[%swap3A_494, %swap3A_495, %swap3A_496], %swap3A_499 {strides = array<i32>} : memref<4x32x768xf32, #tpu.memory_space<vmem>>, vector<1x1x16xf32>,
        %get3A_500 = arith.constant 1 : i32
        %get3A_501 = arith.index_cast %get3A_500 : i32 to index
        %get3A_502 = arith.index_cast %scan3A_261 : i32 to index
        %get3A_503 = arith.constant 240 : index
        %get3A_504 = tpu.vector_load %arg6[%get3A_501, %get3A_502, %get3A_503] {strides = array<i32>} : memref<4x32x768xf32, #tpu.memory_space<vmem>>, vector<1x1x16xf32>,
        %get3A_505 = vector.shape_cast %get3A_504 : vector<1x1x16xf32> to vector<16xf32>
        %mul3A_506 = arith.constant 27.7128124 : f32
        %mul3A_507 = vector.broadcast %mul3A_506 : f32 to vector<16xf32>
        %mul3A_508 = arith.mulf %get3A_505, %mul3A_507 : vector<16xf32>
        %swap3A_509 = arith.constant 1 : i32
        %swap3A_510 = arith.index_cast %swap3A_509 : i32 to index
        %swap3A_511 = arith.index_cast %scan3A_261 : i32 to index
        %swap3A_512 = arith.constant 240 : index
        %swap3A_513 = tpu.vector_load %arg6[%swap3A_510, %swap3A_511, %swap3A_512] {strides = array<i32>} : memref<4x32x768xf32, #tpu.memory_space<vmem>>, vector<1x1x16xf32>,
        %swap3A_514 = vector.shape_cast %swap3A_513 : vector<1x1x16xf32> to vector<16xf32>
        %swap3A_515 = vector.shape_cast %mul3A_508 : vector<16xf32> to vector<1x1x16xf32>
        tpu.vector_store %arg6[%swap3A_510, %swap3A_511, %swap3A_512], %swap3A_515 {strides = array<i32>} : memref<4x32x768xf32, #tpu.memory_space<vmem>>, vector<1x1x16xf32>,
        %get3A_516 = arith.constant 1 : i32
        %get3A_517 = arith.index_cast %get3A_516 : i32 to index
        %get3A_518 = arith.index_cast %scan3A_261 : i32 to index
        %get3A_519 = arith.constant 256 : index
        %get3A_520 = tpu.vector_load %arg6[%get3A_517, %get3A_518, %get3A_519] {strides = array<i32>} : memref<4x32x768xf32, #tpu.memory_space<vmem>>, vector<1x1x16xf32>,
        %get3A_521 = vector.shape_cast %get3A_520 : vector<1x1x16xf32> to vector<16xf32>
        %mul3A_522 = arith.constant 27.7128124 : f32
        %mul3A_523 = vector.broadcast %mul3A_522 : f32 to vector<16xf32>
        %mul3A_524 = arith.mulf %get3A_521, %mul3A_523 : vector<16xf32>
        %swap3A_525 = arith.constant 1 : i32
        %swap3A_526 = arith.index_cast %swap3A_525 : i32 to index
        %swap3A_527 = arith.index_cast %scan3A_261 : i32 to index
        %swap3A_528 = arith.constant 256 : index
        %swap3A_529 = tpu.vector_load %arg6[%swap3A_526, %swap3A_527, %swap3A_528] {strides = array<i32>} : memref<4x32x768xf32, #tpu.memory_space<vmem>>, vector<1x1x16xf32>,
        %swap3A_530 = vector.shape_cast %swap3A_529 : vector<1x1x16xf32> to vector<16xf32>
        %swap3A_531 = vector.shape_cast %mul3A_524 : vector<16xf32> to vector<1x1x16xf32>
        tpu.vector_store %arg6[%swap3A_526, %swap3A_527, %swap3A_528], %swap3A_531 {strides = array<i32>} : memref<4x32x768xf32, #tpu.memory_space<vmem>>, vector<1x1x16xf32>,
        %get3A_532 = arith.constant 1 : i32
        %get3A_533 = arith.index_cast %get3A_532 : i32 to index
        %get3A_534 = arith.index_cast %scan3A_261 : i32 to index
        %get3A_535 = arith.constant 272 : index
        %get3A_536 = tpu.vector_load %arg6[%get3A_533, %get3A_534, %get3A_535] {strides = array<i32>} : memref<4x32x768xf32, #tpu.memory_space<vmem>>, vector<1x1x16xf32>,
        %get3A_537 = vector.shape_cast %get3A_536 : vector<1x1x16xf32> to vector<16xf32>
        %mul3A_538 = arith.constant 27.7128124 : f32
        %mul3A_539 = vector.broadcast %mul3A_538 : f32 to vector<16xf32>
        %mul3A_540 = arith.mulf %get3A_537, %mul3A_539 : vector<16xf32>
        %swap3A_541 = arith.constant 1 : i32
        %swap3A_542 = arith.index_cast %swap3A_541 : i32 to index
        %swap3A_543 = arith.index_cast %scan3A_261 : i32 to index
        %swap3A_544 = arith.constant 272 : index
        %swap3A_545 = tpu.vector_load %arg6[%swap3A_542, %swap3A_543, %swap3A_544] {strides = array<i32>} : memref<4x32x768xf32, #tpu.memory_space<vmem>>, vector<1x1x16xf32>,
        %swap3A_546 = vector.shape_cast %swap3A_545 : vector<1x1x16xf32> to vector<16xf32>
        %swap3A_547 = vector.shape_cast %mul3A_540 : vector<16xf32> to vector<1x1x16xf32>
        tpu.vector_store %arg6[%swap3A_542, %swap3A_543, %swap3A_544], %swap3A_547 {strides = array<i32>} : memref<4x32x768xf32, #tpu.memory_space<vmem>>, vector<1x1x16xf32>,
        %get3A_548 = arith.constant 1 : i32
        %get3A_549 = arith.index_cast %get3A_548 : i32 to index
        %get3A_550 = arith.index_cast %scan3A_261 : i32 to index
        %get3A_551 = arith.constant 288 : index
        %get3A_552 = tpu.vector_load %arg6[%get3A_549, %get3A_550, %get3A_551] {strides = array<i32>} : memref<4x32x768xf32, #tpu.memory_space<vmem>>, vector<1x1x16xf32>,
        %get3A_553 = vector.shape_cast %get3A_552 : vector<1x1x16xf32> to vector<16xf32>
        %mul3A_554 = arith.constant 27.7128124 : f32
        %mul3A_555 = vector.broadcast %mul3A_554 : f32 to vector<16xf32>
        %mul3A_556 = arith.mulf %get3A_553, %mul3A_555 : vector<16xf32>
        %swap3A_557 = arith.constant 1 : i32
        %swap3A_558 = arith.index_cast %swap3A_557 : i32 to index
        %swap3A_559 = arith.index_cast %scan3A_261 : i32 to index
        %swap3A_560 = arith.constant 288 : index
        %swap3A_561 = tpu.vector_load %arg6[%swap3A_558, %swap3A_559, %swap3A_560] {strides = array<i32>} : memref<4x32x768xf32, #tpu.memory_space<vmem>>, vector<1x1x16xf32>,
        %swap3A_562 = vector.shape_cast %swap3A_561 : vector<1x1x16xf32> to vector<16xf32>
        %swap3A_563 = vector.shape_cast %mul3A_556 : vector<16xf32> to vector<1x1x16xf32>
        tpu.vector_store %arg6[%swap3A_558, %swap3A_559, %swap3A_560], %swap3A_563 {strides = array<i32>} : memref<4x32x768xf32, #tpu.memory_space<vmem>>, vector<1x1x16xf32>,
        %get3A_564 = arith.constant 1 : i32
        %get3A_565 = arith.index_cast %get3A_564 : i32 to index
        %get3A_566 = arith.index_cast %scan3A_261 : i32 to index
        %get3A_567 = arith.constant 304 : index
        %get3A_568 = tpu.vector_load %arg6[%get3A_565, %get3A_566, %get3A_567] {strides = array<i32>} : memref<4x32x768xf32, #tpu.memory_space<vmem>>, vector<1x1x16xf32>,
        %get3A_569 = vector.shape_cast %get3A_568 : vector<1x1x16xf32> to vector<16xf32>
        %mul3A_570 = arith.constant 27.7128124 : f32
        %mul3A_571 = vector.broadcast %mul3A_570 : f32 to vector<16xf32>
        %mul3A_572 = arith.mulf %get3A_569, %mul3A_571 : vector<16xf32>
        %swap3A_573 = arith.constant 1 : i32
        %swap3A_574 = arith.index_cast %swap3A_573 : i32 to index
        %swap3A_575 = arith.index_cast %scan3A_261 : i32 to index
        %swap3A_576 = arith.constant 304 : index
        %swap3A_577 = tpu.vector_load %arg6[%swap3A_574, %swap3A_575, %swap3A_576] {strides = array<i32>} : memref<4x32x768xf32, #tpu.memory_space<vmem>>, vector<1x1x16xf32>,
        %swap3A_578 = vector.shape_cast %swap3A_577 : vector<1x1x16xf32> to vector<16xf32>
        %swap3A_579 = vector.shape_cast %mul3A_572 : vector<16xf32> to vector<1x1x16xf32>
        tpu.vector_store %arg6[%swap3A_574, %swap3A_575, %swap3A_576], %swap3A_579 {strides = array<i32>} : memref<4x32x768xf32, #tpu.memory_space<vmem>>, vector<1x1x16xf32>,
        %get3A_580 = arith.constant 1 : i32
        %get3A_581 = arith.index_cast %get3A_580 : i32 to index
        %get3A_582 = arith.index_cast %scan3A_261 : i32 to index
        %get3A_583 = arith.constant 320 : index
        %get3A_584 = tpu.vector_load %arg6[%get3A_581, %get3A_582, %get3A_583] {strides = array<i32>} : memref<4x32x768xf32, #tpu.memory_space<vmem>>, vector<1x1x16xf32>,
        %get3A_585 = vector.shape_cast %get3A_584 : vector<1x1x16xf32> to vector<16xf32>
        %mul3A_586 = arith.constant 27.7128124 : f32
        %mul3A_587 = vector.broadcast %mul3A_586 : f32 to vector<16xf32>
        %mul3A_588 = arith.mulf %get3A_585, %mul3A_587 : vector<16xf32>
        %swap3A_589 = arith.constant 1 : i32
        %swap3A_590 = arith.index_cast %swap3A_589 : i32 to index
        %swap3A_591 = arith.index_cast %scan3A_261 : i32 to index
        %swap3A_592 = arith.constant 320 : index
        %swap3A_593 = tpu.vector_load %arg6[%swap3A_590, %swap3A_591, %swap3A_592] {strides = array<i32>} : memref<4x32x768xf32, #tpu.memory_space<vmem>>, vector<1x1x16xf32>,
        %swap3A_594 = vector.shape_cast %swap3A_593 : vector<1x1x16xf32> to vector<16xf32>
        %swap3A_595 = vector.shape_cast %mul3A_588 : vector<16xf32> to vector<1x1x16xf32>
        tpu.vector_store %arg6[%swap3A_590, %swap3A_591, %swap3A_592], %swap3A_595 {strides = array<i32>} : memref<4x32x768xf32, #tpu.memory_space<vmem>>, vector<1x1x16xf32>,
        %get3A_596 = arith.constant 1 : i32
        %get3A_597 = arith.index_cast %get3A_596 : i32 to index
        %get3A_598 = arith.index_cast %scan3A_261 : i32 to index
        %get3A_599 = arith.constant 336 : index
        %get3A_600 = tpu.vector_load %arg6[%get3A_597, %get3A_598, %get3A_599] {strides = array<i32>} : memref<4x32x768xf32, #tpu.memory_space<vmem>>, vector<1x1x16xf32>,
        %get3A_601 = vector.shape_cast %get3A_600 : vector<1x1x16xf32> to vector<16xf32>
        %mul3A_602 = arith.constant 27.7128124 : f32
        %mul3A_603 = vector.broadcast %mul3A_602 : f32 to vector<16xf32>
        %mul3A_604 = arith.mulf %get3A_601, %mul3A_603 : vector<16xf32>
        %swap3A_605 = arith.constant 1 : i32
        %swap3A_606 = arith.index_cast %swap3A_605 : i32 to index
        %swap3A_607 = arith.index_cast %scan3A_261 : i32 to index
        %swap3A_608 = arith.constant 336 : index
        %swap3A_609 = tpu.vector_load %arg6[%swap3A_606, %swap3A_607, %swap3A_608] {strides = array<i32>} : memref<4x32x768xf32, #tpu.memory_space<vmem>>, vector<1x1x16xf32>,
        %swap3A_610 = vector.shape_cast %swap3A_609 : vector<1x1x16xf32> to vector<16xf32>
        %swap3A_611 = vector.shape_cast %mul3A_604 : vector<16xf32> to vector<1x1x16xf32>
        tpu.vector_store %arg6[%swap3A_606, %swap3A_607, %swap3A_608], %swap3A_611 {strides = array<i32>} : memref<4x32x768xf32, #tpu.memory_space<vmem>>, vector<1x1x16xf32>,
        %get3A_612 = arith.constant 1 : i32
        %get3A_613 = arith.index_cast %get3A_612 : i32 to index
        %get3A_614 = arith.index_cast %scan3A_261 : i32 to index
        %get3A_615 = arith.constant 352 : index
        %get3A_616 = tpu.vector_load %arg6[%get3A_613, %get3A_614, %get3A_615] {strides = array<i32>} : memref<4x32x768xf32, #tpu.memory_space<vmem>>, vector<1x1x16xf32>,
        %get3A_617 = vector.shape_cast %get3A_616 : vector<1x1x16xf32> to vector<16xf32>
        %mul3A_618 = arith.constant 27.7128124 : f32
        %mul3A_619 = vector.broadcast %mul3A_618 : f32 to vector<16xf32>
        %mul3A_620 = arith.mulf %get3A_617, %mul3A_619 : vector<16xf32>
        %swap3A_621 = arith.constant 1 : i32
        %swap3A_622 = arith.index_cast %swap3A_621 : i32 to index
        %swap3A_623 = arith.index_cast %scan3A_261 : i32 to index
        %swap3A_624 = arith.constant 352 : index
        %swap3A_625 = tpu.vector_load %arg6[%swap3A_622, %swap3A_623, %swap3A_624] {strides = array<i32>} : memref<4x32x768xf32, #tpu.memory_space<vmem>>, vector<1x1x16xf32>,
        %swap3A_626 = vector.shape_cast %swap3A_625 : vector<1x1x16xf32> to vector<16xf32>
        %swap3A_627 = vector.shape_cast %mul3A_620 : vector<16xf32> to vector<1x1x16xf32>
        tpu.vector_store %arg6[%swap3A_622, %swap3A_623, %swap3A_624], %swap3A_627 {strides = array<i32>} : memref<4x32x768xf32, #tpu.memory_space<vmem>>, vector<1x1x16xf32>,
        %get3A_628 = arith.constant 1 : i32
        %get3A_629 = arith.index_cast %get3A_628 : i32 to index
        %get3A_630 = arith.index_cast %scan3A_261 : i32 to index
        %get3A_631 = arith.constant 368 : index
        %get3A_632 = tpu.vector_load %arg6[%get3A_629, %get3A_630, %get3A_631] {strides = array<i32>} : memref<4x32x768xf32, #tpu.memory_space<vmem>>, vector<1x1x16xf32>,
        %get3A_633 = vector.shape_cast %get3A_632 : vector<1x1x16xf32> to vector<16xf32>
        %mul3A_634 = arith.constant 27.7128124 : f32
        %mul3A_635 = vector.broadcast %mul3A_634 : f32 to vector<16xf32>
        %mul3A_636 = arith.mulf %get3A_633, %mul3A_635 : vector<16xf32>
        %swap3A_637 = arith.constant 1 : i32
        %swap3A_638 = arith.index_cast %swap3A_637 : i32 to index
        %swap3A_639 = arith.index_cast %scan3A_261 : i32 to index
        %swap3A_640 = arith.constant 368 : index
        %swap3A_641 = tpu.vector_load %arg6[%swap3A_638, %swap3A_639, %swap3A_640] {strides = array<i32>} : memref<4x32x768xf32, #tpu.memory_space<vmem>>, vector<1x1x16xf32>,
        %swap3A_642 = vector.shape_cast %swap3A_641 : vector<1x1x16xf32> to vector<16xf32>
        %swap3A_643 = vector.shape_cast %mul3A_636 : vector<16xf32> to vector<1x1x16xf32>
        tpu.vector_store %arg6[%swap3A_638, %swap3A_639, %swap3A_640], %swap3A_643 {strides = array<i32>} : memref<4x32x768xf32, #tpu.memory_space<vmem>>, vector<1x1x16xf32>,
        %get3A_644 = arith.constant 1 : i32
        %get3A_645 = arith.index_cast %get3A_644 : i32 to index
        %get3A_646 = arith.index_cast %scan3A_261 : i32 to index
        %get3A_647 = arith.constant 384 : index
        %get3A_648 = tpu.vector_load %arg6[%get3A_645, %get3A_646, %get3A_647] {strides = array<i32>} : memref<4x32x768xf32, #tpu.memory_space<vmem>>, vector<1x1x16xf32>,
        %get3A_649 = vector.shape_cast %get3A_648 : vector<1x1x16xf32> to vector<16xf32>
        %mul3A_650 = arith.constant 27.7128124 : f32
        %mul3A_651 = vector.broadcast %mul3A_650 : f32 to vector<16xf32>
        %mul3A_652 = arith.mulf %get3A_649, %mul3A_651 : vector<16xf32>
        %swap3A_653 = arith.constant 1 : i32
        %swap3A_654 = arith.index_cast %swap3A_653 : i32 to index
        %swap3A_655 = arith.index_cast %scan3A_261 : i32 to index
        %swap3A_656 = arith.constant 384 : index
        %swap3A_657 = tpu.vector_load %arg6[%swap3A_654, %swap3A_655, %swap3A_656] {strides = array<i32>} : memref<4x32x768xf32, #tpu.memory_space<vmem>>, vector<1x1x16xf32>,
        %swap3A_658 = vector.shape_cast %swap3A_657 : vector<1x1x16xf32> to vector<16xf32>
        %swap3A_659 = vector.shape_cast %mul3A_652 : vector<16xf32> to vector<1x1x16xf32>
        tpu.vector_store %arg6[%swap3A_654, %swap3A_655, %swap3A_656], %swap3A_659 {strides = array<i32>} : memref<4x32x768xf32, #tpu.memory_space<vmem>>, vector<1x1x16xf32>,
        %get3A_660 = arith.constant 1 : i32
        %get3A_661 = arith.index_cast %get3A_660 : i32 to index
        %get3A_662 = arith.index_cast %scan3A_261 : i32 to index
        %get3A_663 = arith.constant 400 : index
        %get3A_664 = tpu.vector_load %arg6[%get3A_661, %get3A_662, %get3A_663] {strides = array<i32>} : memref<4x32x768xf32, #tpu.memory_space<vmem>>, vector<1x1x16xf32>,
        %get3A_665 = vector.shape_cast %get3A_664 : vector<1x1x16xf32> to vector<16xf32>
        %mul3A_666 = arith.constant 27.7128124 : f32
        %mul3A_667 = vector.broadcast %mul3A_666 : f32 to vector<16xf32>
        %mul3A_668 = arith.mulf %get3A_665, %mul3A_667 : vector<16xf32>
        %swap3A_669 = arith.constant 1 : i32
        %swap3A_670 = arith.index_cast %swap3A_669 : i32 to index
        %swap3A_671 = arith.index_cast %scan3A_261 : i32 to index
        %swap3A_672 = arith.constant 400 : index
        %swap3A_673 = tpu.vector_load %arg6[%swap3A_670, %swap3A_671, %swap3A_672] {strides = array<i32>} : memref<4x32x768xf32, #tpu.memory_space<vmem>>, vector<1x1x16xf32>,
        %swap3A_674 = vector.shape_cast %swap3A_673 : vector<1x1x16xf32> to vector<16xf32>
        %swap3A_675 = vector.shape_cast %mul3A_668 : vector<16xf32> to vector<1x1x16xf32>
        tpu.vector_store %arg6[%swap3A_670, %swap3A_671, %swap3A_672], %swap3A_675 {strides = array<i32>} : memref<4x32x768xf32, #tpu.memory_space<vmem>>, vector<1x1x16xf32>,
        %get3A_676 = arith.constant 1 : i32
        %get3A_677 = arith.index_cast %get3A_676 : i32 to index
        %get3A_678 = arith.index_cast %scan3A_261 : i32 to index
        %get3A_679 = arith.constant 416 : index
        %get3A_680 = tpu.vector_load %arg6[%get3A_677, %get3A_678, %get3A_679] {strides = array<i32>} : memref<4x32x768xf32, #tpu.memory_space<vmem>>, vector<1x1x16xf32>,
        %get3A_681 = vector.shape_cast %get3A_680 : vector<1x1x16xf32> to vector<16xf32>
        %mul3A_682 = arith.constant 27.7128124 : f32
        %mul3A_683 = vector.broadcast %mul3A_682 : f32 to vector<16xf32>
        %mul3A_684 = arith.mulf %get3A_681, %mul3A_683 : vector<16xf32>
        %swap3A_685 = arith.constant 1 : i32
        %swap3A_686 = arith.index_cast %swap3A_685 : i32 to index
        %swap3A_687 = arith.index_cast %scan3A_261 : i32 to index
        %swap3A_688 = arith.constant 416 : index
        %swap3A_689 = tpu.vector_load %arg6[%swap3A_686, %swap3A_687, %swap3A_688] {strides = array<i32>} : memref<4x32x768xf32, #tpu.memory_space<vmem>>, vector<1x1x16xf32>,
        %swap3A_690 = vector.shape_cast %swap3A_689 : vector<1x1x16xf32> to vector<16xf32>
        %swap3A_691 = vector.shape_cast %mul3A_684 : vector<16xf32> to vector<1x1x16xf32>
        tpu.vector_store %arg6[%swap3A_686, %swap3A_687, %swap3A_688], %swap3A_691 {strides = array<i32>} : memref<4x32x768xf32, #tpu.memory_space<vmem>>, vector<1x1x16xf32>,
        %get3A_692 = arith.constant 1 : i32
        %get3A_693 = arith.index_cast %get3A_692 : i32 to index
        %get3A_694 = arith.index_cast %scan3A_261 : i32 to index
        %get3A_695 = arith.constant 432 : index
        %get3A_696 = tpu.vector_load %arg6[%get3A_693, %get3A_694, %get3A_695] {strides = array<i32>} : memref<4x32x768xf32, #tpu.memory_space<vmem>>, vector<1x1x16xf32>,
        %get3A_697 = vector.shape_cast %get3A_696 : vector<1x1x16xf32> to vector<16xf32>
        %mul3A_698 = arith.constant 27.7128124 : f32
        %mul3A_699 = vector.broadcast %mul3A_698 : f32 to vector<16xf32>
        %mul3A_700 = arith.mulf %get3A_697, %mul3A_699 : vector<16xf32>
        %swap3A_701 = arith.constant 1 : i32
        %swap3A_702 = arith.index_cast %swap3A_701 : i32 to index
        %swap3A_703 = arith.index_cast %scan3A_261 : i32 to index
        %swap3A_704 = arith.constant 432 : index
        %swap3A_705 = tpu.vector_load %arg6[%swap3A_702, %swap3A_703, %swap3A_704] {strides = array<i32>} : memref<4x32x768xf32, #tpu.memory_space<vmem>>, vector<1x1x16xf32>,
        %swap3A_706 = vector.shape_cast %swap3A_705 : vector<1x1x16xf32> to vector<16xf32>
        %swap3A_707 = vector.shape_cast %mul3A_700 : vector<16xf32> to vector<1x1x16xf32>
        tpu.vector_store %arg6[%swap3A_702, %swap3A_703, %swap3A_704], %swap3A_707 {strides = array<i32>} : memref<4x32x768xf32, #tpu.memory_space<vmem>>, vector<1x1x16xf32>,
        %get3A_708 = arith.constant 1 : i32
        %get3A_709 = arith.index_cast %get3A_708 : i32 to index
        %get3A_710 = arith.index_cast %scan3A_261 : i32 to index
        %get3A_711 = arith.constant 448 : index
        %get3A_712 = tpu.vector_load %arg6[%get3A_709, %get3A_710, %get3A_711] {strides = array<i32>} : memref<4x32x768xf32, #tpu.memory_space<vmem>>, vector<1x1x16xf32>,
        %get3A_713 = vector.shape_cast %get3A_712 : vector<1x1x16xf32> to vector<16xf32>
        %mul3A_714 = arith.constant 27.7128124 : f32
        %mul3A_715 = vector.broadcast %mul3A_714 : f32 to vector<16xf32>
        %mul3A_716 = arith.mulf %get3A_713, %mul3A_715 : vector<16xf32>
        %swap3A_717 = arith.constant 1 : i32
        %swap3A_718 = arith.index_cast %swap3A_717 : i32 to index
        %swap3A_719 = arith.index_cast %scan3A_261 : i32 to index
        %swap3A_720 = arith.constant 448 : index
        %swap3A_721 = tpu.vector_load %arg6[%swap3A_718, %swap3A_719, %swap3A_720] {strides = array<i32>} : memref<4x32x768xf32, #tpu.memory_space<vmem>>, vector<1x1x16xf32>,
        %swap3A_722 = vector.shape_cast %swap3A_721 : vector<1x1x16xf32> to vector<16xf32>
        %swap3A_723 = vector.shape_cast %mul3A_716 : vector<16xf32> to vector<1x1x16xf32>
        tpu.vector_store %arg6[%swap3A_718, %swap3A_719, %swap3A_720], %swap3A_723 {strides = array<i32>} : memref<4x32x768xf32, #tpu.memory_space<vmem>>, vector<1x1x16xf32>,
        %get3A_724 = arith.constant 1 : i32
        %get3A_725 = arith.index_cast %get3A_724 : i32 to index
        %get3A_726 = arith.index_cast %scan3A_261 : i32 to index
        %get3A_727 = arith.constant 464 : index
        %get3A_728 = tpu.vector_load %arg6[%get3A_725, %get3A_726, %get3A_727] {strides = array<i32>} : memref<4x32x768xf32, #tpu.memory_space<vmem>>, vector<1x1x16xf32>,
        %get3A_729 = vector.shape_cast %get3A_728 : vector<1x1x16xf32> to vector<16xf32>
        %mul3A_730 = arith.constant 27.7128124 : f32
        %mul3A_731 = vector.broadcast %mul3A_730 : f32 to vector<16xf32>
        %mul3A_732 = arith.mulf %get3A_729, %mul3A_731 : vector<16xf32>
        %swap3A_733 = arith.constant 1 : i32
        %swap3A_734 = arith.index_cast %swap3A_733 : i32 to index
        %swap3A_735 = arith.index_cast %scan3A_261 : i32 to index
        %swap3A_736 = arith.constant 464 : index
        %swap3A_737 = tpu.vector_load %arg6[%swap3A_734, %swap3A_735, %swap3A_736] {strides = array<i32>} : memref<4x32x768xf32, #tpu.memory_space<vmem>>, vector<1x1x16xf32>,
        %swap3A_738 = vector.shape_cast %swap3A_737 : vector<1x1x16xf32> to vector<16xf32>
        %swap3A_739 = vector.shape_cast %mul3A_732 : vector<16xf32> to vector<1x1x16xf32>
        tpu.vector_store %arg6[%swap3A_734, %swap3A_735, %swap3A_736], %swap3A_739 {strides = array<i32>} : memref<4x32x768xf32, #tpu.memory_space<vmem>>, vector<1x1x16xf32>,
        %get3A_740 = arith.constant 1 : i32
        %get3A_741 = arith.index_cast %get3A_740 : i32 to index
        %get3A_742 = arith.index_cast %scan3A_261 : i32 to index
        %get3A_743 = arith.constant 480 : index
        %get3A_744 = tpu.vector_load %arg6[%get3A_741, %get3A_742, %get3A_743] {strides = array<i32>} : memref<4x32x768xf32, #tpu.memory_space<vmem>>, vector<1x1x16xf32>,
        %get3A_745 = vector.shape_cast %get3A_744 : vector<1x1x16xf32> to vector<16xf32>
        %mul3A_746 = arith.constant 27.7128124 : f32
        %mul3A_747 = vector.broadcast %mul3A_746 : f32 to vector<16xf32>
        %mul3A_748 = arith.mulf %get3A_745, %mul3A_747 : vector<16xf32>
        %swap3A_749 = arith.constant 1 : i32
        %swap3A_750 = arith.index_cast %swap3A_749 : i32 to index
        %swap3A_751 = arith.index_cast %scan3A_261 : i32 to index
        %swap3A_752 = arith.constant 480 : index
        %swap3A_753 = tpu.vector_load %arg6[%swap3A_750, %swap3A_751, %swap3A_752] {strides = array<i32>} : memref<4x32x768xf32, #tpu.memory_space<vmem>>, vector<1x1x16xf32>,
        %swap3A_754 = vector.shape_cast %swap3A_753 : vector<1x1x16xf32> to vector<16xf32>
        %swap3A_755 = vector.shape_cast %mul3A_748 : vector<16xf32> to vector<1x1x16xf32>
        tpu.vector_store %arg6[%swap3A_750, %swap3A_751, %swap3A_752], %swap3A_755 {strides = array<i32>} : memref<4x32x768xf32, #tpu.memory_space<vmem>>, vector<1x1x16xf32>,
        %get3A_756 = arith.constant 1 : i32
        %get3A_757 = arith.index_cast %get3A_756 : i32 to index
        %get3A_758 = arith.index_cast %scan3A_261 : i32 to index
        %get3A_759 = arith.constant 496 : index
        %get3A_760 = tpu.vector_load %arg6[%get3A_757, %get3A_758, %get3A_759] {strides = array<i32>} : memref<4x32x768xf32, #tpu.memory_space<vmem>>, vector<1x1x16xf32>,
        %get3A_761 = vector.shape_cast %get3A_760 : vector<1x1x16xf32> to vector<16xf32>
        %mul3A_762 = arith.constant 27.7128124 : f32
        %mul3A_763 = vector.broadcast %mul3A_762 : f32 to vector<16xf32>
        %mul3A_764 = arith.mulf %get3A_761, %mul3A_763 : vector<16xf32>
        %swap3A_765 = arith.constant 1 : i32
        %swap3A_766 = arith.index_cast %swap3A_765 : i32 to index
        %swap3A_767 = arith.index_cast %scan3A_261 : i32 to index
        %swap3A_768 = arith.constant 496 : index
        %swap3A_769 = tpu.vector_load %arg6[%swap3A_766, %swap3A_767, %swap3A_768] {strides = array<i32>} : memref<4x32x768xf32, #tpu.memory_space<vmem>>, vector<1x1x16xf32>,
        %swap3A_770 = vector.shape_cast %swap3A_769 : vector<1x1x16xf32> to vector<16xf32>
        %swap3A_771 = vector.shape_cast %mul3A_764 : vector<16xf32> to vector<1x1x16xf32>
        tpu.vector_store %arg6[%swap3A_766, %swap3A_767, %swap3A_768], %swap3A_771 {strides = array<i32>} : memref<4x32x768xf32, #tpu.memory_space<vmem>>, vector<1x1x16xf32>,
        %get3A_772 = arith.constant 1 : i32
        %get3A_773 = arith.index_cast %get3A_772 : i32 to index
        %get3A_774 = arith.index_cast %scan3A_261 : i32 to index
        %get3A_775 = arith.constant 512 : index
        %get3A_776 = tpu.vector_load %arg6[%get3A_773, %get3A_774, %get3A_775] {strides = array<i32>} : memref<4x32x768xf32, #tpu.memory_space<vmem>>, vector<1x1x16xf32>,
        %get3A_777 = vector.shape_cast %get3A_776 : vector<1x1x16xf32> to vector<16xf32>
        %mul3A_778 = arith.constant 27.7128124 : f32
        %mul3A_779 = vector.broadcast %mul3A_778 : f32 to vector<16xf32>
        %mul3A_780 = arith.mulf %get3A_777, %mul3A_779 : vector<16xf32>
        %swap3A_781 = arith.constant 1 : i32
        %swap3A_782 = arith.index_cast %swap3A_781 : i32 to index
        %swap3A_783 = arith.index_cast %scan3A_261 : i32 to index
        %swap3A_784 = arith.constant 512 : index
        %swap3A_785 = tpu.vector_load %arg6[%swap3A_782, %swap3A_783, %swap3A_784] {strides = array<i32>} : memref<4x32x768xf32, #tpu.memory_space<vmem>>, vector<1x1x16xf32>,
        %swap3A_786 = vector.shape_cast %swap3A_785 : vector<1x1x16xf32> to vector<16xf32>
        %swap3A_787 = vector.shape_cast %mul3A_780 : vector<16xf32> to vector<1x1x16xf32>
        tpu.vector_store %arg6[%swap3A_782, %swap3A_783, %swap3A_784], %swap3A_787 {strides = array<i32>} : memref<4x32x768xf32, #tpu.memory_space<vmem>>, vector<1x1x16xf32>,
        %get3A_788 = arith.constant 1 : i32
        %get3A_789 = arith.index_cast %get3A_788 : i32 to index
        %get3A_790 = arith.index_cast %scan3A_261 : i32 to index
        %get3A_791 = arith.constant 528 : index
        %get3A_792 = tpu.vector_load %arg6[%get3A_789, %get3A_790, %get3A_791] {strides = array<i32>} : memref<4x32x768xf32, #tpu.memory_space<vmem>>, vector<1x1x16xf32>,
        %get3A_793 = vector.shape_cast %get3A_792 : vector<1x1x16xf32> to vector<16xf32>
        %mul3A_794 = arith.constant 27.7128124 : f32
        %mul3A_795 = vector.broadcast %mul3A_794 : f32 to vector<16xf32>
        %mul3A_796 = arith.mulf %get3A_793, %mul3A_795 : vector<16xf32>
        %swap3A_797 = arith.constant 1 : i32
        %swap3A_798 = arith.index_cast %swap3A_797 : i32 to index
        %swap3A_799 = arith.index_cast %scan3A_261 : i32 to index
        %swap3A_800 = arith.constant 528 : index
        %swap3A_801 = tpu.vector_load %arg6[%swap3A_798, %swap3A_799, %swap3A_800] {strides = array<i32>} : memref<4x32x768xf32, #tpu.memory_space<vmem>>, vector<1x1x16xf32>,
        %swap3A_802 = vector.shape_cast %swap3A_801 : vector<1x1x16xf32> to vector<16xf32>
        %swap3A_803 = vector.shape_cast %mul3A_796 : vector<16xf32> to vector<1x1x16xf32>
        tpu.vector_store %arg6[%swap3A_798, %swap3A_799, %swap3A_800], %swap3A_803 {strides = array<i32>} : memref<4x32x768xf32, #tpu.memory_space<vmem>>, vector<1x1x16xf32>,
        %get3A_804 = arith.constant 1 : i32
        %get3A_805 = arith.index_cast %get3A_804 : i32 to index
        %get3A_806 = arith.index_cast %scan3A_261 : i32 to index
        %get3A_807 = arith.constant 544 : index
        %get3A_808 = tpu.vector_load %arg6[%get3A_805, %get3A_806, %get3A_807] {strides = array<i32>} : memref<4x32x768xf32, #tpu.memory_space<vmem>>, vector<1x1x16xf32>,
        %get3A_809 = vector.shape_cast %get3A_808 : vector<1x1x16xf32> to vector<16xf32>
        %mul3A_810 = arith.constant 27.7128124 : f32
        %mul3A_811 = vector.broadcast %mul3A_810 : f32 to vector<16xf32>
        %mul3A_812 = arith.mulf %get3A_809, %mul3A_811 : vector<16xf32>
        %swap3A_813 = arith.constant 1 : i32
        %swap3A_814 = arith.index_cast %swap3A_813 : i32 to index
        %swap3A_815 = arith.index_cast %scan3A_261 : i32 to index
        %swap3A_816 = arith.constant 544 : index
        %swap3A_817 = tpu.vector_load %arg6[%swap3A_814, %swap3A_815, %swap3A_816] {strides = array<i32>} : memref<4x32x768xf32, #tpu.memory_space<vmem>>, vector<1x1x16xf32>,
        %swap3A_818 = vector.shape_cast %swap3A_817 : vector<1x1x16xf32> to vector<16xf32>
        %swap3A_819 = vector.shape_cast %mul3A_812 : vector<16xf32> to vector<1x1x16xf32>
        tpu.vector_store %arg6[%swap3A_814, %swap3A_815, %swap3A_816], %swap3A_819 {strides = array<i32>} : memref<4x32x768xf32, #tpu.memory_space<vmem>>, vector<1x1x16xf32>,
        %get3A_820 = arith.constant 1 : i32
        %get3A_821 = arith.index_cast %get3A_820 : i32 to index
        %get3A_822 = arith.index_cast %scan3A_261 : i32 to index
        %get3A_823 = arith.constant 560 : index
        %get3A_824 = tpu.vector_load %arg6[%get3A_821, %get3A_822, %get3A_823] {strides = array<i32>} : memref<4x32x768xf32, #tpu.memory_space<vmem>>, vector<1x1x16xf32>,
        %get3A_825 = vector.shape_cast %get3A_824 : vector<1x1x16xf32> to vector<16xf32>
        %mul3A_826 = arith.constant 27.7128124 : f32
        %mul3A_827 = vector.broadcast %mul3A_826 : f32 to vector<16xf32>
        %mul3A_828 = arith.mulf %get3A_825, %mul3A_827 : vector<16xf32>
        %swap3A_829 = arith.constant 1 : i32
        %swap3A_830 = arith.index_cast %swap3A_829 : i32 to index
        %swap3A_831 = arith.index_cast %scan3A_261 : i32 to index
        %swap3A_832 = arith.constant 560 : index
        %swap3A_833 = tpu.vector_load %arg6[%swap3A_830, %swap3A_831, %swap3A_832] {strides = array<i32>} : memref<4x32x768xf32, #tpu.memory_space<vmem>>, vector<1x1x16xf32>,
        %swap3A_834 = vector.shape_cast %swap3A_833 : vector<1x1x16xf32> to vector<16xf32>
        %swap3A_835 = vector.shape_cast %mul3A_828 : vector<16xf32> to vector<1x1x16xf32>
        tpu.vector_store %arg6[%swap3A_830, %swap3A_831, %swap3A_832], %swap3A_835 {strides = array<i32>} : memref<4x32x768xf32, #tpu.memory_space<vmem>>, vector<1x1x16xf32>,
        %get3A_836 = arith.constant 1 : i32
        %get3A_837 = arith.index_cast %get3A_836 : i32 to index
        %get3A_838 = arith.index_cast %scan3A_261 : i32 to index
        %get3A_839 = arith.constant 576 : index
        %get3A_840 = tpu.vector_load %arg6[%get3A_837, %get3A_838, %get3A_839] {strides = array<i32>} : memref<4x32x768xf32, #tpu.memory_space<vmem>>, vector<1x1x16xf32>,
        %get3A_841 = vector.shape_cast %get3A_840 : vector<1x1x16xf32> to vector<16xf32>
        %mul3A_842 = arith.constant 27.7128124 : f32
        %mul3A_843 = vector.broadcast %mul3A_842 : f32 to vector<16xf32>
        %mul3A_844 = arith.mulf %get3A_841, %mul3A_843 : vector<16xf32>
        %swap3A_845 = arith.constant 1 : i32
        %swap3A_846 = arith.index_cast %swap3A_845 : i32 to index
        %swap3A_847 = arith.index_cast %scan3A_261 : i32 to index
        %swap3A_848 = arith.constant 576 : index
        %swap3A_849 = tpu.vector_load %arg6[%swap3A_846, %swap3A_847, %swap3A_848] {strides = array<i32>} : memref<4x32x768xf32, #tpu.memory_space<vmem>>, vector<1x1x16xf32>,
        %swap3A_850 = vector.shape_cast %swap3A_849 : vector<1x1x16xf32> to vector<16xf32>
        %swap3A_851 = vector.shape_cast %mul3A_844 : vector<16xf32> to vector<1x1x16xf32>
        tpu.vector_store %arg6[%swap3A_846, %swap3A_847, %swap3A_848], %swap3A_851 {strides = array<i32>} : memref<4x32x768xf32, #tpu.memory_space<vmem>>, vector<1x1x16xf32>,
        %get3A_852 = arith.constant 1 : i32
        %get3A_853 = arith.index_cast %get3A_852 : i32 to index
        %get3A_854 = arith.index_cast %scan3A_261 : i32 to index
        %get3A_855 = arith.constant 592 : index
        %get3A_856 = tpu.vector_load %arg6[%get3A_853, %get3A_854, %get3A_855] {strides = array<i32>} : memref<4x32x768xf32, #tpu.memory_space<vmem>>, vector<1x1x16xf32>,
        %get3A_857 = vector.shape_cast %get3A_856 : vector<1x1x16xf32> to vector<16xf32>
        %mul3A_858 = arith.constant 27.7128124 : f32
        %mul3A_859 = vector.broadcast %mul3A_858 : f32 to vector<16xf32>
        %mul3A_860 = arith.mulf %get3A_857, %mul3A_859 : vector<16xf32>
        %swap3A_861 = arith.constant 1 : i32
        %swap3A_862 = arith.index_cast %swap3A_861 : i32 to index
        %swap3A_863 = arith.index_cast %scan3A_261 : i32 to index
        %swap3A_864 = arith.constant 592 : index
        %swap3A_865 = tpu.vector_load %arg6[%swap3A_862, %swap3A_863, %swap3A_864] {strides = array<i32>} : memref<4x32x768xf32, #tpu.memory_space<vmem>>, vector<1x1x16xf32>,
        %swap3A_866 = vector.shape_cast %swap3A_865 : vector<1x1x16xf32> to vector<16xf32>
        %swap3A_867 = vector.shape_cast %mul3A_860 : vector<16xf32> to vector<1x1x16xf32>
        tpu.vector_store %arg6[%swap3A_862, %swap3A_863, %swap3A_864], %swap3A_867 {strides = array<i32>} : memref<4x32x768xf32, #tpu.memory_space<vmem>>, vector<1x1x16xf32>,
        %get3A_868 = arith.constant 1 : i32
        %get3A_869 = arith.index_cast %get3A_868 : i32 to index
        %get3A_870 = arith.index_cast %scan3A_261 : i32 to index
        %get3A_871 = arith.constant 608 : index
        %get3A_872 = tpu.vector_load %arg6[%get3A_869, %get3A_870, %get3A_871] {strides = array<i32>} : memref<4x32x768xf32, #tpu.memory_space<vmem>>, vector<1x1x16xf32>,
        %get3A_873 = vector.shape_cast %get3A_872 : vector<1x1x16xf32> to vector<16xf32>
        %mul3A_874 = arith.constant 27.7128124 : f32
        %mul3A_875 = vector.broadcast %mul3A_874 : f32 to vector<16xf32>
        %mul3A_876 = arith.mulf %get3A_873, %mul3A_875 : vector<16xf32>
        %swap3A_877 = arith.constant 1 : i32
        %swap3A_878 = arith.index_cast %swap3A_877 : i32 to index
        %swap3A_879 = arith.index_cast %scan3A_261 : i32 to index
        %swap3A_880 = arith.constant 608 : index
        %swap3A_881 = tpu.vector_load %arg6[%swap3A_878, %swap3A_879, %swap3A_880] {strides = array<i32>} : memref<4x32x768xf32, #tpu.memory_space<vmem>>, vector<1x1x16xf32>,
        %swap3A_882 = vector.shape_cast %swap3A_881 : vector<1x1x16xf32> to vector<16xf32>
        %swap3A_883 = vector.shape_cast %mul3A_876 : vector<16xf32> to vector<1x1x16xf32>
        tpu.vector_store %arg6[%swap3A_878, %swap3A_879, %swap3A_880], %swap3A_883 {strides = array<i32>} : memref<4x32x768xf32, #tpu.memory_space<vmem>>, vector<1x1x16xf32>,
        %get3A_884 = arith.constant 1 : i32
        %get3A_885 = arith.index_cast %get3A_884 : i32 to index
        %get3A_886 = arith.index_cast %scan3A_261 : i32 to index
        %get3A_887 = arith.constant 624 : index
        %get3A_888 = tpu.vector_load %arg6[%get3A_885, %get3A_886, %get3A_887] {strides = array<i32>} : memref<4x32x768xf32, #tpu.memory_space<vmem>>, vector<1x1x16xf32>,
        %get3A_889 = vector.shape_cast %get3A_888 : vector<1x1x16xf32> to vector<16xf32>
        %mul3A_890 = arith.constant 27.7128124 : f32
        %mul3A_891 = vector.broadcast %mul3A_890 : f32 to vector<16xf32>
        %mul3A_892 = arith.mulf %get3A_889, %mul3A_891 : vector<16xf32>
        %swap3A_893 = arith.constant 1 : i32
        %swap3A_894 = arith.index_cast %swap3A_893 : i32 to index
        %swap3A_895 = arith.index_cast %scan3A_261 : i32 to index
        %swap3A_896 = arith.constant 624 : index
        %swap3A_897 = tpu.vector_load %arg6[%swap3A_894, %swap3A_895, %swap3A_896] {strides = array<i32>} : memref<4x32x768xf32, #tpu.memory_space<vmem>>, vector<1x1x16xf32>,
        %swap3A_898 = vector.shape_cast %swap3A_897 : vector<1x1x16xf32> to vector<16xf32>
        %swap3A_899 = vector.shape_cast %mul3A_892 : vector<16xf32> to vector<1x1x16xf32>
        tpu.vector_store %arg6[%swap3A_894, %swap3A_895, %swap3A_896], %swap3A_899 {strides = array<i32>} : memref<4x32x768xf32, #tpu.memory_space<vmem>>, vector<1x1x16xf32>,
        %get3A_900 = arith.constant 1 : i32
        %get3A_901 = arith.index_cast %get3A_900 : i32 to index
        %get3A_902 = arith.index_cast %scan3A_261 : i32 to index
        %get3A_903 = arith.constant 640 : index
        %get3A_904 = tpu.vector_load %arg6[%get3A_901, %get3A_902, %get3A_903] {strides = array<i32>} : memref<4x32x768xf32, #tpu.memory_space<vmem>>, vector<1x1x16xf32>,
        %get3A_905 = vector.shape_cast %get3A_904 : vector<1x1x16xf32> to vector<16xf32>
        %mul3A_906 = arith.constant 27.7128124 : f32
        %mul3A_907 = vector.broadcast %mul3A_906 : f32 to vector<16xf32>
        %mul3A_908 = arith.mulf %get3A_905, %mul3A_907 : vector<16xf32>
        %swap3A_909 = arith.constant 1 : i32
        %swap3A_910 = arith.index_cast %swap3A_909 : i32 to index
        %swap3A_911 = arith.index_cast %scan3A_261 : i32 to index
        %swap3A_912 = arith.constant 640 : index
        %swap3A_913 = tpu.vector_load %arg6[%swap3A_910, %swap3A_911, %swap3A_912] {strides = array<i32>} : memref<4x32x768xf32, #tpu.memory_space<vmem>>, vector<1x1x16xf32>,
        %swap3A_914 = vector.shape_cast %swap3A_913 : vector<1x1x16xf32> to vector<16xf32>
        %swap3A_915 = vector.shape_cast %mul3A_908 : vector<16xf32> to vector<1x1x16xf32>
        tpu.vector_store %arg6[%swap3A_910, %swap3A_911, %swap3A_912], %swap3A_915 {strides = array<i32>} : memref<4x32x768xf32, #tpu.memory_space<vmem>>, vector<1x1x16xf32>,
        %get3A_916 = arith.constant 1 : i32
        %get3A_917 = arith.index_cast %get3A_916 : i32 to index
        %get3A_918 = arith.index_cast %scan3A_261 : i32 to index
        %get3A_919 = arith.constant 656 : index
        %get3A_920 = tpu.vector_load %arg6[%get3A_917, %get3A_918, %get3A_919] {strides = array<i32>} : memref<4x32x768xf32, #tpu.memory_space<vmem>>, vector<1x1x16xf32>,
        %get3A_921 = vector.shape_cast %get3A_920 : vector<1x1x16xf32> to vector<16xf32>
        %mul3A_922 = arith.constant 27.7128124 : f32
        %mul3A_923 = vector.broadcast %mul3A_922 : f32 to vector<16xf32>
        %mul3A_924 = arith.mulf %get3A_921, %mul3A_923 : vector<16xf32>
        %swap3A_925 = arith.constant 1 : i32
        %swap3A_926 = arith.index_cast %swap3A_925 : i32 to index
        %swap3A_927 = arith.index_cast %scan3A_261 : i32 to index
        %swap3A_928 = arith.constant 656 : index
        %swap3A_929 = tpu.vector_load %arg6[%swap3A_926, %swap3A_927, %swap3A_928] {strides = array<i32>} : memref<4x32x768xf32, #tpu.memory_space<vmem>>, vector<1x1x16xf32>,
        %swap3A_930 = vector.shape_cast %swap3A_929 : vector<1x1x16xf32> to vector<16xf32>
        %swap3A_931 = vector.shape_cast %mul3A_924 : vector<16xf32> to vector<1x1x16xf32>
        tpu.vector_store %arg6[%swap3A_926, %swap3A_927, %swap3A_928], %swap3A_931 {strides = array<i32>} : memref<4x32x768xf32, #tpu.memory_space<vmem>>, vector<1x1x16xf32>,
        %get3A_932 = arith.constant 1 : i32
        %get3A_933 = arith.index_cast %get3A_932 : i32 to index
        %get3A_934 = arith.index_cast %scan3A_261 : i32 to index
        %get3A_935 = arith.constant 672 : index
        %get3A_936 = tpu.vector_load %arg6[%get3A_933, %get3A_934, %get3A_935] {strides = array<i32>} : memref<4x32x768xf32, #tpu.memory_space<vmem>>, vector<1x1x16xf32>,
        %get3A_937 = vector.shape_cast %get3A_936 : vector<1x1x16xf32> to vector<16xf32>
        %mul3A_938 = arith.constant 27.7128124 : f32
        %mul3A_939 = vector.broadcast %mul3A_938 : f32 to vector<16xf32>
        %mul3A_940 = arith.mulf %get3A_937, %mul3A_939 : vector<16xf32>
        %swap3A_941 = arith.constant 1 : i32
        %swap3A_942 = arith.index_cast %swap3A_941 : i32 to index
        %swap3A_943 = arith.index_cast %scan3A_261 : i32 to index
        %swap3A_944 = arith.constant 672 : index
        %swap3A_945 = tpu.vector_load %arg6[%swap3A_942, %swap3A_943, %swap3A_944] {strides = array<i32>} : memref<4x32x768xf32, #tpu.memory_space<vmem>>, vector<1x1x16xf32>,
        %swap3A_946 = vector.shape_cast %swap3A_945 : vector<1x1x16xf32> to vector<16xf32>
        %swap3A_947 = vector.shape_cast %mul3A_940 : vector<16xf32> to vector<1x1x16xf32>
        tpu.vector_store %arg6[%swap3A_942, %swap3A_943, %swap3A_944], %swap3A_947 {strides = array<i32>} : memref<4x32x768xf32, #tpu.memory_space<vmem>>, vector<1x1x16xf32>,
        %get3A_948 = arith.constant 1 : i32
        %get3A_949 = arith.index_cast %get3A_948 : i32 to index
        %get3A_950 = arith.index_cast %scan3A_261 : i32 to index
        %get3A_951 = arith.constant 688 : index
        %get3A_952 = tpu.vector_load %arg6[%get3A_949, %get3A_950, %get3A_951] {strides = array<i32>} : memref<4x32x768xf32, #tpu.memory_space<vmem>>, vector<1x1x16xf32>,
        %get3A_953 = vector.shape_cast %get3A_952 : vector<1x1x16xf32> to vector<16xf32>
        %mul3A_954 = arith.constant 27.7128124 : f32
        %mul3A_955 = vector.broadcast %mul3A_954 : f32 to vector<16xf32>
        %mul3A_956 = arith.mulf %get3A_953, %mul3A_955 : vector<16xf32>
        %swap3A_957 = arith.constant 1 : i32
        %swap3A_958 = arith.index_cast %swap3A_957 : i32 to index
        %swap3A_959 = arith.index_cast %scan3A_261 : i32 to index
        %swap3A_960 = arith.constant 688 : index
        %swap3A_961 = tpu.vector_load %arg6[%swap3A_958, %swap3A_959, %swap3A_960] {strides = array<i32>} : memref<4x32x768xf32, #tpu.memory_space<vmem>>, vector<1x1x16xf32>,
        %swap3A_962 = vector.shape_cast %swap3A_961 : vector<1x1x16xf32> to vector<16xf32>
        %swap3A_963 = vector.shape_cast %mul3A_956 : vector<16xf32> to vector<1x1x16xf32>
        tpu.vector_store %arg6[%swap3A_958, %swap3A_959, %swap3A_960], %swap3A_963 {strides = array<i32>} : memref<4x32x768xf32, #tpu.memory_space<vmem>>, vector<1x1x16xf32>,
        %get3A_964 = arith.constant 1 : i32
        %get3A_965 = arith.index_cast %get3A_964 : i32 to index
        %get3A_966 = arith.index_cast %scan3A_261 : i32 to index
        %get3A_967 = arith.constant 704 : index
        %get3A_968 = tpu.vector_load %arg6[%get3A_965, %get3A_966, %get3A_967] {strides = array<i32>} : memref<4x32x768xf32, #tpu.memory_space<vmem>>, vector<1x1x16xf32>,
        %get3A_969 = vector.shape_cast %get3A_968 : vector<1x1x16xf32> to vector<16xf32>
        %mul3A_970 = arith.constant 27.7128124 : f32
        %mul3A_971 = vector.broadcast %mul3A_970 : f32 to vector<16xf32>
        %mul3A_972 = arith.mulf %get3A_969, %mul3A_971 : vector<16xf32>
        %swap3A_973 = arith.constant 1 : i32
        %swap3A_974 = arith.index_cast %swap3A_973 : i32 to index
        %swap3A_975 = arith.index_cast %scan3A_261 : i32 to index
        %swap3A_976 = arith.constant 704 : index
        %swap3A_977 = tpu.vector_load %arg6[%swap3A_974, %swap3A_975, %swap3A_976] {strides = array<i32>} : memref<4x32x768xf32, #tpu.memory_space<vmem>>, vector<1x1x16xf32>,
        %swap3A_978 = vector.shape_cast %swap3A_977 : vector<1x1x16xf32> to vector<16xf32>
        %swap3A_979 = vector.shape_cast %mul3A_972 : vector<16xf32> to vector<1x1x16xf32>
        tpu.vector_store %arg6[%swap3A_974, %swap3A_975, %swap3A_976], %swap3A_979 {strides = array<i32>} : memref<4x32x768xf32, #tpu.memory_space<vmem>>, vector<1x1x16xf32>,
        %get3A_980 = arith.constant 1 : i32
        %get3A_981 = arith.index_cast %get3A_980 : i32 to index
        %get3A_982 = arith.index_cast %scan3A_261 : i32 to index
        %get3A_983 = arith.constant 720 : index
        %get3A_984 = tpu.vector_load %arg6[%get3A_981, %get3A_982, %get3A_983] {strides = array<i32>} : memref<4x32x768xf32, #tpu.memory_space<vmem>>, vector<1x1x16xf32>,
        %get3A_985 = vector.shape_cast %get3A_984 : vector<1x1x16xf32> to vector<16xf32>
        %mul3A_986 = arith.constant 27.7128124 : f32
        %mul3A_987 = vector.broadcast %mul3A_986 : f32 to vector<16xf32>
        %mul3A_988 = arith.mulf %get3A_985, %mul3A_987 : vector<16xf32>
        %swap3A_989 = arith.constant 1 : i32
        %swap3A_990 = arith.index_cast %swap3A_989 : i32 to index
        %swap3A_991 = arith.index_cast %scan3A_261 : i32 to index
        %swap3A_992 = arith.constant 720 : index
        %swap3A_993 = tpu.vector_load %arg6[%swap3A_990, %swap3A_991, %swap3A_992] {strides = array<i32>} : memref<4x32x768xf32, #tpu.memory_space<vmem>>, vector<1x1x16xf32>,
        %swap3A_994 = vector.shape_cast %swap3A_993 : vector<1x1x16xf32> to vector<16xf32>
        %swap3A_995 = vector.shape_cast %mul3A_988 : vector<16xf32> to vector<1x1x16xf32>
        tpu.vector_store %arg6[%swap3A_990, %swap3A_991, %swap3A_992], %swap3A_995 {strides = array<i32>} : memref<4x32x768xf32, #tpu.memory_space<vmem>>, vector<1x1x16xf32>,
        %get3A_996 = arith.constant 1 : i32
        %get3A_997 = arith.index_cast %get3A_996 : i32 to index
        %get3A_998 = arith.index_cast %scan3A_261 : i32 to index
        %get3A_999 = arith.constant 736 : index
        %get3A_1000 = tpu.vector_load %arg6[%get3A_997, %get3A_998, %get3A_999] {strides = array<i32>} : memref<4x32x768xf32, #tpu.memory_space<vmem>>, vector<1x1x16xf32>,
        %get3A_1001 = vector.shape_cast %get3A_1000 : vector<1x1x16xf32> to vector<16xf32>
        %mul3A_1002 = arith.constant 27.7128124 : f32
        %mul3A_1003 = vector.broadcast %mul3A_1002 : f32 to vector<16xf32>
        %mul3A_1004 = arith.mulf %get3A_1001, %mul3A_1003 : vector<16xf32>
        %swap3A_1005 = arith.constant 1 : i32
        %swap3A_1006 = arith.index_cast %swap3A_1005 : i32 to index
        %swap3A_1007 = arith.index_cast %scan3A_261 : i32 to index
        %swap3A_1008 = arith.constant 736 : index
        %swap3A_1009 = tpu.vector_load %arg6[%swap3A_1006, %swap3A_1007, %swap3A_1008] {strides = array<i32>} : memref<4x32x768xf32, #tpu.memory_space<vmem>>, vector<1x1x16xf32>,
        %swap3A_1010 = vector.shape_cast %swap3A_1009 : vector<1x1x16xf32> to vector<16xf32>
        %swap3A_1011 = vector.shape_cast %mul3A_1004 : vector<16xf32> to vector<1x1x16xf32>
        tpu.vector_store %arg6[%swap3A_1006, %swap3A_1007, %swap3A_1008], %swap3A_1011 {strides = array<i32>} : memref<4x32x768xf32, #tpu.memory_space<vmem>>, vector<1x1x16xf32>,
        %get3A_1012 = arith.constant 1 : i32
        %get3A_1013 = arith.index_cast %get3A_1012 : i32 to index
        %get3A_1014 = arith.index_cast %scan3A_261 : i32 to index
        %get3A_1015 = arith.constant 752 : index
        %get3A_1016 = tpu.vector_load %arg6[%get3A_1013, %get3A_1014, %get3A_1015] {strides = array<i32>} : memref<4x32x768xf32, #tpu.memory_space<vmem>>, vector<1x1x16xf32>,
        %get3A_1017 = vector.shape_cast %get3A_1016 : vector<1x1x16xf32> to vector<16xf32>
        %mul3A_1018 = arith.constant 27.7128124 : f32
        %mul3A_1019 = vector.broadcast %mul3A_1018 : f32 to vector<16xf32>
        %mul3A_1020 = arith.mulf %get3A_1017, %mul3A_1019 : vector<16xf32>
        %swap3A_1021 = arith.constant 1 : i32
        %swap3A_1022 = arith.index_cast %swap3A_1021 : i32 to index
        %swap3A_1023 = arith.index_cast %scan3A_261 : i32 to index
        %swap3A_1024 = arith.constant 752 : index
        %swap3A_1025 = tpu.vector_load %arg6[%swap3A_1022, %swap3A_1023, %swap3A_1024] {strides = array<i32>} : memref<4x32x768xf32, #tpu.memory_space<vmem>>, vector<1x1x16xf32>,
        %swap3A_1026 = vector.shape_cast %swap3A_1025 : vector<1x1x16xf32> to vector<16xf32>
        %swap3A_1027 = vector.shape_cast %mul3A_1020 : vector<16xf32> to vector<1x1x16xf32>
        tpu.vector_store %arg6[%swap3A_1022, %swap3A_1023, %swap3A_1024], %swap3A_1027 {strides = array<i32>} : memref<4x32x768xf32, #tpu.memory_space<vmem>>, vector<1x1x16xf32>,
      }
      %scan3A_142 = arith.constant 32 : i32
      %mul3A_143 = arith.constant 32 : i32
      %mul3A_144 = arith.muli %add3A_111, %mul3A_143 : i32
      %add3A_145 = arith.addi %mul3A_2, %mul3A_144 : i32
      %dma_start3A_146 = arith.constant 1 : i32
      %dma_start3A_147 = arith.constant 0 : i32
      %dma_start3A_148 = arith.constant 0 : i32
      %dma_start3A_149 = tpu.memref_slice %arg6[%dma_start3A_146, %dma_start3A_147, %dma_start3A_148] : memref<4x32x768xf32, #tpu.memory_space<vmem>> -> memref<1x32x768xf32, #tpu.memory_space<vmem>>
      %dma_start3A_150 = tpu.memref_squeeze %dma_start3A_149 : memref<1x32x768xf32, #tpu.memory_space<vmem>> -> memref<32x768xf32, #tpu.memory_space<vmem>>
      %dma_start3A_151 = arith.constant 0 : i32
      %dma_start3A_152 = tpu.memref_slice %arg4[%add3A_145, %dma_start3A_151] : memref<32768x768xf32, #tpu.memory_space<hbm>> -> memref<32x768xf32, #tpu.memory_space<hbm>>
      %dma_start3A_153 = arith.constant 0 : i32
      %dma_start3A_154 = tpu.memref_slice %arg4[%add3A_145, %dma_start3A_153] : memref<32768x768xf32, #tpu.memory_space<hbm>> -> memref<32x768xf32, #tpu.memory_space<hbm>>
      %dma_start3A_155 = arith.constant 0 : i32
      %dma_start3A_156 = arith.constant 0 : i32
      %dma_start3A_157 = tpu.memref_slice %arg6[%dma_start3A_146, %dma_start3A_155, %dma_start3A_156] : memref<4x32x768xf32, #tpu.memory_space<vmem>> -> memref<1x32x768xf32, #tpu.memory_space<vmem>>
      %dma_start3A_158 = tpu.memref_squeeze %dma_start3A_157 : memref<1x32x768xf32, #tpu.memory_space<vmem>> -> memref<32x768xf32, #tpu.memory_space<vmem>>
      tpu.enqueue_dma source(%dma_start3A_158 : memref<32x768xf32, #tpu.memory_space<vmem>>) target(%dma_start3A_154 : memref<32x768xf32, #tpu.memory_space<hbm>>) target_semaphore(%arg12 : memref<!tpu.dma_semaphore, #tpu.memory_space<semaphore_mem>>)
      %mul3A_159 = arith.constant 4 : i32
      %mul3A_160 = arith.muli %scan3A_60, %mul3A_159 : i32
      %add3A_161 = arith.constant 2 : i32
      %add3A_162 = arith.addi %mul3A_160, %add3A_161 : i32
      %add3A_163 = arith.constant 2 : i32
      %add3A_164 = arith.addi %add3A_162, %add3A_163 : i32
      %ge3A_165 = arith.constant 4 : i32
      %ge3A_166 = arith.cmpi sge, %add3A_164, %ge3A_165 : i32
      %convert_element_type3A_167 = arith.extui %ge3A_166 : i1 to i32
      %cond3A_168 = arith.constant 0 : i32
      %cond3A_169 = arith.cmpi ne, %convert_element_type3A_167, %cond3A_168 : i32
      scf.if %cond3A_169 {
        %add3A_261 = arith.constant 2 : i32
        %add3A_262 = arith.addi %add3A_162, %add3A_261 : i32
        %sub3A = arith.constant 4 : i32
        %sub3A_263 = arith.subi %add3A_262, %sub3A : i32
        %mul3A_264 = arith.constant 32 : i32
        %mul3A_265 = arith.muli %sub3A_263, %mul3A_264 : i32
        %add3A_266 = arith.addi %mul3A_2, %mul3A_265 : i32
        %dma_wait3A_267 = arith.constant 0 : i32
        %dma_wait3A_268 = arith.constant 0 : i32
        %dma_wait3A_269 = arith.constant 0 : i32
        %dma_wait3A_270 = tpu.memref_slice %arg6[%dma_wait3A_267, %dma_wait3A_268, %dma_wait3A_269] : memref<4x32x768xf32, #tpu.memory_space<vmem>> -> memref<1x32x768xf32, #tpu.memory_space<vmem>>
        %dma_wait3A_271 = tpu.memref_squeeze %dma_wait3A_270 : memref<1x32x768xf32, #tpu.memory_space<vmem>> -> memref<32x768xf32, #tpu.memory_space<vmem>>
        %dma_wait3A_272 = arith.constant 0 : i32
        %dma_wait3A_273 = tpu.memref_slice %arg4[%add3A_266, %dma_wait3A_272] : memref<32768x768xf32, #tpu.memory_space<hbm>> -> memref<32x768xf32, #tpu.memory_space<hbm>>
        %dma_wait3A_274 = arith.constant 0 : i32
        %dma_wait3A_275 = tpu.memref_slice %arg4[%add3A_266, %dma_wait3A_274] : memref<32768x768xf32, #tpu.memory_space<hbm>> -> memref<32x768xf32, #tpu.memory_space<hbm>>
        %dma_wait3A_276 = arith.constant 0 : i32
        %dma_wait3A_277 = arith.constant 0 : i32
        %dma_wait3A_278 = tpu.memref_slice %arg6[%dma_wait3A_267, %dma_wait3A_276, %dma_wait3A_277] : memref<4x32x768xf32, #tpu.memory_space<vmem>> -> memref<1x32x768xf32, #tpu.memory_space<vmem>>
        %dma_wait3A_279 = tpu.memref_squeeze %dma_wait3A_278 : memref<1x32x768xf32, #tpu.memory_space<vmem>> -> memref<32x768xf32, #tpu.memory_space<vmem>>
        tpu.wait_dma2 semaphore(%arg11 : memref<!tpu.dma_semaphore, #tpu.memory_space<semaphore_mem>>) src(%dma_wait3A_279 : memref<32x768xf32, #tpu.memory_space<vmem>>) dst(%dma_wait3A_275 : memref<32x768xf32, #tpu.memory_space<hbm>>)
      } else {
      }
      %add3A_170 = arith.constant 2 : i32
      %add3A_171 = arith.addi %add3A_162, %add3A_170 : i32
      %lt3A_172 = arith.constant 32 : i32
      %lt3A_173 = arith.cmpi slt, %add3A_171, %lt3A_172 : i32
      %convert_element_type3A_174 = arith.extui %lt3A_173 : i1 to i32
      %cond3A_175 = arith.constant 0 : i32
      %cond3A_176 = arith.cmpi ne, %convert_element_type3A_174, %cond3A_175 : i32
      scf.if %cond3A_176 {
        %add3A_261 = arith.constant 2 : i32
        %add3A_262 = arith.addi %add3A_162, %add3A_261 : i32
        %dma_start3A_263 = arith.constant 0 : i32
        %dma_start3A_264 = arith.constant 0 : i32
        %dma_start3A_265 = arith.constant 0 : i32
        %dma_start3A_266 = tpu.memref_slice %arg6[%dma_start3A_263, %dma_start3A_264, %dma_start3A_265] : memref<4x32x768xf32, #tpu.memory_space<vmem>> -> memref<1x32x768xf32, #tpu.memory_space<vmem>>
        %dma_start3A_267 = tpu.memref_squeeze %dma_start3A_266 : memref<1x32x768xf32, #tpu.memory_space<vmem>> -> memref<32x768xf32, #tpu.memory_space<vmem>>
        %dma_start3A_268 = arith.constant 0 : i32
        %dma_start3A_269 = tpu.memref_slice %arg5[%add3A_262, %dma_start3A_268] : memref<32x32xi32, #tpu.memory_space<vmem>> -> memref<1x32xi32, #tpu.memory_space<vmem>>
        %dma_start3A_270 = tpu.memref_squeeze %dma_start3A_269 : memref<1x32xi32, #tpu.memory_space<vmem>> -> memref<32xi32, #tpu.memory_space<vmem>>
        %dma_start3A_271 = arith.constant 0 : i32
        %dma_start3A_272 = arith.constant 0 : i32
        %dma_start3A_273 = tpu.memref_slice %arg3[%dma_start3A_271, %dma_start3A_272] : memref<100000x768xf32, #tpu.memory_space<hbm>> -> memref<100000x768xf32, #tpu.memory_space<hbm>>
        tpu.enqueue_indirect_dma source(%dma_start3A_273 : memref<100000x768xf32, #tpu.memory_space<hbm>>) target(%dma_start3A_267 : memref<32x768xf32, #tpu.memory_space<vmem>>) offsets(%dma_start3A_270 : memref<32xi32, #tpu.memory_space<vmem>>) semaphore(%arg7 : memref<!tpu.dma_semaphore, #tpu.memory_space<semaphore_mem>>)
      } else {
      }
      %dma_wait3A_177 = arith.constant 2 : i32
      %dma_wait3A_178 = arith.constant 0 : i32
      %dma_wait3A_179 = arith.constant 0 : i32
      %dma_wait3A_180 = tpu.memref_slice %arg6[%dma_wait3A_177, %dma_wait3A_178, %dma_wait3A_179] : memref<4x32x768xf32, #tpu.memory_space<vmem>> -> memref<1x32x768xf32, #tpu.memory_space<vmem>>
      %dma_wait3A_181 = tpu.memref_squeeze %dma_wait3A_180 : memref<1x32x768xf32, #tpu.memory_space<vmem>> -> memref<32x768xf32, #tpu.memory_space<vmem>>
      %dma_wait3A_182 = arith.constant 0 : i32
      %dma_wait3A_183 = tpu.memref_slice %arg5[%add3A_162, %dma_wait3A_182] : memref<32x32xi32, #tpu.memory_space<vmem>> -> memref<1x32xi32, #tpu.memory_space<vmem>>
      %dma_wait3A_184 = tpu.memref_squeeze %dma_wait3A_183 : memref<1x32xi32, #tpu.memory_space<vmem>> -> memref<32xi32, #tpu.memory_space<vmem>>
      %dma_wait3A_185 = arith.constant 0 : i32
      %dma_wait3A_186 = arith.constant 0 : i32
      %dma_wait3A_187 = tpu.memref_slice %arg3[%dma_wait3A_185, %dma_wait3A_186] : memref<100000x768xf32, #tpu.memory_space<hbm>> -> memref<100000x768xf32, #tpu.memory_space<hbm>>
      tpu.wait_indirect_dma semaphore(%arg9 : memref<!tpu.dma_semaphore, #tpu.memory_space<semaphore_mem>>) src(%dma_wait3A_187 : memref<100000x768xf32, #tpu.memory_space<hbm>>) dst(%dma_wait3A_181 : memref<32x768xf32, #tpu.memory_space<vmem>>)
      %scan3A_188 = arith.constant 0 : i32
      %scan3A_189 = arith.constant 0 : i32
      %scan3A_190 = arith.constant 32 : i32
      %scan3A_191 = arith.addi %scan3A_189, %scan3A_190 : i32
      %scan3A_192 = arith.constant 1 : i32
      scf.for %scan3A_261 = %scan3A_189 to %scan3A_191 step %scan3A_192  : i32 {
        %get3A = arith.constant 2 : i32
        %get3A_262 = arith.index_cast %get3A : i32 to index
        %get3A_263 = arith.index_cast %scan3A_261 : i32 to index
        %get3A_264 = arith.constant 0 : index
        %get3A_265 = tpu.vector_load %arg6[%get3A_262, %get3A_263, %get3A_264] {strides = array<i32>} : memref<4x32x768xf32, #tpu.memory_space<vmem>>, vector<1x1x16xf32>,
        %get3A_266 = vector.shape_cast %get3A_265 : vector<1x1x16xf32> to vector<16xf32>
        %mul3A_267 = arith.constant 27.7128124 : f32
        %mul3A_268 = vector.broadcast %mul3A_267 : f32 to vector<16xf32>
        %mul3A_269 = arith.mulf %get3A_266, %mul3A_268 : vector<16xf32>
        %swap3A = arith.constant 2 : i32
        %swap3A_270 = arith.index_cast %swap3A : i32 to index
        %swap3A_271 = arith.index_cast %scan3A_261 : i32 to index
        %swap3A_272 = arith.constant 0 : index
        %swap3A_273 = tpu.vector_load %arg6[%swap3A_270, %swap3A_271, %swap3A_272] {strides = array<i32>} : memref<4x32x768xf32, #tpu.memory_space<vmem>>, vector<1x1x16xf32>,
        %swap3A_274 = vector.shape_cast %swap3A_273 : vector<1x1x16xf32> to vector<16xf32>
        %swap3A_275 = vector.shape_cast %mul3A_269 : vector<16xf32> to vector<1x1x16xf32>
        tpu.vector_store %arg6[%swap3A_270, %swap3A_271, %swap3A_272], %swap3A_275 {strides = array<i32>} : memref<4x32x768xf32, #tpu.memory_space<vmem>>, vector<1x1x16xf32>,
        %get3A_276 = arith.constant 2 : i32
        %get3A_277 = arith.index_cast %get3A_276 : i32 to index
        %get3A_278 = arith.index_cast %scan3A_261 : i32 to index
        %get3A_279 = arith.constant 16 : index
        %get3A_280 = tpu.vector_load %arg6[%get3A_277, %get3A_278, %get3A_279] {strides = array<i32>} : memref<4x32x768xf32, #tpu.memory_space<vmem>>, vector<1x1x16xf32>,
        %get3A_281 = vector.shape_cast %get3A_280 : vector<1x1x16xf32> to vector<16xf32>
        %mul3A_282 = arith.constant 27.7128124 : f32
        %mul3A_283 = vector.broadcast %mul3A_282 : f32 to vector<16xf32>
        %mul3A_284 = arith.mulf %get3A_281, %mul3A_283 : vector<16xf32>
        %swap3A_285 = arith.constant 2 : i32
        %swap3A_286 = arith.index_cast %swap3A_285 : i32 to index
        %swap3A_287 = arith.index_cast %scan3A_261 : i32 to index
        %swap3A_288 = arith.constant 16 : index
        %swap3A_289 = tpu.vector_load %arg6[%swap3A_286, %swap3A_287, %swap3A_288] {strides = array<i32>} : memref<4x32x768xf32, #tpu.memory_space<vmem>>, vector<1x1x16xf32>,
        %swap3A_290 = vector.shape_cast %swap3A_289 : vector<1x1x16xf32> to vector<16xf32>
        %swap3A_291 = vector.shape_cast %mul3A_284 : vector<16xf32> to vector<1x1x16xf32>
        tpu.vector_store %arg6[%swap3A_286, %swap3A_287, %swap3A_288], %swap3A_291 {strides = array<i32>} : memref<4x32x768xf32, #tpu.memory_space<vmem>>, vector<1x1x16xf32>,
        %get3A_292 = arith.constant 2 : i32
        %get3A_293 = arith.index_cast %get3A_292 : i32 to index
        %get3A_294 = arith.index_cast %scan3A_261 : i32 to index
        %get3A_295 = arith.constant 32 : index
        %get3A_296 = tpu.vector_load %arg6[%get3A_293, %get3A_294, %get3A_295] {strides = array<i32>} : memref<4x32x768xf32, #tpu.memory_space<vmem>>, vector<1x1x16xf32>,
        %get3A_297 = vector.shape_cast %get3A_296 : vector<1x1x16xf32> to vector<16xf32>
        %mul3A_298 = arith.constant 27.7128124 : f32
        %mul3A_299 = vector.broadcast %mul3A_298 : f32 to vector<16xf32>
        %mul3A_300 = arith.mulf %get3A_297, %mul3A_299 : vector<16xf32>
        %swap3A_301 = arith.constant 2 : i32
        %swap3A_302 = arith.index_cast %swap3A_301 : i32 to index
        %swap3A_303 = arith.index_cast %scan3A_261 : i32 to index
        %swap3A_304 = arith.constant 32 : index
        %swap3A_305 = tpu.vector_load %arg6[%swap3A_302, %swap3A_303, %swap3A_304] {strides = array<i32>} : memref<4x32x768xf32, #tpu.memory_space<vmem>>, vector<1x1x16xf32>,
        %swap3A_306 = vector.shape_cast %swap3A_305 : vector<1x1x16xf32> to vector<16xf32>
        %swap3A_307 = vector.shape_cast %mul3A_300 : vector<16xf32> to vector<1x1x16xf32>
        tpu.vector_store %arg6[%swap3A_302, %swap3A_303, %swap3A_304], %swap3A_307 {strides = array<i32>} : memref<4x32x768xf32, #tpu.memory_space<vmem>>, vector<1x1x16xf32>,
        %get3A_308 = arith.constant 2 : i32
        %get3A_309 = arith.index_cast %get3A_308 : i32 to index
        %get3A_310 = arith.index_cast %scan3A_261 : i32 to index
        %get3A_311 = arith.constant 48 : index
        %get3A_312 = tpu.vector_load %arg6[%get3A_309, %get3A_310, %get3A_311] {strides = array<i32>} : memref<4x32x768xf32, #tpu.memory_space<vmem>>, vector<1x1x16xf32>,
        %get3A_313 = vector.shape_cast %get3A_312 : vector<1x1x16xf32> to vector<16xf32>
        %mul3A_314 = arith.constant 27.7128124 : f32
        %mul3A_315 = vector.broadcast %mul3A_314 : f32 to vector<16xf32>
        %mul3A_316 = arith.mulf %get3A_313, %mul3A_315 : vector<16xf32>
        %swap3A_317 = arith.constant 2 : i32
        %swap3A_318 = arith.index_cast %swap3A_317 : i32 to index
        %swap3A_319 = arith.index_cast %scan3A_261 : i32 to index
        %swap3A_320 = arith.constant 48 : index
        %swap3A_321 = tpu.vector_load %arg6[%swap3A_318, %swap3A_319, %swap3A_320] {strides = array<i32>} : memref<4x32x768xf32, #tpu.memory_space<vmem>>, vector<1x1x16xf32>,
        %swap3A_322 = vector.shape_cast %swap3A_321 : vector<1x1x16xf32> to vector<16xf32>
        %swap3A_323 = vector.shape_cast %mul3A_316 : vector<16xf32> to vector<1x1x16xf32>
        tpu.vector_store %arg6[%swap3A_318, %swap3A_319, %swap3A_320], %swap3A_323 {strides = array<i32>} : memref<4x32x768xf32, #tpu.memory_space<vmem>>, vector<1x1x16xf32>,
        %get3A_324 = arith.constant 2 : i32
        %get3A_325 = arith.index_cast %get3A_324 : i32 to index
        %get3A_326 = arith.index_cast %scan3A_261 : i32 to index
        %get3A_327 = arith.constant 64 : index
        %get3A_328 = tpu.vector_load %arg6[%get3A_325, %get3A_326, %get3A_327] {strides = array<i32>} : memref<4x32x768xf32, #tpu.memory_space<vmem>>, vector<1x1x16xf32>,
        %get3A_329 = vector.shape_cast %get3A_328 : vector<1x1x16xf32> to vector<16xf32>
        %mul3A_330 = arith.constant 27.7128124 : f32
        %mul3A_331 = vector.broadcast %mul3A_330 : f32 to vector<16xf32>
        %mul3A_332 = arith.mulf %get3A_329, %mul3A_331 : vector<16xf32>
        %swap3A_333 = arith.constant 2 : i32
        %swap3A_334 = arith.index_cast %swap3A_333 : i32 to index
        %swap3A_335 = arith.index_cast %scan3A_261 : i32 to index
        %swap3A_336 = arith.constant 64 : index
        %swap3A_337 = tpu.vector_load %arg6[%swap3A_334, %swap3A_335, %swap3A_336] {strides = array<i32>} : memref<4x32x768xf32, #tpu.memory_space<vmem>>, vector<1x1x16xf32>,
        %swap3A_338 = vector.shape_cast %swap3A_337 : vector<1x1x16xf32> to vector<16xf32>
        %swap3A_339 = vector.shape_cast %mul3A_332 : vector<16xf32> to vector<1x1x16xf32>
        tpu.vector_store %arg6[%swap3A_334, %swap3A_335, %swap3A_336], %swap3A_339 {strides = array<i32>} : memref<4x32x768xf32, #tpu.memory_space<vmem>>, vector<1x1x16xf32>,
        %get3A_340 = arith.constant 2 : i32
        %get3A_341 = arith.index_cast %get3A_340 : i32 to index
        %get3A_342 = arith.index_cast %scan3A_261 : i32 to index
        %get3A_343 = arith.constant 80 : index
        %get3A_344 = tpu.vector_load %arg6[%get3A_341, %get3A_342, %get3A_343] {strides = array<i32>} : memref<4x32x768xf32, #tpu.memory_space<vmem>>, vector<1x1x16xf32>,
        %get3A_345 = vector.shape_cast %get3A_344 : vector<1x1x16xf32> to vector<16xf32>
        %mul3A_346 = arith.constant 27.7128124 : f32
        %mul3A_347 = vector.broadcast %mul3A_346 : f32 to vector<16xf32>
        %mul3A_348 = arith.mulf %get3A_345, %mul3A_347 : vector<16xf32>
        %swap3A_349 = arith.constant 2 : i32
        %swap3A_350 = arith.index_cast %swap3A_349 : i32 to index
        %swap3A_351 = arith.index_cast %scan3A_261 : i32 to index
        %swap3A_352 = arith.constant 80 : index
        %swap3A_353 = tpu.vector_load %arg6[%swap3A_350, %swap3A_351, %swap3A_352] {strides = array<i32>} : memref<4x32x768xf32, #tpu.memory_space<vmem>>, vector<1x1x16xf32>,
        %swap3A_354 = vector.shape_cast %swap3A_353 : vector<1x1x16xf32> to vector<16xf32>
        %swap3A_355 = vector.shape_cast %mul3A_348 : vector<16xf32> to vector<1x1x16xf32>
        tpu.vector_store %arg6[%swap3A_350, %swap3A_351, %swap3A_352], %swap3A_355 {strides = array<i32>} : memref<4x32x768xf32, #tpu.memory_space<vmem>>, vector<1x1x16xf32>,
        %get3A_356 = arith.constant 2 : i32
        %get3A_357 = arith.index_cast %get3A_356 : i32 to index
        %get3A_358 = arith.index_cast %scan3A_261 : i32 to index
        %get3A_359 = arith.constant 96 : index
        %get3A_360 = tpu.vector_load %arg6[%get3A_357, %get3A_358, %get3A_359] {strides = array<i32>} : memref<4x32x768xf32, #tpu.memory_space<vmem>>, vector<1x1x16xf32>,
        %get3A_361 = vector.shape_cast %get3A_360 : vector<1x1x16xf32> to vector<16xf32>
        %mul3A_362 = arith.constant 27.7128124 : f32
        %mul3A_363 = vector.broadcast %mul3A_362 : f32 to vector<16xf32>
        %mul3A_364 = arith.mulf %get3A_361, %mul3A_363 : vector<16xf32>
        %swap3A_365 = arith.constant 2 : i32
        %swap3A_366 = arith.index_cast %swap3A_365 : i32 to index
        %swap3A_367 = arith.index_cast %scan3A_261 : i32 to index
        %swap3A_368 = arith.constant 96 : index
        %swap3A_369 = tpu.vector_load %arg6[%swap3A_366, %swap3A_367, %swap3A_368] {strides = array<i32>} : memref<4x32x768xf32, #tpu.memory_space<vmem>>, vector<1x1x16xf32>,
        %swap3A_370 = vector.shape_cast %swap3A_369 : vector<1x1x16xf32> to vector<16xf32>
        %swap3A_371 = vector.shape_cast %mul3A_364 : vector<16xf32> to vector<1x1x16xf32>
        tpu.vector_store %arg6[%swap3A_366, %swap3A_367, %swap3A_368], %swap3A_371 {strides = array<i32>} : memref<4x32x768xf32, #tpu.memory_space<vmem>>, vector<1x1x16xf32>,
        %get3A_372 = arith.constant 2 : i32
        %get3A_373 = arith.index_cast %get3A_372 : i32 to index
        %get3A_374 = arith.index_cast %scan3A_261 : i32 to index
        %get3A_375 = arith.constant 112 : index
        %get3A_376 = tpu.vector_load %arg6[%get3A_373, %get3A_374, %get3A_375] {strides = array<i32>} : memref<4x32x768xf32, #tpu.memory_space<vmem>>, vector<1x1x16xf32>,
        %get3A_377 = vector.shape_cast %get3A_376 : vector<1x1x16xf32> to vector<16xf32>
        %mul3A_378 = arith.constant 27.7128124 : f32
        %mul3A_379 = vector.broadcast %mul3A_378 : f32 to vector<16xf32>
        %mul3A_380 = arith.mulf %get3A_377, %mul3A_379 : vector<16xf32>
        %swap3A_381 = arith.constant 2 : i32
        %swap3A_382 = arith.index_cast %swap3A_381 : i32 to index
        %swap3A_383 = arith.index_cast %scan3A_261 : i32 to index
        %swap3A_384 = arith.constant 112 : index
        %swap3A_385 = tpu.vector_load %arg6[%swap3A_382, %swap3A_383, %swap3A_384] {strides = array<i32>} : memref<4x32x768xf32, #tpu.memory_space<vmem>>, vector<1x1x16xf32>,
        %swap3A_386 = vector.shape_cast %swap3A_385 : vector<1x1x16xf32> to vector<16xf32>
        %swap3A_387 = vector.shape_cast %mul3A_380 : vector<16xf32> to vector<1x1x16xf32>
        tpu.vector_store %arg6[%swap3A_382, %swap3A_383, %swap3A_384], %swap3A_387 {strides = array<i32>} : memref<4x32x768xf32, #tpu.memory_space<vmem>>, vector<1x1x16xf32>,
        %get3A_388 = arith.constant 2 : i32
        %get3A_389 = arith.index_cast %get3A_388 : i32 to index
        %get3A_390 = arith.index_cast %scan3A_261 : i32 to index
        %get3A_391 = arith.constant 128 : index
        %get3A_392 = tpu.vector_load %arg6[%get3A_389, %get3A_390, %get3A_391] {strides = array<i32>} : memref<4x32x768xf32, #tpu.memory_space<vmem>>, vector<1x1x16xf32>,
        %get3A_393 = vector.shape_cast %get3A_392 : vector<1x1x16xf32> to vector<16xf32>
        %mul3A_394 = arith.constant 27.7128124 : f32
        %mul3A_395 = vector.broadcast %mul3A_394 : f32 to vector<16xf32>
        %mul3A_396 = arith.mulf %get3A_393, %mul3A_395 : vector<16xf32>
        %swap3A_397 = arith.constant 2 : i32
        %swap3A_398 = arith.index_cast %swap3A_397 : i32 to index
        %swap3A_399 = arith.index_cast %scan3A_261 : i32 to index
        %swap3A_400 = arith.constant 128 : index
        %swap3A_401 = tpu.vector_load %arg6[%swap3A_398, %swap3A_399, %swap3A_400] {strides = array<i32>} : memref<4x32x768xf32, #tpu.memory_space<vmem>>, vector<1x1x16xf32>,
        %swap3A_402 = vector.shape_cast %swap3A_401 : vector<1x1x16xf32> to vector<16xf32>
        %swap3A_403 = vector.shape_cast %mul3A_396 : vector<16xf32> to vector<1x1x16xf32>
        tpu.vector_store %arg6[%swap3A_398, %swap3A_399, %swap3A_400], %swap3A_403 {strides = array<i32>} : memref<4x32x768xf32, #tpu.memory_space<vmem>>, vector<1x1x16xf32>,
        %get3A_404 = arith.constant 2 : i32
        %get3A_405 = arith.index_cast %get3A_404 : i32 to index
        %get3A_406 = arith.index_cast %scan3A_261 : i32 to index
        %get3A_407 = arith.constant 144 : index
        %get3A_408 = tpu.vector_load %arg6[%get3A_405, %get3A_406, %get3A_407] {strides = array<i32>} : memref<4x32x768xf32, #tpu.memory_space<vmem>>, vector<1x1x16xf32>,
        %get3A_409 = vector.shape_cast %get3A_408 : vector<1x1x16xf32> to vector<16xf32>
        %mul3A_410 = arith.constant 27.7128124 : f32
        %mul3A_411 = vector.broadcast %mul3A_410 : f32 to vector<16xf32>
        %mul3A_412 = arith.mulf %get3A_409, %mul3A_411 : vector<16xf32>
        %swap3A_413 = arith.constant 2 : i32
        %swap3A_414 = arith.index_cast %swap3A_413 : i32 to index
        %swap3A_415 = arith.index_cast %scan3A_261 : i32 to index
        %swap3A_416 = arith.constant 144 : index
        %swap3A_417 = tpu.vector_load %arg6[%swap3A_414, %swap3A_415, %swap3A_416] {strides = array<i32>} : memref<4x32x768xf32, #tpu.memory_space<vmem>>, vector<1x1x16xf32>,
        %swap3A_418 = vector.shape_cast %swap3A_417 : vector<1x1x16xf32> to vector<16xf32>
        %swap3A_419 = vector.shape_cast %mul3A_412 : vector<16xf32> to vector<1x1x16xf32>
        tpu.vector_store %arg6[%swap3A_414, %swap3A_415, %swap3A_416], %swap3A_419 {strides = array<i32>} : memref<4x32x768xf32, #tpu.memory_space<vmem>>, vector<1x1x16xf32>,
        %get3A_420 = arith.constant 2 : i32
        %get3A_421 = arith.index_cast %get3A_420 : i32 to index
        %get3A_422 = arith.index_cast %scan3A_261 : i32 to index
        %get3A_423 = arith.constant 160 : index
        %get3A_424 = tpu.vector_load %arg6[%get3A_421, %get3A_422, %get3A_423] {strides = array<i32>} : memref<4x32x768xf32, #tpu.memory_space<vmem>>, vector<1x1x16xf32>,
        %get3A_425 = vector.shape_cast %get3A_424 : vector<1x1x16xf32> to vector<16xf32>
        %mul3A_426 = arith.constant 27.7128124 : f32
        %mul3A_427 = vector.broadcast %mul3A_426 : f32 to vector<16xf32>
        %mul3A_428 = arith.mulf %get3A_425, %mul3A_427 : vector<16xf32>
        %swap3A_429 = arith.constant 2 : i32
        %swap3A_430 = arith.index_cast %swap3A_429 : i32 to index
        %swap3A_431 = arith.index_cast %scan3A_261 : i32 to index
        %swap3A_432 = arith.constant 160 : index
        %swap3A_433 = tpu.vector_load %arg6[%swap3A_430, %swap3A_431, %swap3A_432] {strides = array<i32>} : memref<4x32x768xf32, #tpu.memory_space<vmem>>, vector<1x1x16xf32>,
        %swap3A_434 = vector.shape_cast %swap3A_433 : vector<1x1x16xf32> to vector<16xf32>
        %swap3A_435 = vector.shape_cast %mul3A_428 : vector<16xf32> to vector<1x1x16xf32>
        tpu.vector_store %arg6[%swap3A_430, %swap3A_431, %swap3A_432], %swap3A_435 {strides = array<i32>} : memref<4x32x768xf32, #tpu.memory_space<vmem>>, vector<1x1x16xf32>,
        %get3A_436 = arith.constant 2 : i32
        %get3A_437 = arith.index_cast %get3A_436 : i32 to index
        %get3A_438 = arith.index_cast %scan3A_261 : i32 to index
        %get3A_439 = arith.constant 176 : index
        %get3A_440 = tpu.vector_load %arg6[%get3A_437, %get3A_438, %get3A_439] {strides = array<i32>} : memref<4x32x768xf32, #tpu.memory_space<vmem>>, vector<1x1x16xf32>,
        %get3A_441 = vector.shape_cast %get3A_440 : vector<1x1x16xf32> to vector<16xf32>
        %mul3A_442 = arith.constant 27.7128124 : f32
        %mul3A_443 = vector.broadcast %mul3A_442 : f32 to vector<16xf32>
        %mul3A_444 = arith.mulf %get3A_441, %mul3A_443 : vector<16xf32>
        %swap3A_445 = arith.constant 2 : i32
        %swap3A_446 = arith.index_cast %swap3A_445 : i32 to index
        %swap3A_447 = arith.index_cast %scan3A_261 : i32 to index
        %swap3A_448 = arith.constant 176 : index
        %swap3A_449 = tpu.vector_load %arg6[%swap3A_446, %swap3A_447, %swap3A_448] {strides = array<i32>} : memref<4x32x768xf32, #tpu.memory_space<vmem>>, vector<1x1x16xf32>,
        %swap3A_450 = vector.shape_cast %swap3A_449 : vector<1x1x16xf32> to vector<16xf32>
        %swap3A_451 = vector.shape_cast %mul3A_444 : vector<16xf32> to vector<1x1x16xf32>
        tpu.vector_store %arg6[%swap3A_446, %swap3A_447, %swap3A_448], %swap3A_451 {strides = array<i32>} : memref<4x32x768xf32, #tpu.memory_space<vmem>>, vector<1x1x16xf32>,
        %get3A_452 = arith.constant 2 : i32
        %get3A_453 = arith.index_cast %get3A_452 : i32 to index
        %get3A_454 = arith.index_cast %scan3A_261 : i32 to index
        %get3A_455 = arith.constant 192 : index
        %get3A_456 = tpu.vector_load %arg6[%get3A_453, %get3A_454, %get3A_455] {strides = array<i32>} : memref<4x32x768xf32, #tpu.memory_space<vmem>>, vector<1x1x16xf32>,
        %get3A_457 = vector.shape_cast %get3A_456 : vector<1x1x16xf32> to vector<16xf32>
        %mul3A_458 = arith.constant 27.7128124 : f32
        %mul3A_459 = vector.broadcast %mul3A_458 : f32 to vector<16xf32>
        %mul3A_460 = arith.mulf %get3A_457, %mul3A_459 : vector<16xf32>
        %swap3A_461 = arith.constant 2 : i32
        %swap3A_462 = arith.index_cast %swap3A_461 : i32 to index
        %swap3A_463 = arith.index_cast %scan3A_261 : i32 to index
        %swap3A_464 = arith.constant 192 : index
        %swap3A_465 = tpu.vector_load %arg6[%swap3A_462, %swap3A_463, %swap3A_464] {strides = array<i32>} : memref<4x32x768xf32, #tpu.memory_space<vmem>>, vector<1x1x16xf32>,
        %swap3A_466 = vector.shape_cast %swap3A_465 : vector<1x1x16xf32> to vector<16xf32>
        %swap3A_467 = vector.shape_cast %mul3A_460 : vector<16xf32> to vector<1x1x16xf32>
        tpu.vector_store %arg6[%swap3A_462, %swap3A_463, %swap3A_464], %swap3A_467 {strides = array<i32>} : memref<4x32x768xf32, #tpu.memory_space<vmem>>, vector<1x1x16xf32>,
        %get3A_468 = arith.constant 2 : i32
        %get3A_469 = arith.index_cast %get3A_468 : i32 to index
        %get3A_470 = arith.index_cast %scan3A_261 : i32 to index
        %get3A_471 = arith.constant 208 : index
        %get3A_472 = tpu.vector_load %arg6[%get3A_469, %get3A_470, %get3A_471] {strides = array<i32>} : memref<4x32x768xf32, #tpu.memory_space<vmem>>, vector<1x1x16xf32>,
        %get3A_473 = vector.shape_cast %get3A_472 : vector<1x1x16xf32> to vector<16xf32>
        %mul3A_474 = arith.constant 27.7128124 : f32
        %mul3A_475 = vector.broadcast %mul3A_474 : f32 to vector<16xf32>
        %mul3A_476 = arith.mulf %get3A_473, %mul3A_475 : vector<16xf32>
        %swap3A_477 = arith.constant 2 : i32
        %swap3A_478 = arith.index_cast %swap3A_477 : i32 to index
        %swap3A_479 = arith.index_cast %scan3A_261 : i32 to index
        %swap3A_480 = arith.constant 208 : index
        %swap3A_481 = tpu.vector_load %arg6[%swap3A_478, %swap3A_479, %swap3A_480] {strides = array<i32>} : memref<4x32x768xf32, #tpu.memory_space<vmem>>, vector<1x1x16xf32>,
        %swap3A_482 = vector.shape_cast %swap3A_481 : vector<1x1x16xf32> to vector<16xf32>
        %swap3A_483 = vector.shape_cast %mul3A_476 : vector<16xf32> to vector<1x1x16xf32>
        tpu.vector_store %arg6[%swap3A_478, %swap3A_479, %swap3A_480], %swap3A_483 {strides = array<i32>} : memref<4x32x768xf32, #tpu.memory_space<vmem>>, vector<1x1x16xf32>,
        %get3A_484 = arith.constant 2 : i32
        %get3A_485 = arith.index_cast %get3A_484 : i32 to index
        %get3A_486 = arith.index_cast %scan3A_261 : i32 to index
        %get3A_487 = arith.constant 224 : index
        %get3A_488 = tpu.vector_load %arg6[%get3A_485, %get3A_486, %get3A_487] {strides = array<i32>} : memref<4x32x768xf32, #tpu.memory_space<vmem>>, vector<1x1x16xf32>,
        %get3A_489 = vector.shape_cast %get3A_488 : vector<1x1x16xf32> to vector<16xf32>
        %mul3A_490 = arith.constant 27.7128124 : f32
        %mul3A_491 = vector.broadcast %mul3A_490 : f32 to vector<16xf32>
        %mul3A_492 = arith.mulf %get3A_489, %mul3A_491 : vector<16xf32>
        %swap3A_493 = arith.constant 2 : i32
        %swap3A_494 = arith.index_cast %swap3A_493 : i32 to index
        %swap3A_495 = arith.index_cast %scan3A_261 : i32 to index
        %swap3A_496 = arith.constant 224 : index
        %swap3A_497 = tpu.vector_load %arg6[%swap3A_494, %swap3A_495, %swap3A_496] {strides = array<i32>} : memref<4x32x768xf32, #tpu.memory_space<vmem>>, vector<1x1x16xf32>,
        %swap3A_498 = vector.shape_cast %swap3A_497 : vector<1x1x16xf32> to vector<16xf32>
        %swap3A_499 = vector.shape_cast %mul3A_492 : vector<16xf32> to vector<1x1x16xf32>
        tpu.vector_store %arg6[%swap3A_494, %swap3A_495, %swap3A_496], %swap3A_499 {strides = array<i32>} : memref<4x32x768xf32, #tpu.memory_space<vmem>>, vector<1x1x16xf32>,
        %get3A_500 = arith.constant 2 : i32
        %get3A_501 = arith.index_cast %get3A_500 : i32 to index
        %get3A_502 = arith.index_cast %scan3A_261 : i32 to index
        %get3A_503 = arith.constant 240 : index
        %get3A_504 = tpu.vector_load %arg6[%get3A_501, %get3A_502, %get3A_503] {strides = array<i32>} : memref<4x32x768xf32, #tpu.memory_space<vmem>>, vector<1x1x16xf32>,
        %get3A_505 = vector.shape_cast %get3A_504 : vector<1x1x16xf32> to vector<16xf32>
        %mul3A_506 = arith.constant 27.7128124 : f32
        %mul3A_507 = vector.broadcast %mul3A_506 : f32 to vector<16xf32>
        %mul3A_508 = arith.mulf %get3A_505, %mul3A_507 : vector<16xf32>
        %swap3A_509 = arith.constant 2 : i32
        %swap3A_510 = arith.index_cast %swap3A_509 : i32 to index
        %swap3A_511 = arith.index_cast %scan3A_261 : i32 to index
        %swap3A_512 = arith.constant 240 : index
        %swap3A_513 = tpu.vector_load %arg6[%swap3A_510, %swap3A_511, %swap3A_512] {strides = array<i32>} : memref<4x32x768xf32, #tpu.memory_space<vmem>>, vector<1x1x16xf32>,
        %swap3A_514 = vector.shape_cast %swap3A_513 : vector<1x1x16xf32> to vector<16xf32>
        %swap3A_515 = vector.shape_cast %mul3A_508 : vector<16xf32> to vector<1x1x16xf32>
        tpu.vector_store %arg6[%swap3A_510, %swap3A_511, %swap3A_512], %swap3A_515 {strides = array<i32>} : memref<4x32x768xf32, #tpu.memory_space<vmem>>, vector<1x1x16xf32>,
        %get3A_516 = arith.constant 2 : i32
        %get3A_517 = arith.index_cast %get3A_516 : i32 to index
        %get3A_518 = arith.index_cast %scan3A_261 : i32 to index
        %get3A_519 = arith.constant 256 : index
        %get3A_520 = tpu.vector_load %arg6[%get3A_517, %get3A_518, %get3A_519] {strides = array<i32>} : memref<4x32x768xf32, #tpu.memory_space<vmem>>, vector<1x1x16xf32>,
        %get3A_521 = vector.shape_cast %get3A_520 : vector<1x1x16xf32> to vector<16xf32>
        %mul3A_522 = arith.constant 27.7128124 : f32
        %mul3A_523 = vector.broadcast %mul3A_522 : f32 to vector<16xf32>
        %mul3A_524 = arith.mulf %get3A_521, %mul3A_523 : vector<16xf32>
        %swap3A_525 = arith.constant 2 : i32
        %swap3A_526 = arith.index_cast %swap3A_525 : i32 to index
        %swap3A_527 = arith.index_cast %scan3A_261 : i32 to index
        %swap3A_528 = arith.constant 256 : index
        %swap3A_529 = tpu.vector_load %arg6[%swap3A_526, %swap3A_527, %swap3A_528] {strides = array<i32>} : memref<4x32x768xf32, #tpu.memory_space<vmem>>, vector<1x1x16xf32>,
        %swap3A_530 = vector.shape_cast %swap3A_529 : vector<1x1x16xf32> to vector<16xf32>
        %swap3A_531 = vector.shape_cast %mul3A_524 : vector<16xf32> to vector<1x1x16xf32>
        tpu.vector_store %arg6[%swap3A_526, %swap3A_527, %swap3A_528], %swap3A_531 {strides = array<i32>} : memref<4x32x768xf32, #tpu.memory_space<vmem>>, vector<1x1x16xf32>,
        %get3A_532 = arith.constant 2 : i32
        %get3A_533 = arith.index_cast %get3A_532 : i32 to index
        %get3A_534 = arith.index_cast %scan3A_261 : i32 to index
        %get3A_535 = arith.constant 272 : index
        %get3A_536 = tpu.vector_load %arg6[%get3A_533, %get3A_534, %get3A_535] {strides = array<i32>} : memref<4x32x768xf32, #tpu.memory_space<vmem>>, vector<1x1x16xf32>,
        %get3A_537 = vector.shape_cast %get3A_536 : vector<1x1x16xf32> to vector<16xf32>
        %mul3A_538 = arith.constant 27.7128124 : f32
        %mul3A_539 = vector.broadcast %mul3A_538 : f32 to vector<16xf32>
        %mul3A_540 = arith.mulf %get3A_537, %mul3A_539 : vector<16xf32>
        %swap3A_541 = arith.constant 2 : i32
        %swap3A_542 = arith.index_cast %swap3A_541 : i32 to index
        %swap3A_543 = arith.index_cast %scan3A_261 : i32 to index
        %swap3A_544 = arith.constant 272 : index
        %swap3A_545 = tpu.vector_load %arg6[%swap3A_542, %swap3A_543, %swap3A_544] {strides = array<i32>} : memref<4x32x768xf32, #tpu.memory_space<vmem>>, vector<1x1x16xf32>,
        %swap3A_546 = vector.shape_cast %swap3A_545 : vector<1x1x16xf32> to vector<16xf32>
        %swap3A_547 = vector.shape_cast %mul3A_540 : vector<16xf32> to vector<1x1x16xf32>
        tpu.vector_store %arg6[%swap3A_542, %swap3A_543, %swap3A_544], %swap3A_547 {strides = array<i32>} : memref<4x32x768xf32, #tpu.memory_space<vmem>>, vector<1x1x16xf32>,
        %get3A_548 = arith.constant 2 : i32
        %get3A_549 = arith.index_cast %get3A_548 : i32 to index
        %get3A_550 = arith.index_cast %scan3A_261 : i32 to index
        %get3A_551 = arith.constant 288 : index
        %get3A_552 = tpu.vector_load %arg6[%get3A_549, %get3A_550, %get3A_551] {strides = array<i32>} : memref<4x32x768xf32, #tpu.memory_space<vmem>>, vector<1x1x16xf32>,
        %get3A_553 = vector.shape_cast %get3A_552 : vector<1x1x16xf32> to vector<16xf32>
        %mul3A_554 = arith.constant 27.7128124 : f32
        %mul3A_555 = vector.broadcast %mul3A_554 : f32 to vector<16xf32>
        %mul3A_556 = arith.mulf %get3A_553, %mul3A_555 : vector<16xf32>
        %swap3A_557 = arith.constant 2 : i32
        %swap3A_558 = arith.index_cast %swap3A_557 : i32 to index
        %swap3A_559 = arith.index_cast %scan3A_261 : i32 to index
        %swap3A_560 = arith.constant 288 : index
        %swap3A_561 = tpu.vector_load %arg6[%swap3A_558, %swap3A_559, %swap3A_560] {strides = array<i32>} : memref<4x32x768xf32, #tpu.memory_space<vmem>>, vector<1x1x16xf32>,
        %swap3A_562 = vector.shape_cast %swap3A_561 : vector<1x1x16xf32> to vector<16xf32>
        %swap3A_563 = vector.shape_cast %mul3A_556 : vector<16xf32> to vector<1x1x16xf32>
        tpu.vector_store %arg6[%swap3A_558, %swap3A_559, %swap3A_560], %swap3A_563 {strides = array<i32>} : memref<4x32x768xf32, #tpu.memory_space<vmem>>, vector<1x1x16xf32>,
        %get3A_564 = arith.constant 2 : i32
        %get3A_565 = arith.index_cast %get3A_564 : i32 to index
        %get3A_566 = arith.index_cast %scan3A_261 : i32 to index
        %get3A_567 = arith.constant 304 : index
        %get3A_568 = tpu.vector_load %arg6[%get3A_565, %get3A_566, %get3A_567] {strides = array<i32>} : memref<4x32x768xf32, #tpu.memory_space<vmem>>, vector<1x1x16xf32>,
        %get3A_569 = vector.shape_cast %get3A_568 : vector<1x1x16xf32> to vector<16xf32>
        %mul3A_570 = arith.constant 27.7128124 : f32
        %mul3A_571 = vector.broadcast %mul3A_570 : f32 to vector<16xf32>
        %mul3A_572 = arith.mulf %get3A_569, %mul3A_571 : vector<16xf32>
        %swap3A_573 = arith.constant 2 : i32
        %swap3A_574 = arith.index_cast %swap3A_573 : i32 to index
        %swap3A_575 = arith.index_cast %scan3A_261 : i32 to index
        %swap3A_576 = arith.constant 304 : index
        %swap3A_577 = tpu.vector_load %arg6[%swap3A_574, %swap3A_575, %swap3A_576] {strides = array<i32>} : memref<4x32x768xf32, #tpu.memory_space<vmem>>, vector<1x1x16xf32>,
        %swap3A_578 = vector.shape_cast %swap3A_577 : vector<1x1x16xf32> to vector<16xf32>
        %swap3A_579 = vector.shape_cast %mul3A_572 : vector<16xf32> to vector<1x1x16xf32>
        tpu.vector_store %arg6[%swap3A_574, %swap3A_575, %swap3A_576], %swap3A_579 {strides = array<i32>} : memref<4x32x768xf32, #tpu.memory_space<vmem>>, vector<1x1x16xf32>,
        %get3A_580 = arith.constant 2 : i32
        %get3A_581 = arith.index_cast %get3A_580 : i32 to index
        %get3A_582 = arith.index_cast %scan3A_261 : i32 to index
        %get3A_583 = arith.constant 320 : index
        %get3A_584 = tpu.vector_load %arg6[%get3A_581, %get3A_582, %get3A_583] {strides = array<i32>} : memref<4x32x768xf32, #tpu.memory_space<vmem>>, vector<1x1x16xf32>,
        %get3A_585 = vector.shape_cast %get3A_584 : vector<1x1x16xf32> to vector<16xf32>
        %mul3A_586 = arith.constant 27.7128124 : f32
        %mul3A_587 = vector.broadcast %mul3A_586 : f32 to vector<16xf32>
        %mul3A_588 = arith.mulf %get3A_585, %mul3A_587 : vector<16xf32>
        %swap3A_589 = arith.constant 2 : i32
        %swap3A_590 = arith.index_cast %swap3A_589 : i32 to index
        %swap3A_591 = arith.index_cast %scan3A_261 : i32 to index
        %swap3A_592 = arith.constant 320 : index
        %swap3A_593 = tpu.vector_load %arg6[%swap3A_590, %swap3A_591, %swap3A_592] {strides = array<i32>} : memref<4x32x768xf32, #tpu.memory_space<vmem>>, vector<1x1x16xf32>,
        %swap3A_594 = vector.shape_cast %swap3A_593 : vector<1x1x16xf32> to vector<16xf32>
        %swap3A_595 = vector.shape_cast %mul3A_588 : vector<16xf32> to vector<1x1x16xf32>
        tpu.vector_store %arg6[%swap3A_590, %swap3A_591, %swap3A_592], %swap3A_595 {strides = array<i32>} : memref<4x32x768xf32, #tpu.memory_space<vmem>>, vector<1x1x16xf32>,
        %get3A_596 = arith.constant 2 : i32
        %get3A_597 = arith.index_cast %get3A_596 : i32 to index
        %get3A_598 = arith.index_cast %scan3A_261 : i32 to index
        %get3A_599 = arith.constant 336 : index
        %get3A_600 = tpu.vector_load %arg6[%get3A_597, %get3A_598, %get3A_599] {strides = array<i32>} : memref<4x32x768xf32, #tpu.memory_space<vmem>>, vector<1x1x16xf32>,
        %get3A_601 = vector.shape_cast %get3A_600 : vector<1x1x16xf32> to vector<16xf32>
        %mul3A_602 = arith.constant 27.7128124 : f32
        %mul3A_603 = vector.broadcast %mul3A_602 : f32 to vector<16xf32>
        %mul3A_604 = arith.mulf %get3A_601, %mul3A_603 : vector<16xf32>
        %swap3A_605 = arith.constant 2 : i32
        %swap3A_606 = arith.index_cast %swap3A_605 : i32 to index
        %swap3A_607 = arith.index_cast %scan3A_261 : i32 to index
        %swap3A_608 = arith.constant 336 : index
        %swap3A_609 = tpu.vector_load %arg6[%swap3A_606, %swap3A_607, %swap3A_608] {strides = array<i32>} : memref<4x32x768xf32, #tpu.memory_space<vmem>>, vector<1x1x16xf32>,
        %swap3A_610 = vector.shape_cast %swap3A_609 : vector<1x1x16xf32> to vector<16xf32>
        %swap3A_611 = vector.shape_cast %mul3A_604 : vector<16xf32> to vector<1x1x16xf32>
        tpu.vector_store %arg6[%swap3A_606, %swap3A_607, %swap3A_608], %swap3A_611 {strides = array<i32>} : memref<4x32x768xf32, #tpu.memory_space<vmem>>, vector<1x1x16xf32>,
        %get3A_612 = arith.constant 2 : i32
        %get3A_613 = arith.index_cast %get3A_612 : i32 to index
        %get3A_614 = arith.index_cast %scan3A_261 : i32 to index
        %get3A_615 = arith.constant 352 : index
        %get3A_616 = tpu.vector_load %arg6[%get3A_613, %get3A_614, %get3A_615] {strides = array<i32>} : memref<4x32x768xf32, #tpu.memory_space<vmem>>, vector<1x1x16xf32>,
        %get3A_617 = vector.shape_cast %get3A_616 : vector<1x1x16xf32> to vector<16xf32>
        %mul3A_618 = arith.constant 27.7128124 : f32
        %mul3A_619 = vector.broadcast %mul3A_618 : f32 to vector<16xf32>
        %mul3A_620 = arith.mulf %get3A_617, %mul3A_619 : vector<16xf32>
        %swap3A_621 = arith.constant 2 : i32
        %swap3A_622 = arith.index_cast %swap3A_621 : i32 to index
        %swap3A_623 = arith.index_cast %scan3A_261 : i32 to index
        %swap3A_624 = arith.constant 352 : index
        %swap3A_625 = tpu.vector_load %arg6[%swap3A_622, %swap3A_623, %swap3A_624] {strides = array<i32>} : memref<4x32x768xf32, #tpu.memory_space<vmem>>, vector<1x1x16xf32>,
        %swap3A_626 = vector.shape_cast %swap3A_625 : vector<1x1x16xf32> to vector<16xf32>
        %swap3A_627 = vector.shape_cast %mul3A_620 : vector<16xf32> to vector<1x1x16xf32>
        tpu.vector_store %arg6[%swap3A_622, %swap3A_623, %swap3A_624], %swap3A_627 {strides = array<i32>} : memref<4x32x768xf32, #tpu.memory_space<vmem>>, vector<1x1x16xf32>,
        %get3A_628 = arith.constant 2 : i32
        %get3A_629 = arith.index_cast %get3A_628 : i32 to index
        %get3A_630 = arith.index_cast %scan3A_261 : i32 to index
        %get3A_631 = arith.constant 368 : index
        %get3A_632 = tpu.vector_load %arg6[%get3A_629, %get3A_630, %get3A_631] {strides = array<i32>} : memref<4x32x768xf32, #tpu.memory_space<vmem>>, vector<1x1x16xf32>,
        %get3A_633 = vector.shape_cast %get3A_632 : vector<1x1x16xf32> to vector<16xf32>
        %mul3A_634 = arith.constant 27.7128124 : f32
        %mul3A_635 = vector.broadcast %mul3A_634 : f32 to vector<16xf32>
        %mul3A_636 = arith.mulf %get3A_633, %mul3A_635 : vector<16xf32>
        %swap3A_637 = arith.constant 2 : i32
        %swap3A_638 = arith.index_cast %swap3A_637 : i32 to index
        %swap3A_639 = arith.index_cast %scan3A_261 : i32 to index
        %swap3A_640 = arith.constant 368 : index
        %swap3A_641 = tpu.vector_load %arg6[%swap3A_638, %swap3A_639, %swap3A_640] {strides = array<i32>} : memref<4x32x768xf32, #tpu.memory_space<vmem>>, vector<1x1x16xf32>,
        %swap3A_642 = vector.shape_cast %swap3A_641 : vector<1x1x16xf32> to vector<16xf32>
        %swap3A_643 = vector.shape_cast %mul3A_636 : vector<16xf32> to vector<1x1x16xf32>
        tpu.vector_store %arg6[%swap3A_638, %swap3A_639, %swap3A_640], %swap3A_643 {strides = array<i32>} : memref<4x32x768xf32, #tpu.memory_space<vmem>>, vector<1x1x16xf32>,
        %get3A_644 = arith.constant 2 : i32
        %get3A_645 = arith.index_cast %get3A_644 : i32 to index
        %get3A_646 = arith.index_cast %scan3A_261 : i32 to index
        %get3A_647 = arith.constant 384 : index
        %get3A_648 = tpu.vector_load %arg6[%get3A_645, %get3A_646, %get3A_647] {strides = array<i32>} : memref<4x32x768xf32, #tpu.memory_space<vmem>>, vector<1x1x16xf32>,
        %get3A_649 = vector.shape_cast %get3A_648 : vector<1x1x16xf32> to vector<16xf32>
        %mul3A_650 = arith.constant 27.7128124 : f32
        %mul3A_651 = vector.broadcast %mul3A_650 : f32 to vector<16xf32>
        %mul3A_652 = arith.mulf %get3A_649, %mul3A_651 : vector<16xf32>
        %swap3A_653 = arith.constant 2 : i32
        %swap3A_654 = arith.index_cast %swap3A_653 : i32 to index
        %swap3A_655 = arith.index_cast %scan3A_261 : i32 to index
        %swap3A_656 = arith.constant 384 : index
        %swap3A_657 = tpu.vector_load %arg6[%swap3A_654, %swap3A_655, %swap3A_656] {strides = array<i32>} : memref<4x32x768xf32, #tpu.memory_space<vmem>>, vector<1x1x16xf32>,
        %swap3A_658 = vector.shape_cast %swap3A_657 : vector<1x1x16xf32> to vector<16xf32>
        %swap3A_659 = vector.shape_cast %mul3A_652 : vector<16xf32> to vector<1x1x16xf32>
        tpu.vector_store %arg6[%swap3A_654, %swap3A_655, %swap3A_656], %swap3A_659 {strides = array<i32>} : memref<4x32x768xf32, #tpu.memory_space<vmem>>, vector<1x1x16xf32>,
        %get3A_660 = arith.constant 2 : i32
        %get3A_661 = arith.index_cast %get3A_660 : i32 to index
        %get3A_662 = arith.index_cast %scan3A_261 : i32 to index
        %get3A_663 = arith.constant 400 : index
        %get3A_664 = tpu.vector_load %arg6[%get3A_661, %get3A_662, %get3A_663] {strides = array<i32>} : memref<4x32x768xf32, #tpu.memory_space<vmem>>, vector<1x1x16xf32>,
        %get3A_665 = vector.shape_cast %get3A_664 : vector<1x1x16xf32> to vector<16xf32>
        %mul3A_666 = arith.constant 27.7128124 : f32
        %mul3A_667 = vector.broadcast %mul3A_666 : f32 to vector<16xf32>
        %mul3A_668 = arith.mulf %get3A_665, %mul3A_667 : vector<16xf32>
        %swap3A_669 = arith.constant 2 : i32
        %swap3A_670 = arith.index_cast %swap3A_669 : i32 to index
        %swap3A_671 = arith.index_cast %scan3A_261 : i32 to index
        %swap3A_672 = arith.constant 400 : index
        %swap3A_673 = tpu.vector_load %arg6[%swap3A_670, %swap3A_671, %swap3A_672] {strides = array<i32>} : memref<4x32x768xf32, #tpu.memory_space<vmem>>, vector<1x1x16xf32>,
        %swap3A_674 = vector.shape_cast %swap3A_673 : vector<1x1x16xf32> to vector<16xf32>
        %swap3A_675 = vector.shape_cast %mul3A_668 : vector<16xf32> to vector<1x1x16xf32>
        tpu.vector_store %arg6[%swap3A_670, %swap3A_671, %swap3A_672], %swap3A_675 {strides = array<i32>} : memref<4x32x768xf32, #tpu.memory_space<vmem>>, vector<1x1x16xf32>,
        %get3A_676 = arith.constant 2 : i32
        %get3A_677 = arith.index_cast %get3A_676 : i32 to index
        %get3A_678 = arith.index_cast %scan3A_261 : i32 to index
        %get3A_679 = arith.constant 416 : index
        %get3A_680 = tpu.vector_load %arg6[%get3A_677, %get3A_678, %get3A_679] {strides = array<i32>} : memref<4x32x768xf32, #tpu.memory_space<vmem>>, vector<1x1x16xf32>,
        %get3A_681 = vector.shape_cast %get3A_680 : vector<1x1x16xf32> to vector<16xf32>
        %mul3A_682 = arith.constant 27.7128124 : f32
        %mul3A_683 = vector.broadcast %mul3A_682 : f32 to vector<16xf32>
        %mul3A_684 = arith.mulf %get3A_681, %mul3A_683 : vector<16xf32>
        %swap3A_685 = arith.constant 2 : i32
        %swap3A_686 = arith.index_cast %swap3A_685 : i32 to index
        %swap3A_687 = arith.index_cast %scan3A_261 : i32 to index
        %swap3A_688 = arith.constant 416 : index
        %swap3A_689 = tpu.vector_load %arg6[%swap3A_686, %swap3A_687, %swap3A_688] {strides = array<i32>} : memref<4x32x768xf32, #tpu.memory_space<vmem>>, vector<1x1x16xf32>,
        %swap3A_690 = vector.shape_cast %swap3A_689 : vector<1x1x16xf32> to vector<16xf32>
        %swap3A_691 = vector.shape_cast %mul3A_684 : vector<16xf32> to vector<1x1x16xf32>
        tpu.vector_store %arg6[%swap3A_686, %swap3A_687, %swap3A_688], %swap3A_691 {strides = array<i32>} : memref<4x32x768xf32, #tpu.memory_space<vmem>>, vector<1x1x16xf32>,
        %get3A_692 = arith.constant 2 : i32
        %get3A_693 = arith.index_cast %get3A_692 : i32 to index
        %get3A_694 = arith.index_cast %scan3A_261 : i32 to index
        %get3A_695 = arith.constant 432 : index
        %get3A_696 = tpu.vector_load %arg6[%get3A_693, %get3A_694, %get3A_695] {strides = array<i32>} : memref<4x32x768xf32, #tpu.memory_space<vmem>>, vector<1x1x16xf32>,
        %get3A_697 = vector.shape_cast %get3A_696 : vector<1x1x16xf32> to vector<16xf32>
        %mul3A_698 = arith.constant 27.7128124 : f32
        %mul3A_699 = vector.broadcast %mul3A_698 : f32 to vector<16xf32>
        %mul3A_700 = arith.mulf %get3A_697, %mul3A_699 : vector<16xf32>
        %swap3A_701 = arith.constant 2 : i32
        %swap3A_702 = arith.index_cast %swap3A_701 : i32 to index
        %swap3A_703 = arith.index_cast %scan3A_261 : i32 to index
        %swap3A_704 = arith.constant 432 : index
        %swap3A_705 = tpu.vector_load %arg6[%swap3A_702, %swap3A_703, %swap3A_704] {strides = array<i32>} : memref<4x32x768xf32, #tpu.memory_space<vmem>>, vector<1x1x16xf32>,
        %swap3A_706 = vector.shape_cast %swap3A_705 : vector<1x1x16xf32> to vector<16xf32>
        %swap3A_707 = vector.shape_cast %mul3A_700 : vector<16xf32> to vector<1x1x16xf32>
        tpu.vector_store %arg6[%swap3A_702, %swap3A_703, %swap3A_704], %swap3A_707 {strides = array<i32>} : memref<4x32x768xf32, #tpu.memory_space<vmem>>, vector<1x1x16xf32>,
        %get3A_708 = arith.constant 2 : i32
        %get3A_709 = arith.index_cast %get3A_708 : i32 to index
        %get3A_710 = arith.index_cast %scan3A_261 : i32 to index
        %get3A_711 = arith.constant 448 : index
        %get3A_712 = tpu.vector_load %arg6[%get3A_709, %get3A_710, %get3A_711] {strides = array<i32>} : memref<4x32x768xf32, #tpu.memory_space<vmem>>, vector<1x1x16xf32>,
        %get3A_713 = vector.shape_cast %get3A_712 : vector<1x1x16xf32> to vector<16xf32>
        %mul3A_714 = arith.constant 27.7128124 : f32
        %mul3A_715 = vector.broadcast %mul3A_714 : f32 to vector<16xf32>
        %mul3A_716 = arith.mulf %get3A_713, %mul3A_715 : vector<16xf32>
        %swap3A_717 = arith.constant 2 : i32
        %swap3A_718 = arith.index_cast %swap3A_717 : i32 to index
        %swap3A_719 = arith.index_cast %scan3A_261 : i32 to index
        %swap3A_720 = arith.constant 448 : index
        %swap3A_721 = tpu.vector_load %arg6[%swap3A_718, %swap3A_719, %swap3A_720] {strides = array<i32>} : memref<4x32x768xf32, #tpu.memory_space<vmem>>, vector<1x1x16xf32>,
        %swap3A_722 = vector.shape_cast %swap3A_721 : vector<1x1x16xf32> to vector<16xf32>
        %swap3A_723 = vector.shape_cast %mul3A_716 : vector<16xf32> to vector<1x1x16xf32>
        tpu.vector_store %arg6[%swap3A_718, %swap3A_719, %swap3A_720], %swap3A_723 {strides = array<i32>} : memref<4x32x768xf32, #tpu.memory_space<vmem>>, vector<1x1x16xf32>,
        %get3A_724 = arith.constant 2 : i32
        %get3A_725 = arith.index_cast %get3A_724 : i32 to index
        %get3A_726 = arith.index_cast %scan3A_261 : i32 to index
        %get3A_727 = arith.constant 464 : index
        %get3A_728 = tpu.vector_load %arg6[%get3A_725, %get3A_726, %get3A_727] {strides = array<i32>} : memref<4x32x768xf32, #tpu.memory_space<vmem>>, vector<1x1x16xf32>,
        %get3A_729 = vector.shape_cast %get3A_728 : vector<1x1x16xf32> to vector<16xf32>
        %mul3A_730 = arith.constant 27.7128124 : f32
        %mul3A_731 = vector.broadcast %mul3A_730 : f32 to vector<16xf32>
        %mul3A_732 = arith.mulf %get3A_729, %mul3A_731 : vector<16xf32>
        %swap3A_733 = arith.constant 2 : i32
        %swap3A_734 = arith.index_cast %swap3A_733 : i32 to index
        %swap3A_735 = arith.index_cast %scan3A_261 : i32 to index
        %swap3A_736 = arith.constant 464 : index
        %swap3A_737 = tpu.vector_load %arg6[%swap3A_734, %swap3A_735, %swap3A_736] {strides = array<i32>} : memref<4x32x768xf32, #tpu.memory_space<vmem>>, vector<1x1x16xf32>,
        %swap3A_738 = vector.shape_cast %swap3A_737 : vector<1x1x16xf32> to vector<16xf32>
        %swap3A_739 = vector.shape_cast %mul3A_732 : vector<16xf32> to vector<1x1x16xf32>
        tpu.vector_store %arg6[%swap3A_734, %swap3A_735, %swap3A_736], %swap3A_739 {strides = array<i32>} : memref<4x32x768xf32, #tpu.memory_space<vmem>>, vector<1x1x16xf32>,
        %get3A_740 = arith.constant 2 : i32
        %get3A_741 = arith.index_cast %get3A_740 : i32 to index
        %get3A_742 = arith.index_cast %scan3A_261 : i32 to index
        %get3A_743 = arith.constant 480 : index
        %get3A_744 = tpu.vector_load %arg6[%get3A_741, %get3A_742, %get3A_743] {strides = array<i32>} : memref<4x32x768xf32, #tpu.memory_space<vmem>>, vector<1x1x16xf32>,
        %get3A_745 = vector.shape_cast %get3A_744 : vector<1x1x16xf32> to vector<16xf32>
        %mul3A_746 = arith.constant 27.7128124 : f32
        %mul3A_747 = vector.broadcast %mul3A_746 : f32 to vector<16xf32>
        %mul3A_748 = arith.mulf %get3A_745, %mul3A_747 : vector<16xf32>
        %swap3A_749 = arith.constant 2 : i32
        %swap3A_750 = arith.index_cast %swap3A_749 : i32 to index
        %swap3A_751 = arith.index_cast %scan3A_261 : i32 to index
        %swap3A_752 = arith.constant 480 : index
        %swap3A_753 = tpu.vector_load %arg6[%swap3A_750, %swap3A_751, %swap3A_752] {strides = array<i32>} : memref<4x32x768xf32, #tpu.memory_space<vmem>>, vector<1x1x16xf32>,
        %swap3A_754 = vector.shape_cast %swap3A_753 : vector<1x1x16xf32> to vector<16xf32>
        %swap3A_755 = vector.shape_cast %mul3A_748 : vector<16xf32> to vector<1x1x16xf32>
        tpu.vector_store %arg6[%swap3A_750, %swap3A_751, %swap3A_752], %swap3A_755 {strides = array<i32>} : memref<4x32x768xf32, #tpu.memory_space<vmem>>, vector<1x1x16xf32>,
        %get3A_756 = arith.constant 2 : i32
        %get3A_757 = arith.index_cast %get3A_756 : i32 to index
        %get3A_758 = arith.index_cast %scan3A_261 : i32 to index
        %get3A_759 = arith.constant 496 : index
        %get3A_760 = tpu.vector_load %arg6[%get3A_757, %get3A_758, %get3A_759] {strides = array<i32>} : memref<4x32x768xf32, #tpu.memory_space<vmem>>, vector<1x1x16xf32>,
        %get3A_761 = vector.shape_cast %get3A_760 : vector<1x1x16xf32> to vector<16xf32>
        %mul3A_762 = arith.constant 27.7128124 : f32
        %mul3A_763 = vector.broadcast %mul3A_762 : f32 to vector<16xf32>
        %mul3A_764 = arith.mulf %get3A_761, %mul3A_763 : vector<16xf32>
        %swap3A_765 = arith.constant 2 : i32
        %swap3A_766 = arith.index_cast %swap3A_765 : i32 to index
        %swap3A_767 = arith.index_cast %scan3A_261 : i32 to index
        %swap3A_768 = arith.constant 496 : index
        %swap3A_769 = tpu.vector_load %arg6[%swap3A_766, %swap3A_767, %swap3A_768] {strides = array<i32>} : memref<4x32x768xf32, #tpu.memory_space<vmem>>, vector<1x1x16xf32>,
        %swap3A_770 = vector.shape_cast %swap3A_769 : vector<1x1x16xf32> to vector<16xf32>
        %swap3A_771 = vector.shape_cast %mul3A_764 : vector<16xf32> to vector<1x1x16xf32>
        tpu.vector_store %arg6[%swap3A_766, %swap3A_767, %swap3A_768], %swap3A_771 {strides = array<i32>} : memref<4x32x768xf32, #tpu.memory_space<vmem>>, vector<1x1x16xf32>,
        %get3A_772 = arith.constant 2 : i32
        %get3A_773 = arith.index_cast %get3A_772 : i32 to index
        %get3A_774 = arith.index_cast %scan3A_261 : i32 to index
        %get3A_775 = arith.constant 512 : index
        %get3A_776 = tpu.vector_load %arg6[%get3A_773, %get3A_774, %get3A_775] {strides = array<i32>} : memref<4x32x768xf32, #tpu.memory_space<vmem>>, vector<1x1x16xf32>,
        %get3A_777 = vector.shape_cast %get3A_776 : vector<1x1x16xf32> to vector<16xf32>
        %mul3A_778 = arith.constant 27.7128124 : f32
        %mul3A_779 = vector.broadcast %mul3A_778 : f32 to vector<16xf32>
        %mul3A_780 = arith.mulf %get3A_777, %mul3A_779 : vector<16xf32>
        %swap3A_781 = arith.constant 2 : i32
        %swap3A_782 = arith.index_cast %swap3A_781 : i32 to index
        %swap3A_783 = arith.index_cast %scan3A_261 : i32 to index
        %swap3A_784 = arith.constant 512 : index
        %swap3A_785 = tpu.vector_load %arg6[%swap3A_782, %swap3A_783, %swap3A_784] {strides = array<i32>} : memref<4x32x768xf32, #tpu.memory_space<vmem>>, vector<1x1x16xf32>,
        %swap3A_786 = vector.shape_cast %swap3A_785 : vector<1x1x16xf32> to vector<16xf32>
        %swap3A_787 = vector.shape_cast %mul3A_780 : vector<16xf32> to vector<1x1x16xf32>
        tpu.vector_store %arg6[%swap3A_782, %swap3A_783, %swap3A_784], %swap3A_787 {strides = array<i32>} : memref<4x32x768xf32, #tpu.memory_space<vmem>>, vector<1x1x16xf32>,
        %get3A_788 = arith.constant 2 : i32
        %get3A_789 = arith.index_cast %get3A_788 : i32 to index
        %get3A_790 = arith.index_cast %scan3A_261 : i32 to index
        %get3A_791 = arith.constant 528 : index
        %get3A_792 = tpu.vector_load %arg6[%get3A_789, %get3A_790, %get3A_791] {strides = array<i32>} : memref<4x32x768xf32, #tpu.memory_space<vmem>>, vector<1x1x16xf32>,
        %get3A_793 = vector.shape_cast %get3A_792 : vector<1x1x16xf32> to vector<16xf32>
        %mul3A_794 = arith.constant 27.7128124 : f32
        %mul3A_795 = vector.broadcast %mul3A_794 : f32 to vector<16xf32>
        %mul3A_796 = arith.mulf %get3A_793, %mul3A_795 : vector<16xf32>
        %swap3A_797 = arith.constant 2 : i32
        %swap3A_798 = arith.index_cast %swap3A_797 : i32 to index
        %swap3A_799 = arith.index_cast %scan3A_261 : i32 to index
        %swap3A_800 = arith.constant 528 : index
        %swap3A_801 = tpu.vector_load %arg6[%swap3A_798, %swap3A_799, %swap3A_800] {strides = array<i32>} : memref<4x32x768xf32, #tpu.memory_space<vmem>>, vector<1x1x16xf32>,
        %swap3A_802 = vector.shape_cast %swap3A_801 : vector<1x1x16xf32> to vector<16xf32>
        %swap3A_803 = vector.shape_cast %mul3A_796 : vector<16xf32> to vector<1x1x16xf32>
        tpu.vector_store %arg6[%swap3A_798, %swap3A_799, %swap3A_800], %swap3A_803 {strides = array<i32>} : memref<4x32x768xf32, #tpu.memory_space<vmem>>, vector<1x1x16xf32>,
        %get3A_804 = arith.constant 2 : i32
        %get3A_805 = arith.index_cast %get3A_804 : i32 to index
        %get3A_806 = arith.index_cast %scan3A_261 : i32 to index
        %get3A_807 = arith.constant 544 : index
        %get3A_808 = tpu.vector_load %arg6[%get3A_805, %get3A_806, %get3A_807] {strides = array<i32>} : memref<4x32x768xf32, #tpu.memory_space<vmem>>, vector<1x1x16xf32>,
        %get3A_809 = vector.shape_cast %get3A_808 : vector<1x1x16xf32> to vector<16xf32>
        %mul3A_810 = arith.constant 27.7128124 : f32
        %mul3A_811 = vector.broadcast %mul3A_810 : f32 to vector<16xf32>
        %mul3A_812 = arith.mulf %get3A_809, %mul3A_811 : vector<16xf32>
        %swap3A_813 = arith.constant 2 : i32
        %swap3A_814 = arith.index_cast %swap3A_813 : i32 to index
        %swap3A_815 = arith.index_cast %scan3A_261 : i32 to index
        %swap3A_816 = arith.constant 544 : index
        %swap3A_817 = tpu.vector_load %arg6[%swap3A_814, %swap3A_815, %swap3A_816] {strides = array<i32>} : memref<4x32x768xf32, #tpu.memory_space<vmem>>, vector<1x1x16xf32>,
        %swap3A_818 = vector.shape_cast %swap3A_817 : vector<1x1x16xf32> to vector<16xf32>
        %swap3A_819 = vector.shape_cast %mul3A_812 : vector<16xf32> to vector<1x1x16xf32>
        tpu.vector_store %arg6[%swap3A_814, %swap3A_815, %swap3A_816], %swap3A_819 {strides = array<i32>} : memref<4x32x768xf32, #tpu.memory_space<vmem>>, vector<1x1x16xf32>,
        %get3A_820 = arith.constant 2 : i32
        %get3A_821 = arith.index_cast %get3A_820 : i32 to index
        %get3A_822 = arith.index_cast %scan3A_261 : i32 to index
        %get3A_823 = arith.constant 560 : index
        %get3A_824 = tpu.vector_load %arg6[%get3A_821, %get3A_822, %get3A_823] {strides = array<i32>} : memref<4x32x768xf32, #tpu.memory_space<vmem>>, vector<1x1x16xf32>,
        %get3A_825 = vector.shape_cast %get3A_824 : vector<1x1x16xf32> to vector<16xf32>
        %mul3A_826 = arith.constant 27.7128124 : f32
        %mul3A_827 = vector.broadcast %mul3A_826 : f32 to vector<16xf32>
        %mul3A_828 = arith.mulf %get3A_825, %mul3A_827 : vector<16xf32>
        %swap3A_829 = arith.constant 2 : i32
        %swap3A_830 = arith.index_cast %swap3A_829 : i32 to index
        %swap3A_831 = arith.index_cast %scan3A_261 : i32 to index
        %swap3A_832 = arith.constant 560 : index
        %swap3A_833 = tpu.vector_load %arg6[%swap3A_830, %swap3A_831, %swap3A_832] {strides = array<i32>} : memref<4x32x768xf32, #tpu.memory_space<vmem>>, vector<1x1x16xf32>,
        %swap3A_834 = vector.shape_cast %swap3A_833 : vector<1x1x16xf32> to vector<16xf32>
        %swap3A_835 = vector.shape_cast %mul3A_828 : vector<16xf32> to vector<1x1x16xf32>
        tpu.vector_store %arg6[%swap3A_830, %swap3A_831, %swap3A_832], %swap3A_835 {strides = array<i32>} : memref<4x32x768xf32, #tpu.memory_space<vmem>>, vector<1x1x16xf32>,
        %get3A_836 = arith.constant 2 : i32
        %get3A_837 = arith.index_cast %get3A_836 : i32 to index
        %get3A_838 = arith.index_cast %scan3A_261 : i32 to index
        %get3A_839 = arith.constant 576 : index
        %get3A_840 = tpu.vector_load %arg6[%get3A_837, %get3A_838, %get3A_839] {strides = array<i32>} : memref<4x32x768xf32, #tpu.memory_space<vmem>>, vector<1x1x16xf32>,
        %get3A_841 = vector.shape_cast %get3A_840 : vector<1x1x16xf32> to vector<16xf32>
        %mul3A_842 = arith.constant 27.7128124 : f32
        %mul3A_843 = vector.broadcast %mul3A_842 : f32 to vector<16xf32>
        %mul3A_844 = arith.mulf %get3A_841, %mul3A_843 : vector<16xf32>
        %swap3A_845 = arith.constant 2 : i32
        %swap3A_846 = arith.index_cast %swap3A_845 : i32 to index
        %swap3A_847 = arith.index_cast %scan3A_261 : i32 to index
        %swap3A_848 = arith.constant 576 : index
        %swap3A_849 = tpu.vector_load %arg6[%swap3A_846, %swap3A_847, %swap3A_848] {strides = array<i32>} : memref<4x32x768xf32, #tpu.memory_space<vmem>>, vector<1x1x16xf32>,
        %swap3A_850 = vector.shape_cast %swap3A_849 : vector<1x1x16xf32> to vector<16xf32>
        %swap3A_851 = vector.shape_cast %mul3A_844 : vector<16xf32> to vector<1x1x16xf32>
        tpu.vector_store %arg6[%swap3A_846, %swap3A_847, %swap3A_848], %swap3A_851 {strides = array<i32>} : memref<4x32x768xf32, #tpu.memory_space<vmem>>, vector<1x1x16xf32>,
        %get3A_852 = arith.constant 2 : i32
        %get3A_853 = arith.index_cast %get3A_852 : i32 to index
        %get3A_854 = arith.index_cast %scan3A_261 : i32 to index
        %get3A_855 = arith.constant 592 : index
        %get3A_856 = tpu.vector_load %arg6[%get3A_853, %get3A_854, %get3A_855] {strides = array<i32>} : memref<4x32x768xf32, #tpu.memory_space<vmem>>, vector<1x1x16xf32>,
        %get3A_857 = vector.shape_cast %get3A_856 : vector<1x1x16xf32> to vector<16xf32>
        %mul3A_858 = arith.constant 27.7128124 : f32
        %mul3A_859 = vector.broadcast %mul3A_858 : f32 to vector<16xf32>
        %mul3A_860 = arith.mulf %get3A_857, %mul3A_859 : vector<16xf32>
        %swap3A_861 = arith.constant 2 : i32
        %swap3A_862 = arith.index_cast %swap3A_861 : i32 to index
        %swap3A_863 = arith.index_cast %scan3A_261 : i32 to index
        %swap3A_864 = arith.constant 592 : index
        %swap3A_865 = tpu.vector_load %arg6[%swap3A_862, %swap3A_863, %swap3A_864] {strides = array<i32>} : memref<4x32x768xf32, #tpu.memory_space<vmem>>, vector<1x1x16xf32>,
        %swap3A_866 = vector.shape_cast %swap3A_865 : vector<1x1x16xf32> to vector<16xf32>
        %swap3A_867 = vector.shape_cast %mul3A_860 : vector<16xf32> to vector<1x1x16xf32>
        tpu.vector_store %arg6[%swap3A_862, %swap3A_863, %swap3A_864], %swap3A_867 {strides = array<i32>} : memref<4x32x768xf32, #tpu.memory_space<vmem>>, vector<1x1x16xf32>,
        %get3A_868 = arith.constant 2 : i32
        %get3A_869 = arith.index_cast %get3A_868 : i32 to index
        %get3A_870 = arith.index_cast %scan3A_261 : i32 to index
        %get3A_871 = arith.constant 608 : index
        %get3A_872 = tpu.vector_load %arg6[%get3A_869, %get3A_870, %get3A_871] {strides = array<i32>} : memref<4x32x768xf32, #tpu.memory_space<vmem>>, vector<1x1x16xf32>,
        %get3A_873 = vector.shape_cast %get3A_872 : vector<1x1x16xf32> to vector<16xf32>
        %mul3A_874 = arith.constant 27.7128124 : f32
        %mul3A_875 = vector.broadcast %mul3A_874 : f32 to vector<16xf32>
        %mul3A_876 = arith.mulf %get3A_873, %mul3A_875 : vector<16xf32>
        %swap3A_877 = arith.constant 2 : i32
        %swap3A_878 = arith.index_cast %swap3A_877 : i32 to index
        %swap3A_879 = arith.index_cast %scan3A_261 : i32 to index
        %swap3A_880 = arith.constant 608 : index
        %swap3A_881 = tpu.vector_load %arg6[%swap3A_878, %swap3A_879, %swap3A_880] {strides = array<i32>} : memref<4x32x768xf32, #tpu.memory_space<vmem>>, vector<1x1x16xf32>,
        %swap3A_882 = vector.shape_cast %swap3A_881 : vector<1x1x16xf32> to vector<16xf32>
        %swap3A_883 = vector.shape_cast %mul3A_876 : vector<16xf32> to vector<1x1x16xf32>
        tpu.vector_store %arg6[%swap3A_878, %swap3A_879, %swap3A_880], %swap3A_883 {strides = array<i32>} : memref<4x32x768xf32, #tpu.memory_space<vmem>>, vector<1x1x16xf32>,
        %get3A_884 = arith.constant 2 : i32
        %get3A_885 = arith.index_cast %get3A_884 : i32 to index
        %get3A_886 = arith.index_cast %scan3A_261 : i32 to index
        %get3A_887 = arith.constant 624 : index
        %get3A_888 = tpu.vector_load %arg6[%get3A_885, %get3A_886, %get3A_887] {strides = array<i32>} : memref<4x32x768xf32, #tpu.memory_space<vmem>>, vector<1x1x16xf32>,
        %get3A_889 = vector.shape_cast %get3A_888 : vector<1x1x16xf32> to vector<16xf32>
        %mul3A_890 = arith.constant 27.7128124 : f32
        %mul3A_891 = vector.broadcast %mul3A_890 : f32 to vector<16xf32>
        %mul3A_892 = arith.mulf %get3A_889, %mul3A_891 : vector<16xf32>
        %swap3A_893 = arith.constant 2 : i32
        %swap3A_894 = arith.index_cast %swap3A_893 : i32 to index
        %swap3A_895 = arith.index_cast %scan3A_261 : i32 to index
        %swap3A_896 = arith.constant 624 : index
        %swap3A_897 = tpu.vector_load %arg6[%swap3A_894, %swap3A_895, %swap3A_896] {strides = array<i32>} : memref<4x32x768xf32, #tpu.memory_space<vmem>>, vector<1x1x16xf32>,
        %swap3A_898 = vector.shape_cast %swap3A_897 : vector<1x1x16xf32> to vector<16xf32>
        %swap3A_899 = vector.shape_cast %mul3A_892 : vector<16xf32> to vector<1x1x16xf32>
        tpu.vector_store %arg6[%swap3A_894, %swap3A_895, %swap3A_896], %swap3A_899 {strides = array<i32>} : memref<4x32x768xf32, #tpu.memory_space<vmem>>, vector<1x1x16xf32>,
        %get3A_900 = arith.constant 2 : i32
        %get3A_901 = arith.index_cast %get3A_900 : i32 to index
        %get3A_902 = arith.index_cast %scan3A_261 : i32 to index
        %get3A_903 = arith.constant 640 : index
        %get3A_904 = tpu.vector_load %arg6[%get3A_901, %get3A_902, %get3A_903] {strides = array<i32>} : memref<4x32x768xf32, #tpu.memory_space<vmem>>, vector<1x1x16xf32>,
        %get3A_905 = vector.shape_cast %get3A_904 : vector<1x1x16xf32> to vector<16xf32>
        %mul3A_906 = arith.constant 27.7128124 : f32
        %mul3A_907 = vector.broadcast %mul3A_906 : f32 to vector<16xf32>
        %mul3A_908 = arith.mulf %get3A_905, %mul3A_907 : vector<16xf32>
        %swap3A_909 = arith.constant 2 : i32
        %swap3A_910 = arith.index_cast %swap3A_909 : i32 to index
        %swap3A_911 = arith.index_cast %scan3A_261 : i32 to index
        %swap3A_912 = arith.constant 640 : index
        %swap3A_913 = tpu.vector_load %arg6[%swap3A_910, %swap3A_911, %swap3A_912] {strides = array<i32>} : memref<4x32x768xf32, #tpu.memory_space<vmem>>, vector<1x1x16xf32>,
        %swap3A_914 = vector.shape_cast %swap3A_913 : vector<1x1x16xf32> to vector<16xf32>
        %swap3A_915 = vector.shape_cast %mul3A_908 : vector<16xf32> to vector<1x1x16xf32>
        tpu.vector_store %arg6[%swap3A_910, %swap3A_911, %swap3A_912], %swap3A_915 {strides = array<i32>} : memref<4x32x768xf32, #tpu.memory_space<vmem>>, vector<1x1x16xf32>,
        %get3A_916 = arith.constant 2 : i32
        %get3A_917 = arith.index_cast %get3A_916 : i32 to index
        %get3A_918 = arith.index_cast %scan3A_261 : i32 to index
        %get3A_919 = arith.constant 656 : index
        %get3A_920 = tpu.vector_load %arg6[%get3A_917, %get3A_918, %get3A_919] {strides = array<i32>} : memref<4x32x768xf32, #tpu.memory_space<vmem>>, vector<1x1x16xf32>,
        %get3A_921 = vector.shape_cast %get3A_920 : vector<1x1x16xf32> to vector<16xf32>
        %mul3A_922 = arith.constant 27.7128124 : f32
        %mul3A_923 = vector.broadcast %mul3A_922 : f32 to vector<16xf32>
        %mul3A_924 = arith.mulf %get3A_921, %mul3A_923 : vector<16xf32>
        %swap3A_925 = arith.constant 2 : i32
        %swap3A_926 = arith.index_cast %swap3A_925 : i32 to index
        %swap3A_927 = arith.index_cast %scan3A_261 : i32 to index
        %swap3A_928 = arith.constant 656 : index
        %swap3A_929 = tpu.vector_load %arg6[%swap3A_926, %swap3A_927, %swap3A_928] {strides = array<i32>} : memref<4x32x768xf32, #tpu.memory_space<vmem>>, vector<1x1x16xf32>,
        %swap3A_930 = vector.shape_cast %swap3A_929 : vector<1x1x16xf32> to vector<16xf32>
        %swap3A_931 = vector.shape_cast %mul3A_924 : vector<16xf32> to vector<1x1x16xf32>
        tpu.vector_store %arg6[%swap3A_926, %swap3A_927, %swap3A_928], %swap3A_931 {strides = array<i32>} : memref<4x32x768xf32, #tpu.memory_space<vmem>>, vector<1x1x16xf32>,
        %get3A_932 = arith.constant 2 : i32
        %get3A_933 = arith.index_cast %get3A_932 : i32 to index
        %get3A_934 = arith.index_cast %scan3A_261 : i32 to index
        %get3A_935 = arith.constant 672 : index
        %get3A_936 = tpu.vector_load %arg6[%get3A_933, %get3A_934, %get3A_935] {strides = array<i32>} : memref<4x32x768xf32, #tpu.memory_space<vmem>>, vector<1x1x16xf32>,
        %get3A_937 = vector.shape_cast %get3A_936 : vector<1x1x16xf32> to vector<16xf32>
        %mul3A_938 = arith.constant 27.7128124 : f32
        %mul3A_939 = vector.broadcast %mul3A_938 : f32 to vector<16xf32>
        %mul3A_940 = arith.mulf %get3A_937, %mul3A_939 : vector<16xf32>
        %swap3A_941 = arith.constant 2 : i32
        %swap3A_942 = arith.index_cast %swap3A_941 : i32 to index
        %swap3A_943 = arith.index_cast %scan3A_261 : i32 to index
        %swap3A_944 = arith.constant 672 : index
        %swap3A_945 = tpu.vector_load %arg6[%swap3A_942, %swap3A_943, %swap3A_944] {strides = array<i32>} : memref<4x32x768xf32, #tpu.memory_space<vmem>>, vector<1x1x16xf32>,
        %swap3A_946 = vector.shape_cast %swap3A_945 : vector<1x1x16xf32> to vector<16xf32>
        %swap3A_947 = vector.shape_cast %mul3A_940 : vector<16xf32> to vector<1x1x16xf32>
        tpu.vector_store %arg6[%swap3A_942, %swap3A_943, %swap3A_944], %swap3A_947 {strides = array<i32>} : memref<4x32x768xf32, #tpu.memory_space<vmem>>, vector<1x1x16xf32>,
        %get3A_948 = arith.constant 2 : i32
        %get3A_949 = arith.index_cast %get3A_948 : i32 to index
        %get3A_950 = arith.index_cast %scan3A_261 : i32 to index
        %get3A_951 = arith.constant 688 : index
        %get3A_952 = tpu.vector_load %arg6[%get3A_949, %get3A_950, %get3A_951] {strides = array<i32>} : memref<4x32x768xf32, #tpu.memory_space<vmem>>, vector<1x1x16xf32>,
        %get3A_953 = vector.shape_cast %get3A_952 : vector<1x1x16xf32> to vector<16xf32>
        %mul3A_954 = arith.constant 27.7128124 : f32
        %mul3A_955 = vector.broadcast %mul3A_954 : f32 to vector<16xf32>
        %mul3A_956 = arith.mulf %get3A_953, %mul3A_955 : vector<16xf32>
        %swap3A_957 = arith.constant 2 : i32
        %swap3A_958 = arith.index_cast %swap3A_957 : i32 to index
        %swap3A_959 = arith.index_cast %scan3A_261 : i32 to index
        %swap3A_960 = arith.constant 688 : index
        %swap3A_961 = tpu.vector_load %arg6[%swap3A_958, %swap3A_959, %swap3A_960] {strides = array<i32>} : memref<4x32x768xf32, #tpu.memory_space<vmem>>, vector<1x1x16xf32>,
        %swap3A_962 = vector.shape_cast %swap3A_961 : vector<1x1x16xf32> to vector<16xf32>
        %swap3A_963 = vector.shape_cast %mul3A_956 : vector<16xf32> to vector<1x1x16xf32>
        tpu.vector_store %arg6[%swap3A_958, %swap3A_959, %swap3A_960], %swap3A_963 {strides = array<i32>} : memref<4x32x768xf32, #tpu.memory_space<vmem>>, vector<1x1x16xf32>,
        %get3A_964 = arith.constant 2 : i32
        %get3A_965 = arith.index_cast %get3A_964 : i32 to index
        %get3A_966 = arith.index_cast %scan3A_261 : i32 to index
        %get3A_967 = arith.constant 704 : index
        %get3A_968 = tpu.vector_load %arg6[%get3A_965, %get3A_966, %get3A_967] {strides = array<i32>} : memref<4x32x768xf32, #tpu.memory_space<vmem>>, vector<1x1x16xf32>,
        %get3A_969 = vector.shape_cast %get3A_968 : vector<1x1x16xf32> to vector<16xf32>
        %mul3A_970 = arith.constant 27.7128124 : f32
        %mul3A_971 = vector.broadcast %mul3A_970 : f32 to vector<16xf32>
        %mul3A_972 = arith.mulf %get3A_969, %mul3A_971 : vector<16xf32>
        %swap3A_973 = arith.constant 2 : i32
        %swap3A_974 = arith.index_cast %swap3A_973 : i32 to index
        %swap3A_975 = arith.index_cast %scan3A_261 : i32 to index
        %swap3A_976 = arith.constant 704 : index
        %swap3A_977 = tpu.vector_load %arg6[%swap3A_974, %swap3A_975, %swap3A_976] {strides = array<i32>} : memref<4x32x768xf32, #tpu.memory_space<vmem>>, vector<1x1x16xf32>,
        %swap3A_978 = vector.shape_cast %swap3A_977 : vector<1x1x16xf32> to vector<16xf32>
        %swap3A_979 = vector.shape_cast %mul3A_972 : vector<16xf32> to vector<1x1x16xf32>
        tpu.vector_store %arg6[%swap3A_974, %swap3A_975, %swap3A_976], %swap3A_979 {strides = array<i32>} : memref<4x32x768xf32, #tpu.memory_space<vmem>>, vector<1x1x16xf32>,
        %get3A_980 = arith.constant 2 : i32
        %get3A_981 = arith.index_cast %get3A_980 : i32 to index
        %get3A_982 = arith.index_cast %scan3A_261 : i32 to index
        %get3A_983 = arith.constant 720 : index
        %get3A_984 = tpu.vector_load %arg6[%get3A_981, %get3A_982, %get3A_983] {strides = array<i32>} : memref<4x32x768xf32, #tpu.memory_space<vmem>>, vector<1x1x16xf32>,
        %get3A_985 = vector.shape_cast %get3A_984 : vector<1x1x16xf32> to vector<16xf32>
        %mul3A_986 = arith.constant 27.7128124 : f32
        %mul3A_987 = vector.broadcast %mul3A_986 : f32 to vector<16xf32>
        %mul3A_988 = arith.mulf %get3A_985, %mul3A_987 : vector<16xf32>
        %swap3A_989 = arith.constant 2 : i32
        %swap3A_990 = arith.index_cast %swap3A_989 : i32 to index
        %swap3A_991 = arith.index_cast %scan3A_261 : i32 to index
        %swap3A_992 = arith.constant 720 : index
        %swap3A_993 = tpu.vector_load %arg6[%swap3A_990, %swap3A_991, %swap3A_992] {strides = array<i32>} : memref<4x32x768xf32, #tpu.memory_space<vmem>>, vector<1x1x16xf32>,
        %swap3A_994 = vector.shape_cast %swap3A_993 : vector<1x1x16xf32> to vector<16xf32>
        %swap3A_995 = vector.shape_cast %mul3A_988 : vector<16xf32> to vector<1x1x16xf32>
        tpu.vector_store %arg6[%swap3A_990, %swap3A_991, %swap3A_992], %swap3A_995 {strides = array<i32>} : memref<4x32x768xf32, #tpu.memory_space<vmem>>, vector<1x1x16xf32>,
        %get3A_996 = arith.constant 2 : i32
        %get3A_997 = arith.index_cast %get3A_996 : i32 to index
        %get3A_998 = arith.index_cast %scan3A_261 : i32 to index
        %get3A_999 = arith.constant 736 : index
        %get3A_1000 = tpu.vector_load %arg6[%get3A_997, %get3A_998, %get3A_999] {strides = array<i32>} : memref<4x32x768xf32, #tpu.memory_space<vmem>>, vector<1x1x16xf32>,
        %get3A_1001 = vector.shape_cast %get3A_1000 : vector<1x1x16xf32> to vector<16xf32>
        %mul3A_1002 = arith.constant 27.7128124 : f32
        %mul3A_1003 = vector.broadcast %mul3A_1002 : f32 to vector<16xf32>
        %mul3A_1004 = arith.mulf %get3A_1001, %mul3A_1003 : vector<16xf32>
        %swap3A_1005 = arith.constant 2 : i32
        %swap3A_1006 = arith.index_cast %swap3A_1005 : i32 to index
        %swap3A_1007 = arith.index_cast %scan3A_261 : i32 to index
        %swap3A_1008 = arith.constant 736 : index
        %swap3A_1009 = tpu.vector_load %arg6[%swap3A_1006, %swap3A_1007, %swap3A_1008] {strides = array<i32>} : memref<4x32x768xf32, #tpu.memory_space<vmem>>, vector<1x1x16xf32>,
        %swap3A_1010 = vector.shape_cast %swap3A_1009 : vector<1x1x16xf32> to vector<16xf32>
        %swap3A_1011 = vector.shape_cast %mul3A_1004 : vector<16xf32> to vector<1x1x16xf32>
        tpu.vector_store %arg6[%swap3A_1006, %swap3A_1007, %swap3A_1008], %swap3A_1011 {strides = array<i32>} : memref<4x32x768xf32, #tpu.memory_space<vmem>>, vector<1x1x16xf32>,
        %get3A_1012 = arith.constant 2 : i32
        %get3A_1013 = arith.index_cast %get3A_1012 : i32 to index
        %get3A_1014 = arith.index_cast %scan3A_261 : i32 to index
        %get3A_1015 = arith.constant 752 : index
        %get3A_1016 = tpu.vector_load %arg6[%get3A_1013, %get3A_1014, %get3A_1015] {strides = array<i32>} : memref<4x32x768xf32, #tpu.memory_space<vmem>>, vector<1x1x16xf32>,
        %get3A_1017 = vector.shape_cast %get3A_1016 : vector<1x1x16xf32> to vector<16xf32>
        %mul3A_1018 = arith.constant 27.7128124 : f32
        %mul3A_1019 = vector.broadcast %mul3A_1018 : f32 to vector<16xf32>
        %mul3A_1020 = arith.mulf %get3A_1017, %mul3A_1019 : vector<16xf32>
        %swap3A_1021 = arith.constant 2 : i32
        %swap3A_1022 = arith.index_cast %swap3A_1021 : i32 to index
        %swap3A_1023 = arith.index_cast %scan3A_261 : i32 to index
        %swap3A_1024 = arith.constant 752 : index
        %swap3A_1025 = tpu.vector_load %arg6[%swap3A_1022, %swap3A_1023, %swap3A_1024] {strides = array<i32>} : memref<4x32x768xf32, #tpu.memory_space<vmem>>, vector<1x1x16xf32>,
        %swap3A_1026 = vector.shape_cast %swap3A_1025 : vector<1x1x16xf32> to vector<16xf32>
        %swap3A_1027 = vector.shape_cast %mul3A_1020 : vector<16xf32> to vector<1x1x16xf32>
        tpu.vector_store %arg6[%swap3A_1022, %swap3A_1023, %swap3A_1024], %swap3A_1027 {strides = array<i32>} : memref<4x32x768xf32, #tpu.memory_space<vmem>>, vector<1x1x16xf32>,
      }
      %scan3A_193 = arith.constant 32 : i32
      %mul3A_194 = arith.constant 32 : i32
      %mul3A_195 = arith.muli %add3A_162, %mul3A_194 : i32
      %add3A_196 = arith.addi %mul3A_2, %mul3A_195 : i32
      %dma_start3A_197 = arith.constant 2 : i32
      %dma_start3A_198 = arith.constant 0 : i32
      %dma_start3A_199 = arith.constant 0 : i32
      %dma_start3A_200 = tpu.memref_slice %arg6[%dma_start3A_197, %dma_start3A_198, %dma_start3A_199] : memref<4x32x768xf32, #tpu.memory_space<vmem>> -> memref<1x32x768xf32, #tpu.memory_space<vmem>>
      %dma_start3A_201 = tpu.memref_squeeze %dma_start3A_200 : memref<1x32x768xf32, #tpu.memory_space<vmem>> -> memref<32x768xf32, #tpu.memory_space<vmem>>
      %dma_start3A_202 = arith.constant 0 : i32
      %dma_start3A_203 = tpu.memref_slice %arg4[%add3A_196, %dma_start3A_202] : memref<32768x768xf32, #tpu.memory_space<hbm>> -> memref<32x768xf32, #tpu.memory_space<hbm>>
      %dma_start3A_204 = arith.constant 0 : i32
      %dma_start3A_205 = tpu.memref_slice %arg4[%add3A_196, %dma_start3A_204] : memref<32768x768xf32, #tpu.memory_space<hbm>> -> memref<32x768xf32, #tpu.memory_space<hbm>>
      %dma_start3A_206 = arith.constant 0 : i32
      %dma_start3A_207 = arith.constant 0 : i32
      %dma_start3A_208 = tpu.memref_slice %arg6[%dma_start3A_197, %dma_start3A_206, %dma_start3A_207] : memref<4x32x768xf32, #tpu.memory_space<vmem>> -> memref<1x32x768xf32, #tpu.memory_space<vmem>>
      %dma_start3A_209 = tpu.memref_squeeze %dma_start3A_208 : memref<1x32x768xf32, #tpu.memory_space<vmem>> -> memref<32x768xf32, #tpu.memory_space<vmem>>
      tpu.enqueue_dma source(%dma_start3A_209 : memref<32x768xf32, #tpu.memory_space<vmem>>) target(%dma_start3A_205 : memref<32x768xf32, #tpu.memory_space<hbm>>) target_semaphore(%arg13 : memref<!tpu.dma_semaphore, #tpu.memory_space<semaphore_mem>>)
      %mul3A_210 = arith.constant 4 : i32
      %mul3A_211 = arith.muli %scan3A_60, %mul3A_210 : i32
      %add3A_212 = arith.constant 3 : i32
      %add3A_213 = arith.addi %mul3A_211, %add3A_212 : i32
      %add3A_214 = arith.constant 2 : i32
      %add3A_215 = arith.addi %add3A_213, %add3A_214 : i32
      %ge3A_216 = arith.constant 4 : i32
      %ge3A_217 = arith.cmpi sge, %add3A_215, %ge3A_216 : i32
      %convert_element_type3A_218 = arith.extui %ge3A_217 : i1 to i32
      %cond3A_219 = arith.constant 0 : i32
      %cond3A_220 = arith.cmpi ne, %convert_element_type3A_218, %cond3A_219 : i32
      scf.if %cond3A_220 {
        %add3A_261 = arith.constant 2 : i32
        %add3A_262 = arith.addi %add3A_213, %add3A_261 : i32
        %sub3A = arith.constant 4 : i32
        %sub3A_263 = arith.subi %add3A_262, %sub3A : i32
        %mul3A_264 = arith.constant 32 : i32
        %mul3A_265 = arith.muli %sub3A_263, %mul3A_264 : i32
        %add3A_266 = arith.addi %mul3A_2, %mul3A_265 : i32
        %dma_wait3A_267 = arith.constant 1 : i32
        %dma_wait3A_268 = arith.constant 0 : i32
        %dma_wait3A_269 = arith.constant 0 : i32
        %dma_wait3A_270 = tpu.memref_slice %arg6[%dma_wait3A_267, %dma_wait3A_268, %dma_wait3A_269] : memref<4x32x768xf32, #tpu.memory_space<vmem>> -> memref<1x32x768xf32, #tpu.memory_space<vmem>>
        %dma_wait3A_271 = tpu.memref_squeeze %dma_wait3A_270 : memref<1x32x768xf32, #tpu.memory_space<vmem>> -> memref<32x768xf32, #tpu.memory_space<vmem>>
        %dma_wait3A_272 = arith.constant 0 : i32
        %dma_wait3A_273 = tpu.memref_slice %arg4[%add3A_266, %dma_wait3A_272] : memref<32768x768xf32, #tpu.memory_space<hbm>> -> memref<32x768xf32, #tpu.memory_space<hbm>>
        %dma_wait3A_274 = arith.constant 0 : i32
        %dma_wait3A_275 = tpu.memref_slice %arg4[%add3A_266, %dma_wait3A_274] : memref<32768x768xf32, #tpu.memory_space<hbm>> -> memref<32x768xf32, #tpu.memory_space<hbm>>
        %dma_wait3A_276 = arith.constant 0 : i32
        %dma_wait3A_277 = arith.constant 0 : i32
        %dma_wait3A_278 = tpu.memref_slice %arg6[%dma_wait3A_267, %dma_wait3A_276, %dma_wait3A_277] : memref<4x32x768xf32, #tpu.memory_space<vmem>> -> memref<1x32x768xf32, #tpu.memory_space<vmem>>
        %dma_wait3A_279 = tpu.memref_squeeze %dma_wait3A_278 : memref<1x32x768xf32, #tpu.memory_space<vmem>> -> memref<32x768xf32, #tpu.memory_space<vmem>>
        tpu.wait_dma2 semaphore(%arg12 : memref<!tpu.dma_semaphore, #tpu.memory_space<semaphore_mem>>) src(%dma_wait3A_279 : memref<32x768xf32, #tpu.memory_space<vmem>>) dst(%dma_wait3A_275 : memref<32x768xf32, #tpu.memory_space<hbm>>)
      } else {
      }
      %add3A_221 = arith.constant 2 : i32
      %add3A_222 = arith.addi %add3A_213, %add3A_221 : i32
      %lt3A_223 = arith.constant 32 : i32
      %lt3A_224 = arith.cmpi slt, %add3A_222, %lt3A_223 : i32
      %convert_element_type3A_225 = arith.extui %lt3A_224 : i1 to i32
      %cond3A_226 = arith.constant 0 : i32
      %cond3A_227 = arith.cmpi ne, %convert_element_type3A_225, %cond3A_226 : i32
      scf.if %cond3A_227 {
        %add3A_261 = arith.constant 2 : i32
        %add3A_262 = arith.addi %add3A_213, %add3A_261 : i32
        %dma_start3A_263 = arith.constant 1 : i32
        %dma_start3A_264 = arith.constant 0 : i32
        %dma_start3A_265 = arith.constant 0 : i32
        %dma_start3A_266 = tpu.memref_slice %arg6[%dma_start3A_263, %dma_start3A_264, %dma_start3A_265] : memref<4x32x768xf32, #tpu.memory_space<vmem>> -> memref<1x32x768xf32, #tpu.memory_space<vmem>>
        %dma_start3A_267 = tpu.memref_squeeze %dma_start3A_266 : memref<1x32x768xf32, #tpu.memory_space<vmem>> -> memref<32x768xf32, #tpu.memory_space<vmem>>
        %dma_start3A_268 = arith.constant 0 : i32
        %dma_start3A_269 = tpu.memref_slice %arg5[%add3A_262, %dma_start3A_268] : memref<32x32xi32, #tpu.memory_space<vmem>> -> memref<1x32xi32, #tpu.memory_space<vmem>>
        %dma_start3A_270 = tpu.memref_squeeze %dma_start3A_269 : memref<1x32xi32, #tpu.memory_space<vmem>> -> memref<32xi32, #tpu.memory_space<vmem>>
        %dma_start3A_271 = arith.constant 0 : i32
        %dma_start3A_272 = arith.constant 0 : i32
        %dma_start3A_273 = tpu.memref_slice %arg3[%dma_start3A_271, %dma_start3A_272] : memref<100000x768xf32, #tpu.memory_space<hbm>> -> memref<100000x768xf32, #tpu.memory_space<hbm>>
        tpu.enqueue_indirect_dma source(%dma_start3A_273 : memref<100000x768xf32, #tpu.memory_space<hbm>>) target(%dma_start3A_267 : memref<32x768xf32, #tpu.memory_space<vmem>>) offsets(%dma_start3A_270 : memref<32xi32, #tpu.memory_space<vmem>>) semaphore(%arg8 : memref<!tpu.dma_semaphore, #tpu.memory_space<semaphore_mem>>)
      } else {
      }
      %dma_wait3A_228 = arith.constant 3 : i32
      %dma_wait3A_229 = arith.constant 0 : i32
      %dma_wait3A_230 = arith.constant 0 : i32
      %dma_wait3A_231 = tpu.memref_slice %arg6[%dma_wait3A_228, %dma_wait3A_229, %dma_wait3A_230] : memref<4x32x768xf32, #tpu.memory_space<vmem>> -> memref<1x32x768xf32, #tpu.memory_space<vmem>>
      %dma_wait3A_232 = tpu.memref_squeeze %dma_wait3A_231 : memref<1x32x768xf32, #tpu.memory_space<vmem>> -> memref<32x768xf32, #tpu.memory_space<vmem>>
      %dma_wait3A_233 = arith.constant 0 : i32
      %dma_wait3A_234 = tpu.memref_slice %arg5[%add3A_213, %dma_wait3A_233] : memref<32x32xi32, #tpu.memory_space<vmem>> -> memref<1x32xi32, #tpu.memory_space<vmem>>
      %dma_wait3A_235 = tpu.memref_squeeze %dma_wait3A_234 : memref<1x32xi32, #tpu.memory_space<vmem>> -> memref<32xi32, #tpu.memory_space<vmem>>
      %dma_wait3A_236 = arith.constant 0 : i32
      %dma_wait3A_237 = arith.constant 0 : i32
      %dma_wait3A_238 = tpu.memref_slice %arg3[%dma_wait3A_236, %dma_wait3A_237] : memref<100000x768xf32, #tpu.memory_space<hbm>> -> memref<100000x768xf32, #tpu.memory_space<hbm>>
      tpu.wait_indirect_dma semaphore(%arg10 : memref<!tpu.dma_semaphore, #tpu.memory_space<semaphore_mem>>) src(%dma_wait3A_238 : memref<100000x768xf32, #tpu.memory_space<hbm>>) dst(%dma_wait3A_232 : memref<32x768xf32, #tpu.memory_space<vmem>>)
      %scan3A_239 = arith.constant 0 : i32
      %scan3A_240 = arith.constant 0 : i32
      %scan3A_241 = arith.constant 32 : i32
      %scan3A_242 = arith.addi %scan3A_240, %scan3A_241 : i32
      %scan3A_243 = arith.constant 1 : i32
      scf.for %scan3A_261 = %scan3A_240 to %scan3A_242 step %scan3A_243  : i32 {
        %get3A = arith.constant 3 : i32
        %get3A_262 = arith.index_cast %get3A : i32 to index
        %get3A_263 = arith.index_cast %scan3A_261 : i32 to index
        %get3A_264 = arith.constant 0 : index
        %get3A_265 = tpu.vector_load %arg6[%get3A_262, %get3A_263, %get3A_264] {strides = array<i32>} : memref<4x32x768xf32, #tpu.memory_space<vmem>>, vector<1x1x16xf32>,
        %get3A_266 = vector.shape_cast %get3A_265 : vector<1x1x16xf32> to vector<16xf32>
        %mul3A_267 = arith.constant 27.7128124 : f32
        %mul3A_268 = vector.broadcast %mul3A_267 : f32 to vector<16xf32>
        %mul3A_269 = arith.mulf %get3A_266, %mul3A_268 : vector<16xf32>
        %swap3A = arith.constant 3 : i32
        %swap3A_270 = arith.index_cast %swap3A : i32 to index
        %swap3A_271 = arith.index_cast %scan3A_261 : i32 to index
        %swap3A_272 = arith.constant 0 : index
        %swap3A_273 = tpu.vector_load %arg6[%swap3A_270, %swap3A_271, %swap3A_272] {strides = array<i32>} : memref<4x32x768xf32, #tpu.memory_space<vmem>>, vector<1x1x16xf32>,
        %swap3A_274 = vector.shape_cast %swap3A_273 : vector<1x1x16xf32> to vector<16xf32>
        %swap3A_275 = vector.shape_cast %mul3A_269 : vector<16xf32> to vector<1x1x16xf32>
        tpu.vector_store %arg6[%swap3A_270, %swap3A_271, %swap3A_272], %swap3A_275 {strides = array<i32>} : memref<4x32x768xf32, #tpu.memory_space<vmem>>, vector<1x1x16xf32>,
        %get3A_276 = arith.constant 3 : i32
        %get3A_277 = arith.index_cast %get3A_276 : i32 to index
        %get3A_278 = arith.index_cast %scan3A_261 : i32 to index
        %get3A_279 = arith.constant 16 : index
        %get3A_280 = tpu.vector_load %arg6[%get3A_277, %get3A_278, %get3A_279] {strides = array<i32>} : memref<4x32x768xf32, #tpu.memory_space<vmem>>, vector<1x1x16xf32>,
        %get3A_281 = vector.shape_cast %get3A_280 : vector<1x1x16xf32> to vector<16xf32>
        %mul3A_282 = arith.constant 27.7128124 : f32
        %mul3A_283 = vector.broadcast %mul3A_282 : f32 to vector<16xf32>
        %mul3A_284 = arith.mulf %get3A_281, %mul3A_283 : vector<16xf32>
        %swap3A_285 = arith.constant 3 : i32
        %swap3A_286 = arith.index_cast %swap3A_285 : i32 to index
        %swap3A_287 = arith.index_cast %scan3A_261 : i32 to index
        %swap3A_288 = arith.constant 16 : index
        %swap3A_289 = tpu.vector_load %arg6[%swap3A_286, %swap3A_287, %swap3A_288] {strides = array<i32>} : memref<4x32x768xf32, #tpu.memory_space<vmem>>, vector<1x1x16xf32>,
        %swap3A_290 = vector.shape_cast %swap3A_289 : vector<1x1x16xf32> to vector<16xf32>
        %swap3A_291 = vector.shape_cast %mul3A_284 : vector<16xf32> to vector<1x1x16xf32>
        tpu.vector_store %arg6[%swap3A_286, %swap3A_287, %swap3A_288], %swap3A_291 {strides = array<i32>} : memref<4x32x768xf32, #tpu.memory_space<vmem>>, vector<1x1x16xf32>,
        %get3A_292 = arith.constant 3 : i32
        %get3A_293 = arith.index_cast %get3A_292 : i32 to index
        %get3A_294 = arith.index_cast %scan3A_261 : i32 to index
        %get3A_295 = arith.constant 32 : index
        %get3A_296 = tpu.vector_load %arg6[%get3A_293, %get3A_294, %get3A_295] {strides = array<i32>} : memref<4x32x768xf32, #tpu.memory_space<vmem>>, vector<1x1x16xf32>,
        %get3A_297 = vector.shape_cast %get3A_296 : vector<1x1x16xf32> to vector<16xf32>
        %mul3A_298 = arith.constant 27.7128124 : f32
        %mul3A_299 = vector.broadcast %mul3A_298 : f32 to vector<16xf32>
        %mul3A_300 = arith.mulf %get3A_297, %mul3A_299 : vector<16xf32>
        %swap3A_301 = arith.constant 3 : i32
        %swap3A_302 = arith.index_cast %swap3A_301 : i32 to index
        %swap3A_303 = arith.index_cast %scan3A_261 : i32 to index
        %swap3A_304 = arith.constant 32 : index
        %swap3A_305 = tpu.vector_load %arg6[%swap3A_302, %swap3A_303, %swap3A_304] {strides = array<i32>} : memref<4x32x768xf32, #tpu.memory_space<vmem>>, vector<1x1x16xf32>,
        %swap3A_306 = vector.shape_cast %swap3A_305 : vector<1x1x16xf32> to vector<16xf32>
        %swap3A_307 = vector.shape_cast %mul3A_300 : vector<16xf32> to vector<1x1x16xf32>
        tpu.vector_store %arg6[%swap3A_302, %swap3A_303, %swap3A_304], %swap3A_307 {strides = array<i32>} : memref<4x32x768xf32, #tpu.memory_space<vmem>>, vector<1x1x16xf32>,
        %get3A_308 = arith.constant 3 : i32
        %get3A_309 = arith.index_cast %get3A_308 : i32 to index
        %get3A_310 = arith.index_cast %scan3A_261 : i32 to index
        %get3A_311 = arith.constant 48 : index
        %get3A_312 = tpu.vector_load %arg6[%get3A_309, %get3A_310, %get3A_311] {strides = array<i32>} : memref<4x32x768xf32, #tpu.memory_space<vmem>>, vector<1x1x16xf32>,
        %get3A_313 = vector.shape_cast %get3A_312 : vector<1x1x16xf32> to vector<16xf32>
        %mul3A_314 = arith.constant 27.7128124 : f32
        %mul3A_315 = vector.broadcast %mul3A_314 : f32 to vector<16xf32>
        %mul3A_316 = arith.mulf %get3A_313, %mul3A_315 : vector<16xf32>
        %swap3A_317 = arith.constant 3 : i32
        %swap3A_318 = arith.index_cast %swap3A_317 : i32 to index
        %swap3A_319 = arith.index_cast %scan3A_261 : i32 to index
        %swap3A_320 = arith.constant 48 : index
        %swap3A_321 = tpu.vector_load %arg6[%swap3A_318, %swap3A_319, %swap3A_320] {strides = array<i32>} : memref<4x32x768xf32, #tpu.memory_space<vmem>>, vector<1x1x16xf32>,
        %swap3A_322 = vector.shape_cast %swap3A_321 : vector<1x1x16xf32> to vector<16xf32>
        %swap3A_323 = vector.shape_cast %mul3A_316 : vector<16xf32> to vector<1x1x16xf32>
        tpu.vector_store %arg6[%swap3A_318, %swap3A_319, %swap3A_320], %swap3A_323 {strides = array<i32>} : memref<4x32x768xf32, #tpu.memory_space<vmem>>, vector<1x1x16xf32>,
        %get3A_324 = arith.constant 3 : i32
        %get3A_325 = arith.index_cast %get3A_324 : i32 to index
        %get3A_326 = arith.index_cast %scan3A_261 : i32 to index
        %get3A_327 = arith.constant 64 : index
        %get3A_328 = tpu.vector_load %arg6[%get3A_325, %get3A_326, %get3A_327] {strides = array<i32>} : memref<4x32x768xf32, #tpu.memory_space<vmem>>, vector<1x1x16xf32>,
        %get3A_329 = vector.shape_cast %get3A_328 : vector<1x1x16xf32> to vector<16xf32>
        %mul3A_330 = arith.constant 27.7128124 : f32
        %mul3A_331 = vector.broadcast %mul3A_330 : f32 to vector<16xf32>
        %mul3A_332 = arith.mulf %get3A_329, %mul3A_331 : vector<16xf32>
        %swap3A_333 = arith.constant 3 : i32
        %swap3A_334 = arith.index_cast %swap3A_333 : i32 to index
        %swap3A_335 = arith.index_cast %scan3A_261 : i32 to index
        %swap3A_336 = arith.constant 64 : index
        %swap3A_337 = tpu.vector_load %arg6[%swap3A_334, %swap3A_335, %swap3A_336] {strides = array<i32>} : memref<4x32x768xf32, #tpu.memory_space<vmem>>, vector<1x1x16xf32>,
        %swap3A_338 = vector.shape_cast %swap3A_337 : vector<1x1x16xf32> to vector<16xf32>
        %swap3A_339 = vector.shape_cast %mul3A_332 : vector<16xf32> to vector<1x1x16xf32>
        tpu.vector_store %arg6[%swap3A_334, %swap3A_335, %swap3A_336], %swap3A_339 {strides = array<i32>} : memref<4x32x768xf32, #tpu.memory_space<vmem>>, vector<1x1x16xf32>,
        %get3A_340 = arith.constant 3 : i32
        %get3A_341 = arith.index_cast %get3A_340 : i32 to index
        %get3A_342 = arith.index_cast %scan3A_261 : i32 to index
        %get3A_343 = arith.constant 80 : index
        %get3A_344 = tpu.vector_load %arg6[%get3A_341, %get3A_342, %get3A_343] {strides = array<i32>} : memref<4x32x768xf32, #tpu.memory_space<vmem>>, vector<1x1x16xf32>,
        %get3A_345 = vector.shape_cast %get3A_344 : vector<1x1x16xf32> to vector<16xf32>
        %mul3A_346 = arith.constant 27.7128124 : f32
        %mul3A_347 = vector.broadcast %mul3A_346 : f32 to vector<16xf32>
        %mul3A_348 = arith.mulf %get3A_345, %mul3A_347 : vector<16xf32>
        %swap3A_349 = arith.constant 3 : i32
        %swap3A_350 = arith.index_cast %swap3A_349 : i32 to index
        %swap3A_351 = arith.index_cast %scan3A_261 : i32 to index
        %swap3A_352 = arith.constant 80 : index
        %swap3A_353 = tpu.vector_load %arg6[%swap3A_350, %swap3A_351, %swap3A_352] {strides = array<i32>} : memref<4x32x768xf32, #tpu.memory_space<vmem>>, vector<1x1x16xf32>,
        %swap3A_354 = vector.shape_cast %swap3A_353 : vector<1x1x16xf32> to vector<16xf32>
        %swap3A_355 = vector.shape_cast %mul3A_348 : vector<16xf32> to vector<1x1x16xf32>
        tpu.vector_store %arg6[%swap3A_350, %swap3A_351, %swap3A_352], %swap3A_355 {strides = array<i32>} : memref<4x32x768xf32, #tpu.memory_space<vmem>>, vector<1x1x16xf32>,
        %get3A_356 = arith.constant 3 : i32
        %get3A_357 = arith.index_cast %get3A_356 : i32 to index
        %get3A_358 = arith.index_cast %scan3A_261 : i32 to index
        %get3A_359 = arith.constant 96 : index
        %get3A_360 = tpu.vector_load %arg6[%get3A_357, %get3A_358, %get3A_359] {strides = array<i32>} : memref<4x32x768xf32, #tpu.memory_space<vmem>>, vector<1x1x16xf32>,
        %get3A_361 = vector.shape_cast %get3A_360 : vector<1x1x16xf32> to vector<16xf32>
        %mul3A_362 = arith.constant 27.7128124 : f32
        %mul3A_363 = vector.broadcast %mul3A_362 : f32 to vector<16xf32>
        %mul3A_364 = arith.mulf %get3A_361, %mul3A_363 : vector<16xf32>
        %swap3A_365 = arith.constant 3 : i32
        %swap3A_366 = arith.index_cast %swap3A_365 : i32 to index
        %swap3A_367 = arith.index_cast %scan3A_261 : i32 to index
        %swap3A_368 = arith.constant 96 : index
        %swap3A_369 = tpu.vector_load %arg6[%swap3A_366, %swap3A_367, %swap3A_368] {strides = array<i32>} : memref<4x32x768xf32, #tpu.memory_space<vmem>>, vector<1x1x16xf32>,
        %swap3A_370 = vector.shape_cast %swap3A_369 : vector<1x1x16xf32> to vector<16xf32>
        %swap3A_371 = vector.shape_cast %mul3A_364 : vector<16xf32> to vector<1x1x16xf32>
        tpu.vector_store %arg6[%swap3A_366, %swap3A_367, %swap3A_368], %swap3A_371 {strides = array<i32>} : memref<4x32x768xf32, #tpu.memory_space<vmem>>, vector<1x1x16xf32>,
        %get3A_372 = arith.constant 3 : i32
        %get3A_373 = arith.index_cast %get3A_372 : i32 to index
        %get3A_374 = arith.index_cast %scan3A_261 : i32 to index
        %get3A_375 = arith.constant 112 : index
        %get3A_376 = tpu.vector_load %arg6[%get3A_373, %get3A_374, %get3A_375] {strides = array<i32>} : memref<4x32x768xf32, #tpu.memory_space<vmem>>, vector<1x1x16xf32>,
        %get3A_377 = vector.shape_cast %get3A_376 : vector<1x1x16xf32> to vector<16xf32>
        %mul3A_378 = arith.constant 27.7128124 : f32
        %mul3A_379 = vector.broadcast %mul3A_378 : f32 to vector<16xf32>
        %mul3A_380 = arith.mulf %get3A_377, %mul3A_379 : vector<16xf32>
        %swap3A_381 = arith.constant 3 : i32
        %swap3A_382 = arith.index_cast %swap3A_381 : i32 to index
        %swap3A_383 = arith.index_cast %scan3A_261 : i32 to index
        %swap3A_384 = arith.constant 112 : index
        %swap3A_385 = tpu.vector_load %arg6[%swap3A_382, %swap3A_383, %swap3A_384] {strides = array<i32>} : memref<4x32x768xf32, #tpu.memory_space<vmem>>, vector<1x1x16xf32>,
        %swap3A_386 = vector.shape_cast %swap3A_385 : vector<1x1x16xf32> to vector<16xf32>
        %swap3A_387 = vector.shape_cast %mul3A_380 : vector<16xf32> to vector<1x1x16xf32>
        tpu.vector_store %arg6[%swap3A_382, %swap3A_383, %swap3A_384], %swap3A_387 {strides = array<i32>} : memref<4x32x768xf32, #tpu.memory_space<vmem>>, vector<1x1x16xf32>,
        %get3A_388 = arith.constant 3 : i32
        %get3A_389 = arith.index_cast %get3A_388 : i32 to index
        %get3A_390 = arith.index_cast %scan3A_261 : i32 to index
        %get3A_391 = arith.constant 128 : index
        %get3A_392 = tpu.vector_load %arg6[%get3A_389, %get3A_390, %get3A_391] {strides = array<i32>} : memref<4x32x768xf32, #tpu.memory_space<vmem>>, vector<1x1x16xf32>,
        %get3A_393 = vector.shape_cast %get3A_392 : vector<1x1x16xf32> to vector<16xf32>
        %mul3A_394 = arith.constant 27.7128124 : f32
        %mul3A_395 = vector.broadcast %mul3A_394 : f32 to vector<16xf32>
        %mul3A_396 = arith.mulf %get3A_393, %mul3A_395 : vector<16xf32>
        %swap3A_397 = arith.constant 3 : i32
        %swap3A_398 = arith.index_cast %swap3A_397 : i32 to index
        %swap3A_399 = arith.index_cast %scan3A_261 : i32 to index
        %swap3A_400 = arith.constant 128 : index
        %swap3A_401 = tpu.vector_load %arg6[%swap3A_398, %swap3A_399, %swap3A_400] {strides = array<i32>} : memref<4x32x768xf32, #tpu.memory_space<vmem>>, vector<1x1x16xf32>,
        %swap3A_402 = vector.shape_cast %swap3A_401 : vector<1x1x16xf32> to vector<16xf32>
        %swap3A_403 = vector.shape_cast %mul3A_396 : vector<16xf32> to vector<1x1x16xf32>
        tpu.vector_store %arg6[%swap3A_398, %swap3A_399, %swap3A_400], %swap3A_403 {strides = array<i32>} : memref<4x32x768xf32, #tpu.memory_space<vmem>>, vector<1x1x16xf32>,
        %get3A_404 = arith.constant 3 : i32
        %get3A_405 = arith.index_cast %get3A_404 : i32 to index
        %get3A_406 = arith.index_cast %scan3A_261 : i32 to index
        %get3A_407 = arith.constant 144 : index
        %get3A_408 = tpu.vector_load %arg6[%get3A_405, %get3A_406, %get3A_407] {strides = array<i32>} : memref<4x32x768xf32, #tpu.memory_space<vmem>>, vector<1x1x16xf32>,
        %get3A_409 = vector.shape_cast %get3A_408 : vector<1x1x16xf32> to vector<16xf32>
        %mul3A_410 = arith.constant 27.7128124 : f32
        %mul3A_411 = vector.broadcast %mul3A_410 : f32 to vector<16xf32>
        %mul3A_412 = arith.mulf %get3A_409, %mul3A_411 : vector<16xf32>
        %swap3A_413 = arith.constant 3 : i32
        %swap3A_414 = arith.index_cast %swap3A_413 : i32 to index
        %swap3A_415 = arith.index_cast %scan3A_261 : i32 to index
        %swap3A_416 = arith.constant 144 : index
        %swap3A_417 = tpu.vector_load %arg6[%swap3A_414, %swap3A_415, %swap3A_416] {strides = array<i32>} : memref<4x32x768xf32, #tpu.memory_space<vmem>>, vector<1x1x16xf32>,
        %swap3A_418 = vector.shape_cast %swap3A_417 : vector<1x1x16xf32> to vector<16xf32>
        %swap3A_419 = vector.shape_cast %mul3A_412 : vector<16xf32> to vector<1x1x16xf32>
        tpu.vector_store %arg6[%swap3A_414, %swap3A_415, %swap3A_416], %swap3A_419 {strides = array<i32>} : memref<4x32x768xf32, #tpu.memory_space<vmem>>, vector<1x1x16xf32>,
        %get3A_420 = arith.constant 3 : i32
        %get3A_421 = arith.index_cast %get3A_420 : i32 to index
        %get3A_422 = arith.index_cast %scan3A_261 : i32 to index
        %get3A_423 = arith.constant 160 : index
        %get3A_424 = tpu.vector_load %arg6[%get3A_421, %get3A_422, %get3A_423] {strides = array<i32>} : memref<4x32x768xf32, #tpu.memory_space<vmem>>, vector<1x1x16xf32>,
        %get3A_425 = vector.shape_cast %get3A_424 : vector<1x1x16xf32> to vector<16xf32>
        %mul3A_426 = arith.constant 27.7128124 : f32
        %mul3A_427 = vector.broadcast %mul3A_426 : f32 to vector<16xf32>
        %mul3A_428 = arith.mulf %get3A_425, %mul3A_427 : vector<16xf32>
        %swap3A_429 = arith.constant 3 : i32
        %swap3A_430 = arith.index_cast %swap3A_429 : i32 to index
        %swap3A_431 = arith.index_cast %scan3A_261 : i32 to index
        %swap3A_432 = arith.constant 160 : index
        %swap3A_433 = tpu.vector_load %arg6[%swap3A_430, %swap3A_431, %swap3A_432] {strides = array<i32>} : memref<4x32x768xf32, #tpu.memory_space<vmem>>, vector<1x1x16xf32>,
        %swap3A_434 = vector.shape_cast %swap3A_433 : vector<1x1x16xf32> to vector<16xf32>
        %swap3A_435 = vector.shape_cast %mul3A_428 : vector<16xf32> to vector<1x1x16xf32>
        tpu.vector_store %arg6[%swap3A_430, %swap3A_431, %swap3A_432], %swap3A_435 {strides = array<i32>} : memref<4x32x768xf32, #tpu.memory_space<vmem>>, vector<1x1x16xf32>,
        %get3A_436 = arith.constant 3 : i32
        %get3A_437 = arith.index_cast %get3A_436 : i32 to index
        %get3A_438 = arith.index_cast %scan3A_261 : i32 to index
        %get3A_439 = arith.constant 176 : index
        %get3A_440 = tpu.vector_load %arg6[%get3A_437, %get3A_438, %get3A_439] {strides = array<i32>} : memref<4x32x768xf32, #tpu.memory_space<vmem>>, vector<1x1x16xf32>,
        %get3A_441 = vector.shape_cast %get3A_440 : vector<1x1x16xf32> to vector<16xf32>
        %mul3A_442 = arith.constant 27.7128124 : f32
        %mul3A_443 = vector.broadcast %mul3A_442 : f32 to vector<16xf32>
        %mul3A_444 = arith.mulf %get3A_441, %mul3A_443 : vector<16xf32>
        %swap3A_445 = arith.constant 3 : i32
        %swap3A_446 = arith.index_cast %swap3A_445 : i32 to index
        %swap3A_447 = arith.index_cast %scan3A_261 : i32 to index
        %swap3A_448 = arith.constant 176 : index
        %swap3A_449 = tpu.vector_load %arg6[%swap3A_446, %swap3A_447, %swap3A_448] {strides = array<i32>} : memref<4x32x768xf32, #tpu.memory_space<vmem>>, vector<1x1x16xf32>,
        %swap3A_450 = vector.shape_cast %swap3A_449 : vector<1x1x16xf32> to vector<16xf32>
        %swap3A_451 = vector.shape_cast %mul3A_444 : vector<16xf32> to vector<1x1x16xf32>
        tpu.vector_store %arg6[%swap3A_446, %swap3A_447, %swap3A_448], %swap3A_451 {strides = array<i32>} : memref<4x32x768xf32, #tpu.memory_space<vmem>>, vector<1x1x16xf32>,
        %get3A_452 = arith.constant 3 : i32
        %get3A_453 = arith.index_cast %get3A_452 : i32 to index
        %get3A_454 = arith.index_cast %scan3A_261 : i32 to index
        %get3A_455 = arith.constant 192 : index
        %get3A_456 = tpu.vector_load %arg6[%get3A_453, %get3A_454, %get3A_455] {strides = array<i32>} : memref<4x32x768xf32, #tpu.memory_space<vmem>>, vector<1x1x16xf32>,
        %get3A_457 = vector.shape_cast %get3A_456 : vector<1x1x16xf32> to vector<16xf32>
        %mul3A_458 = arith.constant 27.7128124 : f32
        %mul3A_459 = vector.broadcast %mul3A_458 : f32 to vector<16xf32>
        %mul3A_460 = arith.mulf %get3A_457, %mul3A_459 : vector<16xf32>
        %swap3A_461 = arith.constant 3 : i32
        %swap3A_462 = arith.index_cast %swap3A_461 : i32 to index
        %swap3A_463 = arith.index_cast %scan3A_261 : i32 to index
        %swap3A_464 = arith.constant 192 : index
        %swap3A_465 = tpu.vector_load %arg6[%swap3A_462, %swap3A_463, %swap3A_464] {strides = array<i32>} : memref<4x32x768xf32, #tpu.memory_space<vmem>>, vector<1x1x16xf32>,
        %swap3A_466 = vector.shape_cast %swap3A_465 : vector<1x1x16xf32> to vector<16xf32>
        %swap3A_467 = vector.shape_cast %mul3A_460 : vector<16xf32> to vector<1x1x16xf32>
        tpu.vector_store %arg6[%swap3A_462, %swap3A_463, %swap3A_464], %swap3A_467 {strides = array<i32>} : memref<4x32x768xf32, #tpu.memory_space<vmem>>, vector<1x1x16xf32>,
        %get3A_468 = arith.constant 3 : i32
        %get3A_469 = arith.index_cast %get3A_468 : i32 to index
        %get3A_470 = arith.index_cast %scan3A_261 : i32 to index
        %get3A_471 = arith.constant 208 : index
        %get3A_472 = tpu.vector_load %arg6[%get3A_469, %get3A_470, %get3A_471] {strides = array<i32>} : memref<4x32x768xf32, #tpu.memory_space<vmem>>, vector<1x1x16xf32>,
        %get3A_473 = vector.shape_cast %get3A_472 : vector<1x1x16xf32> to vector<16xf32>
        %mul3A_474 = arith.constant 27.7128124 : f32
        %mul3A_475 = vector.broadcast %mul3A_474 : f32 to vector<16xf32>
        %mul3A_476 = arith.mulf %get3A_473, %mul3A_475 : vector<16xf32>
        %swap3A_477 = arith.constant 3 : i32
        %swap3A_478 = arith.index_cast %swap3A_477 : i32 to index
        %swap3A_479 = arith.index_cast %scan3A_261 : i32 to index
        %swap3A_480 = arith.constant 208 : index
        %swap3A_481 = tpu.vector_load %arg6[%swap3A_478, %swap3A_479, %swap3A_480] {strides = array<i32>} : memref<4x32x768xf32, #tpu.memory_space<vmem>>, vector<1x1x16xf32>,
        %swap3A_482 = vector.shape_cast %swap3A_481 : vector<1x1x16xf32> to vector<16xf32>
        %swap3A_483 = vector.shape_cast %mul3A_476 : vector<16xf32> to vector<1x1x16xf32>
        tpu.vector_store %arg6[%swap3A_478, %swap3A_479, %swap3A_480], %swap3A_483 {strides = array<i32>} : memref<4x32x768xf32, #tpu.memory_space<vmem>>, vector<1x1x16xf32>,
        %get3A_484 = arith.constant 3 : i32
        %get3A_485 = arith.index_cast %get3A_484 : i32 to index
        %get3A_486 = arith.index_cast %scan3A_261 : i32 to index
        %get3A_487 = arith.constant 224 : index
        %get3A_488 = tpu.vector_load %arg6[%get3A_485, %get3A_486, %get3A_487] {strides = array<i32>} : memref<4x32x768xf32, #tpu.memory_space<vmem>>, vector<1x1x16xf32>,
        %get3A_489 = vector.shape_cast %get3A_488 : vector<1x1x16xf32> to vector<16xf32>
        %mul3A_490 = arith.constant 27.7128124 : f32
        %mul3A_491 = vector.broadcast %mul3A_490 : f32 to vector<16xf32>
        %mul3A_492 = arith.mulf %get3A_489, %mul3A_491 : vector<16xf32>
        %swap3A_493 = arith.constant 3 : i32
        %swap3A_494 = arith.index_cast %swap3A_493 : i32 to index
        %swap3A_495 = arith.index_cast %scan3A_261 : i32 to index
        %swap3A_496 = arith.constant 224 : index
        %swap3A_497 = tpu.vector_load %arg6[%swap3A_494, %swap3A_495, %swap3A_496] {strides = array<i32>} : memref<4x32x768xf32, #tpu.memory_space<vmem>>, vector<1x1x16xf32>,
        %swap3A_498 = vector.shape_cast %swap3A_497 : vector<1x1x16xf32> to vector<16xf32>
        %swap3A_499 = vector.shape_cast %mul3A_492 : vector<16xf32> to vector<1x1x16xf32>
        tpu.vector_store %arg6[%swap3A_494, %swap3A_495, %swap3A_496], %swap3A_499 {strides = array<i32>} : memref<4x32x768xf32, #tpu.memory_space<vmem>>, vector<1x1x16xf32>,
        %get3A_500 = arith.constant 3 : i32
        %get3A_501 = arith.index_cast %get3A_500 : i32 to index
        %get3A_502 = arith.index_cast %scan3A_261 : i32 to index
        %get3A_503 = arith.constant 240 : index
        %get3A_504 = tpu.vector_load %arg6[%get3A_501, %get3A_502, %get3A_503] {strides = array<i32>} : memref<4x32x768xf32, #tpu.memory_space<vmem>>, vector<1x1x16xf32>,
        %get3A_505 = vector.shape_cast %get3A_504 : vector<1x1x16xf32> to vector<16xf32>
        %mul3A_506 = arith.constant 27.7128124 : f32
        %mul3A_507 = vector.broadcast %mul3A_506 : f32 to vector<16xf32>
        %mul3A_508 = arith.mulf %get3A_505, %mul3A_507 : vector<16xf32>
        %swap3A_509 = arith.constant 3 : i32
        %swap3A_510 = arith.index_cast %swap3A_509 : i32 to index
        %swap3A_511 = arith.index_cast %scan3A_261 : i32 to index
        %swap3A_512 = arith.constant 240 : index
        %swap3A_513 = tpu.vector_load %arg6[%swap3A_510, %swap3A_511, %swap3A_512] {strides = array<i32>} : memref<4x32x768xf32, #tpu.memory_space<vmem>>, vector<1x1x16xf32>,
        %swap3A_514 = vector.shape_cast %swap3A_513 : vector<1x1x16xf32> to vector<16xf32>
        %swap3A_515 = vector.shape_cast %mul3A_508 : vector<16xf32> to vector<1x1x16xf32>
        tpu.vector_store %arg6[%swap3A_510, %swap3A_511, %swap3A_512], %swap3A_515 {strides = array<i32>} : memref<4x32x768xf32, #tpu.memory_space<vmem>>, vector<1x1x16xf32>,
        %get3A_516 = arith.constant 3 : i32
        %get3A_517 = arith.index_cast %get3A_516 : i32 to index
        %get3A_518 = arith.index_cast %scan3A_261 : i32 to index
        %get3A_519 = arith.constant 256 : index
        %get3A_520 = tpu.vector_load %arg6[%get3A_517, %get3A_518, %get3A_519] {strides = array<i32>} : memref<4x32x768xf32, #tpu.memory_space<vmem>>, vector<1x1x16xf32>,
        %get3A_521 = vector.shape_cast %get3A_520 : vector<1x1x16xf32> to vector<16xf32>
        %mul3A_522 = arith.constant 27.7128124 : f32
        %mul3A_523 = vector.broadcast %mul3A_522 : f32 to vector<16xf32>
        %mul3A_524 = arith.mulf %get3A_521, %mul3A_523 : vector<16xf32>
        %swap3A_525 = arith.constant 3 : i32
        %swap3A_526 = arith.index_cast %swap3A_525 : i32 to index
        %swap3A_527 = arith.index_cast %scan3A_261 : i32 to index
        %swap3A_528 = arith.constant 256 : index
        %swap3A_529 = tpu.vector_load %arg6[%swap3A_526, %swap3A_527, %swap3A_528] {strides = array<i32>} : memref<4x32x768xf32, #tpu.memory_space<vmem>>, vector<1x1x16xf32>,
        %swap3A_530 = vector.shape_cast %swap3A_529 : vector<1x1x16xf32> to vector<16xf32>
        %swap3A_531 = vector.shape_cast %mul3A_524 : vector<16xf32> to vector<1x1x16xf32>
        tpu.vector_store %arg6[%swap3A_526, %swap3A_527, %swap3A_528], %swap3A_531 {strides = array<i32>} : memref<4x32x768xf32, #tpu.memory_space<vmem>>, vector<1x1x16xf32>,
        %get3A_532 = arith.constant 3 : i32
        %get3A_533 = arith.index_cast %get3A_532 : i32 to index
        %get3A_534 = arith.index_cast %scan3A_261 : i32 to index
        %get3A_535 = arith.constant 272 : index
        %get3A_536 = tpu.vector_load %arg6[%get3A_533, %get3A_534, %get3A_535] {strides = array<i32>} : memref<4x32x768xf32, #tpu.memory_space<vmem>>, vector<1x1x16xf32>,
        %get3A_537 = vector.shape_cast %get3A_536 : vector<1x1x16xf32> to vector<16xf32>
        %mul3A_538 = arith.constant 27.7128124 : f32
        %mul3A_539 = vector.broadcast %mul3A_538 : f32 to vector<16xf32>
        %mul3A_540 = arith.mulf %get3A_537, %mul3A_539 : vector<16xf32>
        %swap3A_541 = arith.constant 3 : i32
        %swap3A_542 = arith.index_cast %swap3A_541 : i32 to index
        %swap3A_543 = arith.index_cast %scan3A_261 : i32 to index
        %swap3A_544 = arith.constant 272 : index
        %swap3A_545 = tpu.vector_load %arg6[%swap3A_542, %swap3A_543, %swap3A_544] {strides = array<i32>} : memref<4x32x768xf32, #tpu.memory_space<vmem>>, vector<1x1x16xf32>,
        %swap3A_546 = vector.shape_cast %swap3A_545 : vector<1x1x16xf32> to vector<16xf32>
        %swap3A_547 = vector.shape_cast %mul3A_540 : vector<16xf32> to vector<1x1x16xf32>
        tpu.vector_store %arg6[%swap3A_542, %swap3A_543, %swap3A_544], %swap3A_547 {strides = array<i32>} : memref<4x32x768xf32, #tpu.memory_space<vmem>>, vector<1x1x16xf32>,
        %get3A_548 = arith.constant 3 : i32
        %get3A_549 = arith.index_cast %get3A_548 : i32 to index
        %get3A_550 = arith.index_cast %scan3A_261 : i32 to index
        %get3A_551 = arith.constant 288 : index
        %get3A_552 = tpu.vector_load %arg6[%get3A_549, %get3A_550, %get3A_551] {strides = array<i32>} : memref<4x32x768xf32, #tpu.memory_space<vmem>>, vector<1x1x16xf32>,
        %get3A_553 = vector.shape_cast %get3A_552 : vector<1x1x16xf32> to vector<16xf32>
        %mul3A_554 = arith.constant 27.7128124 : f32
        %mul3A_555 = vector.broadcast %mul3A_554 : f32 to vector<16xf32>
        %mul3A_556 = arith.mulf %get3A_553, %mul3A_555 : vector<16xf32>
        %swap3A_557 = arith.constant 3 : i32
        %swap3A_558 = arith.index_cast %swap3A_557 : i32 to index
        %swap3A_559 = arith.index_cast %scan3A_261 : i32 to index
        %swap3A_560 = arith.constant 288 : index
        %swap3A_561 = tpu.vector_load %arg6[%swap3A_558, %swap3A_559, %swap3A_560] {strides = array<i32>} : memref<4x32x768xf32, #tpu.memory_space<vmem>>, vector<1x1x16xf32>,
        %swap3A_562 = vector.shape_cast %swap3A_561 : vector<1x1x16xf32> to vector<16xf32>
        %swap3A_563 = vector.shape_cast %mul3A_556 : vector<16xf32> to vector<1x1x16xf32>
        tpu.vector_store %arg6[%swap3A_558, %swap3A_559, %swap3A_560], %swap3A_563 {strides = array<i32>} : memref<4x32x768xf32, #tpu.memory_space<vmem>>, vector<1x1x16xf32>,
        %get3A_564 = arith.constant 3 : i32
        %get3A_565 = arith.index_cast %get3A_564 : i32 to index
        %get3A_566 = arith.index_cast %scan3A_261 : i32 to index
        %get3A_567 = arith.constant 304 : index
        %get3A_568 = tpu.vector_load %arg6[%get3A_565, %get3A_566, %get3A_567] {strides = array<i32>} : memref<4x32x768xf32, #tpu.memory_space<vmem>>, vector<1x1x16xf32>,
        %get3A_569 = vector.shape_cast %get3A_568 : vector<1x1x16xf32> to vector<16xf32>
        %mul3A_570 = arith.constant 27.7128124 : f32
        %mul3A_571 = vector.broadcast %mul3A_570 : f32 to vector<16xf32>
        %mul3A_572 = arith.mulf %get3A_569, %mul3A_571 : vector<16xf32>
        %swap3A_573 = arith.constant 3 : i32
        %swap3A_574 = arith.index_cast %swap3A_573 : i32 to index
        %swap3A_575 = arith.index_cast %scan3A_261 : i32 to index
        %swap3A_576 = arith.constant 304 : index
        %swap3A_577 = tpu.vector_load %arg6[%swap3A_574, %swap3A_575, %swap3A_576] {strides = array<i32>} : memref<4x32x768xf32, #tpu.memory_space<vmem>>, vector<1x1x16xf32>,
        %swap3A_578 = vector.shape_cast %swap3A_577 : vector<1x1x16xf32> to vector<16xf32>
        %swap3A_579 = vector.shape_cast %mul3A_572 : vector<16xf32> to vector<1x1x16xf32>
        tpu.vector_store %arg6[%swap3A_574, %swap3A_575, %swap3A_576], %swap3A_579 {strides = array<i32>} : memref<4x32x768xf32, #tpu.memory_space<vmem>>, vector<1x1x16xf32>,
        %get3A_580 = arith.constant 3 : i32
        %get3A_581 = arith.index_cast %get3A_580 : i32 to index
        %get3A_582 = arith.index_cast %scan3A_261 : i32 to index
        %get3A_583 = arith.constant 320 : index
        %get3A_584 = tpu.vector_load %arg6[%get3A_581, %get3A_582, %get3A_583] {strides = array<i32>} : memref<4x32x768xf32, #tpu.memory_space<vmem>>, vector<1x1x16xf32>,
        %get3A_585 = vector.shape_cast %get3A_584 : vector<1x1x16xf32> to vector<16xf32>
        %mul3A_586 = arith.constant 27.7128124 : f32
        %mul3A_587 = vector.broadcast %mul3A_586 : f32 to vector<16xf32>
        %mul3A_588 = arith.mulf %get3A_585, %mul3A_587 : vector<16xf32>
        %swap3A_589 = arith.constant 3 : i32
        %swap3A_590 = arith.index_cast %swap3A_589 : i32 to index
        %swap3A_591 = arith.index_cast %scan3A_261 : i32 to index
        %swap3A_592 = arith.constant 320 : index
        %swap3A_593 = tpu.vector_load %arg6[%swap3A_590, %swap3A_591, %swap3A_592] {strides = array<i32>} : memref<4x32x768xf32, #tpu.memory_space<vmem>>, vector<1x1x16xf32>,
        %swap3A_594 = vector.shape_cast %swap3A_593 : vector<1x1x16xf32> to vector<16xf32>
        %swap3A_595 = vector.shape_cast %mul3A_588 : vector<16xf32> to vector<1x1x16xf32>
        tpu.vector_store %arg6[%swap3A_590, %swap3A_591, %swap3A_592], %swap3A_595 {strides = array<i32>} : memref<4x32x768xf32, #tpu.memory_space<vmem>>, vector<1x1x16xf32>,
        %get3A_596 = arith.constant 3 : i32
        %get3A_597 = arith.index_cast %get3A_596 : i32 to index
        %get3A_598 = arith.index_cast %scan3A_261 : i32 to index
        %get3A_599 = arith.constant 336 : index
        %get3A_600 = tpu.vector_load %arg6[%get3A_597, %get3A_598, %get3A_599] {strides = array<i32>} : memref<4x32x768xf32, #tpu.memory_space<vmem>>, vector<1x1x16xf32>,
        %get3A_601 = vector.shape_cast %get3A_600 : vector<1x1x16xf32> to vector<16xf32>
        %mul3A_602 = arith.constant 27.7128124 : f32
        %mul3A_603 = vector.broadcast %mul3A_602 : f32 to vector<16xf32>
        %mul3A_604 = arith.mulf %get3A_601, %mul3A_603 : vector<16xf32>
        %swap3A_605 = arith.constant 3 : i32
        %swap3A_606 = arith.index_cast %swap3A_605 : i32 to index
        %swap3A_607 = arith.index_cast %scan3A_261 : i32 to index
        %swap3A_608 = arith.constant 336 : index
        %swap3A_609 = tpu.vector_load %arg6[%swap3A_606, %swap3A_607, %swap3A_608] {strides = array<i32>} : memref<4x32x768xf32, #tpu.memory_space<vmem>>, vector<1x1x16xf32>,
        %swap3A_610 = vector.shape_cast %swap3A_609 : vector<1x1x16xf32> to vector<16xf32>
        %swap3A_611 = vector.shape_cast %mul3A_604 : vector<16xf32> to vector<1x1x16xf32>
        tpu.vector_store %arg6[%swap3A_606, %swap3A_607, %swap3A_608], %swap3A_611 {strides = array<i32>} : memref<4x32x768xf32, #tpu.memory_space<vmem>>, vector<1x1x16xf32>,
        %get3A_612 = arith.constant 3 : i32
        %get3A_613 = arith.index_cast %get3A_612 : i32 to index
        %get3A_614 = arith.index_cast %scan3A_261 : i32 to index
        %get3A_615 = arith.constant 352 : index
        %get3A_616 = tpu.vector_load %arg6[%get3A_613, %get3A_614, %get3A_615] {strides = array<i32>} : memref<4x32x768xf32, #tpu.memory_space<vmem>>, vector<1x1x16xf32>,
        %get3A_617 = vector.shape_cast %get3A_616 : vector<1x1x16xf32> to vector<16xf32>
        %mul3A_618 = arith.constant 27.7128124 : f32
        %mul3A_619 = vector.broadcast %mul3A_618 : f32 to vector<16xf32>
        %mul3A_620 = arith.mulf %get3A_617, %mul3A_619 : vector<16xf32>
        %swap3A_621 = arith.constant 3 : i32
        %swap3A_622 = arith.index_cast %swap3A_621 : i32 to index
        %swap3A_623 = arith.index_cast %scan3A_261 : i32 to index
        %swap3A_624 = arith.constant 352 : index
        %swap3A_625 = tpu.vector_load %arg6[%swap3A_622, %swap3A_623, %swap3A_624] {strides = array<i32>} : memref<4x32x768xf32, #tpu.memory_space<vmem>>, vector<1x1x16xf32>,
        %swap3A_626 = vector.shape_cast %swap3A_625 : vector<1x1x16xf32> to vector<16xf32>
        %swap3A_627 = vector.shape_cast %mul3A_620 : vector<16xf32> to vector<1x1x16xf32>
        tpu.vector_store %arg6[%swap3A_622, %swap3A_623, %swap3A_624], %swap3A_627 {strides = array<i32>} : memref<4x32x768xf32, #tpu.memory_space<vmem>>, vector<1x1x16xf32>,
        %get3A_628 = arith.constant 3 : i32
        %get3A_629 = arith.index_cast %get3A_628 : i32 to index
        %get3A_630 = arith.index_cast %scan3A_261 : i32 to index
        %get3A_631 = arith.constant 368 : index
        %get3A_632 = tpu.vector_load %arg6[%get3A_629, %get3A_630, %get3A_631] {strides = array<i32>} : memref<4x32x768xf32, #tpu.memory_space<vmem>>, vector<1x1x16xf32>,
        %get3A_633 = vector.shape_cast %get3A_632 : vector<1x1x16xf32> to vector<16xf32>
        %mul3A_634 = arith.constant 27.7128124 : f32
        %mul3A_635 = vector.broadcast %mul3A_634 : f32 to vector<16xf32>
        %mul3A_636 = arith.mulf %get3A_633, %mul3A_635 : vector<16xf32>
        %swap3A_637 = arith.constant 3 : i32
        %swap3A_638 = arith.index_cast %swap3A_637 : i32 to index
        %swap3A_639 = arith.index_cast %scan3A_261 : i32 to index
        %swap3A_640 = arith.constant 368 : index
        %swap3A_641 = tpu.vector_load %arg6[%swap3A_638, %swap3A_639, %swap3A_640] {strides = array<i32>} : memref<4x32x768xf32, #tpu.memory_space<vmem>>, vector<1x1x16xf32>,
        %swap3A_642 = vector.shape_cast %swap3A_641 : vector<1x1x16xf32> to vector<16xf32>
        %swap3A_643 = vector.shape_cast %mul3A_636 : vector<16xf32> to vector<1x1x16xf32>
        tpu.vector_store %arg6[%swap3A_638, %swap3A_639, %swap3A_640], %swap3A_643 {strides = array<i32>} : memref<4x32x768xf32, #tpu.memory_space<vmem>>, vector<1x1x16xf32>,
        %get3A_644 = arith.constant 3 : i32
        %get3A_645 = arith.index_cast %get3A_644 : i32 to index
        %get3A_646 = arith.index_cast %scan3A_261 : i32 to index
        %get3A_647 = arith.constant 384 : index
        %get3A_648 = tpu.vector_load %arg6[%get3A_645, %get3A_646, %get3A_647] {strides = array<i32>} : memref<4x32x768xf32, #tpu.memory_space<vmem>>, vector<1x1x16xf32>,
        %get3A_649 = vector.shape_cast %get3A_648 : vector<1x1x16xf32> to vector<16xf32>
        %mul3A_650 = arith.constant 27.7128124 : f32
        %mul3A_651 = vector.broadcast %mul3A_650 : f32 to vector<16xf32>
        %mul3A_652 = arith.mulf %get3A_649, %mul3A_651 : vector<16xf32>
        %swap3A_653 = arith.constant 3 : i32
        %swap3A_654 = arith.index_cast %swap3A_653 : i32 to index
        %swap3A_655 = arith.index_cast %scan3A_261 : i32 to index
        %swap3A_656 = arith.constant 384 : index
        %swap3A_657 = tpu.vector_load %arg6[%swap3A_654, %swap3A_655, %swap3A_656] {strides = array<i32>} : memref<4x32x768xf32, #tpu.memory_space<vmem>>, vector<1x1x16xf32>,
        %swap3A_658 = vector.shape_cast %swap3A_657 : vector<1x1x16xf32> to vector<16xf32>
        %swap3A_659 = vector.shape_cast %mul3A_652 : vector<16xf32> to vector<1x1x16xf32>
        tpu.vector_store %arg6[%swap3A_654, %swap3A_655, %swap3A_656], %swap3A_659 {strides = array<i32>} : memref<4x32x768xf32, #tpu.memory_space<vmem>>, vector<1x1x16xf32>,
        %get3A_660 = arith.constant 3 : i32
        %get3A_661 = arith.index_cast %get3A_660 : i32 to index
        %get3A_662 = arith.index_cast %scan3A_261 : i32 to index
        %get3A_663 = arith.constant 400 : index
        %get3A_664 = tpu.vector_load %arg6[%get3A_661, %get3A_662, %get3A_663] {strides = array<i32>} : memref<4x32x768xf32, #tpu.memory_space<vmem>>, vector<1x1x16xf32>,
        %get3A_665 = vector.shape_cast %get3A_664 : vector<1x1x16xf32> to vector<16xf32>
        %mul3A_666 = arith.constant 27.7128124 : f32
        %mul3A_667 = vector.broadcast %mul3A_666 : f32 to vector<16xf32>
        %mul3A_668 = arith.mulf %get3A_665, %mul3A_667 : vector<16xf32>
        %swap3A_669 = arith.constant 3 : i32
        %swap3A_670 = arith.index_cast %swap3A_669 : i32 to index
        %swap3A_671 = arith.index_cast %scan3A_261 : i32 to index
        %swap3A_672 = arith.constant 400 : index
        %swap3A_673 = tpu.vector_load %arg6[%swap3A_670, %swap3A_671, %swap3A_672] {strides = array<i32>} : memref<4x32x768xf32, #tpu.memory_space<vmem>>, vector<1x1x16xf32>,
        %swap3A_674 = vector.shape_cast %swap3A_673 : vector<1x1x16xf32> to vector<16xf32>
        %swap3A_675 = vector.shape_cast %mul3A_668 : vector<16xf32> to vector<1x1x16xf32>
        tpu.vector_store %arg6[%swap3A_670, %swap3A_671, %swap3A_672], %swap3A_675 {strides = array<i32>} : memref<4x32x768xf32, #tpu.memory_space<vmem>>, vector<1x1x16xf32>,
        %get3A_676 = arith.constant 3 : i32
        %get3A_677 = arith.index_cast %get3A_676 : i32 to index
        %get3A_678 = arith.index_cast %scan3A_261 : i32 to index
        %get3A_679 = arith.constant 416 : index
        %get3A_680 = tpu.vector_load %arg6[%get3A_677, %get3A_678, %get3A_679] {strides = array<i32>} : memref<4x32x768xf32, #tpu.memory_space<vmem>>, vector<1x1x16xf32>,
        %get3A_681 = vector.shape_cast %get3A_680 : vector<1x1x16xf32> to vector<16xf32>
        %mul3A_682 = arith.constant 27.7128124 : f32
        %mul3A_683 = vector.broadcast %mul3A_682 : f32 to vector<16xf32>
        %mul3A_684 = arith.mulf %get3A_681, %mul3A_683 : vector<16xf32>
        %swap3A_685 = arith.constant 3 : i32
        %swap3A_686 = arith.index_cast %swap3A_685 : i32 to index
        %swap3A_687 = arith.index_cast %scan3A_261 : i32 to index
        %swap3A_688 = arith.constant 416 : index
        %swap3A_689 = tpu.vector_load %arg6[%swap3A_686, %swap3A_687, %swap3A_688] {strides = array<i32>} : memref<4x32x768xf32, #tpu.memory_space<vmem>>, vector<1x1x16xf32>,
        %swap3A_690 = vector.shape_cast %swap3A_689 : vector<1x1x16xf32> to vector<16xf32>
        %swap3A_691 = vector.shape_cast %mul3A_684 : vector<16xf32> to vector<1x1x16xf32>
        tpu.vector_store %arg6[%swap3A_686, %swap3A_687, %swap3A_688], %swap3A_691 {strides = array<i32>} : memref<4x32x768xf32, #tpu.memory_space<vmem>>, vector<1x1x16xf32>,
        %get3A_692 = arith.constant 3 : i32
        %get3A_693 = arith.index_cast %get3A_692 : i32 to index
        %get3A_694 = arith.index_cast %scan3A_261 : i32 to index
        %get3A_695 = arith.constant 432 : index
        %get3A_696 = tpu.vector_load %arg6[%get3A_693, %get3A_694, %get3A_695] {strides = array<i32>} : memref<4x32x768xf32, #tpu.memory_space<vmem>>, vector<1x1x16xf32>,
        %get3A_697 = vector.shape_cast %get3A_696 : vector<1x1x16xf32> to vector<16xf32>
        %mul3A_698 = arith.constant 27.7128124 : f32
        %mul3A_699 = vector.broadcast %mul3A_698 : f32 to vector<16xf32>
        %mul3A_700 = arith.mulf %get3A_697, %mul3A_699 : vector<16xf32>
        %swap3A_701 = arith.constant 3 : i32
        %swap3A_702 = arith.index_cast %swap3A_701 : i32 to index
        %swap3A_703 = arith.index_cast %scan3A_261 : i32 to index
        %swap3A_704 = arith.constant 432 : index
        %swap3A_705 = tpu.vector_load %arg6[%swap3A_702, %swap3A_703, %swap3A_704] {strides = array<i32>} : memref<4x32x768xf32, #tpu.memory_space<vmem>>, vector<1x1x16xf32>,
        %swap3A_706 = vector.shape_cast %swap3A_705 : vector<1x1x16xf32> to vector<16xf32>
        %swap3A_707 = vector.shape_cast %mul3A_700 : vector<16xf32> to vector<1x1x16xf32>
        tpu.vector_store %arg6[%swap3A_702, %swap3A_703, %swap3A_704], %swap3A_707 {strides = array<i32>} : memref<4x32x768xf32, #tpu.memory_space<vmem>>, vector<1x1x16xf32>,
        %get3A_708 = arith.constant 3 : i32
        %get3A_709 = arith.index_cast %get3A_708 : i32 to index
        %get3A_710 = arith.index_cast %scan3A_261 : i32 to index
        %get3A_711 = arith.constant 448 : index
        %get3A_712 = tpu.vector_load %arg6[%get3A_709, %get3A_710, %get3A_711] {strides = array<i32>} : memref<4x32x768xf32, #tpu.memory_space<vmem>>, vector<1x1x16xf32>,
        %get3A_713 = vector.shape_cast %get3A_712 : vector<1x1x16xf32> to vector<16xf32>
        %mul3A_714 = arith.constant 27.7128124 : f32
        %mul3A_715 = vector.broadcast %mul3A_714 : f32 to vector<16xf32>
        %mul3A_716 = arith.mulf %get3A_713, %mul3A_715 : vector<16xf32>
        %swap3A_717 = arith.constant 3 : i32
        %swap3A_718 = arith.index_cast %swap3A_717 : i32 to index
        %swap3A_719 = arith.index_cast %scan3A_261 : i32 to index
        %swap3A_720 = arith.constant 448 : index
        %swap3A_721 = tpu.vector_load %arg6[%swap3A_718, %swap3A_719, %swap3A_720] {strides = array<i32>} : memref<4x32x768xf32, #tpu.memory_space<vmem>>, vector<1x1x16xf32>,
        %swap3A_722 = vector.shape_cast %swap3A_721 : vector<1x1x16xf32> to vector<16xf32>
        %swap3A_723 = vector.shape_cast %mul3A_716 : vector<16xf32> to vector<1x1x16xf32>
        tpu.vector_store %arg6[%swap3A_718, %swap3A_719, %swap3A_720], %swap3A_723 {strides = array<i32>} : memref<4x32x768xf32, #tpu.memory_space<vmem>>, vector<1x1x16xf32>,
        %get3A_724 = arith.constant 3 : i32
        %get3A_725 = arith.index_cast %get3A_724 : i32 to index
        %get3A_726 = arith.index_cast %scan3A_261 : i32 to index
        %get3A_727 = arith.constant 464 : index
        %get3A_728 = tpu.vector_load %arg6[%get3A_725, %get3A_726, %get3A_727] {strides = array<i32>} : memref<4x32x768xf32, #tpu.memory_space<vmem>>, vector<1x1x16xf32>,
        %get3A_729 = vector.shape_cast %get3A_728 : vector<1x1x16xf32> to vector<16xf32>
        %mul3A_730 = arith.constant 27.7128124 : f32
        %mul3A_731 = vector.broadcast %mul3A_730 : f32 to vector<16xf32>
        %mul3A_732 = arith.mulf %get3A_729, %mul3A_731 : vector<16xf32>
        %swap3A_733 = arith.constant 3 : i32
        %swap3A_734 = arith.index_cast %swap3A_733 : i32 to index
        %swap3A_735 = arith.index_cast %scan3A_261 : i32 to index
        %swap3A_736 = arith.constant 464 : index
        %swap3A_737 = tpu.vector_load %arg6[%swap3A_734, %swap3A_735, %swap3A_736] {strides = array<i32>} : memref<4x32x768xf32, #tpu.memory_space<vmem>>, vector<1x1x16xf32>,
        %swap3A_738 = vector.shape_cast %swap3A_737 : vector<1x1x16xf32> to vector<16xf32>
        %swap3A_739 = vector.shape_cast %mul3A_732 : vector<16xf32> to vector<1x1x16xf32>
        tpu.vector_store %arg6[%swap3A_734, %swap3A_735, %swap3A_736], %swap3A_739 {strides = array<i32>} : memref<4x32x768xf32, #tpu.memory_space<vmem>>, vector<1x1x16xf32>,
        %get3A_740 = arith.constant 3 : i32
        %get3A_741 = arith.index_cast %get3A_740 : i32 to index
        %get3A_742 = arith.index_cast %scan3A_261 : i32 to index
        %get3A_743 = arith.constant 480 : index
        %get3A_744 = tpu.vector_load %arg6[%get3A_741, %get3A_742, %get3A_743] {strides = array<i32>} : memref<4x32x768xf32, #tpu.memory_space<vmem>>, vector<1x1x16xf32>,
        %get3A_745 = vector.shape_cast %get3A_744 : vector<1x1x16xf32> to vector<16xf32>
        %mul3A_746 = arith.constant 27.7128124 : f32
        %mul3A_747 = vector.broadcast %mul3A_746 : f32 to vector<16xf32>
        %mul3A_748 = arith.mulf %get3A_745, %mul3A_747 : vector<16xf32>
        %swap3A_749 = arith.constant 3 : i32
        %swap3A_750 = arith.index_cast %swap3A_749 : i32 to index
        %swap3A_751 = arith.index_cast %scan3A_261 : i32 to index
        %swap3A_752 = arith.constant 480 : index
        %swap3A_753 = tpu.vector_load %arg6[%swap3A_750, %swap3A_751, %swap3A_752] {strides = array<i32>} : memref<4x32x768xf32, #tpu.memory_space<vmem>>, vector<1x1x16xf32>,
        %swap3A_754 = vector.shape_cast %swap3A_753 : vector<1x1x16xf32> to vector<16xf32>
        %swap3A_755 = vector.shape_cast %mul3A_748 : vector<16xf32> to vector<1x1x16xf32>
        tpu.vector_store %arg6[%swap3A_750, %swap3A_751, %swap3A_752], %swap3A_755 {strides = array<i32>} : memref<4x32x768xf32, #tpu.memory_space<vmem>>, vector<1x1x16xf32>,
        %get3A_756 = arith.constant 3 : i32
        %get3A_757 = arith.index_cast %get3A_756 : i32 to index
        %get3A_758 = arith.index_cast %scan3A_261 : i32 to index
        %get3A_759 = arith.constant 496 : index
        %get3A_760 = tpu.vector_load %arg6[%get3A_757, %get3A_758, %get3A_759] {strides = array<i32>} : memref<4x32x768xf32, #tpu.memory_space<vmem>>, vector<1x1x16xf32>,
        %get3A_761 = vector.shape_cast %get3A_760 : vector<1x1x16xf32> to vector<16xf32>
        %mul3A_762 = arith.constant 27.7128124 : f32
        %mul3A_763 = vector.broadcast %mul3A_762 : f32 to vector<16xf32>
        %mul3A_764 = arith.mulf %get3A_761, %mul3A_763 : vector<16xf32>
        %swap3A_765 = arith.constant 3 : i32
        %swap3A_766 = arith.index_cast %swap3A_765 : i32 to index
        %swap3A_767 = arith.index_cast %scan3A_261 : i32 to index
        %swap3A_768 = arith.constant 496 : index
        %swap3A_769 = tpu.vector_load %arg6[%swap3A_766, %swap3A_767, %swap3A_768] {strides = array<i32>} : memref<4x32x768xf32, #tpu.memory_space<vmem>>, vector<1x1x16xf32>,
        %swap3A_770 = vector.shape_cast %swap3A_769 : vector<1x1x16xf32> to vector<16xf32>
        %swap3A_771 = vector.shape_cast %mul3A_764 : vector<16xf32> to vector<1x1x16xf32>
        tpu.vector_store %arg6[%swap3A_766, %swap3A_767, %swap3A_768], %swap3A_771 {strides = array<i32>} : memref<4x32x768xf32, #tpu.memory_space<vmem>>, vector<1x1x16xf32>,
        %get3A_772 = arith.constant 3 : i32
        %get3A_773 = arith.index_cast %get3A_772 : i32 to index
        %get3A_774 = arith.index_cast %scan3A_261 : i32 to index
        %get3A_775 = arith.constant 512 : index
        %get3A_776 = tpu.vector_load %arg6[%get3A_773, %get3A_774, %get3A_775] {strides = array<i32>} : memref<4x32x768xf32, #tpu.memory_space<vmem>>, vector<1x1x16xf32>,
        %get3A_777 = vector.shape_cast %get3A_776 : vector<1x1x16xf32> to vector<16xf32>
        %mul3A_778 = arith.constant 27.7128124 : f32
        %mul3A_779 = vector.broadcast %mul3A_778 : f32 to vector<16xf32>
        %mul3A_780 = arith.mulf %get3A_777, %mul3A_779 : vector<16xf32>
        %swap3A_781 = arith.constant 3 : i32
        %swap3A_782 = arith.index_cast %swap3A_781 : i32 to index
        %swap3A_783 = arith.index_cast %scan3A_261 : i32 to index
        %swap3A_784 = arith.constant 512 : index
        %swap3A_785 = tpu.vector_load %arg6[%swap3A_782, %swap3A_783, %swap3A_784] {strides = array<i32>} : memref<4x32x768xf32, #tpu.memory_space<vmem>>, vector<1x1x16xf32>,
        %swap3A_786 = vector.shape_cast %swap3A_785 : vector<1x1x16xf32> to vector<16xf32>
        %swap3A_787 = vector.shape_cast %mul3A_780 : vector<16xf32> to vector<1x1x16xf32>
        tpu.vector_store %arg6[%swap3A_782, %swap3A_783, %swap3A_784], %swap3A_787 {strides = array<i32>} : memref<4x32x768xf32, #tpu.memory_space<vmem>>, vector<1x1x16xf32>,
        %get3A_788 = arith.constant 3 : i32
        %get3A_789 = arith.index_cast %get3A_788 : i32 to index
        %get3A_790 = arith.index_cast %scan3A_261 : i32 to index
        %get3A_791 = arith.constant 528 : index
        %get3A_792 = tpu.vector_load %arg6[%get3A_789, %get3A_790, %get3A_791] {strides = array<i32>} : memref<4x32x768xf32, #tpu.memory_space<vmem>>, vector<1x1x16xf32>,
        %get3A_793 = vector.shape_cast %get3A_792 : vector<1x1x16xf32> to vector<16xf32>
        %mul3A_794 = arith.constant 27.7128124 : f32
        %mul3A_795 = vector.broadcast %mul3A_794 : f32 to vector<16xf32>
        %mul3A_796 = arith.mulf %get3A_793, %mul3A_795 : vector<16xf32>
        %swap3A_797 = arith.constant 3 : i32
        %swap3A_798 = arith.index_cast %swap3A_797 : i32 to index
        %swap3A_799 = arith.index_cast %scan3A_261 : i32 to index
        %swap3A_800 = arith.constant 528 : index
        %swap3A_801 = tpu.vector_load %arg6[%swap3A_798, %swap3A_799, %swap3A_800] {strides = array<i32>} : memref<4x32x768xf32, #tpu.memory_space<vmem>>, vector<1x1x16xf32>,
        %swap3A_802 = vector.shape_cast %swap3A_801 : vector<1x1x16xf32> to vector<16xf32>
        %swap3A_803 = vector.shape_cast %mul3A_796 : vector<16xf32> to vector<1x1x16xf32>
        tpu.vector_store %arg6[%swap3A_798, %swap3A_799, %swap3A_800], %swap3A_803 {strides = array<i32>} : memref<4x32x768xf32, #tpu.memory_space<vmem>>, vector<1x1x16xf32>,
        %get3A_804 = arith.constant 3 : i32
        %get3A_805 = arith.index_cast %get3A_804 : i32 to index
        %get3A_806 = arith.index_cast %scan3A_261 : i32 to index
        %get3A_807 = arith.constant 544 : index
        %get3A_808 = tpu.vector_load %arg6[%get3A_805, %get3A_806, %get3A_807] {strides = array<i32>} : memref<4x32x768xf32, #tpu.memory_space<vmem>>, vector<1x1x16xf32>,
        %get3A_809 = vector.shape_cast %get3A_808 : vector<1x1x16xf32> to vector<16xf32>
        %mul3A_810 = arith.constant 27.7128124 : f32
        %mul3A_811 = vector.broadcast %mul3A_810 : f32 to vector<16xf32>
        %mul3A_812 = arith.mulf %get3A_809, %mul3A_811 : vector<16xf32>
        %swap3A_813 = arith.constant 3 : i32
        %swap3A_814 = arith.index_cast %swap3A_813 : i32 to index
        %swap3A_815 = arith.index_cast %scan3A_261 : i32 to index
        %swap3A_816 = arith.constant 544 : index
        %swap3A_817 = tpu.vector_load %arg6[%swap3A_814, %swap3A_815, %swap3A_816] {strides = array<i32>} : memref<4x32x768xf32, #tpu.memory_space<vmem>>, vector<1x1x16xf32>,
        %swap3A_818 = vector.shape_cast %swap3A_817 : vector<1x1x16xf32> to vector<16xf32>
        %swap3A_819 = vector.shape_cast %mul3A_812 : vector<16xf32> to vector<1x1x16xf32>
        tpu.vector_store %arg6[%swap3A_814, %swap3A_815, %swap3A_816], %swap3A_819 {strides = array<i32>} : memref<4x32x768xf32, #tpu.memory_space<vmem>>, vector<1x1x16xf32>,
        %get3A_820 = arith.constant 3 : i32
        %get3A_821 = arith.index_cast %get3A_820 : i32 to index
        %get3A_822 = arith.index_cast %scan3A_261 : i32 to index
        %get3A_823 = arith.constant 560 : index
        %get3A_824 = tpu.vector_load %arg6[%get3A_821, %get3A_822, %get3A_823] {strides = array<i32>} : memref<4x32x768xf32, #tpu.memory_space<vmem>>, vector<1x1x16xf32>,
        %get3A_825 = vector.shape_cast %get3A_824 : vector<1x1x16xf32> to vector<16xf32>
        %mul3A_826 = arith.constant 27.7128124 : f32
        %mul3A_827 = vector.broadcast %mul3A_826 : f32 to vector<16xf32>
        %mul3A_828 = arith.mulf %get3A_825, %mul3A_827 : vector<16xf32>
        %swap3A_829 = arith.constant 3 : i32
        %swap3A_830 = arith.index_cast %swap3A_829 : i32 to index
        %swap3A_831 = arith.index_cast %scan3A_261 : i32 to index
        %swap3A_832 = arith.constant 560 : index
        %swap3A_833 = tpu.vector_load %arg6[%swap3A_830, %swap3A_831, %swap3A_832] {strides = array<i32>} : memref<4x32x768xf32, #tpu.memory_space<vmem>>, vector<1x1x16xf32>,
        %swap3A_834 = vector.shape_cast %swap3A_833 : vector<1x1x16xf32> to vector<16xf32>
        %swap3A_835 = vector.shape_cast %mul3A_828 : vector<16xf32> to vector<1x1x16xf32>
        tpu.vector_store %arg6[%swap3A_830, %swap3A_831, %swap3A_832], %swap3A_835 {strides = array<i32>} : memref<4x32x768xf32, #tpu.memory_space<vmem>>, vector<1x1x16xf32>,
        %get3A_836 = arith.constant 3 : i32
        %get3A_837 = arith.index_cast %get3A_836 : i32 to index
        %get3A_838 = arith.index_cast %scan3A_261 : i32 to index
        %get3A_839 = arith.constant 576 : index
        %get3A_840 = tpu.vector_load %arg6[%get3A_837, %get3A_838, %get3A_839] {strides = array<i32>} : memref<4x32x768xf32, #tpu.memory_space<vmem>>, vector<1x1x16xf32>,
        %get3A_841 = vector.shape_cast %get3A_840 : vector<1x1x16xf32> to vector<16xf32>
        %mul3A_842 = arith.constant 27.7128124 : f32
        %mul3A_843 = vector.broadcast %mul3A_842 : f32 to vector<16xf32>
        %mul3A_844 = arith.mulf %get3A_841, %mul3A_843 : vector<16xf32>
        %swap3A_845 = arith.constant 3 : i32
        %swap3A_846 = arith.index_cast %swap3A_845 : i32 to index
        %swap3A_847 = arith.index_cast %scan3A_261 : i32 to index
        %swap3A_848 = arith.constant 576 : index
        %swap3A_849 = tpu.vector_load %arg6[%swap3A_846, %swap3A_847, %swap3A_848] {strides = array<i32>} : memref<4x32x768xf32, #tpu.memory_space<vmem>>, vector<1x1x16xf32>,
        %swap3A_850 = vector.shape_cast %swap3A_849 : vector<1x1x16xf32> to vector<16xf32>
        %swap3A_851 = vector.shape_cast %mul3A_844 : vector<16xf32> to vector<1x1x16xf32>
        tpu.vector_store %arg6[%swap3A_846, %swap3A_847, %swap3A_848], %swap3A_851 {strides = array<i32>} : memref<4x32x768xf32, #tpu.memory_space<vmem>>, vector<1x1x16xf32>,
        %get3A_852 = arith.constant 3 : i32
        %get3A_853 = arith.index_cast %get3A_852 : i32 to index
        %get3A_854 = arith.index_cast %scan3A_261 : i32 to index
        %get3A_855 = arith.constant 592 : index
        %get3A_856 = tpu.vector_load %arg6[%get3A_853, %get3A_854, %get3A_855] {strides = array<i32>} : memref<4x32x768xf32, #tpu.memory_space<vmem>>, vector<1x1x16xf32>,
        %get3A_857 = vector.shape_cast %get3A_856 : vector<1x1x16xf32> to vector<16xf32>
        %mul3A_858 = arith.constant 27.7128124 : f32
        %mul3A_859 = vector.broadcast %mul3A_858 : f32 to vector<16xf32>
        %mul3A_860 = arith.mulf %get3A_857, %mul3A_859 : vector<16xf32>
        %swap3A_861 = arith.constant 3 : i32
        %swap3A_862 = arith.index_cast %swap3A_861 : i32 to index
        %swap3A_863 = arith.index_cast %scan3A_261 : i32 to index
        %swap3A_864 = arith.constant 592 : index
        %swap3A_865 = tpu.vector_load %arg6[%swap3A_862, %swap3A_863, %swap3A_864] {strides = array<i32>} : memref<4x32x768xf32, #tpu.memory_space<vmem>>, vector<1x1x16xf32>,
        %swap3A_866 = vector.shape_cast %swap3A_865 : vector<1x1x16xf32> to vector<16xf32>
        %swap3A_867 = vector.shape_cast %mul3A_860 : vector<16xf32> to vector<1x1x16xf32>
        tpu.vector_store %arg6[%swap3A_862, %swap3A_863, %swap3A_864], %swap3A_867 {strides = array<i32>} : memref<4x32x768xf32, #tpu.memory_space<vmem>>, vector<1x1x16xf32>,
        %get3A_868 = arith.constant 3 : i32
        %get3A_869 = arith.index_cast %get3A_868 : i32 to index
        %get3A_870 = arith.index_cast %scan3A_261 : i32 to index
        %get3A_871 = arith.constant 608 : index
        %get3A_872 = tpu.vector_load %arg6[%get3A_869, %get3A_870, %get3A_871] {strides = array<i32>} : memref<4x32x768xf32, #tpu.memory_space<vmem>>, vector<1x1x16xf32>,
        %get3A_873 = vector.shape_cast %get3A_872 : vector<1x1x16xf32> to vector<16xf32>
        %mul3A_874 = arith.constant 27.7128124 : f32
        %mul3A_875 = vector.broadcast %mul3A_874 : f32 to vector<16xf32>
        %mul3A_876 = arith.mulf %get3A_873, %mul3A_875 : vector<16xf32>
        %swap3A_877 = arith.constant 3 : i32
        %swap3A_878 = arith.index_cast %swap3A_877 : i32 to index
        %swap3A_879 = arith.index_cast %scan3A_261 : i32 to index
        %swap3A_880 = arith.constant 608 : index
        %swap3A_881 = tpu.vector_load %arg6[%swap3A_878, %swap3A_879, %swap3A_880] {strides = array<i32>} : memref<4x32x768xf32, #tpu.memory_space<vmem>>, vector<1x1x16xf32>,
        %swap3A_882 = vector.shape_cast %swap3A_881 : vector<1x1x16xf32> to vector<16xf32>
        %swap3A_883 = vector.shape_cast %mul3A_876 : vector<16xf32> to vector<1x1x16xf32>
        tpu.vector_store %arg6[%swap3A_878, %swap3A_879, %swap3A_880], %swap3A_883 {strides = array<i32>} : memref<4x32x768xf32, #tpu.memory_space<vmem>>, vector<1x1x16xf32>,
        %get3A_884 = arith.constant 3 : i32
        %get3A_885 = arith.index_cast %get3A_884 : i32 to index
        %get3A_886 = arith.index_cast %scan3A_261 : i32 to index
        %get3A_887 = arith.constant 624 : index
        %get3A_888 = tpu.vector_load %arg6[%get3A_885, %get3A_886, %get3A_887] {strides = array<i32>} : memref<4x32x768xf32, #tpu.memory_space<vmem>>, vector<1x1x16xf32>,
        %get3A_889 = vector.shape_cast %get3A_888 : vector<1x1x16xf32> to vector<16xf32>
        %mul3A_890 = arith.constant 27.7128124 : f32
        %mul3A_891 = vector.broadcast %mul3A_890 : f32 to vector<16xf32>
        %mul3A_892 = arith.mulf %get3A_889, %mul3A_891 : vector<16xf32>
        %swap3A_893 = arith.constant 3 : i32
        %swap3A_894 = arith.index_cast %swap3A_893 : i32 to index
        %swap3A_895 = arith.index_cast %scan3A_261 : i32 to index
        %swap3A_896 = arith.constant 624 : index
        %swap3A_897 = tpu.vector_load %arg6[%swap3A_894, %swap3A_895, %swap3A_896] {strides = array<i32>} : memref<4x32x768xf32, #tpu.memory_space<vmem>>, vector<1x1x16xf32>,
        %swap3A_898 = vector.shape_cast %swap3A_897 : vector<1x1x16xf32> to vector<16xf32>
        %swap3A_899 = vector.shape_cast %mul3A_892 : vector<16xf32> to vector<1x1x16xf32>
        tpu.vector_store %arg6[%swap3A_894, %swap3A_895, %swap3A_896], %swap3A_899 {strides = array<i32>} : memref<4x32x768xf32, #tpu.memory_space<vmem>>, vector<1x1x16xf32>,
        %get3A_900 = arith.constant 3 : i32
        %get3A_901 = arith.index_cast %get3A_900 : i32 to index
        %get3A_902 = arith.index_cast %scan3A_261 : i32 to index
        %get3A_903 = arith.constant 640 : index
        %get3A_904 = tpu.vector_load %arg6[%get3A_901, %get3A_902, %get3A_903] {strides = array<i32>} : memref<4x32x768xf32, #tpu.memory_space<vmem>>, vector<1x1x16xf32>,
        %get3A_905 = vector.shape_cast %get3A_904 : vector<1x1x16xf32> to vector<16xf32>
        %mul3A_906 = arith.constant 27.7128124 : f32
        %mul3A_907 = vector.broadcast %mul3A_906 : f32 to vector<16xf32>
        %mul3A_908 = arith.mulf %get3A_905, %mul3A_907 : vector<16xf32>
        %swap3A_909 = arith.constant 3 : i32
        %swap3A_910 = arith.index_cast %swap3A_909 : i32 to index
        %swap3A_911 = arith.index_cast %scan3A_261 : i32 to index
        %swap3A_912 = arith.constant 640 : index
        %swap3A_913 = tpu.vector_load %arg6[%swap3A_910, %swap3A_911, %swap3A_912] {strides = array<i32>} : memref<4x32x768xf32, #tpu.memory_space<vmem>>, vector<1x1x16xf32>,
        %swap3A_914 = vector.shape_cast %swap3A_913 : vector<1x1x16xf32> to vector<16xf32>
        %swap3A_915 = vector.shape_cast %mul3A_908 : vector<16xf32> to vector<1x1x16xf32>
        tpu.vector_store %arg6[%swap3A_910, %swap3A_911, %swap3A_912], %swap3A_915 {strides = array<i32>} : memref<4x32x768xf32, #tpu.memory_space<vmem>>, vector<1x1x16xf32>,
        %get3A_916 = arith.constant 3 : i32
        %get3A_917 = arith.index_cast %get3A_916 : i32 to index
        %get3A_918 = arith.index_cast %scan3A_261 : i32 to index
        %get3A_919 = arith.constant 656 : index
        %get3A_920 = tpu.vector_load %arg6[%get3A_917, %get3A_918, %get3A_919] {strides = array<i32>} : memref<4x32x768xf32, #tpu.memory_space<vmem>>, vector<1x1x16xf32>,
        %get3A_921 = vector.shape_cast %get3A_920 : vector<1x1x16xf32> to vector<16xf32>
        %mul3A_922 = arith.constant 27.7128124 : f32
        %mul3A_923 = vector.broadcast %mul3A_922 : f32 to vector<16xf32>
        %mul3A_924 = arith.mulf %get3A_921, %mul3A_923 : vector<16xf32>
        %swap3A_925 = arith.constant 3 : i32
        %swap3A_926 = arith.index_cast %swap3A_925 : i32 to index
        %swap3A_927 = arith.index_cast %scan3A_261 : i32 to index
        %swap3A_928 = arith.constant 656 : index
        %swap3A_929 = tpu.vector_load %arg6[%swap3A_926, %swap3A_927, %swap3A_928] {strides = array<i32>} : memref<4x32x768xf32, #tpu.memory_space<vmem>>, vector<1x1x16xf32>,
        %swap3A_930 = vector.shape_cast %swap3A_929 : vector<1x1x16xf32> to vector<16xf32>
        %swap3A_931 = vector.shape_cast %mul3A_924 : vector<16xf32> to vector<1x1x16xf32>
        tpu.vector_store %arg6[%swap3A_926, %swap3A_927, %swap3A_928], %swap3A_931 {strides = array<i32>} : memref<4x32x768xf32, #tpu.memory_space<vmem>>, vector<1x1x16xf32>,
        %get3A_932 = arith.constant 3 : i32
        %get3A_933 = arith.index_cast %get3A_932 : i32 to index
        %get3A_934 = arith.index_cast %scan3A_261 : i32 to index
        %get3A_935 = arith.constant 672 : index
        %get3A_936 = tpu.vector_load %arg6[%get3A_933, %get3A_934, %get3A_935] {strides = array<i32>} : memref<4x32x768xf32, #tpu.memory_space<vmem>>, vector<1x1x16xf32>,
        %get3A_937 = vector.shape_cast %get3A_936 : vector<1x1x16xf32> to vector<16xf32>
        %mul3A_938 = arith.constant 27.7128124 : f32
        %mul3A_939 = vector.broadcast %mul3A_938 : f32 to vector<16xf32>
        %mul3A_940 = arith.mulf %get3A_937, %mul3A_939 : vector<16xf32>
        %swap3A_941 = arith.constant 3 : i32
        %swap3A_942 = arith.index_cast %swap3A_941 : i32 to index
        %swap3A_943 = arith.index_cast %scan3A_261 : i32 to index
        %swap3A_944 = arith.constant 672 : index
        %swap3A_945 = tpu.vector_load %arg6[%swap3A_942, %swap3A_943, %swap3A_944] {strides = array<i32>} : memref<4x32x768xf32, #tpu.memory_space<vmem>>, vector<1x1x16xf32>,
        %swap3A_946 = vector.shape_cast %swap3A_945 : vector<1x1x16xf32> to vector<16xf32>
        %swap3A_947 = vector.shape_cast %mul3A_940 : vector<16xf32> to vector<1x1x16xf32>
        tpu.vector_store %arg6[%swap3A_942, %swap3A_943, %swap3A_944], %swap3A_947 {strides = array<i32>} : memref<4x32x768xf32, #tpu.memory_space<vmem>>, vector<1x1x16xf32>,
        %get3A_948 = arith.constant 3 : i32
        %get3A_949 = arith.index_cast %get3A_948 : i32 to index
        %get3A_950 = arith.index_cast %scan3A_261 : i32 to index
        %get3A_951 = arith.constant 688 : index
        %get3A_952 = tpu.vector_load %arg6[%get3A_949, %get3A_950, %get3A_951] {strides = array<i32>} : memref<4x32x768xf32, #tpu.memory_space<vmem>>, vector<1x1x16xf32>,
        %get3A_953 = vector.shape_cast %get3A_952 : vector<1x1x16xf32> to vector<16xf32>
        %mul3A_954 = arith.constant 27.7128124 : f32
        %mul3A_955 = vector.broadcast %mul3A_954 : f32 to vector<16xf32>
        %mul3A_956 = arith.mulf %get3A_953, %mul3A_955 : vector<16xf32>
        %swap3A_957 = arith.constant 3 : i32
        %swap3A_958 = arith.index_cast %swap3A_957 : i32 to index
        %swap3A_959 = arith.index_cast %scan3A_261 : i32 to index
        %swap3A_960 = arith.constant 688 : index
        %swap3A_961 = tpu.vector_load %arg6[%swap3A_958, %swap3A_959, %swap3A_960] {strides = array<i32>} : memref<4x32x768xf32, #tpu.memory_space<vmem>>, vector<1x1x16xf32>,
        %swap3A_962 = vector.shape_cast %swap3A_961 : vector<1x1x16xf32> to vector<16xf32>
        %swap3A_963 = vector.shape_cast %mul3A_956 : vector<16xf32> to vector<1x1x16xf32>
        tpu.vector_store %arg6[%swap3A_958, %swap3A_959, %swap3A_960], %swap3A_963 {strides = array<i32>} : memref<4x32x768xf32, #tpu.memory_space<vmem>>, vector<1x1x16xf32>,
        %get3A_964 = arith.constant 3 : i32
        %get3A_965 = arith.index_cast %get3A_964 : i32 to index
        %get3A_966 = arith.index_cast %scan3A_261 : i32 to index
        %get3A_967 = arith.constant 704 : index
        %get3A_968 = tpu.vector_load %arg6[%get3A_965, %get3A_966, %get3A_967] {strides = array<i32>} : memref<4x32x768xf32, #tpu.memory_space<vmem>>, vector<1x1x16xf32>,
        %get3A_969 = vector.shape_cast %get3A_968 : vector<1x1x16xf32> to vector<16xf32>
        %mul3A_970 = arith.constant 27.7128124 : f32
        %mul3A_971 = vector.broadcast %mul3A_970 : f32 to vector<16xf32>
        %mul3A_972 = arith.mulf %get3A_969, %mul3A_971 : vector<16xf32>
        %swap3A_973 = arith.constant 3 : i32
        %swap3A_974 = arith.index_cast %swap3A_973 : i32 to index
        %swap3A_975 = arith.index_cast %scan3A_261 : i32 to index
        %swap3A_976 = arith.constant 704 : index
        %swap3A_977 = tpu.vector_load %arg6[%swap3A_974, %swap3A_975, %swap3A_976] {strides = array<i32>} : memref<4x32x768xf32, #tpu.memory_space<vmem>>, vector<1x1x16xf32>,
        %swap3A_978 = vector.shape_cast %swap3A_977 : vector<1x1x16xf32> to vector<16xf32>
        %swap3A_979 = vector.shape_cast %mul3A_972 : vector<16xf32> to vector<1x1x16xf32>
        tpu.vector_store %arg6[%swap3A_974, %swap3A_975, %swap3A_976], %swap3A_979 {strides = array<i32>} : memref<4x32x768xf32, #tpu.memory_space<vmem>>, vector<1x1x16xf32>,
        %get3A_980 = arith.constant 3 : i32
        %get3A_981 = arith.index_cast %get3A_980 : i32 to index
        %get3A_982 = arith.index_cast %scan3A_261 : i32 to index
        %get3A_983 = arith.constant 720 : index
        %get3A_984 = tpu.vector_load %arg6[%get3A_981, %get3A_982, %get3A_983] {strides = array<i32>} : memref<4x32x768xf32, #tpu.memory_space<vmem>>, vector<1x1x16xf32>,
        %get3A_985 = vector.shape_cast %get3A_984 : vector<1x1x16xf32> to vector<16xf32>
        %mul3A_986 = arith.constant 27.7128124 : f32
        %mul3A_987 = vector.broadcast %mul3A_986 : f32 to vector<16xf32>
        %mul3A_988 = arith.mulf %get3A_985, %mul3A_987 : vector<16xf32>
        %swap3A_989 = arith.constant 3 : i32
        %swap3A_990 = arith.index_cast %swap3A_989 : i32 to index
        %swap3A_991 = arith.index_cast %scan3A_261 : i32 to index
        %swap3A_992 = arith.constant 720 : index
        %swap3A_993 = tpu.vector_load %arg6[%swap3A_990, %swap3A_991, %swap3A_992] {strides = array<i32>} : memref<4x32x768xf32, #tpu.memory_space<vmem>>, vector<1x1x16xf32>,
        %swap3A_994 = vector.shape_cast %swap3A_993 : vector<1x1x16xf32> to vector<16xf32>
        %swap3A_995 = vector.shape_cast %mul3A_988 : vector<16xf32> to vector<1x1x16xf32>
        tpu.vector_store %arg6[%swap3A_990, %swap3A_991, %swap3A_992], %swap3A_995 {strides = array<i32>} : memref<4x32x768xf32, #tpu.memory_space<vmem>>, vector<1x1x16xf32>,
        %get3A_996 = arith.constant 3 : i32
        %get3A_997 = arith.index_cast %get3A_996 : i32 to index
        %get3A_998 = arith.index_cast %scan3A_261 : i32 to index
        %get3A_999 = arith.constant 736 : index
        %get3A_1000 = tpu.vector_load %arg6[%get3A_997, %get3A_998, %get3A_999] {strides = array<i32>} : memref<4x32x768xf32, #tpu.memory_space<vmem>>, vector<1x1x16xf32>,
        %get3A_1001 = vector.shape_cast %get3A_1000 : vector<1x1x16xf32> to vector<16xf32>
        %mul3A_1002 = arith.constant 27.7128124 : f32
        %mul3A_1003 = vector.broadcast %mul3A_1002 : f32 to vector<16xf32>
        %mul3A_1004 = arith.mulf %get3A_1001, %mul3A_1003 : vector<16xf32>
        %swap3A_1005 = arith.constant 3 : i32
        %swap3A_1006 = arith.index_cast %swap3A_1005 : i32 to index
        %swap3A_1007 = arith.index_cast %scan3A_261 : i32 to index
        %swap3A_1008 = arith.constant 736 : index
        %swap3A_1009 = tpu.vector_load %arg6[%swap3A_1006, %swap3A_1007, %swap3A_1008] {strides = array<i32>} : memref<4x32x768xf32, #tpu.memory_space<vmem>>, vector<1x1x16xf32>,
        %swap3A_1010 = vector.shape_cast %swap3A_1009 : vector<1x1x16xf32> to vector<16xf32>
        %swap3A_1011 = vector.shape_cast %mul3A_1004 : vector<16xf32> to vector<1x1x16xf32>
        tpu.vector_store %arg6[%swap3A_1006, %swap3A_1007, %swap3A_1008], %swap3A_1011 {strides = array<i32>} : memref<4x32x768xf32, #tpu.memory_space<vmem>>, vector<1x1x16xf32>,
        %get3A_1012 = arith.constant 3 : i32
        %get3A_1013 = arith.index_cast %get3A_1012 : i32 to index
        %get3A_1014 = arith.index_cast %scan3A_261 : i32 to index
        %get3A_1015 = arith.constant 752 : index
        %get3A_1016 = tpu.vector_load %arg6[%get3A_1013, %get3A_1014, %get3A_1015] {strides = array<i32>} : memref<4x32x768xf32, #tpu.memory_space<vmem>>, vector<1x1x16xf32>,
        %get3A_1017 = vector.shape_cast %get3A_1016 : vector<1x1x16xf32> to vector<16xf32>
        %mul3A_1018 = arith.constant 27.7128124 : f32
        %mul3A_1019 = vector.broadcast %mul3A_1018 : f32 to vector<16xf32>
        %mul3A_1020 = arith.mulf %get3A_1017, %mul3A_1019 : vector<16xf32>
        %swap3A_1021 = arith.constant 3 : i32
        %swap3A_1022 = arith.index_cast %swap3A_1021 : i32 to index
        %swap3A_1023 = arith.index_cast %scan3A_261 : i32 to index
        %swap3A_1024 = arith.constant 752 : index
        %swap3A_1025 = tpu.vector_load %arg6[%swap3A_1022, %swap3A_1023, %swap3A_1024] {strides = array<i32>} : memref<4x32x768xf32, #tpu.memory_space<vmem>>, vector<1x1x16xf32>,
        %swap3A_1026 = vector.shape_cast %swap3A_1025 : vector<1x1x16xf32> to vector<16xf32>
        %swap3A_1027 = vector.shape_cast %mul3A_1020 : vector<16xf32> to vector<1x1x16xf32>
        tpu.vector_store %arg6[%swap3A_1022, %swap3A_1023, %swap3A_1024], %swap3A_1027 {strides = array<i32>} : memref<4x32x768xf32, #tpu.memory_space<vmem>>, vector<1x1x16xf32>,
      }
      %scan3A_244 = arith.constant 32 : i32
      %mul3A_245 = arith.constant 32 : i32
      %mul3A_246 = arith.muli %add3A_213, %mul3A_245 : i32
      %add3A_247 = arith.addi %mul3A_2, %mul3A_246 : i32
      %dma_start3A_248 = arith.constant 3 : i32
      %dma_start3A_249 = arith.constant 0 : i32
      %dma_start3A_250 = arith.constant 0 : i32
      %dma_start3A_251 = tpu.memref_slice %arg6[%dma_start3A_248, %dma_start3A_249, %dma_start3A_250] : memref<4x32x768xf32, #tpu.memory_space<vmem>> -> memref<1x32x768xf32, #tpu.memory_space<vmem>>
      %dma_start3A_252 = tpu.memref_squeeze %dma_start3A_251 : memref<1x32x768xf32, #tpu.memory_space<vmem>> -> memref<32x768xf32, #tpu.memory_space<vmem>>
      %dma_start3A_253 = arith.constant 0 : i32
      %dma_start3A_254 = tpu.memref_slice %arg4[%add3A_247, %dma_start3A_253] : memref<32768x768xf32, #tpu.memory_space<hbm>> -> memref<32x768xf32, #tpu.memory_space<hbm>>
      %dma_start3A_255 = arith.constant 0 : i32
      %dma_start3A_256 = tpu.memref_slice %arg4[%add3A_247, %dma_start3A_255] : memref<32768x768xf32, #tpu.memory_space<hbm>> -> memref<32x768xf32, #tpu.memory_space<hbm>>
      %dma_start3A_257 = arith.constant 0 : i32
      %dma_start3A_258 = arith.constant 0 : i32
      %dma_start3A_259 = tpu.memref_slice %arg6[%dma_start3A_248, %dma_start3A_257, %dma_start3A_258] : memref<4x32x768xf32, #tpu.memory_space<vmem>> -> memref<1x32x768xf32, #tpu.memory_space<vmem>>
      %dma_start3A_260 = tpu.memref_squeeze %dma_start3A_259 : memref<1x32x768xf32, #tpu.memory_space<vmem>> -> memref<32x768xf32, #tpu.memory_space<vmem>>
      tpu.enqueue_dma source(%dma_start3A_260 : memref<32x768xf32, #tpu.memory_space<vmem>>) target(%dma_start3A_256 : memref<32x768xf32, #tpu.memory_space<hbm>>) target_semaphore(%arg14 : memref<!tpu.dma_semaphore, #tpu.memory_space<semaphore_mem>>)
    }
    %scan3A_30 = arith.constant 8 : i32
    %add3A_31 = arith.constant 960 : i32
    %add3A_32 = arith.addi %mul3A_2, %add3A_31 : i32
    %dma_wait3A = arith.constant 2 : i32
    %dma_wait3A_33 = arith.constant 0 : i32
    %dma_wait3A_34 = arith.constant 0 : i32
    %dma_wait3A_35 = tpu.memref_slice %arg6[%dma_wait3A, %dma_wait3A_33, %dma_wait3A_34] : memref<4x32x768xf32, #tpu.memory_space<vmem>> -> memref<1x32x768xf32, #tpu.memory_space<vmem>>
    %dma_wait3A_36 = tpu.memref_squeeze %dma_wait3A_35 : memref<1x32x768xf32, #tpu.memory_space<vmem>> -> memref<32x768xf32, #tpu.memory_space<vmem>>
    %dma_wait3A_37 = arith.constant 0 : i32
    %dma_wait3A_38 = tpu.memref_slice %arg4[%add3A_32, %dma_wait3A_37] : memref<32768x768xf32, #tpu.memory_space<hbm>> -> memref<32x768xf32, #tpu.memory_space<hbm>>
    %dma_wait3A_39 = arith.constant 0 : i32
    %dma_wait3A_40 = tpu.memref_slice %arg4[%add3A_32, %dma_wait3A_39] : memref<32768x768xf32, #tpu.memory_space<hbm>> -> memref<32x768xf32, #tpu.memory_space<hbm>>
    %dma_wait3A_41 = arith.constant 0 : i32
    %dma_wait3A_42 = arith.constant 0 : i32
    %dma_wait3A_43 = tpu.memref_slice %arg6[%dma_wait3A, %dma_wait3A_41, %dma_wait3A_42] : memref<4x32x768xf32, #tpu.memory_space<vmem>> -> memref<1x32x768xf32, #tpu.memory_space<vmem>>
    %dma_wait3A_44 = tpu.memref_squeeze %dma_wait3A_43 : memref<1x32x768xf32, #tpu.memory_space<vmem>> -> memref<32x768xf32, #tpu.memory_space<vmem>>
    tpu.wait_dma2 semaphore(%arg13 : memref<!tpu.dma_semaphore, #tpu.memory_space<semaphore_mem>>) src(%dma_wait3A_44 : memref<32x768xf32, #tpu.memory_space<vmem>>) dst(%dma_wait3A_40 : memref<32x768xf32, #tpu.memory_space<hbm>>)
    %add3A_45 = arith.constant 992 : i32
    %add3A_46 = arith.addi %mul3A_2, %add3A_45 : i32
    %dma_wait3A_47 = arith.constant 3 : i32
    %dma_wait3A_48 = arith.constant 0 : i32
    %dma_wait3A_49 = arith.constant 0 : i32
    %dma_wait3A_50 = tpu.memref_slice %arg6[%dma_wait3A_47, %dma_wait3A_48, %dma_wait3A_49] : memref<4x32x768xf32, #tpu.memory_space<vmem>> -> memref<1x32x768xf32, #tpu.memory_space<vmem>>
    %dma_wait3A_51 = tpu.memref_squeeze %dma_wait3A_50 : memref<1x32x768xf32, #tpu.memory_space<vmem>> -> memref<32x768xf32, #tpu.memory_space<vmem>>
    %dma_wait3A_52 = arith.constant 0 : i32
    %dma_wait3A_53 = tpu.memref_slice %arg4[%add3A_46, %dma_wait3A_52] : memref<32768x768xf32, #tpu.memory_space<hbm>> -> memref<32x768xf32, #tpu.memory_space<hbm>>
    %dma_wait3A_54 = arith.constant 0 : i32
    %dma_wait3A_55 = tpu.memref_slice %arg4[%add3A_46, %dma_wait3A_54] : memref<32768x768xf32, #tpu.memory_space<hbm>> -> memref<32x768xf32, #tpu.memory_space<hbm>>
    %dma_wait3A_56 = arith.constant 0 : i32
    %dma_wait3A_57 = arith.constant 0 : i32
    %dma_wait3A_58 = tpu.memref_slice %arg6[%dma_wait3A_47, %dma_wait3A_56, %dma_wait3A_57] : memref<4x32x768xf32, #tpu.memory_space<vmem>> -> memref<1x32x768xf32, #tpu.memory_space<vmem>>
    %dma_wait3A_59 = tpu.memref_squeeze %dma_wait3A_58 : memref<1x32x768xf32, #tpu.memory_space<vmem>> -> memref<32x768xf32, #tpu.memory_space<vmem>>
    tpu.wait_dma2 semaphore(%arg14 : memref<!tpu.dma_semaphore, #tpu.memory_space<semaphore_mem>>) src(%dma_wait3A_59 : memref<32x768xf32, #tpu.memory_space<vmem>>) dst(%dma_wait3A_55 : memref<32x768xf32, #tpu.memory_space<hbm>>)
    return
  }
}

</mosaic_0001>

<sc_bundles>
// kernel: kernel.3.cloned.1.call-start
scs
__scs_entry_jumppad:
0x0: {  	(pc) =	sbr.rel $0x88, $3  }
0x1: {  	(tag) =	ssettag $0x0;
	lr =	simm.s32 $0x1  }
0x2: {  	[smem:$0x3F9F] =	sst lr;
	_ =	strace $0xD0000000  }
0x3: {  	_ = 	snop  }
0x4: {  	_ = 	snop  }
0x5: {  	_ = 	snop  }
0x6: {  	_ = 	snop  }
0x7: {  	_ = 	snop  }
__scs_overlays_trampoline_lowered:
0x8: {  	[smem:$0x3FAE] =	sst s0  }
0x9: {  	[smem:$0x3FAF] =	sst s1  }
0xa: {  	[smem:$0x3FB0] =	sst s2  }
0xb: {  	[smem:$0x3FB1] =	sst s3  }
0xc: {  	[smem:$0x3FB2] =	sst s4  }
0xd: {  	[smem:$0x3FB3] =	sst s5  }
0xe: {  	[smem:$0x3FB4] =	sst s6  }
0xf: {  	[smem:$0x3FB5] =	sst s7  }
0x10: {  	[smem:$0x3FB6] =	sst s8  }
0x11: {  	[smem:$0x3FB7] =	sst s9;
	s0 =	simm.s32 @!p0 $0x0  }
0x12: {  	s1 =	sld [smem:$0x3F9D];
	s0 =	simm.s32 @p0 $0x1  }
0x13: {  	[smem:$0x3FB8] =	sst s0;
	s0 =	simm.s32 @!p1 $0x0  }
0x14: {  	s2 =	sld [smem:$0x3F9C];
	s0 =	simm.s32 @p1 $0x1  }
0x15: {  	[smem:$0x3FB9] =	sst s0;
	s0 =	simm.s32 @!p2 $0x0  }
0x16: {  	s3 =	sld [smem:$0x3FDB];
	s0 =	simm.s32 @p2 $0x1  }
0x17: {  	s4 =	simm.s32 $0x1BF5;
	[smem:$0x3FBB] =	sst s0  }
0x18: {  	s0 =	sld [smem:$0x3F9E];
	_ =	swait.ge [sflag:s4], $0x0  }
0x19: {  	s7 =	sld [smem:$0x3F9F]  }
0x1a: {  	s8 =	sadd.s32 $0xFFFFE003, lr  }
0x1b: {  	s9 =	sadd.s32 $0xFFFFFEF7, lr;
	s5 =	simm.s32 $0xFFFFFFFF;
	p2 =	slt.u32 s8, $0xFFFFF086  }
0x1c: {  	p1 =	slt.u32 s9, $0xF7A;
	s5 =	simm.s32 @!p2 $0x0  }
0x1d: {  	s5 =	simm.s32 @p1 $0x1;
	p0 =	seq.s32 s7, s2  }
0x1e: {  	s7 =	smul.u32 @!p0 $0xF7A, s2;
	p2 =	seq.s32 @!p0 s5, $0x0  }
0x1f: {  	s9 =	smul.u32 $0xF7A, s1;
	s8 =	simm.s32 @!p0 $0x1BF5;
	p2 =	por !p2, p0  }
0x20: {  	[sflag:s8] =	ssyncset.s32 @!p0 $0xFFFFF086;
	s6 =	sadd.s32 @!p0 s3, s7;
	s7 =	simm.s32 @!p0 $0x108  }
0x21: {  	s3 =	sadd.s32 s3, s9;
	s6 =	sadd.s32 @!p0 $0x88, s6;
	s7 =	simm.s32 @p2 $0x1082  }
0x22: {  	[simem:s7], [sflag:s8] =	dma.local @!p0 [hbm:s6], $0xF7A  }
0x23: {  	s9 =	sor.u32 $0xD0000000, s2;
	s6 =	simm.s32 $0x108;
	_ =	swait.ge @!p0 [sflag:s8], $0x0  }
0x24: {  	s3 =	sadd.s32 $0x88, s3;
	s6 =	simm.s32 @!p1 $0x1082;
	[sflag:s4] =	ssyncset.s32 $0xFFFFF086  }
0x25: {  	[simem:s6], [sflag:s4] =	dma.local [hbm:s3], $0xF7A  }
0x26: {  	[smem:$0x3F9F] =	sst s1;
	(tag) =	ssettag s2;
	_ =	strace s9  }
0x27: {  	s1 =	sld [smem:$0x3FAF]  }
0x28: {  	s2 =	sld [smem:$0x3FB0]  }
0x29: {  	s4 =	sld [smem:$0x3FB2]  }
0x2a: {  	p0 =	seq.s32 s5, $0x0;
	s5 =	sld [smem:$0x3FB3]  }
0x2b: {  	s6 =	sld [smem:$0x3FB4]  }
0x2c: {  	s7 =	sld [smem:$0x3FB5]  }
0x2d: {  	s3 =	simm.s32 $0x108;
	s8 =	sld [smem:$0x3FB6]  }
0x2e: {  	s3 =	simm.s32 @!p0 $0x1082;
	s9 =	sld [smem:$0x3FB7]  }
0x2f: {  	lr =	sadd.s32 s0, s3;
	s0 =	sld [smem:$0x3FAE]  }
0x30: {  	s3 =	sld [smem:$0x3FB1]  }
0x31: {  	[smem:$0x3FBA] =	sst s10  }
0x32: {  	s10 =	sld [smem:$0x3FB8];
	_ =	sdelay $0x3  }
0x33: {  	p0 =	seq.s32 s10, $0x1;
	s10 =	sld [smem:$0x3FBA];
	_ =	sdelay $0x3  }
0x34: {  	[smem:$0x3FBA] =	sst s10  }
0x35: {  	s10 =	sld [smem:$0x3FB9];
	_ =	sdelay $0x3  }
0x36: {  	p1 =	seq.s32 s10, $0x1;
	s10 =	sld [smem:$0x3FBA];
	_ =	sdelay $0x3  }
0x37: {  	[smem:$0x3FBA] =	sst s10  }
0x38: {  	s10 =	sld [smem:$0x3FBB]  }
0x39: {  	_ = 	snop;
	(pc) =	sbr.ind lr, $3  }
0x3a: {  	_ = 	snop  }
0x3b: {  	_ = 	snop  }
0x3c: {  	p2 =	seq.s32 s10, $0x1;
	s10 =	sld [smem:$0x3FBA]  }
0x3d: {  	_ =	shalt  }
0x3e: {  	_ =	shalt  }
0x3f: {  	_ =	shalt  }
0x40: {  	_ =	shalt  }
0x41: {  	_ =	shalt  }
0x42: {  	_ =	shalt  }
0x43: {  	_ =	shalt  }
0x44: {  	_ =	shalt  }
0x45: {  	_ =	shalt  }
0x46: {  	_ =	shalt  }
0x47: {  	_ =	shalt  }
0x48: {  	_ =	shalt  }
0x49: {  	_ =	shalt  }
0x4a: {  	_ =	shalt  }
0x4b: {  	_ =	shalt  }
0x4c: {  	_ =	shalt  }
0x4d: {  	_ =	shalt  }
0x4e: {  	_ =	shalt  }
0x4f: {  	_ =	shalt  }
0x50: {  	_ =	shalt  }
0x51: {  	_ =	shalt  }
0x52: {  	_ =	shalt  }
0x53: {  	_ =	shalt  }
0x54: {  	_ =	shalt  }
0x55: {  	_ =	shalt  }
0x56: {  	_ =	shalt  }
0x57: {  	_ =	shalt  }
0x58: {  	_ =	shalt  }
0x59: {  	_ =	shalt  }
0x5a: {  	_ =	shalt  }
0x5b: {  	_ =	shalt  }
0x5c: {  	_ =	shalt  }
0x5d: {  	_ =	shalt  }
0x5e: {  	_ =	shalt  }
0x5f: {  	_ =	shalt  }
0x60: {  	_ =	shalt  }
0x61: {  	_ =	shalt  }
0x62: {  	_ =	shalt  }
0x63: {  	_ =	shalt  }
0x64: {  	_ =	shalt  }
0x65: {  	_ =	shalt  }
0x66: {  	_ =	shalt  }
0x67: {  	_ =	shalt  }
0x68: {  	_ =	shalt  }
0x69: {  	_ =	shalt  }
0x6a: {  	_ =	shalt  }
0x6b: {  	_ =	shalt  }
0x6c: {  	_ =	shalt  }
0x6d: {  	_ =	shalt  }
0x6e: {  	_ =	shalt  }
0x6f: {  	_ =	shalt  }
0x70: {  	_ =	shalt  }
0x71: {  	_ =	shalt  }
0x72: {  	_ =	shalt  }
0x73: {  	_ =	shalt  }
0x74: {  	_ =	shalt  }
0x75: {  	_ =	shalt  }
0x76: {  	_ =	shalt  }
0x77: {  	_ =	shalt  }
0x78: {  	_ =	shalt  }
0x79: {  	_ =	shalt  }
0x7a: {  	_ =	shalt  }
0x7b: {  	_ =	shalt  }
0x7c: {  	_ =	shalt  }
0x7d: {  	_ =	shalt  }
0x7e: {  	_ =	shalt  }
0x7f: {  	_ =	shalt  }
0x80: {  	_ =	shalt  }
0x81: {  	_ =	shalt  }
0x82: {  	_ =	shalt  }
0x83: {  	_ =	shalt  }
0x84: {  	_ =	shalt  }
0x85: {  	_ =	shalt  }
0x86: {  	_ =	shalt  }
0x87: {  	_ =	shalt  }
.Lfunc_end0:
.L_simem_size_0:
called_computation_lowered:
.L_overlay_start_0:
0x88: {  	s2 =	sld [smem:$0x3FD9]  }
0x89: {  	s3 =	sld [smem:$0x3FFE];
	_ =	sdelay $0x1  }
0x8a: {  	s1 =	srdreg.scid  }
0x8b: {  	s0 =	sand.u32 $0x1, s1  }
0x8c: {  	s17 =	sshll.u32 s0, $0xA;
	s2 =	sadd.s32 s3, s2  }
0x8d: {  	s2 =	sadd.s32 s2, s17  }
0x8e: {  	[smem:$0x3FC6] =	sst s2  }
0x8f: {  	_ = 	snop  }
0x90: {  	s2 =	sld [smem:$0x3FC8]  }
0x91: {  	s18 =	sld [smem:$0x3FD0];
	(tm) =	ssettm $0x1  }
0x92: {  	s4 =	sld [smem:$0x3FFB];
	_ =	sdelay $0x3  }
0x93: {  	_ =	strace s4  }
0x94: {  	s4 =	sld [smem:$0x3FFC];
	_ =	sdelay $0x3  }
0x95: {  	_ =	strace s4  }
0x96: {  	s4 =	sld [smem:$0x3FFD];
	_ =	sdelay $0x3  }
0x97: {  	_ =	strace s4  }
0x98: {  	_ =	strace $0x8FFFFFFF  }
0x99: {  	s19 =	sld [smem:$0x3FDB];
	_ =	sdelay $0x1  }
0x9a: {  	s5 =	simm.s32 $_scs_section_size  }
0x9b: {  	s6 =	simm.s32 $_size__tile_overlayer_lowered;
	s7 =	simm.s32 $_tile_overlayer_lowered  }
0x9c: {  	s22 =	simm.s32 $0x1BFF;
	s21 =	sshll.u32 s7, $0x1;
	s4 =	sadd.s32 s5, s19  }
0x9d: {  	s8 =	simm.s32 $0x0;
	s20 =	sshll.u32 s6, $0x1;
	s6 =	sadd.s32 s21, s4  }
0x9e: {  	[timem:s8], [sflag:s22] =	dma.local [hbm:s6], s20  }
0x9f: {  	_ =	swait.ge [sflag:s22], s20  }
0xa0: {  	s5 =	ssub.s32 $0x0, s20;
	[sflag:s22] =	ssyncset.done $0x0  }
0xa1: {  	[sflag:s22] =	ssyncadd.s32 s5;
	_ =	sdelay $0x1  }
0xa2: {  	s23 =	simm.s32 $0x1B8B  }
0xa3: {  	_ =	swait.ge [sflag:s23], $0x1  }
0xa4: {  	[sflag:s23] =	ssyncset.done $0x0  }
0xa5: {  	s25 =	simm.s32 $0x1B8E;
	s24 =	sld [smem:$0x3FFE];
	[sflag:s23] =	ssyncadd.s32 $0xFFFFFFFF  }
0xa6: {  	s26 =	simm.s32 $execute0_lowered;
	[smem:$0x3FD2] =	sst s25  }
0xa7: {  	s6 =	sshll.u32 s26, $0x1;
	_ =	strace $0x80000046;
	[dreg:$0x1] =	wrdreg $0xFFFFFFFF  }
0xa8: {  	s28 =	simm.s32 $_size_execute0_lowered;
	s4 =	sadd.s32 s4, s6;
	[dreg:$0x0] =	wrdreg $0x0  }
0xa9: {  	s6 =	sshll.u32 s28, $0x1;
	[dreg:$0x2] =	wrdreg s4  }
0xaa: {  	[dreg:$0x3] =	wrdreg s6  }
0xab: {  	[dreg:$0x4] =	wrdreg $0xC0  }
0xac: {  	_ =	task [dreg:s8], $0x5FFFF  }
0xad: {  	[dreg:$0x1] =	wrdreg $0xFFFFFFFF  }
0xae: {  	[dreg:$0x0] =	wrdreg $0x60  }
0xaf: {  	[dreg:$0x2] =	wrdreg s24  }
0xb0: {  	[dreg:$0x3] =	wrdreg s2  }
0xb1: {  	[dreg:$0x4] =	wrdreg s18  }
0xb2: {  	[dreg:$0x5] =	wrdreg $0x9  }
0xb3: {  	_ =	task.clear_ibuf [dreg:s8], $0x6FFFF;
	_ =	strace $0x90000046  }
0xb4: {  	s29 =	simm.s32 $0x9;
	_ =	strace $0x80000048  }
0xb5: {  	_ =	swait.ge [sflag:s29], $0x1  }
0xb6: {  	[sflag:s29] =	ssyncadd.s32 $0xFFFFFFFF  }
0xb7: {  	_ =	strace $0x90000048  }
0xb8: {  	_ =	sfence  }
0xb9: {  	s30 =	sld [smem:$0x0];
	_ =	sdelay $0x2  }
0xba: {  	s31 =	sshll.u32 s1, $0xD;
	s1 =	sshrl.u32 s1, $0x2  }
0xbb: {  	s3 =	sand.u32 $0x4000, s31;
	s1 =	sadd.s32 s1, s30  }
0xbc: {  	s0 =	sor.u32 s3, s0;
	s1 =	sshll.u32 s1, $0x11  }
0xbd: {  	s0 =	sor.u32 s1, s0  }
0xbe: {  	s0 =	sadd.s32 $0x8F2B, s0  }
0xbf: {  	[sflag:s0] =	ssyncadd.remote.s32 $0x1  }
0xc0: {  	_ =	sfence.sel $0xFFFF  }
0xc1: {  	[dreg:$0x0] =	wrdreg $0xFFFFFFFF;
	(pc) =	sbr.abs _section_cstart, $3  }
0xc2: {  	[dreg:$0x1] =	wrdreg $0xFFFFFFFF  }
0xc3: {  	_ =	task.clear_ibuf [dreg:s8], $0x2FFFF;
	_ =	strace $0x9FFFFFFF  }
0xc4: {  	(tm) =	ssettm $0x7FFFFFFF  }
0xc5: {  	_ =	shalt  }
tec
execute0_lowered:
.L_overlay_start_1:
0x0: {  	(tag) =	ssettag $0x1  }
0x1: {  	s0 =	rddreg [dreg:$0x0]  }
0x2: {  	s2 =	rddreg [dreg:$0x1]  }
0x3: {  	s3 =	rddreg [dreg:$0x2];
	s1 =	srdreg.scid  }
0x4: {  	s4 =	stileid.u32;
	s11 =	simm.s32 $0x1000;
	s23 =	simm.s32 $0x7000  }
0x5: {  	s14 =	simm.s32 $0xD000;
	s28 =	simm.s32 $0x1;
	s29 =	simm.s32 $0x13000  }
0x6: {  	s13 =	simm.s32 $0x16000;
	s9 =	simm.s32 $0x17000;
	s10 =	simm.s32 $0x17800  }
0x7: {  	s15 =	simm.s32 $0x18000;
	s16 =	simm.s32 $0x18800;
	s17 =	simm.s32 $0x2  }
0x8: {  	s18 =	simm.s32 $0x5;
	s19 =	simm.s32 $0x3;
	s20 =	simm.s32 $0x6  }
0x9: {  	s21 =	simm.s32 $0x4;
	s1 =	sand.u32 $0x1, s1;
	s5 =	sshll.u32 s4, $0x1  }
0xa: {  	s12 =	simm.s32 $0x0;
	s4 =	simm.s32 $0x0;
	s5 =	sor.u32 s1, s5  }
0xb: {  	s8 =	sadd.s32 $0x200, s2;
	s1 =	ssub.s32 $0x2, s1;
	s6 =	sshll.u32 s5, $0x9  }
0xc: {  	[smem:$0x7FF] =	sst s4;
	s7 =	sshrl.u32 s1, $0x1;
	s0 =	sadd.s32 s6, s0  }
0xd: {  	v2 =	vlaneseq.u32;
	_ =	strace $0x80000047;
	s1 =	ssub.s32 s1, s7;
	s0 =	sadd.s32 $0x400, s0  }
0xe: {  	vm0 =	vmmov $0xffff;
	v1 =	vshrl.u32 v2, $0x3;
	s5 =	sshll.u32 s5, $0xA;
	s31 =	smax.u32 s1, $0x1;
	[dreg:$0x4] =	wrdreg s0  }
0xf: {  	v0 =	vand.u32 $0x7, v2;
	v2 =	vor.u32 $0x8, v2;
	v1 =	vmul.u32 $0x8, v1;
	s7 =	sadd.s32 $0x100, s2;
	s6 =	simm.s32 $0x16800;
	[dreg:$0x5] =	wrdreg s31  }
.LBB2_1:
0x10: {  	[dreg:$0x6] =	wrdreg s12  }
0x11: {  	s0 =	rddreg [dreg:$0x4];
	s12 =	simm.s32 $0x9  }
0x12: {  	[tilespmem:s4], [sflag:$0x9] =	stream.linear.gather [hbm4b:s0+s4], $0x1000, $0x38;
	[tilespmem:$0x19000] =	vst v63  }
0x13: {  	_ =	swait.ge [sflag:s12], $0x1000  }
0x14: {  	[sflag:s12] =	ssyncset.done $0x0  }
0x15: {  	[sflag:s12] =	ssyncadd.s32 $0xFFFFF000  }
0x16: {  	v3 =	vld [tilespmem:$0x0];
	_ =	sdelay $0x4  }
0x17: {  	v4 =	vshrl.u32 v3, $0x3  }
0x18: {  	v4 =	vmul.u32 $0x30, v4  }
0x19: {  	v3 =	vand.u32 $0x7, v3  }
0x1a: {  	v3 =	vor.u32 v3, v4  }
0x1b: {  	v4 =	vperm.xlane v3, v0;
	_ =	sdelay $0x1  }
0x1c: {  	v4 =	vadd.s32 v1, v4;
	_ =	sdelay $0x3  }
0x1d: {  	v3 =	vperm.xlane v3, v2  }
0x1e: {  	[tilespmem:s11], [sflag:$0x1] =	stream.indirect_vreg.gather [hbm4b:s2+s4], $0x80, v4, vm0, $0xb8;
	[tilespmem:$0x19000] =	vst v63  }
0x1f: {  	s22 =	simm.s32 $0x1800;
	v3 =	vadd.s32 v1, v3  }
0x20: {  	[tilespmem:s22], [sflag:$0x1] =	stream.indirect_vreg.gather [hbm4b:s7+s4], $0x80, v4, vm0, $0xb8;
	[tilespmem:$0x19000] =	vst v63  }
0x21: {  	s24 =	simm.s32 $0x2000  }
0x22: {  	[tilespmem:s24], [sflag:$0x1] =	stream.indirect_vreg.gather [hbm4b:s8+s4], $0x80, v4, vm0, $0xb8;
	[tilespmem:$0x19000] =	vst v63  }
0x23: {  	s25 =	simm.s32 $0x2800  }
0x24: {  	[tilespmem:s25], [sflag:$0x1] =	stream.indirect_vreg.gather [hbm4b:s2+s4], $0x80, v3, vm0, $0xb8;
	[tilespmem:$0x19000] =	vst v63  }
0x25: {  	s26 =	simm.s32 $0x3000  }
0x26: {  	[tilespmem:s26], [sflag:$0x1] =	stream.indirect_vreg.gather [hbm4b:s7+s4], $0x80, v3, vm0, $0xb8;
	[tilespmem:$0x19000] =	vst v63  }
0x27: {  	s30 =	simm.s32 $0x3800  }
0x28: {  	[tilespmem:s30], [sflag:$0x1] =	stream.indirect_vreg.gather [hbm4b:s8+s4], $0x80, v3, vm0, $0xb8;
	[tilespmem:$0x19000] =	vst v63  }
0x29: {  	v3 =	vld [tilespmem:$0x10];
	_ =	sdelay $0x4  }
0x2a: {  	v61 =	vshrl.u32 v3, $0x3  }
0x2b: {  	v4 =	vmul.u32 $0x30, v61  }
0x2c: {  	v3 =	vand.u32 $0x7, v3  }
0x2d: {  	v3 =	vor.u32 v3, v4  }
0x2e: {  	v4 =	vperm.xlane v3, v0;
	_ =	sdelay $0x1  }
0x2f: {  	v4 =	vadd.s32 v1, v4;
	_ =	sdelay $0x3  }
0x30: {  	s31 =	simm.s32 $0x4000;
	v3 =	vperm.xlane v3, v2  }
0x31: {  	[tilespmem:s31], [sflag:$0x1] =	stream.indirect_vreg.gather [hbm4b:s2+s4], $0x80, v4, vm0, $0xb8;
	[tilespmem:$0x19000] =	vst v63  }
0x32: {  	s1 =	simm.s32 $0x4800;
	v3 =	vadd.s32 v1, v3  }
0x33: {  	[tilespmem:s1], [sflag:$0x1] =	stream.indirect_vreg.gather [hbm4b:s7+s4], $0x80, v4, vm0, $0xb8;
	[tilespmem:$0x19000] =	vst v63  }
0x34: {  	s12 =	simm.s32 $0x5000  }
0x35: {  	[tilespmem:s12], [sflag:$0x1] =	stream.indirect_vreg.gather [hbm4b:s8+s4], $0x80, v4, vm0, $0xb8;
	[tilespmem:$0x19000] =	vst v63  }
0x36: {  	s22 =	simm.s32 $0x5800  }
0x37: {  	[tilespmem:s22], [sflag:$0x1] =	stream.indirect_vreg.gather [hbm4b:s2+s4], $0x80, v3, vm0, $0xb8;
	[tilespmem:$0x19000] =	vst v63  }
0x38: {  	s24 =	simm.s32 $0x6000  }
0x39: {  	[tilespmem:s24], [sflag:$0x1] =	stream.indirect_vreg.gather [hbm4b:s7+s4], $0x80, v3, vm0, $0xb8;
	[tilespmem:$0x19000] =	vst v63  }
0x3a: {  	s25 =	simm.s32 $0x6800  }
0x3b: {  	[tilespmem:s25], [sflag:$0x1] =	stream.indirect_vreg.gather [hbm4b:s8+s4], $0x80, v3, vm0, $0xb8;
	[tilespmem:$0x19000] =	vst v63  }
0x3c: {  	v3 =	vld [tilespmem:$0x80];
	_ =	sdelay $0x4  }
0x3d: {  	v62 =	vshrl.u32 v3, $0x3  }
0x3e: {  	v4 =	vmul.u32 $0x30, v62  }
0x3f: {  	v3 =	vand.u32 $0x7, v3  }
0x40: {  	v3 =	vor.u32 v3, v4  }
0x41: {  	v4 =	vperm.xlane v3, v0;
	_ =	sdelay $0x1  }
0x42: {  	v4 =	vadd.s32 v1, v4;
	_ =	sdelay $0x3  }
0x43: {  	v3 =	vperm.xlane v3, v2  }
0x44: {  	[tilespmem:s23], [sflag:$0x2] =	stream.indirect_vreg.gather [hbm4b:s2+s4], $0x80, v4, vm0, $0xb8;
	[tilespmem:$0x19000] =	vst v63  }
0x45: {  	s26 =	simm.s32 $0x7800;
	v3 =	vadd.s32 v1, v3  }
0x46: {  	[tilespmem:s26], [sflag:$0x2] =	stream.indirect_vreg.gather [hbm4b:s7+s4], $0x80, v4, vm0, $0xb8;
	[tilespmem:$0x19000] =	vst v63  }
0x47: {  	s30 =	simm.s32 $0x8000  }
0x48: {  	[tilespmem:s30], [sflag:$0x2] =	stream.indirect_vreg.gather [hbm4b:s8+s4], $0x80, v4, vm0, $0xb8;
	[tilespmem:$0x19000] =	vst v63  }
0x49: {  	s31 =	simm.s32 $0x8800  }
0x4a: {  	[tilespmem:s31], [sflag:$0x2] =	stream.indirect_vreg.gather [hbm4b:s2+s4], $0x80, v3, vm0, $0xb8;
	[tilespmem:$0x19000] =	vst v63  }
0x4b: {  	s1 =	simm.s32 $0x9000  }
0x4c: {  	[tilespmem:s1], [sflag:$0x2] =	stream.indirect_vreg.gather [hbm4b:s7+s4], $0x80, v3, vm0, $0xb8;
	[tilespmem:$0x19000] =	vst v63  }
0x4d: {  	s12 =	simm.s32 $0x9800  }
0x4e: {  	[tilespmem:s12], [sflag:$0x2] =	stream.indirect_vreg.gather [hbm4b:s8+s4], $0x80, v3, vm0, $0xb8;
	[tilespmem:$0x19000] =	vst v63  }
0x4f: {  	v3 =	vld [tilespmem:$0x90];
	_ =	sdelay $0x4  }
0x50: {  	v63 =	vshrl.u32 v3, $0x3  }
0x51: {  	v4 =	vmul.u32 $0x30, v63  }
0x52: {  	v3 =	vand.u32 $0x7, v3  }
0x53: {  	v3 =	vor.u32 v3, v4  }
0x54: {  	v4 =	vperm.xlane v3, v0;
	_ =	sdelay $0x1  }
0x55: {  	v4 =	vadd.s32 v1, v4;
	_ =	sdelay $0x3  }
0x56: {  	s22 =	simm.s32 $0xA000;
	v3 =	vperm.xlane v3, v2  }
0x57: {  	[tilespmem:s22], [sflag:$0x2] =	stream.indirect_vreg.gather [hbm4b:s2+s4], $0x80, v4, vm0, $0xb8;
	[tilespmem:$0x19000] =	vst v63  }
0x58: {  	s24 =	simm.s32 $0xA800;
	v3 =	vadd.s32 v1, v3  }
0x59: {  	[tilespmem:s24], [sflag:$0x2] =	stream.indirect_vreg.gather [hbm4b:s7+s4], $0x80, v4, vm0, $0xb8;
	[tilespmem:$0x19000] =	vst v63  }
0x5a: {  	s25 =	simm.s32 $0xB000  }
0x5b: {  	[tilespmem:s25], [sflag:$0x2] =	stream.indirect_vreg.gather [hbm4b:s8+s4], $0x80, v4, vm0, $0xb8;
	[tilespmem:$0x19000] =	vst v63  }
0x5c: {  	s26 =	simm.s32 $0xB800  }
0x5d: {  	[tilespmem:s26], [sflag:$0x2] =	stream.indirect_vreg.gather [hbm4b:s2+s4], $0x80, v3, vm0, $0xb8;
	[tilespmem:$0x19000] =	vst v63  }
0x5e: {  	s30 =	simm.s32 $0xC000  }
0x5f: {  	[tilespmem:s30], [sflag:$0x2] =	stream.indirect_vreg.gather [hbm4b:s7+s4], $0x80, v3, vm0, $0xb8;
	[tilespmem:$0x19000] =	vst v63  }
0x60: {  	s31 =	simm.s32 $0xC800;
	s22 =	simm.s32 $0x0  }
0x61: {  	[tilespmem:s31], [sflag:$0x2] =	stream.indirect_vreg.gather [hbm4b:s8+s4], $0x80, v3, vm0, $0xb8;
	[tilespmem:$0x19000] =	vst v63  }
.LBB2_2:
0x62: {  	p0 =	seq.s32 s22, $0x0  }
0x63: {  	s24 =	sshll.u32 s22, $0x2;
	s0 =	simm.s32 @!p0 $0x7  }
0x64: {  	s25 =	sor.u32 $0x2, s24;
	_ =	swait.ge @!p0 [sflag:s0], $0x6000  }
0x65: {  	s26 =	sshll.u32 s25, $0x7;
	[sflag:s0] =	ssyncset.done @!p0 $0x0  }
0x66: {  	[sflag:s0] =	ssyncadd.s32 @!p0 $0xFFFFA000;
	s0 =	sand.u32 $0x3FFFFF80, s26  }
0x67: {  	v3 =	vld [tilespmem:s0+$0x0];
	_ =	sdelay $0x4  }
0x68: {  	v4 =	vshrl.u32 v3, $0x3  }
0x69: {  	v4 =	vmul.u32 $0x30, v4  }
0x6a: {  	v3 =	vand.u32 $0x7, v3  }
0x6b: {  	v3 =	vor.u32 v3, v4  }
0x6c: {  	v4 =	vperm.xlane v3, v0;
	_ =	sdelay $0x1  }
0x6d: {  	v4 =	vadd.s32 v1, v4;
	_ =	sdelay $0x3  }
0x6e: {  	s26 =	simm.s32 $0x0;
	v3 =	vperm.xlane v3, v2  }
0x6f: {  	[tilespmem:s14], [sflag:$0x3] =	stream.indirect_vreg.gather [hbm4b:s2+s26], $0x80, v4, vm0, $0xb8;
	[tilespmem:$0x19000] =	vst v63  }
0x70: {  	s1 =	simm.s32 $0xD800;
	v3 =	vadd.s32 v1, v3  }
0x71: {  	[tilespmem:s1], [sflag:$0x3] =	stream.indirect_vreg.gather [hbm4b:s7+s26], $0x80, v4, vm0, $0xb8;
	[tilespmem:$0x19000] =	vst v63  }
0x72: {  	s12 =	simm.s32 $0xE000  }
0x73: {  	[tilespmem:s12], [sflag:$0x3] =	stream.indirect_vreg.gather [hbm4b:s8+s26], $0x80, v4, vm0, $0xb8;
	[tilespmem:$0x19000] =	vst v63  }
0x74: {  	s12 =	simm.s32 $0xE800  }
0x75: {  	[tilespmem:s12], [sflag:$0x3] =	stream.indirect_vreg.gather [hbm4b:s2+s26], $0x80, v3, vm0, $0xb8;
	[tilespmem:$0x19000] =	vst v63  }
0x76: {  	s12 =	simm.s32 $0xF000  }
0x77: {  	[tilespmem:s12], [sflag:$0x3] =	stream.indirect_vreg.gather [hbm4b:s7+s26], $0x80, v3, vm0, $0xb8;
	[tilespmem:$0x19000] =	vst v63  }
0x78: {  	s12 =	simm.s32 $0xF800  }
0x79: {  	[tilespmem:s12], [sflag:$0x3] =	stream.indirect_vreg.gather [hbm4b:s8+s26], $0x80, v3, vm0, $0xb8;
	[tilespmem:$0x19000] =	vst v63  }
0x7a: {  	v3 =	vld [tilespmem:s0+$0x10];
	_ =	sdelay $0x4  }
0x7b: {  	v4 =	vshrl.u32 v3, $0x3  }
0x7c: {  	v4 =	vmul.u32 $0x30, v4  }
0x7d: {  	v3 =	vand.u32 $0x7, v3  }
0x7e: {  	v3 =	vor.u32 v3, v4  }
0x7f: {  	v4 =	vperm.xlane v3, v0;
	_ =	sdelay $0x1  }
0x80: {  	v4 =	vadd.s32 v1, v4;
	_ =	sdelay $0x3  }
0x81: {  	s12 =	simm.s32 $0x10000;
	v3 =	vperm.xlane v3, v2  }
0x82: {  	[tilespmem:s12], [sflag:$0x3] =	stream.indirect_vreg.gather [hbm4b:s2+s26], $0x80, v4, vm0, $0xb8;
	[tilespmem:$0x19000] =	vst v63  }
0x83: {  	s1 =	simm.s32 $0x10800;
	v3 =	vadd.s32 v1, v3  }
0x84: {  	[tilespmem:s1], [sflag:$0x3] =	stream.indirect_vreg.gather [hbm4b:s7+s26], $0x80, v4, vm0, $0xb8;
	[tilespmem:$0x19000] =	vst v63  }
0x85: {  	s12 =	simm.s32 $0x11000  }
0x86: {  	[tilespmem:s12], [sflag:$0x3] =	stream.indirect_vreg.gather [hbm4b:s8+s26], $0x80, v4, vm0, $0xb8;
	[tilespmem:$0x19000] =	vst v63  }
0x87: {  	s1 =	simm.s32 $0x11800  }
0x88: {  	[tilespmem:s1], [sflag:$0x3] =	stream.indirect_vreg.gather [hbm4b:s2+s26], $0x80, v3, vm0, $0xb8;
	[tilespmem:$0x19000] =	vst v63  }
0x89: {  	s12 =	simm.s32 $0x12000  }
0x8a: {  	[tilespmem:s12], [sflag:$0x3] =	stream.indirect_vreg.gather [hbm4b:s7+s26], $0x80, v3, vm0, $0xb8;
	[tilespmem:$0x19000] =	vst v63  }
0x8b: {  	s12 =	simm.s32 $0x0  }
0x8c: {  	s1 =	simm.s32 $0x12800;
	s0 =	smul.u32 $0x6000, s12  }
0x8d: {  	[tilespmem:s1], [sflag:$0x3] =	stream.indirect_vreg.gather [hbm4b:s8+s26], $0x80, v3, vm0, $0xb8;
	[tilespmem:$0x19000] =	vst v63  }
0x8e: {  	_ =	swait.ge [sflag:s28], $0x6000  }
0x8f: {  	s30 =	sand.u32 $0x380, s26;
	s0 =	sshra.s32 s0, $0x2;
	[sflag:s28] =	ssyncset.done $0x0  }
0x90: {  	s30 =	sor.u32 s30, s0;
	[sflag:s28] =	ssyncadd.s32 $0xFFFFA000  }
0x91: {  	v3 =	vld [tilespmem:s30+$0x1000]  }
0x92: {  	v4 =	vld [tilespmem:s30+$0x1010]  }
0x93: {  	v5 =	vld [tilespmem:s30+$0x1020]  }
0x94: {  	v6 =	vld [tilespmem:s30+$0x1030]  }
0x95: {  	v7 =	vld [tilespmem:s30+$0x1040]  }
0x96: {  	v8 =	vld [tilespmem:s30+$0x1050];
	v3 =	vmul.f32 $2.771281240e+01, v3  }
0x97: {  	v9 =	vld [tilespmem:s30+$0x1060];
	v4 =	vmul.f32 $2.771281240e+01, v4  }
0x98: {  	[tilespmem:s30+$0x1000] =	vst v3;
	v3 =	vmul.f32 $2.771281240e+01, v5;
	v5 =	vld [tilespmem:s30+$0x1070]  }
0x99: {  	[tilespmem:s30+$0x1010] =	vst v4;
	v4 =	vmul.f32 $2.771281240e+01, v6;
	v6 =	vld [tilespmem:s30+$0x1400]  }
0x9a: {  	[tilespmem:s30+$0x1020] =	vst v3;
	v3 =	vmul.f32 $2.771281240e+01, v7;
	v7 =	vld [tilespmem:s30+$0x1410]  }
0x9b: {  	[tilespmem:s30+$0x1030] =	vst v4;
	v4 =	vmul.f32 $2.771281240e+01, v8;
	v8 =	vld [tilespmem:s30+$0x1420];
	_ =	sdelay $0x1  }
0x9c: {  	[tilespmem:s30+$0x1040] =	vst v3;
	v3 =	vmul.f32 $2.771281240e+01, v9;
	v9 =	vld [tilespmem:s30+$0x1470]  }
0x9d: {  	[tilespmem:s30+$0x1050] =	vst v4;
	v4 =	vmul.f32 $2.771281240e+01, v5;
	v5 =	vld [tilespmem:s30+$0x1430]  }
0x9e: {  	[tilespmem:s30+$0x1060] =	vst v3;
	v3 =	vmul.f32 $2.771281240e+01, v6;
	v6 =	vld [tilespmem:s30+$0x1440]  }
0x9f: {  	[tilespmem:s30+$0x1070] =	vst v4;
	v4 =	vmul.f32 $2.771281240e+01, v7;
	v7 =	vmul.f32 $2.771281240e+01, v8;
	v8 =	vld [tilespmem:s30+$0x1460]  }
0xa0: {  	[tilespmem:s30+$0x1400] =	vst v3;
	v3 =	vld [tilespmem:s30+$0x1450]  }
0xa1: {  	[tilespmem:s30+$0x1410] =	vst v4;
	v4 =	vld [tilespmem:s30+$0x1800];
	v9 =	vmul.f32 $2.771281240e+01, v9  }
0xa2: {  	[tilespmem:s30+$0x1420] =	vst v7;
	v7 =	vld [tilespmem:s30+$0x1810];
	v5 =	vmul.f32 $2.771281240e+01, v5  }
0xa3: {  	v6 =	vmul.f32 $2.771281240e+01, v6;
	[tilespmem:s30+$0x1470] =	vst v9  }
0xa4: {  	[tilespmem:s30+$0x1430] =	vst v5;
	v5 =	vld [tilespmem:s30+$0x1820];
	v8 =	vmul.f32 $2.771281240e+01, v8  }
0xa5: {  	v3 =	vmul.f32 $2.771281240e+01, v3;
	[tilespmem:s30+$0x1440] =	vst v6;
	v6 =	vld [tilespmem:s30+$0x1830]  }
0xa6: {  	v9 =	vld [tilespmem:s30+$0x1870];
	[tilespmem:s30+$0x1460] =	vst v8;
	v4 =	vmul.f32 $2.771281240e+01, v4  }
0xa7: {  	v7 =	vmul.f32 $2.771281240e+01, v7;
	[tilespmem:s30+$0x1450] =	vst v3;
	v3 =	vld [tilespmem:s30+$0x1840]  }
0xa8: {  	v8 =	vld [tilespmem:s30+$0x1850];
	[tilespmem:s30+$0x1800] =	vst v4  }
0xa9: {  	[tilespmem:s30+$0x1810] =	vst v7;
	v7 =	vld [tilespmem:s30+$0x1860];
	v4 =	vmul.f32 $2.771281240e+01, v5  }
0xaa: {  	v5 =	vld [tilespmem:s30+$0x1C00];
	v6 =	vmul.f32 $2.771281240e+01, v6  }
0xab: {  	[tilespmem:s30+$0x1820] =	vst v4;
	v4 =	vld [tilespmem:s30+$0x1C10]  }
0xac: {  	v3 =	vmul.f32 $2.771281240e+01, v3;
	[tilespmem:s30+$0x1830] =	vst v6;
	v6 =	vld [tilespmem:s30+$0x1C20]  }
0xad: {  	v8 =	vmul.f32 $2.771281240e+01, v8  }
0xae: {  	v7 =	vmul.f32 $2.771281240e+01, v7;
	[tilespmem:s30+$0x1840] =	vst v3;
	v3 =	vld [tilespmem:s30+$0x1C30]  }
0xaf: {  	[tilespmem:s30+$0x1850] =	vst v8;
	v8 =	vld [tilespmem:s30+$0x1C40];
	v5 =	vmul.f32 $2.771281240e+01, v5  }
0xb0: {  	v9 =	vmul.f32 $2.771281240e+01, v9;
	[tilespmem:s30+$0x1860] =	vst v7;
	v7 =	vld [tilespmem:s30+$0x1C50]  }
0xb1: {  	v4 =	vmul.f32 $2.771281240e+01, v4;
	[tilespmem:s30+$0x1C00] =	vst v5;
	v5 =	vmul.f32 $2.771281240e+01, v6;
	v6 =	vld [tilespmem:s30+$0x1C60]  }
0xb2: {  	[tilespmem:s30+$0x1870] =	vst v9;
	v9 =	vld [tilespmem:s30+$0x1C70]  }
0xb3: {  	[tilespmem:s30+$0x1C10] =	vst v4;
	v4 =	vld [tilespmem:s30+$0x2000];
	v3 =	vmul.f32 $2.771281240e+01, v3  }
0xb4: {  	v8 =	vmul.f32 $2.771281240e+01, v8;
	[tilespmem:s30+$0x1C20] =	vst v5;
	v5 =	vld [tilespmem:s30+$0x2010]  }
0xb5: {  	v7 =	vmul.f32 $2.771281240e+01, v7;
	[tilespmem:s30+$0x1C30] =	vst v3;
	v3 =	vld [tilespmem:s30+$0x2020]  }
0xb6: {  	[tilespmem:s30+$0x1C40] =	vst v8;
	v8 =	vld [tilespmem:s30+$0x2030];
	v6 =	vmul.f32 $2.771281240e+01, v6  }
0xb7: {  	v10 =	vld [tilespmem:s30+$0x2040];
	[tilespmem:s30+$0x1C50] =	vst v7;
	v7 =	vmul.f32 $2.771281240e+01, v9  }
0xb8: {  	v11 =	vld [tilespmem:s30+$0x2050];
	v4 =	vmul.f32 $2.771281240e+01, v4;
	[tilespmem:s30+$0x1C60] =	vst v6  }
0xb9: {  	[tilespmem:s30+$0x1C70] =	vst v7;
	v5 =	vmul.f32 $2.771281240e+01, v5;
	v6 =	vld [tilespmem:s30+$0x2060]  }
0xba: {  	v7 =	vld [tilespmem:s30+$0x2070];
	[tilespmem:s30+$0x2000] =	vst v4;
	v3 =	vmul.f32 $2.771281240e+01, v3  }
0xbb: {  	v4 =	vld [tilespmem:s30+$0x2400];
	[tilespmem:s30+$0x2010] =	vst v5;
	v5 =	vmul.f32 $2.771281240e+01, v8  }
0xbc: {  	v9 =	vmul.f32 $2.771281240e+01, v10;
	[tilespmem:s30+$0x2020] =	vst v3;
	v3 =	vld [tilespmem:s30+$0x2410]  }
0xbd: {  	s31 =	simm.s32 $0x1;
	v8 =	vmul.f32 $2.771281240e+01, v11;
	[tilespmem:s30+$0x2030] =	vst v5;
	v5 =	vld [tilespmem:s30+$0x2420]  }
.LBB2_3:
0xbe: {  	s0 =	sshrl.u32 s31, $0x3;
	p1 =	sne.s32 s31, $0x1F;
	[tilespmem:s30+$0x2040] =	vst v9;
	v6 =	vmul.f32 $2.771281240e+01, v6;
	v9 =	vld [tilespmem:s30+$0x2430]  }
0xbf: {  	s0 =	smul.u32 $0x6000, s0;
	[tilespmem:s30+$0x2050] =	vst v8;
	v7 =	vmul.f32 $2.771281240e+01, v7;
	v8 =	vld [tilespmem:s30+$0x2440]  }
0xc0: {  	s26 =	sadd.s32 $0x80, s26;
	[tilespmem:s30+$0x2060] =	vst v6;
	v4 =	vmul.f32 $2.771281240e+01, v4;
	v6 =	vld [tilespmem:s30+$0x2450]  }
0xc1: {  	s1 =	sand.u32 $0x380, s26;
	s0 =	sshra.s32 s0, $0x2;
	[tilespmem:s30+$0x2070] =	vst v7;
	v3 =	vmul.f32 $2.771281240e+01, v3;
	v7 =	vld [tilespmem:s30+$0x2460]  }
0xc2: {  	s0 =	sor.u32 s1, s0;
	[tilespmem:s30+$0x2400] =	vst v4;
	v4 =	vmul.f32 $2.771281240e+01, v5;
	v5 =	vld [tilespmem:s30+$0x2470]  }
0xc3: {  	v10 =	vld [tilespmem:s0+$0x1000];
	[tilespmem:s30+$0x2410] =	vst v3;
	v3 =	vmul.f32 $2.771281240e+01, v9  }
0xc4: {  	v9 =	vld [tilespmem:s0+$0x1010];
	[tilespmem:s30+$0x2420] =	vst v4;
	v4 =	vmul.f32 $2.771281240e+01, v8  }
0xc5: {  	v8 =	vld [tilespmem:s0+$0x1020];
	[tilespmem:s30+$0x2430] =	vst v3;
	v3 =	vmul.f32 $2.771281240e+01, v6  }
0xc6: {  	v6 =	vld [tilespmem:s0+$0x1030];
	[tilespmem:s30+$0x2440] =	vst v4;
	v4 =	vmul.f32 $2.771281240e+01, v7  }
0xc7: {  	v7 =	vld [tilespmem:s0+$0x1040];
	[tilespmem:s30+$0x2450] =	vst v3;
	v3 =	vmul.f32 $2.771281240e+01, v5  }
0xc8: {  	v5 =	vmul.f32 $2.771281240e+01, v10;
	v10 =	vld [tilespmem:s0+$0x1050];
	[tilespmem:s30+$0x2460] =	vst v4  }
0xc9: {  	v4 =	vmul.f32 $2.771281240e+01, v9;
	v9 =	vld [tilespmem:s0+$0x1060];
	[tilespmem:s30+$0x2470] =	vst v3;
	s30 =	smov.u32 s0  }
0xca: {  	[tilespmem:s30+$0x1000] =	vst v5;
	v3 =	vmul.f32 $2.771281240e+01, v8;
	v5 =	vld [tilespmem:s30+$0x1070]  }
0xcb: {  	[tilespmem:s30+$0x1010] =	vst v4;
	v4 =	vmul.f32 $2.771281240e+01, v6;
	v6 =	vld [tilespmem:s30+$0x1400]  }
0xcc: {  	[tilespmem:s30+$0x1020] =	vst v3;
	v3 =	vmul.f32 $2.771281240e+01, v7;
	v7 =	vld [tilespmem:s30+$0x1410]  }
0xcd: {  	[tilespmem:s30+$0x1030] =	vst v4;
	v4 =	vmul.f32 $2.771281240e+01, v10;
	v8 =	vld [tilespmem:s30+$0x1420]  }
0xce: {  	[tilespmem:s30+$0x1040] =	vst v3;
	v3 =	vmul.f32 $2.771281240e+01, v9;
	v9 =	vld [tilespmem:s30+$0x1430]  }
0xcf: {  	[tilespmem:s30+$0x1050] =	vst v4;
	v4 =	vmul.f32 $2.771281240e+01, v5;
	v5 =	vld [tilespmem:s30+$0x1440]  }
0xd0: {  	[tilespmem:s30+$0x1060] =	vst v3;
	v3 =	vmul.f32 $2.771281240e+01, v6;
	v6 =	vld [tilespmem:s30+$0x1450]  }
0xd1: {  	[tilespmem:s30+$0x1070] =	vst v4;
	v4 =	vmul.f32 $2.771281240e+01, v7;
	v7 =	vld [tilespmem:s30+$0x1460]  }
0xd2: {  	[tilespmem:s30+$0x1400] =	vst v3;
	v3 =	vmul.f32 $2.771281240e+01, v8;
	v8 =	vld [tilespmem:s30+$0x1470]  }
0xd3: {  	[tilespmem:s30+$0x1410] =	vst v4;
	v4 =	vmul.f32 $2.771281240e+01, v9;
	v9 =	vld [tilespmem:s30+$0x1800]  }
0xd4: {  	[tilespmem:s30+$0x1420] =	vst v3;
	v3 =	vmul.f32 $2.771281240e+01, v5;
	v5 =	vld [tilespmem:s30+$0x1810]  }
0xd5: {  	[tilespmem:s30+$0x1430] =	vst v4;
	v4 =	vmul.f32 $2.771281240e+01, v6;
	v6 =	vld [tilespmem:s30+$0x1820]  }
0xd6: {  	[tilespmem:s30+$0x1440] =	vst v3;
	v3 =	vmul.f32 $2.771281240e+01, v7;
	v7 =	vld [tilespmem:s30+$0x1830]  }
0xd7: {  	[tilespmem:s30+$0x1450] =	vst v4;
	v4 =	vmul.f32 $2.771281240e+01, v8;
	v8 =	vld [tilespmem:s30+$0x1840]  }
0xd8: {  	[tilespmem:s30+$0x1460] =	vst v3;
	v3 =	vmul.f32 $2.771281240e+01, v9;
	v9 =	vld [tilespmem:s30+$0x1850]  }
0xd9: {  	[tilespmem:s30+$0x1470] =	vst v4;
	v4 =	vmul.f32 $2.771281240e+01, v5;
	v5 =	vld [tilespmem:s30+$0x1860]  }
0xda: {  	[tilespmem:s30+$0x1800] =	vst v3;
	v3 =	vmul.f32 $2.771281240e+01, v6;
	v6 =	vld [tilespmem:s30+$0x1870]  }
0xdb: {  	[tilespmem:s30+$0x1810] =	vst v4;
	v4 =	vmul.f32 $2.771281240e+01, v7;
	v7 =	vld [tilespmem:s30+$0x1C00]  }
0xdc: {  	[tilespmem:s30+$0x1820] =	vst v3;
	v3 =	vmul.f32 $2.771281240e+01, v8;
	v8 =	vld [tilespmem:s30+$0x1C10]  }
0xdd: {  	[tilespmem:s30+$0x1830] =	vst v4;
	v4 =	vmul.f32 $2.771281240e+01, v9;
	v9 =	vld [tilespmem:s30+$0x1C20]  }
0xde: {  	[tilespmem:s30+$0x1840] =	vst v3;
	v3 =	vmul.f32 $2.771281240e+01, v5;
	v5 =	vld [tilespmem:s30+$0x1C30]  }
0xdf: {  	[tilespmem:s30+$0x1850] =	vst v4;
	v4 =	vmul.f32 $2.771281240e+01, v6;
	v6 =	vld [tilespmem:s30+$0x1C40]  }
0xe0: {  	[tilespmem:s30+$0x1860] =	vst v3;
	v3 =	vmul.f32 $2.771281240e+01, v7;
	v7 =	vld [tilespmem:s30+$0x1C50]  }
0xe1: {  	[tilespmem:s30+$0x1870] =	vst v4;
	v4 =	vmul.f32 $2.771281240e+01, v8;
	v8 =	vld [tilespmem:s30+$0x1C60]  }
0xe2: {  	[tilespmem:s30+$0x1C00] =	vst v3;
	v3 =	vmul.f32 $2.771281240e+01, v9;
	v9 =	vld [tilespmem:s30+$0x1C70]  }
0xe3: {  	[tilespmem:s30+$0x1C10] =	vst v4;
	v4 =	vmul.f32 $2.771281240e+01, v5;
	v5 =	vld [tilespmem:s30+$0x2000]  }
0xe4: {  	[tilespmem:s30+$0x1C20] =	vst v3;
	v3 =	vmul.f32 $2.771281240e+01, v6;
	v6 =	vld [tilespmem:s30+$0x2010]  }
0xe5: {  	[tilespmem:s30+$0x1C30] =	vst v4;
	v4 =	vmul.f32 $2.771281240e+01, v7;
	v7 =	vld [tilespmem:s30+$0x2020]  }
0xe6: {  	[tilespmem:s30+$0x1C40] =	vst v3;
	v3 =	vmul.f32 $2.771281240e+01, v8;
	v8 =	vld [tilespmem:s30+$0x2030]  }
0xe7: {  	[tilespmem:s30+$0x1C50] =	vst v4;
	v4 =	vmul.f32 $2.771281240e+01, v9;
	v9 =	vld [tilespmem:s30+$0x2040]  }
0xe8: {  	[tilespmem:s30+$0x1C60] =	vst v3;
	v3 =	vmul.f32 $2.771281240e+01, v5;
	v5 =	vld [tilespmem:s30+$0x2050]  }
.Ltmp0:
0xe9: {  	[tilespmem:s30+$0x1C70] =	vst v4;
	v4 =	vmul.f32 $2.771281240e+01, v6;
	v6 =	vld [tilespmem:s30+$0x2060];
	(pc) =	sbr.rel @p1 .LBB2_3-.Ltmp0, $4  }
0xea: {  	[tilespmem:s30+$0x2000] =	vst v3;
	v3 =	vmul.f32 $2.771281240e+01, v7;
	v7 =	vld [tilespmem:s30+$0x2070]  }
0xeb: {  	[tilespmem:s30+$0x2010] =	vst v4;
	v8 =	vmul.f32 $2.771281240e+01, v8;
	v4 =	vld [tilespmem:s30+$0x2400]  }
0xec: {  	[tilespmem:s30+$0x2020] =	vst v3;
	v9 =	vmul.f32 $2.771281240e+01, v9;
	v3 =	vld [tilespmem:s30+$0x2410]  }
0xed: {  	s31 =	sadd.s32 $0x1, s31;
	[tilespmem:s30+$0x2030] =	vst v8;
	v8 =	vmul.f32 $2.771281240e+01, v5;
	v5 =	vld [tilespmem:s30+$0x2420]  }
0xee: {  	[tilespmem:s30+$0x2040] =	vst v9;
	v9 =	vld [tilespmem:s30+$0x2430];
	v6 =	vmul.f32 $2.771281240e+01, v6  }
0xef: {  	[tilespmem:s30+$0x2050] =	vst v8;
	v8 =	vld [tilespmem:s30+$0x2440];
	v7 =	vmul.f32 $2.771281240e+01, v7  }
0xf0: {  	[tilespmem:s30+$0x2060] =	vst v6;
	v6 =	vld [tilespmem:s30+$0x2450];
	v4 =	vmul.f32 $2.771281240e+01, v4  }
0xf1: {  	[tilespmem:s30+$0x2070] =	vst v7;
	v3 =	vmul.f32 $2.771281240e+01, v3;
	v7 =	vld [tilespmem:s30+$0x2460]  }
0xf2: {  	[tilespmem:s30+$0x2400] =	vst v4;
	v4 =	vmul.f32 $2.771281240e+01, v5;
	v5 =	vld [tilespmem:s30+$0x2470]  }
0xf3: {  	[tilespmem:s30+$0x2410] =	vst v3;
	v3 =	vmul.f32 $2.771281240e+01, v9  }
0xf4: {  	s0 =	sshll.u32 s22, $0x7;
	[tilespmem:s30+$0x2420] =	vst v4;
	v4 =	vmul.f32 $2.771281240e+01, v8  }
0xf5: {  	s0 =	sor.u32 s5, s0;
	[tilespmem:s30+$0x2430] =	vst v3;
	v3 =	vmul.f32 $2.771281240e+01, v6  }
0xf6: {  	s0 =	sshrl.u32 s0, $0x3;
	[tilespmem:s30+$0x2440] =	vst v4;
	v4 =	vmul.f32 $2.771281240e+01, v7  }
0xf7: {  	s26 =	smul.u32 $0x300, s0;
	[tilespmem:s30+$0x2450] =	vst v3;
	v3 =	vmul.f32 $2.771281240e+01, v5  }
0xf8: {  	[tilespmem:s30+$0x2460] =	vst v4  }
0xf9: {  	s0 =	sadd.s32 s3, s26;
	[tilespmem:s30+$0x2470] =	vst v3  }
0xfa: {  	[hbm4b:s0+s4] =	stream.linear.scatter [tilespmem:s11], [sflag:$0x5], $0x6000, $0x38;
	[tilespmem:$0x19000] =	vst v63  }
0xfb: {  	s0 =	simm.s32 @!p0 $0x8  }
0xfc: {  	s24 =	sor.u32 $0x3, s24;
	_ =	swait.ge @!p0 [sflag:s0], $0x6000  }
0xfd: {  	s1 =	sshll.u32 s24, $0x7;
	[sflag:s0] =	ssyncset.done @!p0 $0x0  }
0xfe: {  	[sflag:s0] =	ssyncadd.s32 @!p0 $0xFFFFA000;
	s0 =	sand.u32 $0x3FFFFF80, s1  }
0xff: {  	v3 =	vld [tilespmem:s0+$0x0];
	_ =	sdelay $0x4  }
0x100: {  	v4 =	vshrl.u32 v3, $0x3  }
0x101: {  	v4 =	vmul.u32 $0x30, v4  }
0x102: {  	v3 =	vand.u32 $0x7, v3  }
0x103: {  	v3 =	vor.u32 v3, v4  }
0x104: {  	v4 =	vperm.xlane v3, v0;
	_ =	sdelay $0x1  }
0x105: {  	v4 =	vadd.s32 v1, v4;
	_ =	sdelay $0x3  }
0x106: {  	s30 =	simm.s32 $0x0;
	v3 =	vperm.xlane v3, v2  }
0x107: {  	[tilespmem:s29], [sflag:$0x4] =	stream.indirect_vreg.gather [hbm4b:s2+s30], $0x80, v4, vm0, $0xb8;
	[tilespmem:$0x19000] =	vst v63  }
0x108: {  	s12 =	simm.s32 $0x13800;
	v3 =	vadd.s32 v1, v3  }
0x109: {  	[tilespmem:s12], [sflag:$0x4] =	stream.indirect_vreg.gather [hbm4b:s7+s30], $0x80, v4, vm0, $0xb8;
	[tilespmem:$0x19000] =	vst v63  }
0x10a: {  	s12 =	simm.s32 $0x14000  }
0x10b: {  	[tilespmem:s12], [sflag:$0x4] =	stream.indirect_vreg.gather [hbm4b:s8+s30], $0x80, v4, vm0, $0xb8;
	[tilespmem:$0x19000] =	vst v63  }
0x10c: {  	s12 =	simm.s32 $0x14800  }
0x10d: {  	[tilespmem:s12], [sflag:$0x4] =	stream.indirect_vreg.gather [hbm4b:s2+s30], $0x80, v3, vm0, $0xb8;
	[tilespmem:$0x19000] =	vst v63  }
0x10e: {  	s12 =	simm.s32 $0x15000  }
0x10f: {  	[tilespmem:s12], [sflag:$0x4] =	stream.indirect_vreg.gather [hbm4b:s7+s30], $0x80, v3, vm0, $0xb8;
	[tilespmem:$0x19000] =	vst v63  }
0x110: {  	s12 =	simm.s32 $0x15800  }
0x111: {  	[tilespmem:s12], [sflag:$0x4] =	stream.indirect_vreg.gather [hbm4b:s8+s30], $0x80, v3, vm0, $0xb8;
	[tilespmem:$0x19000] =	vst v63  }
0x112: {  	v3 =	vld [tilespmem:s0+$0x10];
	_ =	sdelay $0x4  }
0x113: {  	v4 =	vshrl.u32 v3, $0x3  }
0x114: {  	v4 =	vmul.u32 $0x30, v4  }
0x115: {  	v3 =	vand.u32 $0x7, v3  }
0x116: {  	v3 =	vor.u32 v3, v4  }
0x117: {  	v4 =	vperm.xlane v3, v0;
	_ =	sdelay $0x1  }
0x118: {  	v4 =	vadd.s32 v1, v4;
	_ =	sdelay $0x3  }
0x119: {  	v3 =	vperm.xlane v3, v2  }
0x11a: {  	[tilespmem:s13], [sflag:$0x4] =	stream.indirect_vreg.gather [hbm4b:s2+s30], $0x80, v4, vm0, $0xb8;
	[tilespmem:$0x19000] =	vst v63  }
0x11b: {  	v3 =	vadd.s32 v1, v3  }
0x11c: {  	[tilespmem:s6], [sflag:$0x4] =	stream.indirect_vreg.gather [hbm4b:s7+s30], $0x80, v4, vm0, $0xb8;
	[tilespmem:$0x19000] =	vst v63  }
0x11d: {  	_ = 	snop  }
0x11e: {  	[tilespmem:s9], [sflag:$0x4] =	stream.indirect_vreg.gather [hbm4b:s8+s30], $0x80, v4, vm0, $0xb8;
	[tilespmem:$0x19000] =	vst v63  }
0x11f: {  	_ = 	snop  }
0x120: {  	[tilespmem:s10], [sflag:$0x4] =	stream.indirect_vreg.gather [hbm4b:s2+s30], $0x80, v3, vm0, $0xb8;
	[tilespmem:$0x19000] =	vst v63  }
0x121: {  	s1 =	simm.s32 $0x0  }
0x122: {  	[tilespmem:s15], [sflag:$0x4] =	stream.indirect_vreg.gather [hbm4b:s7+s30], $0x80, v3, vm0, $0xb8;
	[tilespmem:$0x19000] =	vst v63  }
0x123: {  	s0 =	smul.u32 $0x6000, s1  }
0x124: {  	[tilespmem:s16], [sflag:$0x4] =	stream.indirect_vreg.gather [hbm4b:s8+s30], $0x80, v3, vm0, $0xb8;
	[tilespmem:$0x19000] =	vst v63  }
0x125: {  	_ =	swait.ge [sflag:s17], $0x6000  }
0x126: {  	s12 =	sand.u32 $0x380, s30;
	s0 =	sshra.s32 s0, $0x2;
	[sflag:s17] =	ssyncset.done $0x0  }
0x127: {  	s31 =	sor.u32 s12, s0;
	[sflag:s17] =	ssyncadd.s32 $0xFFFFA000  }
0x128: {  	v3 =	vld [tilespmem:s31+$0x7000]  }
0x129: {  	v4 =	vld [tilespmem:s31+$0x7010]  }
0x12a: {  	v5 =	vld [tilespmem:s31+$0x7020]  }
0x12b: {  	v6 =	vld [tilespmem:s31+$0x7030]  }
0x12c: {  	v7 =	vld [tilespmem:s31+$0x7040]  }
0x12d: {  	v8 =	vld [tilespmem:s31+$0x7060];
	v3 =	vmul.f32 $2.771281240e+01, v3  }
0x12e: {  	v9 =	vld [tilespmem:s31+$0x7070];
	v4 =	vmul.f32 $2.771281240e+01, v4  }
0x12f: {  	v5 =	vmul.f32 $2.771281240e+01, v5;
	[tilespmem:s31+$0x7000] =	vst v3;
	v3 =	vld [tilespmem:s31+$0x7050]  }
0x130: {  	v6 =	vmul.f32 $2.771281240e+01, v6;
	[tilespmem:s31+$0x7010] =	vst v4;
	v4 =	vld [tilespmem:s31+$0x7400]  }
0x131: {  	v7 =	vmul.f32 $2.771281240e+01, v7;
	[tilespmem:s31+$0x7020] =	vst v5;
	v5 =	vld [tilespmem:s31+$0x7410]  }
0x132: {  	v8 =	vmul.f32 $2.771281240e+01, v8;
	[tilespmem:s31+$0x7030] =	vst v6;
	v6 =	vld [tilespmem:s31+$0x7420]  }
0x133: {  	[tilespmem:s31+$0x7040] =	vst v7;
	v7 =	vld [tilespmem:s31+$0x7430]  }
0x134: {  	[tilespmem:s31+$0x7060] =	vst v8;
	v8 =	vld [tilespmem:s31+$0x7450];
	v3 =	vmul.f32 $2.771281240e+01, v3  }
0x135: {  	v4 =	vmul.f32 $2.771281240e+01, v4  }
0x136: {  	v5 =	vmul.f32 $2.771281240e+01, v5;
	[tilespmem:s31+$0x7050] =	vst v3;
	v3 =	vld [tilespmem:s31+$0x7440]  }
0x137: {  	v9 =	vmul.f32 $2.771281240e+01, v9;
	[tilespmem:s31+$0x7400] =	vst v4;
	v4 =	vmul.f32 $2.771281240e+01, v6;
	v6 =	vld [tilespmem:s31+$0x7460]  }
0x138: {  	v7 =	vmul.f32 $2.771281240e+01, v7;
	[tilespmem:s31+$0x7410] =	vst v5;
	v5 =	vld [tilespmem:s31+$0x7800]  }
0x139: {  	[tilespmem:s31+$0x7070] =	vst v9;
	v8 =	vmul.f32 $2.771281240e+01, v8  }
0x13a: {  	[tilespmem:s31+$0x7430] =	vst v7;
	v7 =	vld [tilespmem:s31+$0x7820]  }
0x13b: {  	v9 =	vld [tilespmem:s31+$0x7470];
	[tilespmem:s31+$0x7450] =	vst v8;
	v3 =	vmul.f32 $2.771281240e+01, v3  }
0x13c: {  	v8 =	vld [tilespmem:s31+$0x7840];
	[tilespmem:s31+$0x7420] =	vst v4;
	v6 =	vmul.f32 $2.771281240e+01, v6  }
0x13d: {  	v4 =	vld [tilespmem:s31+$0x7810];
	v5 =	vmul.f32 $2.771281240e+01, v5;
	[tilespmem:s31+$0x7440] =	vst v3  }
0x13e: {  	v3 =	vld [tilespmem:s31+$0x7830];
	[tilespmem:s31+$0x7460] =	vst v6  }
0x13f: {  	v6 =	vld [tilespmem:s31+$0x7850];
	[tilespmem:s31+$0x7800] =	vst v5;
	v5 =	vmul.f32 $2.771281240e+01, v7  }
0x140: {  	v9 =	vmul.f32 $2.771281240e+01, v9;
	v7 =	vld [tilespmem:s31+$0x7860]  }
0x141: {  	v8 =	vmul.f32 $2.771281240e+01, v8;
	[tilespmem:s31+$0x7820] =	vst v5;
	v5 =	vld [tilespmem:s31+$0x7C10]  }
0x142: {  	[tilespmem:s31+$0x7470] =	vst v9;
	v9 =	vld [tilespmem:s31+$0x7870];
	v4 =	vmul.f32 $2.771281240e+01, v4  }
0x143: {  	[tilespmem:s31+$0x7840] =	vst v8;
	v8 =	vld [tilespmem:s31+$0x7C30];
	v3 =	vmul.f32 $2.771281240e+01, v3  }
0x144: {  	[tilespmem:s31+$0x7810] =	vst v4;
	v4 =	vld [tilespmem:s31+$0x7C00];
	v6 =	vmul.f32 $2.771281240e+01, v6  }
0x145: {  	v7 =	vmul.f32 $2.771281240e+01, v7;
	[tilespmem:s31+$0x7830] =	vst v3;
	v3 =	vld [tilespmem:s31+$0x7C20]  }
0x146: {  	[tilespmem:s31+$0x7850] =	vst v6;
	v6 =	vld [tilespmem:s31+$0x7C40];
	v5 =	vmul.f32 $2.771281240e+01, v5  }
0x147: {  	v9 =	vmul.f32 $2.771281240e+01, v9;
	[tilespmem:s31+$0x7860] =	vst v7;
	v7 =	vld [tilespmem:s31+$0x7C50]  }
0x148: {  	v8 =	vmul.f32 $2.771281240e+01, v8;
	[tilespmem:s31+$0x7C10] =	vst v5;
	v5 =	vld [tilespmem:s31+$0x7C60]  }
0x149: {  	[tilespmem:s31+$0x7870] =	vst v9;
	v9 =	vld [tilespmem:s31+$0x7C70];
	v4 =	vmul.f32 $2.771281240e+01, v4  }
0x14a: {  	[tilespmem:s31+$0x7C30] =	vst v8;
	v8 =	vld [tilespmem:s31+$0x8020];
	v3 =	vmul.f32 $2.771281240e+01, v3  }
0x14b: {  	[tilespmem:s31+$0x7C00] =	vst v4;
	v4 =	vld [tilespmem:s31+$0x8000];
	v6 =	vmul.f32 $2.771281240e+01, v6  }
0x14c: {  	v7 =	vmul.f32 $2.771281240e+01, v7;
	[tilespmem:s31+$0x7C20] =	vst v3;
	v3 =	vld [tilespmem:s31+$0x8010]  }
0x14d: {  	v10 =	vld [tilespmem:s31+$0x8030];
	[tilespmem:s31+$0x7C40] =	vst v6;
	v5 =	vmul.f32 $2.771281240e+01, v5  }
0x14e: {  	v11 =	vld [tilespmem:s31+$0x8040];
	[tilespmem:s31+$0x7C50] =	vst v7;
	v6 =	vmul.f32 $2.771281240e+01, v9  }
0x14f: {  	v7 =	vmul.f32 $2.771281240e+01, v8;
	[tilespmem:s31+$0x7C60] =	vst v5;
	v5 =	vld [tilespmem:s31+$0x8050]  }
0x150: {  	v4 =	vmul.f32 $2.771281240e+01, v4;
	[tilespmem:s31+$0x7C70] =	vst v6;
	v6 =	vld [tilespmem:s31+$0x8060]  }
0x151: {  	[tilespmem:s31+$0x8020] =	vst v7;
	v7 =	vld [tilespmem:s31+$0x8070];
	v3 =	vmul.f32 $2.771281240e+01, v3  }
0x152: {  	v8 =	vmul.f32 $2.771281240e+01, v10;
	[tilespmem:s31+$0x8000] =	vst v4;
	v4 =	vld [tilespmem:s31+$0x8400]  }
0x153: {  	v9 =	vmul.f32 $2.771281240e+01, v11;
	[tilespmem:s31+$0x8010] =	vst v3;
	v3 =	vld [tilespmem:s31+$0x8410]  }
0x154: {  	s0 =	simm.s32 $0x1;
	[tilespmem:s31+$0x8030] =	vst v8;
	v8 =	vmul.f32 $2.771281240e+01, v5;
	v5 =	vld [tilespmem:s31+$0x8420]  }
.LBB2_5:
0x155: {  	s1 =	sshrl.u32 s0, $0x3;
	p0 =	sne.s32 s0, $0x1F;
	[tilespmem:s31+$0x8040] =	vst v9;
	v6 =	vmul.f32 $2.771281240e+01, v6;
	v9 =	vld [tilespmem:s31+$0x8430]  }
0x156: {  	s1 =	smul.u32 $0x6000, s1;
	[tilespmem:s31+$0x8050] =	vst v8;
	v7 =	vmul.f32 $2.771281240e+01, v7;
	v8 =	vld [tilespmem:s31+$0x8440]  }
0x157: {  	s30 =	sadd.s32 $0x80, s30;
	[tilespmem:s31+$0x8060] =	vst v6;
	v4 =	vmul.f32 $2.771281240e+01, v4;
	v6 =	vld [tilespmem:s31+$0x8450]  }
0x158: {  	s12 =	sand.u32 $0x380, s30;
	s1 =	sshra.s32 s1, $0x2;
	[tilespmem:s31+$0x8070] =	vst v7;
	v3 =	vmul.f32 $2.771281240e+01, v3;
	v7 =	vld [tilespmem:s31+$0x8460]  }
0x159: {  	s1 =	sor.u32 s12, s1;
	[tilespmem:s31+$0x8400] =	vst v4;
	v4 =	vmul.f32 $2.771281240e+01, v5;
	v5 =	vld [tilespmem:s31+$0x8470]  }
0x15a: {  	v10 =	vld [tilespmem:s1+$0x7000];
	[tilespmem:s31+$0x8410] =	vst v3;
	v3 =	vmul.f32 $2.771281240e+01, v9  }
0x15b: {  	v9 =	vld [tilespmem:s1+$0x7010];
	[tilespmem:s31+$0x8420] =	vst v4;
	v4 =	vmul.f32 $2.771281240e+01, v8  }
0x15c: {  	v8 =	vld [tilespmem:s1+$0x7020];
	[tilespmem:s31+$0x8430] =	vst v3;
	v3 =	vmul.f32 $2.771281240e+01, v6  }
0x15d: {  	v6 =	vld [tilespmem:s1+$0x7030];
	[tilespmem:s31+$0x8440] =	vst v4;
	v4 =	vmul.f32 $2.771281240e+01, v7  }
0x15e: {  	v7 =	vld [tilespmem:s1+$0x7040];
	[tilespmem:s31+$0x8450] =	vst v3;
	v3 =	vmul.f32 $2.771281240e+01, v5  }
0x15f: {  	v5 =	vmul.f32 $2.771281240e+01, v10;
	v10 =	vld [tilespmem:s1+$0x7050];
	[tilespmem:s31+$0x8460] =	vst v4  }
0x160: {  	v4 =	vmul.f32 $2.771281240e+01, v9;
	v9 =	vld [tilespmem:s1+$0x7060];
	[tilespmem:s31+$0x8470] =	vst v3;
	s31 =	smov.u32 s1  }
0x161: {  	[tilespmem:s31+$0x7000] =	vst v5;
	v3 =	vmul.f32 $2.771281240e+01, v8;
	v5 =	vld [tilespmem:s31+$0x7070]  }
0x162: {  	[tilespmem:s31+$0x7010] =	vst v4;
	v4 =	vmul.f32 $2.771281240e+01, v6;
	v6 =	vld [tilespmem:s31+$0x7400]  }
0x163: {  	[tilespmem:s31+$0x7020] =	vst v3;
	v3 =	vmul.f32 $2.771281240e+01, v7;
	v7 =	vld [tilespmem:s31+$0x7410]  }
0x164: {  	[tilespmem:s31+$0x7030] =	vst v4;
	v4 =	vmul.f32 $2.771281240e+01, v10;
	v8 =	vld [tilespmem:s31+$0x7420]  }
0x165: {  	[tilespmem:s31+$0x7040] =	vst v3;
	v3 =	vmul.f32 $2.771281240e+01, v9;
	v9 =	vld [tilespmem:s31+$0x7430]  }
0x166: {  	[tilespmem:s31+$0x7050] =	vst v4;
	v4 =	vmul.f32 $2.771281240e+01, v5;
	v5 =	vld [tilespmem:s31+$0x7440]  }
0x167: {  	[tilespmem:s31+$0x7060] =	vst v3;
	v3 =	vmul.f32 $2.771281240e+01, v6;
	v6 =	vld [tilespmem:s31+$0x7450]  }
0x168: {  	[tilespmem:s31+$0x7070] =	vst v4;
	v4 =	vmul.f32 $2.771281240e+01, v7;
	v7 =	vld [tilespmem:s31+$0x7460]  }
0x169: {  	[tilespmem:s31+$0x7400] =	vst v3;
	v3 =	vmul.f32 $2.771281240e+01, v8;
	v8 =	vld [tilespmem:s31+$0x7470]  }
0x16a: {  	[tilespmem:s31+$0x7410] =	vst v4;
	v4 =	vmul.f32 $2.771281240e+01, v9;
	v9 =	vld [tilespmem:s31+$0x7800]  }
0x16b: {  	[tilespmem:s31+$0x7420] =	vst v3;
	v3 =	vmul.f32 $2.771281240e+01, v5;
	v5 =	vld [tilespmem:s31+$0x7810]  }
0x16c: {  	[tilespmem:s31+$0x7430] =	vst v4;
	v4 =	vmul.f32 $2.771281240e+01, v6;
	v6 =	vld [tilespmem:s31+$0x7820]  }
0x16d: {  	[tilespmem:s31+$0x7440] =	vst v3;
	v3 =	vmul.f32 $2.771281240e+01, v7;
	v7 =	vld [tilespmem:s31+$0x7830]  }
0x16e: {  	[tilespmem:s31+$0x7450] =	vst v4;
	v4 =	vmul.f32 $2.771281240e+01, v8;
	v8 =	vld [tilespmem:s31+$0x7840]  }
0x16f: {  	[tilespmem:s31+$0x7460] =	vst v3;
	v3 =	vmul.f32 $2.771281240e+01, v9;
	v9 =	vld [tilespmem:s31+$0x7850]  }
0x170: {  	[tilespmem:s31+$0x7470] =	vst v4;
	v4 =	vmul.f32 $2.771281240e+01, v5;
	v5 =	vld [tilespmem:s31+$0x7860]  }
0x171: {  	[tilespmem:s31+$0x7800] =	vst v3;
	v3 =	vmul.f32 $2.771281240e+01, v6;
	v6 =	vld [tilespmem:s31+$0x7870]  }
0x172: {  	[tilespmem:s31+$0x7810] =	vst v4;
	v4 =	vmul.f32 $2.771281240e+01, v7;
	v7 =	vld [tilespmem:s31+$0x7C00]  }
0x173: {  	[tilespmem:s31+$0x7820] =	vst v3;
	v3 =	vmul.f32 $2.771281240e+01, v8;
	v8 =	vld [tilespmem:s31+$0x7C10]  }
0x174: {  	[tilespmem:s31+$0x7830] =	vst v4;
	v4 =	vmul.f32 $2.771281240e+01, v9;
	v9 =	vld [tilespmem:s31+$0x7C20]  }
0x175: {  	[tilespmem:s31+$0x7840] =	vst v3;
	v3 =	vmul.f32 $2.771281240e+01, v5;
	v5 =	vld [tilespmem:s31+$0x7C30]  }
0x176: {  	[tilespmem:s31+$0x7850] =	vst v4;
	v4 =	vmul.f32 $2.771281240e+01, v6;
	v6 =	vld [tilespmem:s31+$0x7C40]  }
0x177: {  	[tilespmem:s31+$0x7860] =	vst v3;
	v3 =	vmul.f32 $2.771281240e+01, v7;
	v7 =	vld [tilespmem:s31+$0x7C50]  }
0x178: {  	[tilespmem:s31+$0x7870] =	vst v4;
	v4 =	vmul.f32 $2.771281240e+01, v8;
	v8 =	vld [tilespmem:s31+$0x7C60]  }
0x179: {  	[tilespmem:s31+$0x7C00] =	vst v3;
	v3 =	vmul.f32 $2.771281240e+01, v9;
	v9 =	vld [tilespmem:s31+$0x7C70]  }
0x17a: {  	[tilespmem:s31+$0x7C10] =	vst v4;
	v4 =	vmul.f32 $2.771281240e+01, v5;
	v5 =	vld [tilespmem:s31+$0x8000]  }
0x17b: {  	[tilespmem:s31+$0x7C20] =	vst v3;
	v3 =	vmul.f32 $2.771281240e+01, v6;
	v6 =	vld [tilespmem:s31+$0x8010]  }
0x17c: {  	[tilespmem:s31+$0x7C30] =	vst v4;
	v4 =	vmul.f32 $2.771281240e+01, v7;
	v7 =	vld [tilespmem:s31+$0x8020]  }
0x17d: {  	[tilespmem:s31+$0x7C40] =	vst v3;
	v3 =	vmul.f32 $2.771281240e+01, v8;
	v8 =	vld [tilespmem:s31+$0x8030]  }
0x17e: {  	[tilespmem:s31+$0x7C50] =	vst v4;
	v4 =	vmul.f32 $2.771281240e+01, v9;
	v9 =	vld [tilespmem:s31+$0x8040]  }
0x17f: {  	[tilespmem:s31+$0x7C60] =	vst v3;
	v3 =	vmul.f32 $2.771281240e+01, v5;
	v5 =	vld [tilespmem:s31+$0x8050]  }
.Ltmp1:
0x180: {  	[tilespmem:s31+$0x7C70] =	vst v4;
	v4 =	vmul.f32 $2.771281240e+01, v6;
	v6 =	vld [tilespmem:s31+$0x8060];
	(pc) =	sbr.rel @p0 .LBB2_5-.Ltmp1, $4  }
0x181: {  	[tilespmem:s31+$0x8000] =	vst v3;
	v3 =	vmul.f32 $2.771281240e+01, v7;
	v7 =	vld [tilespmem:s31+$0x8070]  }
0x182: {  	[tilespmem:s31+$0x8010] =	vst v4;
	v8 =	vmul.f32 $2.771281240e+01, v8;
	v4 =	vld [tilespmem:s31+$0x8400]  }
0x183: {  	[tilespmem:s31+$0x8020] =	vst v3;
	v9 =	vmul.f32 $2.771281240e+01, v9;
	v3 =	vld [tilespmem:s31+$0x8410]  }
0x184: {  	s0 =	sadd.s32 $0x1, s0;
	[tilespmem:s31+$0x8030] =	vst v8;
	v8 =	vmul.f32 $2.771281240e+01, v5;
	v5 =	vld [tilespmem:s31+$0x8420]  }
0x185: {  	[tilespmem:s31+$0x8040] =	vst v9;
	v9 =	vld [tilespmem:s31+$0x8430];
	v6 =	vmul.f32 $2.771281240e+01, v6  }
0x186: {  	[tilespmem:s31+$0x8050] =	vst v8;
	v8 =	vld [tilespmem:s31+$0x8440];
	v7 =	vmul.f32 $2.771281240e+01, v7  }
0x187: {  	[tilespmem:s31+$0x8060] =	vst v6;
	v6 =	vld [tilespmem:s31+$0x8450];
	v4 =	vmul.f32 $2.771281240e+01, v4  }
0x188: {  	[tilespmem:s31+$0x8070] =	vst v7;
	v3 =	vmul.f32 $2.771281240e+01, v3;
	v7 =	vld [tilespmem:s31+$0x8460]  }
0x189: {  	[tilespmem:s31+$0x8400] =	vst v4;
	v4 =	vmul.f32 $2.771281240e+01, v5;
	v5 =	vld [tilespmem:s31+$0x8470]  }
0x18a: {  	[tilespmem:s31+$0x8410] =	vst v3;
	v3 =	vmul.f32 $2.771281240e+01, v9  }
0x18b: {  	[tilespmem:s31+$0x8420] =	vst v4;
	v4 =	vmul.f32 $2.771281240e+01, v8  }
0x18c: {  	[tilespmem:s31+$0x8430] =	vst v3;
	v3 =	vmul.f32 $2.771281240e+01, v6  }
0x18d: {  	[tilespmem:s31+$0x8440] =	vst v4;
	v4 =	vmul.f32 $2.771281240e+01, v7  }
0x18e: {  	[tilespmem:s31+$0x8450] =	vst v3;
	v3 =	vmul.f32 $2.771281240e+01, v5  }
0x18f: {  	s0 =	sadd.s32 s26, s3;
	[tilespmem:s31+$0x8460] =	vst v4  }
0x190: {  	s0 =	sadd.s32 $0xC00, s0;
	[tilespmem:s31+$0x8470] =	vst v3  }
0x191: {  	[hbm4b:s0+s4] =	stream.linear.scatter [tilespmem:s23], [sflag:$0x6], $0x6000, $0x38;
	[tilespmem:$0x19000] =	vst v63  }
0x192: {  	p0 =	seq.s32 s22, $0x7;
	_ =	swait.ge [sflag:s18], $0x6000  }
0x193: {  	s0 =	sshll.u32 @!p0 s22, $0x9;
	[sflag:s18] =	ssyncset.done $0x0  }
0x194: {  	s26 =	sand.u32 @!p0 $0x3FFFFE00, s0;
	[sflag:s18] =	ssyncadd.s32 $0xFFFFA000  }
0x195: {  	v3 =	vld @!p0 [tilespmem:s26+$0x200];
	_ =	sdelay $0x4  }
0x196: {  	v4 =	vshrl.u32 @!p0 v3, $0x3  }
0x197: {  	v4 =	vmul.u32 @!p0 $0x30, v4  }
0x198: {  	v5 =	vlaneseq.u32 @!p0;
	v3 =	vand.u32 @!p0 $0x7, v3  }
0x199: {  	v6 =	vshrl.u32 @!p0 v5, $0x3;
	v3 =	vor.u32 @!p0 v3, v4;
	v4 =	vand.u32 @!p0 $0x7, v5  }
0x19a: {  	v6 =	vmul.u32 @!p0 $0x8, v6;
	v7 =	vperm.xlane @!p0 v3, v4;
	_ =	sdelay $0x1  }
0x19b: {  	v7 =	vadd.s32 @!p0 v6, v7;
	_ =	sdelay $0x2  }
0x19c: {  	v5 =	vor.u32 @!p0 $0x8, v5  }
0x19d: {  	vm1 =	vmmov @!p0 $0xffff;
	s1 =	simm.s32 @!p0 $0x1000;
	s0 =	simm.s32 @!p0 $0x0;
	v3 =	vperm.xlane @!p0 v3, v5  }
0x19e: {  	[tilespmem:s1], [sflag:$0x1] =	stream.indirect_vreg.gather @!p0 [hbm4b:s2+s0], $0x80, v7, vm1, $0xb8;
	[tilespmem:$0x19000] =	vst v63  }
0x19f: {  	v3 =	vadd.s32 @!p0 v6, v3;
	s1 =	simm.s32 @!p0 $0x1800  }
0x1a0: {  	[tilespmem:s1], [sflag:$0x1] =	stream.indirect_vreg.gather @!p0 [hbm4b:s7+s0], $0x80, v7, vm1, $0xb8;
	[tilespmem:$0x19000] =	vst v63  }
0x1a1: {  	s1 =	simm.s32 @!p0 $0x2000  }
0x1a2: {  	[tilespmem:s1], [sflag:$0x1] =	stream.indirect_vreg.gather @!p0 [hbm4b:s8+s0], $0x80, v7, vm1, $0xb8;
	[tilespmem:$0x19000] =	vst v63  }
0x1a3: {  	s1 =	simm.s32 @!p0 $0x2800  }
0x1a4: {  	[tilespmem:s1], [sflag:$0x1] =	stream.indirect_vreg.gather @!p0 [hbm4b:s2+s0], $0x80, v3, vm1, $0xb8;
	[tilespmem:$0x19000] =	vst v63  }
0x1a5: {  	s1 =	simm.s32 @!p0 $0x3000  }
0x1a6: {  	[tilespmem:s1], [sflag:$0x1] =	stream.indirect_vreg.gather @!p0 [hbm4b:s7+s0], $0x80, v3, vm1, $0xb8;
	[tilespmem:$0x19000] =	vst v63  }
0x1a7: {  	s1 =	simm.s32 @!p0 $0x3800  }
0x1a8: {  	[tilespmem:s1], [sflag:$0x1] =	stream.indirect_vreg.gather @!p0 [hbm4b:s8+s0], $0x80, v3, vm1, $0xb8;
	[tilespmem:$0x19000] =	vst v63  }
0x1a9: {  	v3 =	vld @!p0 [tilespmem:s26+$0x210];
	_ =	sdelay $0x4  }
0x1aa: {  	v7 =	vshrl.u32 @!p0 v3, $0x3  }
0x1ab: {  	v7 =	vmul.u32 @!p0 $0x30, v7  }
0x1ac: {  	v3 =	vand.u32 @!p0 $0x7, v3  }
0x1ad: {  	v3 =	vor.u32 @!p0 v3, v7  }
0x1ae: {  	v4 =	vperm.xlane @!p0 v3, v4;
	_ =	sdelay $0x1  }
0x1af: {  	v4 =	vadd.s32 @!p0 v6, v4;
	_ =	sdelay $0x3  }
0x1b0: {  	s1 =	simm.s32 @!p0 $0x4000;
	v3 =	vperm.xlane @!p0 v3, v5  }
0x1b1: {  	[tilespmem:s1], [sflag:$0x1] =	stream.indirect_vreg.gather @!p0 [hbm4b:s2+s0], $0x80, v4, vm1, $0xb8;
	[tilespmem:$0x19000] =	vst v63  }
0x1b2: {  	v3 =	vadd.s32 @!p0 v6, v3;
	s1 =	simm.s32 @!p0 $0x4800  }
0x1b3: {  	[tilespmem:s1], [sflag:$0x1] =	stream.indirect_vreg.gather @!p0 [hbm4b:s7+s0], $0x80, v4, vm1, $0xb8;
	[tilespmem:$0x19000] =	vst v63  }
0x1b4: {  	s1 =	simm.s32 @!p0 $0x5000  }
0x1b5: {  	[tilespmem:s1], [sflag:$0x1] =	stream.indirect_vreg.gather @!p0 [hbm4b:s8+s0], $0x80, v4, vm1, $0xb8;
	[tilespmem:$0x19000] =	vst v63  }
0x1b6: {  	s1 =	simm.s32 @!p0 $0x5800  }
0x1b7: {  	[tilespmem:s1], [sflag:$0x1] =	stream.indirect_vreg.gather @!p0 [hbm4b:s2+s0], $0x80, v3, vm1, $0xb8;
	[tilespmem:$0x19000] =	vst v63  }
0x1b8: {  	s1 =	simm.s32 @!p0 $0x6000  }
0x1b9: {  	[tilespmem:s1], [sflag:$0x1] =	stream.indirect_vreg.gather @!p0 [hbm4b:s7+s0], $0x80, v3, vm1, $0xb8;
	[tilespmem:$0x19000] =	vst v63  }
0x1ba: {  	s1 =	simm.s32 @!p0 $0x6800  }
0x1bb: {  	[tilespmem:s1], [sflag:$0x1] =	stream.indirect_vreg.gather @!p0 [hbm4b:s8+s0], $0x80, v3, vm1, $0xb8;
	[tilespmem:$0x19000] =	vst v63  }
0x1bc: {  	s1 =	simm.s32 $0x0  }
0x1bd: {  	s0 =	smul.u32 $0x6000, s1  }
0x1be: {  	s31 =	simm.s32 $0x0;
	_ =	swait.ge [sflag:s19], $0x6000  }
0x1bf: {  	s12 =	sand.u32 $0x380, s31;
	[sflag:s19] =	ssyncset.done $0x0;
	s0 =	sshra.s32 s0, $0x2  }
0x1c0: {  	[sflag:s19] =	ssyncadd.s32 $0xFFFFA000;
	s30 =	sor.u32 s12, s0  }
0x1c1: {  	v3 =	vld [tilespmem:s30+$0xD000]  }
0x1c2: {  	v4 =	vld [tilespmem:s30+$0xD010]  }
0x1c3: {  	v5 =	vld [tilespmem:s30+$0xD020]  }
0x1c4: {  	v6 =	vld [tilespmem:s30+$0xD030]  }
0x1c5: {  	v7 =	vld [tilespmem:s30+$0xD040]  }
0x1c6: {  	v8 =	vld [tilespmem:s30+$0xD060];
	v3 =	vmul.f32 $2.771281240e+01, v3  }
0x1c7: {  	v9 =	vld [tilespmem:s30+$0xD070];
	v4 =	vmul.f32 $2.771281240e+01, v4  }
0x1c8: {  	v5 =	vmul.f32 $2.771281240e+01, v5;
	[tilespmem:s30+$0xD000] =	vst v3;
	v3 =	vld [tilespmem:s30+$0xD050]  }
0x1c9: {  	v6 =	vmul.f32 $2.771281240e+01, v6;
	[tilespmem:s30+$0xD010] =	vst v4;
	v4 =	vld [tilespmem:s30+$0xD400]  }
0x1ca: {  	v7 =	vmul.f32 $2.771281240e+01, v7;
	[tilespmem:s30+$0xD020] =	vst v5;
	v5 =	vld [tilespmem:s30+$0xD410]  }
0x1cb: {  	v8 =	vmul.f32 $2.771281240e+01, v8;
	[tilespmem:s30+$0xD030] =	vst v6;
	v6 =	vld [tilespmem:s30+$0xD420]  }
0x1cc: {  	[tilespmem:s30+$0xD040] =	vst v7;
	v7 =	vld [tilespmem:s30+$0xD430]  }
0x1cd: {  	[tilespmem:s30+$0xD060] =	vst v8;
	v8 =	vld [tilespmem:s30+$0xD450];
	v3 =	vmul.f32 $2.771281240e+01, v3  }
0x1ce: {  	v4 =	vmul.f32 $2.771281240e+01, v4  }
0x1cf: {  	v5 =	vmul.f32 $2.771281240e+01, v5;
	[tilespmem:s30+$0xD050] =	vst v3;
	v3 =	vld [tilespmem:s30+$0xD440]  }
0x1d0: {  	v9 =	vmul.f32 $2.771281240e+01, v9;
	[tilespmem:s30+$0xD400] =	vst v4;
	v4 =	vmul.f32 $2.771281240e+01, v6;
	v6 =	vld [tilespmem:s30+$0xD460]  }
0x1d1: {  	v7 =	vmul.f32 $2.771281240e+01, v7;
	[tilespmem:s30+$0xD410] =	vst v5;
	v5 =	vld [tilespmem:s30+$0xD800]  }
0x1d2: {  	[tilespmem:s30+$0xD070] =	vst v9;
	v8 =	vmul.f32 $2.771281240e+01, v8  }
0x1d3: {  	[tilespmem:s30+$0xD430] =	vst v7;
	v7 =	vld [tilespmem:s30+$0xD820]  }
0x1d4: {  	v9 =	vld [tilespmem:s30+$0xD470];
	[tilespmem:s30+$0xD450] =	vst v8;
	v3 =	vmul.f32 $2.771281240e+01, v3  }
0x1d5: {  	v8 =	vld [tilespmem:s30+$0xD840];
	[tilespmem:s30+$0xD420] =	vst v4;
	v6 =	vmul.f32 $2.771281240e+01, v6  }
0x1d6: {  	v4 =	vld [tilespmem:s30+$0xD810];
	v5 =	vmul.f32 $2.771281240e+01, v5;
	[tilespmem:s30+$0xD440] =	vst v3  }
0x1d7: {  	v3 =	vld [tilespmem:s30+$0xD830];
	[tilespmem:s30+$0xD460] =	vst v6  }
0x1d8: {  	v6 =	vld [tilespmem:s30+$0xD850];
	[tilespmem:s30+$0xD800] =	vst v5;
	v5 =	vmul.f32 $2.771281240e+01, v7  }
0x1d9: {  	v9 =	vmul.f32 $2.771281240e+01, v9;
	v7 =	vld [tilespmem:s30+$0xD860]  }
0x1da: {  	v8 =	vmul.f32 $2.771281240e+01, v8;
	[tilespmem:s30+$0xD820] =	vst v5;
	v5 =	vld [tilespmem:s30+$0xDC10]  }
0x1db: {  	[tilespmem:s30+$0xD470] =	vst v9;
	v9 =	vld [tilespmem:s30+$0xD870];
	v4 =	vmul.f32 $2.771281240e+01, v4  }
0x1dc: {  	[tilespmem:s30+$0xD840] =	vst v8;
	v8 =	vld [tilespmem:s30+$0xDC30];
	v3 =	vmul.f32 $2.771281240e+01, v3  }
0x1dd: {  	[tilespmem:s30+$0xD810] =	vst v4;
	v4 =	vld [tilespmem:s30+$0xDC00];
	v6 =	vmul.f32 $2.771281240e+01, v6  }
0x1de: {  	v7 =	vmul.f32 $2.771281240e+01, v7;
	[tilespmem:s30+$0xD830] =	vst v3;
	v3 =	vld [tilespmem:s30+$0xDC20]  }
0x1df: {  	[tilespmem:s30+$0xD850] =	vst v6;
	v6 =	vld [tilespmem:s30+$0xDC40];
	v5 =	vmul.f32 $2.771281240e+01, v5  }
0x1e0: {  	v9 =	vmul.f32 $2.771281240e+01, v9;
	[tilespmem:s30+$0xD860] =	vst v7;
	v7 =	vld [tilespmem:s30+$0xDC50]  }
0x1e1: {  	v8 =	vmul.f32 $2.771281240e+01, v8;
	[tilespmem:s30+$0xDC10] =	vst v5;
	v5 =	vld [tilespmem:s30+$0xDC60]  }
0x1e2: {  	[tilespmem:s30+$0xD870] =	vst v9;
	v9 =	vld [tilespmem:s30+$0xDC70];
	v4 =	vmul.f32 $2.771281240e+01, v4  }
0x1e3: {  	[tilespmem:s30+$0xDC30] =	vst v8;
	v8 =	vld [tilespmem:s30+$0xE020];
	v3 =	vmul.f32 $2.771281240e+01, v3  }
0x1e4: {  	[tilespmem:s30+$0xDC00] =	vst v4;
	v4 =	vld [tilespmem:s30+$0xE000];
	v6 =	vmul.f32 $2.771281240e+01, v6  }
0x1e5: {  	v7 =	vmul.f32 $2.771281240e+01, v7;
	[tilespmem:s30+$0xDC20] =	vst v3;
	v3 =	vld [tilespmem:s30+$0xE010]  }
0x1e6: {  	v10 =	vld [tilespmem:s30+$0xE030];
	[tilespmem:s30+$0xDC40] =	vst v6;
	v5 =	vmul.f32 $2.771281240e+01, v5  }
0x1e7: {  	v11 =	vld [tilespmem:s30+$0xE040];
	[tilespmem:s30+$0xDC50] =	vst v7;
	v6 =	vmul.f32 $2.771281240e+01, v9  }
0x1e8: {  	v7 =	vmul.f32 $2.771281240e+01, v8;
	[tilespmem:s30+$0xDC60] =	vst v5;
	v5 =	vld [tilespmem:s30+$0xE050]  }
0x1e9: {  	v4 =	vmul.f32 $2.771281240e+01, v4;
	[tilespmem:s30+$0xDC70] =	vst v6;
	v6 =	vld [tilespmem:s30+$0xE060]  }
0x1ea: {  	[tilespmem:s30+$0xE020] =	vst v7;
	v7 =	vld [tilespmem:s30+$0xE070];
	v3 =	vmul.f32 $2.771281240e+01, v3  }
0x1eb: {  	v8 =	vmul.f32 $2.771281240e+01, v10;
	[tilespmem:s30+$0xE000] =	vst v4;
	v4 =	vld [tilespmem:s30+$0xE400]  }
0x1ec: {  	v9 =	vmul.f32 $2.771281240e+01, v11;
	[tilespmem:s30+$0xE010] =	vst v3;
	v3 =	vld [tilespmem:s30+$0xE410]  }
0x1ed: {  	s0 =	simm.s32 $0x1;
	[tilespmem:s30+$0xE030] =	vst v8;
	v8 =	vmul.f32 $2.771281240e+01, v5;
	v5 =	vld [tilespmem:s30+$0xE420]  }
.LBB2_7:
0x1ee: {  	s1 =	sshrl.u32 s0, $0x3;
	p1 =	sne.s32 s0, $0x1F;
	[tilespmem:s30+$0xE040] =	vst v9;
	v6 =	vmul.f32 $2.771281240e+01, v6;
	v9 =	vld [tilespmem:s30+$0xE430]  }
0x1ef: {  	s1 =	smul.u32 $0x6000, s1;
	[tilespmem:s30+$0xE050] =	vst v8;
	v7 =	vmul.f32 $2.771281240e+01, v7;
	v8 =	vld [tilespmem:s30+$0xE440]  }
0x1f0: {  	s31 =	sadd.s32 $0x80, s31;
	[tilespmem:s30+$0xE060] =	vst v6;
	v4 =	vmul.f32 $2.771281240e+01, v4;
	v6 =	vld [tilespmem:s30+$0xE450]  }
0x1f1: {  	s12 =	sand.u32 $0x380, s31;
	s1 =	sshra.s32 s1, $0x2;
	[tilespmem:s30+$0xE070] =	vst v7;
	v3 =	vmul.f32 $2.771281240e+01, v3;
	v7 =	vld [tilespmem:s30+$0xE460]  }
0x1f2: {  	s1 =	sor.u32 s12, s1;
	[tilespmem:s30+$0xE400] =	vst v4;
	v4 =	vmul.f32 $2.771281240e+01, v5;
	v5 =	vld [tilespmem:s30+$0xE470]  }
0x1f3: {  	v10 =	vld [tilespmem:s1+$0xD000];
	[tilespmem:s30+$0xE410] =	vst v3;
	v3 =	vmul.f32 $2.771281240e+01, v9  }
0x1f4: {  	v9 =	vld [tilespmem:s1+$0xD010];
	[tilespmem:s30+$0xE420] =	vst v4;
	v4 =	vmul.f32 $2.771281240e+01, v8  }
0x1f5: {  	v8 =	vld [tilespmem:s1+$0xD020];
	[tilespmem:s30+$0xE430] =	vst v3;
	v3 =	vmul.f32 $2.771281240e+01, v6  }
0x1f6: {  	v6 =	vld [tilespmem:s1+$0xD030];
	[tilespmem:s30+$0xE440] =	vst v4;
	v4 =	vmul.f32 $2.771281240e+01, v7  }
0x1f7: {  	v7 =	vld [tilespmem:s1+$0xD040];
	[tilespmem:s30+$0xE450] =	vst v3;
	v3 =	vmul.f32 $2.771281240e+01, v5  }
0x1f8: {  	v5 =	vmul.f32 $2.771281240e+01, v10;
	v10 =	vld [tilespmem:s1+$0xD050];
	[tilespmem:s30+$0xE460] =	vst v4  }
0x1f9: {  	v4 =	vmul.f32 $2.771281240e+01, v9;
	v9 =	vld [tilespmem:s1+$0xD060];
	[tilespmem:s30+$0xE470] =	vst v3;
	s30 =	smov.u32 s1  }
0x1fa: {  	[tilespmem:s30+$0xD000] =	vst v5;
	v3 =	vmul.f32 $2.771281240e+01, v8;
	v5 =	vld [tilespmem:s30+$0xD070]  }
0x1fb: {  	[tilespmem:s30+$0xD010] =	vst v4;
	v4 =	vmul.f32 $2.771281240e+01, v6;
	v6 =	vld [tilespmem:s30+$0xD400]  }
0x1fc: {  	[tilespmem:s30+$0xD020] =	vst v3;
	v3 =	vmul.f32 $2.771281240e+01, v7;
	v7 =	vld [tilespmem:s30+$0xD410]  }
0x1fd: {  	[tilespmem:s30+$0xD030] =	vst v4;
	v4 =	vmul.f32 $2.771281240e+01, v10;
	v8 =	vld [tilespmem:s30+$0xD420]  }
0x1fe: {  	[tilespmem:s30+$0xD040] =	vst v3;
	v3 =	vmul.f32 $2.771281240e+01, v9;
	v9 =	vld [tilespmem:s30+$0xD430]  }
0x1ff: {  	[tilespmem:s30+$0xD050] =	vst v4;
	v4 =	vmul.f32 $2.771281240e+01, v5;
	v5 =	vld [tilespmem:s30+$0xD440]  }
0x200: {  	[tilespmem:s30+$0xD060] =	vst v3;
	v3 =	vmul.f32 $2.771281240e+01, v6;
	v6 =	vld [tilespmem:s30+$0xD450]  }
0x201: {  	[tilespmem:s30+$0xD070] =	vst v4;
	v4 =	vmul.f32 $2.771281240e+01, v7;
	v7 =	vld [tilespmem:s30+$0xD460]  }
0x202: {  	[tilespmem:s30+$0xD400] =	vst v3;
	v3 =	vmul.f32 $2.771281240e+01, v8;
	v8 =	vld [tilespmem:s30+$0xD470]  }
0x203: {  	[tilespmem:s30+$0xD410] =	vst v4;
	v4 =	vmul.f32 $2.771281240e+01, v9;
	v9 =	vld [tilespmem:s30+$0xD800]  }
0x204: {  	[tilespmem:s30+$0xD420] =	vst v3;
	v3 =	vmul.f32 $2.771281240e+01, v5;
	v5 =	vld [tilespmem:s30+$0xD810]  }
0x205: {  	[tilespmem:s30+$0xD430] =	vst v4;
	v4 =	vmul.f32 $2.771281240e+01, v6;
	v6 =	vld [tilespmem:s30+$0xD820]  }
0x206: {  	[tilespmem:s30+$0xD440] =	vst v3;
	v3 =	vmul.f32 $2.771281240e+01, v7;
	v7 =	vld [tilespmem:s30+$0xD830]  }
0x207: {  	[tilespmem:s30+$0xD450] =	vst v4;
	v4 =	vmul.f32 $2.771281240e+01, v8;
	v8 =	vld [tilespmem:s30+$0xD840]  }
0x208: {  	[tilespmem:s30+$0xD460] =	vst v3;
	v3 =	vmul.f32 $2.771281240e+01, v9;
	v9 =	vld [tilespmem:s30+$0xD850]  }
0x209: {  	[tilespmem:s30+$0xD470] =	vst v4;
	v4 =	vmul.f32 $2.771281240e+01, v5;
	v5 =	vld [tilespmem:s30+$0xD860]  }
0x20a: {  	[tilespmem:s30+$0xD800] =	vst v3;
	v3 =	vmul.f32 $2.771281240e+01, v6;
	v6 =	vld [tilespmem:s30+$0xD870]  }
0x20b: {  	[tilespmem:s30+$0xD810] =	vst v4;
	v4 =	vmul.f32 $2.771281240e+01, v7;
	v7 =	vld [tilespmem:s30+$0xDC00]  }
0x20c: {  	[tilespmem:s30+$0xD820] =	vst v3;
	v3 =	vmul.f32 $2.771281240e+01, v8;
	v8 =	vld [tilespmem:s30+$0xDC10]  }
0x20d: {  	[tilespmem:s30+$0xD830] =	vst v4;
	v4 =	vmul.f32 $2.771281240e+01, v9;
	v9 =	vld [tilespmem:s30+$0xDC20]  }
0x20e: {  	[tilespmem:s30+$0xD840] =	vst v3;
	v3 =	vmul.f32 $2.771281240e+01, v5;
	v5 =	vld [tilespmem:s30+$0xDC30]  }
0x20f: {  	[tilespmem:s30+$0xD850] =	vst v4;
	v4 =	vmul.f32 $2.771281240e+01, v6;
	v6 =	vld [tilespmem:s30+$0xDC40]  }
0x210: {  	[tilespmem:s30+$0xD860] =	vst v3;
	v3 =	vmul.f32 $2.771281240e+01, v7;
	v7 =	vld [tilespmem:s30+$0xDC50]  }
0x211: {  	[tilespmem:s30+$0xD870] =	vst v4;
	v4 =	vmul.f32 $2.771281240e+01, v8;
	v8 =	vld [tilespmem:s30+$0xDC60]  }
0x212: {  	[tilespmem:s30+$0xDC00] =	vst v3;
	v3 =	vmul.f32 $2.771281240e+01, v9;
	v9 =	vld [tilespmem:s30+$0xDC70]  }
0x213: {  	[tilespmem:s30+$0xDC10] =	vst v4;
	v4 =	vmul.f32 $2.771281240e+01, v5;
	v5 =	vld [tilespmem:s30+$0xE000]  }
0x214: {  	[tilespmem:s30+$0xDC20] =	vst v3;
	v3 =	vmul.f32 $2.771281240e+01, v6;
	v6 =	vld [tilespmem:s30+$0xE010]  }
0x215: {  	[tilespmem:s30+$0xDC30] =	vst v4;
	v4 =	vmul.f32 $2.771281240e+01, v7;
	v7 =	vld [tilespmem:s30+$0xE020]  }
0x216: {  	[tilespmem:s30+$0xDC40] =	vst v3;
	v3 =	vmul.f32 $2.771281240e+01, v8;
	v8 =	vld [tilespmem:s30+$0xE030]  }
0x217: {  	[tilespmem:s30+$0xDC50] =	vst v4;
	v4 =	vmul.f32 $2.771281240e+01, v9;
	v9 =	vld [tilespmem:s30+$0xE040]  }
0x218: {  	[tilespmem:s30+$0xDC60] =	vst v3;
	v3 =	vmul.f32 $2.771281240e+01, v5;
	v5 =	vld [tilespmem:s30+$0xE050]  }
.Ltmp2:
0x219: {  	[tilespmem:s30+$0xDC70] =	vst v4;
	v4 =	vmul.f32 $2.771281240e+01, v6;
	v6 =	vld [tilespmem:s30+$0xE060];
	(pc) =	sbr.rel @p1 .LBB2_7-.Ltmp2, $4  }
0x21a: {  	[tilespmem:s30+$0xE000] =	vst v3;
	v3 =	vmul.f32 $2.771281240e+01, v7;
	v7 =	vld [tilespmem:s30+$0xE070]  }
0x21b: {  	[tilespmem:s30+$0xE010] =	vst v4;
	v8 =	vmul.f32 $2.771281240e+01, v8;
	v4 =	vld [tilespmem:s30+$0xE400]  }
0x21c: {  	[tilespmem:s30+$0xE020] =	vst v3;
	v9 =	vmul.f32 $2.771281240e+01, v9;
	v3 =	vld [tilespmem:s30+$0xE410]  }
0x21d: {  	s0 =	sadd.s32 $0x1, s0;
	[tilespmem:s30+$0xE030] =	vst v8;
	v8 =	vmul.f32 $2.771281240e+01, v5;
	v5 =	vld [tilespmem:s30+$0xE420]  }
0x21e: {  	[tilespmem:s30+$0xE040] =	vst v9;
	v60 =	vld [tilespmem:s30+$0xE430];
	v6 =	vmul.f32 $2.771281240e+01, v6  }
0x21f: {  	[tilespmem:s30+$0xE050] =	vst v8;
	v8 =	vld [tilespmem:s30+$0xE440];
	v7 =	vmul.f32 $2.771281240e+01, v7  }
0x220: {  	[tilespmem:s30+$0xE060] =	vst v6;
	v6 =	vld [tilespmem:s30+$0xE450];
	v4 =	vmul.f32 $2.771281240e+01, v4  }
0x221: {  	[tilespmem:s30+$0xE070] =	vst v7;
	v3 =	vmul.f32 $2.771281240e+01, v3;
	v7 =	vld [tilespmem:s30+$0xE460]  }
0x222: {  	[tilespmem:s30+$0xE400] =	vst v4;
	v4 =	vmul.f32 $2.771281240e+01, v5;
	v5 =	vld [tilespmem:s30+$0xE470]  }
0x223: {  	[tilespmem:s30+$0xE410] =	vst v3;
	v3 =	vmul.f32 $2.771281240e+01, v60  }
0x224: {  	s0 =	sshll.u32 s25, $0x5;
	[tilespmem:s30+$0xE420] =	vst v4;
	v4 =	vmul.f32 $2.771281240e+01, v8  }
0x225: {  	s0 =	sadd.s32 s5, s0;
	[tilespmem:s30+$0xE430] =	vst v3;
	v3 =	vmul.f32 $2.771281240e+01, v6  }
0x226: {  	s0 =	sshrl.u32 s0, $0x3;
	[tilespmem:s30+$0xE440] =	vst v4;
	v4 =	vmul.f32 $2.771281240e+01, v7  }
0x227: {  	s0 =	smul.u32 $0x300, s0;
	[tilespmem:s30+$0xE450] =	vst v3;
	v3 =	vmul.f32 $2.771281240e+01, v5  }
0x228: {  	[tilespmem:s30+$0xE460] =	vst v4  }
0x229: {  	s0 =	sadd.s32 s3, s0;
	[tilespmem:s30+$0xE470] =	vst v3  }
0x22a: {  	[hbm4b:s0+s4] =	stream.linear.scatter [tilespmem:s14], [sflag:$0x7], $0x6000, $0x38;
	[tilespmem:$0x19000] =	vst v63  }
0x22b: {  	_ =	swait.ge [sflag:s20], $0x6000  }
0x22c: {  	[sflag:s20] =	ssyncset.done $0x0  }
0x22d: {  	[sflag:s20] =	ssyncadd.s32 $0xFFFFA000  }
0x22e: {  	v3 =	vld @!p0 [tilespmem:s26+$0x280];
	_ =	sdelay $0x4  }
0x22f: {  	v4 =	vshrl.u32 @!p0 v3, $0x3  }
0x230: {  	v4 =	vmul.u32 @!p0 $0x30, v4  }
0x231: {  	v5 =	vlaneseq.u32 @!p0;
	v3 =	vand.u32 @!p0 $0x7, v3  }
0x232: {  	v6 =	vshrl.u32 @!p0 v5, $0x3;
	v3 =	vor.u32 @!p0 v3, v4;
	v4 =	vand.u32 @!p0 $0x7, v5  }
0x233: {  	v6 =	vmul.u32 @!p0 $0x8, v6;
	v7 =	vperm.xlane @!p0 v3, v4;
	_ =	sdelay $0x1  }
0x234: {  	v7 =	vadd.s32 @!p0 v6, v7;
	_ =	sdelay $0x2  }
0x235: {  	v5 =	vor.u32 @!p0 $0x8, v5  }
0x236: {  	s1 =	simm.s32 @!p0 $0x7000;
	s0 =	simm.s32 @!p0 $0x0;
	v3 =	vperm.xlane @!p0 v3, v5  }
0x237: {  	[tilespmem:s1], [sflag:$0x2] =	stream.indirect_vreg.gather @!p0 [hbm4b:s2+s0], $0x80, v7, vm1, $0xb8;
	[tilespmem:$0x19000] =	vst v63  }
0x238: {  	v3 =	vadd.s32 @!p0 v6, v3;
	s1 =	simm.s32 @!p0 $0x7800  }
0x239: {  	[tilespmem:s1], [sflag:$0x2] =	stream.indirect_vreg.gather @!p0 [hbm4b:s7+s0], $0x80, v7, vm1, $0xb8;
	[tilespmem:$0x19000] =	vst v63  }
0x23a: {  	s1 =	simm.s32 @!p0 $0x8000  }
0x23b: {  	[tilespmem:s1], [sflag:$0x2] =	stream.indirect_vreg.gather @!p0 [hbm4b:s8+s0], $0x80, v7, vm1, $0xb8;
	[tilespmem:$0x19000] =	vst v63  }
0x23c: {  	s1 =	simm.s32 @!p0 $0x8800  }
0x23d: {  	[tilespmem:s1], [sflag:$0x2] =	stream.indirect_vreg.gather @!p0 [hbm4b:s2+s0], $0x80, v3, vm1, $0xb8;
	[tilespmem:$0x19000] =	vst v63  }
0x23e: {  	s1 =	simm.s32 @!p0 $0x9000  }
0x23f: {  	[tilespmem:s1], [sflag:$0x2] =	stream.indirect_vreg.gather @!p0 [hbm4b:s7+s0], $0x80, v3, vm1, $0xb8;
	[tilespmem:$0x19000] =	vst v63  }
0x240: {  	s1 =	simm.s32 @!p0 $0x9800  }
0x241: {  	[tilespmem:s1], [sflag:$0x2] =	stream.indirect_vreg.gather @!p0 [hbm4b:s8+s0], $0x80, v3, vm1, $0xb8;
	[tilespmem:$0x19000] =	vst v63  }
0x242: {  	v3 =	vld @!p0 [tilespmem:s26+$0x290];
	_ =	sdelay $0x4  }
0x243: {  	v7 =	vshrl.u32 @!p0 v3, $0x3  }
0x244: {  	v7 =	vmul.u32 @!p0 $0x30, v7  }
0x245: {  	v3 =	vand.u32 @!p0 $0x7, v3  }
0x246: {  	v3 =	vor.u32 @!p0 v3, v7  }
0x247: {  	v4 =	vperm.xlane @!p0 v3, v4;
	_ =	sdelay $0x1  }
0x248: {  	v4 =	vadd.s32 @!p0 v6, v4;
	_ =	sdelay $0x3  }
0x249: {  	s1 =	simm.s32 @!p0 $0xA000;
	v3 =	vperm.xlane @!p0 v3, v5  }
0x24a: {  	[tilespmem:s1], [sflag:$0x2] =	stream.indirect_vreg.gather @!p0 [hbm4b:s2+s0], $0x80, v4, vm1, $0xb8;
	[tilespmem:$0x19000] =	vst v63  }
0x24b: {  	v3 =	vadd.s32 @!p0 v6, v3;
	s1 =	simm.s32 @!p0 $0xA800  }
0x24c: {  	[tilespmem:s1], [sflag:$0x2] =	stream.indirect_vreg.gather @!p0 [hbm4b:s7+s0], $0x80, v4, vm1, $0xb8;
	[tilespmem:$0x19000] =	vst v63  }
0x24d: {  	s1 =	simm.s32 @!p0 $0xB000  }
0x24e: {  	[tilespmem:s1], [sflag:$0x2] =	stream.indirect_vreg.gather @!p0 [hbm4b:s8+s0], $0x80, v4, vm1, $0xb8;
	[tilespmem:$0x19000] =	vst v63  }
0x24f: {  	s1 =	simm.s32 @!p0 $0xB800  }
0x250: {  	[tilespmem:s1], [sflag:$0x2] =	stream.indirect_vreg.gather @!p0 [hbm4b:s2+s0], $0x80, v3, vm1, $0xb8;
	[tilespmem:$0x19000] =	vst v63  }
0x251: {  	s1 =	simm.s32 @!p0 $0xC000  }
0x252: {  	[tilespmem:s1], [sflag:$0x2] =	stream.indirect_vreg.gather @!p0 [hbm4b:s7+s0], $0x80, v3, vm1, $0xb8;
	[tilespmem:$0x19000] =	vst v63  }
0x253: {  	s26 =	simm.s32 $0x0;
	s1 =	simm.s32 @!p0 $0xC800  }
0x254: {  	[tilespmem:s1], [sflag:$0x2] =	stream.indirect_vreg.gather @!p0 [hbm4b:s8+s0], $0x80, v3, vm1, $0xb8;
	[tilespmem:$0x19000] =	vst v63  }
0x255: {  	s0 =	smul.u32 $0x6000, s26  }
0x256: {  	s26 =	simm.s32 $0x0;
	_ =	swait.ge [sflag:s21], $0x6000  }
0x257: {  	s31 =	sand.u32 $0x380, s26;
	[sflag:s21] =	ssyncset.done $0x0;
	s0 =	sshra.s32 s0, $0x2  }
0x258: {  	[sflag:s21] =	ssyncadd.s32 $0xFFFFA000;
	s25 =	sor.u32 s31, s0  }
0x259: {  	v3 =	vld [tilespmem:s25+$0x13000];
	_ =	sdelay $0x2  }
0x25a: {  	s0 =	sadd.s32 $0x13000, s25  }
0x25b: {  	v4 =	vld [tilespmem:s0+$0x70]  }
0x25c: {  	v5 =	vld [tilespmem:s0+$0x60];
	v3 =	vmul.f32 $2.771281240e+01, v3  }
0x25d: {  	v6 =	vld [tilespmem:s0+$0x50]  }
0x25e: {  	[tilespmem:s25+$0x13000] =	vst v3;
	v3 =	vld [tilespmem:s0+$0x40]  }
0x25f: {  	v7 =	vld [tilespmem:s0+$0x20]  }
0x260: {  	v4 =	vmul.f32 $2.771281240e+01, v4;
	v8 =	vld [tilespmem:s0+$0x10]  }
0x261: {  	v5 =	vmul.f32 $2.771281240e+01, v5;
	v61 =	vld [tilespmem:s0+$0x30]  }
0x262: {  	v6 =	vmul.f32 $2.771281240e+01, v6;
	[tilespmem:s0+$0x70] =	vst v4  }
0x263: {  	[tilespmem:s0+$0x60] =	vst v5;
	v3 =	vmul.f32 $2.771281240e+01, v3  }
0x264: {  	[tilespmem:s0+$0x50] =	vst v6;
	v4 =	vmul.f32 $2.771281240e+01, v7  }
0x265: {  	v5 =	vmul.f32 $2.771281240e+01, v8;
	[tilespmem:s0+$0x40] =	vst v3  }
0x266: {  	v3 =	vmul.f32 $2.771281240e+01, v61;
	[tilespmem:s0+$0x20] =	vst v4  }
0x267: {  	[tilespmem:s0+$0x10] =	vst v5  }
0x268: {  	[tilespmem:s0+$0x30] =	vst v3  }
0x269: {  	v3 =	vld [tilespmem:s25+$0x13400];
	_ =	sdelay $0x2  }
0x26a: {  	s12 =	sadd.s32 $0x13400, s25  }
0x26b: {  	v4 =	vld [tilespmem:s12+$0x70]  }
0x26c: {  	v5 =	vld [tilespmem:s12+$0x60];
	v3 =	vmul.f32 $2.771281240e+01, v3  }
0x26d: {  	v6 =	vld [tilespmem:s12+$0x50]  }
0x26e: {  	[tilespmem:s25+$0x13400] =	vst v3;
	v3 =	vld [tilespmem:s12+$0x40]  }
0x26f: {  	v7 =	vld [tilespmem:s12+$0x10]  }
0x270: {  	v4 =	vmul.f32 $2.771281240e+01, v4;
	v8 =	vld [tilespmem:s12+$0x20]  }
0x271: {  	v5 =	vmul.f32 $2.771281240e+01, v5;
	v62 =	vld [tilespmem:s12+$0x30]  }
0x272: {  	v6 =	vmul.f32 $2.771281240e+01, v6;
	[tilespmem:s12+$0x70] =	vst v4  }
0x273: {  	[tilespmem:s12+$0x60] =	vst v5;
	v3 =	vmul.f32 $2.771281240e+01, v3  }
0x274: {  	[tilespmem:s12+$0x50] =	vst v6;
	v4 =	vmul.f32 $2.771281240e+01, v7  }
0x275: {  	v5 =	vmul.f32 $2.771281240e+01, v8;
	[tilespmem:s12+$0x40] =	vst v3  }
0x276: {  	v3 =	vmul.f32 $2.771281240e+01, v62;
	[tilespmem:s12+$0x10] =	vst v4  }
0x277: {  	[tilespmem:s12+$0x20] =	vst v5  }
0x278: {  	[tilespmem:s12+$0x30] =	vst v3  }
0x279: {  	v3 =	vld [tilespmem:s25+$0x13800];
	_ =	sdelay $0x2  }
0x27a: {  	s31 =	sadd.s32 $0x13800, s25  }
0x27b: {  	v4 =	vld [tilespmem:s31+$0x40]  }
0x27c: {  	v5 =	vld [tilespmem:s31+$0x50];
	v3 =	vmul.f32 $2.771281240e+01, v3  }
0x27d: {  	v6 =	vld [tilespmem:s31+$0x60]  }
0x27e: {  	v7 =	vld [tilespmem:s31+$0x70];
	[tilespmem:s25+$0x13800] =	vst v3  }
0x27f: {  	v3 =	vld [tilespmem:s31+$0x30]  }
0x280: {  	v4 =	vmul.f32 $2.771281240e+01, v4;
	v8 =	vld [tilespmem:s31+$0x10]  }
0x281: {  	v5 =	vmul.f32 $2.771281240e+01, v5;
	v63 =	vld [tilespmem:s31+$0x20]  }
0x282: {  	[tilespmem:s31+$0x40] =	vst v4;
	v4 =	vmul.f32 $2.771281240e+01, v6  }
0x283: {  	[tilespmem:s31+$0x50] =	vst v5;
	v5 =	vmul.f32 $2.771281240e+01, v7  }
0x284: {  	[tilespmem:s31+$0x60] =	vst v4;
	v3 =	vmul.f32 $2.771281240e+01, v3  }
0x285: {  	[tilespmem:s31+$0x70] =	vst v5;
	v4 =	vmul.f32 $2.771281240e+01, v8  }
0x286: {  	v5 =	vmul.f32 $2.771281240e+01, v63;
	[tilespmem:s31+$0x30] =	vst v3  }
0x287: {  	[tilespmem:s31+$0x10] =	vst v4  }
0x288: {  	[tilespmem:s31+$0x20] =	vst v5  }
0x289: {  	s0 =	sadd.s32 $0x13C00, s25;
	v3 =	vld [tilespmem:s25+$0x13C00]  }
0x28a: {  	v4 =	vld [tilespmem:s0+$0x40]  }
0x28b: {  	v5 =	vld [tilespmem:s0+$0x50]  }
0x28c: {  	v7 =	vld [tilespmem:s0+$0x60];
	_ =	sdelay $0x1  }
0x28d: {  	v6 =	vmul.f32 $2.771281240e+01, v3  }
0x28e: {  	v8 =	vmul.f32 $2.771281240e+01, v4  }
0x28f: {  	v3 =	vld [tilespmem:s0+$0x70];
	v5 =	vmul.f32 $2.771281240e+01, v5;
	[tilespmem:s25+$0x13C00] =	vst v6  }
0x290: {  	v7 =	vmul.f32 $2.771281240e+01, v7;
	[tilespmem:s0+$0x40] =	vst v8;
	v4 =	vld [tilespmem:s0+$0x10]  }
0x291: {  	[tilespmem:s0+$0x50] =	vst v5;
	v6 =	vld [tilespmem:s0+$0x20]  }
0x292: {  	s30 =	simm.s32 $0x1;
	[tilespmem:s0+$0x60] =	vst v7;
	v5 =	vld [tilespmem:s0+$0x30]  }
.LBB2_9:
0x293: {  	p0 =	sne.s32 s30, $0x1F  }
0x294: {  	s26 =	sadd.s32 $0x80, s26;
	s1 =	smov.u32 s30;
	s30 =	sadd.s32 $0x1, s30  }
0x295: {  	v3 =	vmul.f32 $2.771281240e+01, v3  }
0x296: {  	v4 =	vmul.f32 $2.771281240e+01, v4  }
0x297: {  	v6 =	vmul.f32 $2.771281240e+01, v6;
	[tilespmem:s0+$0x70] =	vst v3  }
0x298: {  	[tilespmem:s0+$0x10] =	vst v4;
	v3 =	vmul.f32 $2.771281240e+01, v5  }
0x299: {  	[tilespmem:s0+$0x20] =	vst v6  }
0x29a: {  	[tilespmem:s0+$0x30] =	vst v3  }
0x29b: {  	s12 =	sadd.s32 $0x14000, s25;
	v3 =	vld [tilespmem:s25+$0x14000]  }
0x29c: {  	s0 =	sshrl.u32 s1, $0x3;
	v4 =	vld [tilespmem:s12+$0x40]  }
0x29d: {  	s0 =	smul.u32 $0x6000, s0;
	v5 =	vld [tilespmem:s12+$0x50]  }
0x29e: {  	v6 =	vld [tilespmem:s12+$0x60]  }
0x29f: {  	s1 =	sand.u32 $0x380, s26;
	s0 =	sshra.s32 s0, $0x2;
	v7 =	vld [tilespmem:s12+$0x70]  }
0x2a0: {  	s1 =	sor.u32 s1, s0;
	v3 =	vmul.f32 $2.771281240e+01, v3  }
0x2a1: {  	v4 =	vmul.f32 $2.771281240e+01, v4  }
0x2a2: {  	[tilespmem:s25+$0x14000] =	vst v3;
	v3 =	vmul.f32 $2.771281240e+01, v5  }
0x2a3: {  	v5 =	vld [tilespmem:s12+$0x10];
	[tilespmem:s12+$0x40] =	vst v4;
	v4 =	vmul.f32 $2.771281240e+01, v6  }
0x2a4: {  	v6 =	vld [tilespmem:s12+$0x20];
	[tilespmem:s12+$0x50] =	vst v3;
	v3 =	vmul.f32 $2.771281240e+01, v7  }
0x2a5: {  	v7 =	vld [tilespmem:s12+$0x30];
	[tilespmem:s12+$0x60] =	vst v4  }
0x2a6: {  	[tilespmem:s12+$0x70] =	vst v3;
	_ =	sdelay $0x1  }
0x2a7: {  	s0 =	sadd.s32 $0x13000, s1;
	v3 =	vmul.f32 $2.771281240e+01, v5  }
0x2a8: {  	v4 =	vmul.f32 $2.771281240e+01, v6  }
0x2a9: {  	[tilespmem:s12+$0x10] =	vst v3;
	v3 =	vmul.f32 $2.771281240e+01, v7  }
0x2aa: {  	[tilespmem:s12+$0x20] =	vst v4  }
0x2ab: {  	[tilespmem:s12+$0x30] =	vst v3  }
0x2ac: {  	s12 =	sadd.s32 $0x14400, s25;
	v3 =	vld [tilespmem:s25+$0x14400]  }
0x2ad: {  	v4 =	vld [tilespmem:s12+$0x50]  }
0x2ae: {  	v5 =	vld [tilespmem:s12+$0x60]  }
0x2af: {  	v6 =	vld [tilespmem:s12+$0x70]  }
0x2b0: {  	v7 =	vld [tilespmem:s12+$0x40]  }
0x2b1: {  	v3 =	vmul.f32 $2.771281240e+01, v3  }
0x2b2: {  	v4 =	vmul.f32 $2.771281240e+01, v4  }
0x2b3: {  	[tilespmem:s25+$0x14400] =	vst v3;
	v3 =	vmul.f32 $2.771281240e+01, v5;
	s25 =	smov.u32 s1  }
0x2b4: {  	v5 =	vld [tilespmem:s12+$0x30];
	[tilespmem:s12+$0x50] =	vst v4;
	v4 =	vmul.f32 $2.771281240e+01, v6  }
0x2b5: {  	v6 =	vld [tilespmem:s12+$0x20];
	v7 =	vmul.f32 $2.771281240e+01, v7;
	[tilespmem:s12+$0x60] =	vst v3  }
0x2b6: {  	v3 =	vld [tilespmem:s12+$0x10];
	[tilespmem:s12+$0x70] =	vst v4  }
0x2b7: {  	[tilespmem:s12+$0x40] =	vst v7;
	_ =	sdelay $0x1  }
0x2b8: {  	v4 =	vmul.f32 $2.771281240e+01, v5  }
0x2b9: {  	v5 =	vmul.f32 $2.771281240e+01, v6  }
0x2ba: {  	v3 =	vmul.f32 $2.771281240e+01, v3;
	[tilespmem:s12+$0x30] =	vst v4  }
0x2bb: {  	[tilespmem:s12+$0x20] =	vst v5  }
0x2bc: {  	[tilespmem:s12+$0x10] =	vst v3  }
0x2bd: {  	v3 =	vld [tilespmem:s25+$0x13000];
	_ =	sdelay $0x3  }
0x2be: {  	v4 =	vld [tilespmem:s0+$0x70]  }
0x2bf: {  	v3 =	vmul.f32 $2.771281240e+01, v3;
	v5 =	vld [tilespmem:s0+$0x60]  }
0x2c0: {  	v6 =	vld [tilespmem:s0+$0x50]  }
0x2c1: {  	[tilespmem:s25+$0x13000] =	vst v3;
	v3 =	vld [tilespmem:s0+$0x40]  }
0x2c2: {  	v7 =	vld [tilespmem:s0+$0x20]  }
0x2c3: {  	v8 =	vld [tilespmem:s0+$0x10];
	v4 =	vmul.f32 $2.771281240e+01, v4  }
0x2c4: {  	v9 =	vld [tilespmem:s0+$0x30];
	v5 =	vmul.f32 $2.771281240e+01, v5  }
0x2c5: {  	v6 =	vmul.f32 $2.771281240e+01, v6;
	[tilespmem:s0+$0x70] =	vst v4  }
0x2c6: {  	v3 =	vmul.f32 $2.771281240e+01, v3;
	[tilespmem:s0+$0x60] =	vst v5  }
0x2c7: {  	v4 =	vmul.f32 $2.771281240e+01, v7;
	[tilespmem:s0+$0x50] =	vst v6  }
0x2c8: {  	v5 =	vmul.f32 $2.771281240e+01, v8;
	[tilespmem:s0+$0x40] =	vst v3  }
0x2c9: {  	[tilespmem:s0+$0x20] =	vst v4;
	v3 =	vmul.f32 $2.771281240e+01, v9  }
0x2ca: {  	[tilespmem:s0+$0x10] =	vst v5  }
0x2cb: {  	[tilespmem:s0+$0x30] =	vst v3  }
0x2cc: {  	v3 =	vld [tilespmem:s25+$0x13400];
	_ =	sdelay $0x2  }
0x2cd: {  	s0 =	sadd.s32 $0x13400, s25  }
0x2ce: {  	v4 =	vld [tilespmem:s0+$0x70]  }
0x2cf: {  	v3 =	vmul.f32 $2.771281240e+01, v3;
	v5 =	vld [tilespmem:s0+$0x60]  }
0x2d0: {  	v6 =	vld [tilespmem:s0+$0x50]  }
0x2d1: {  	[tilespmem:s25+$0x13400] =	vst v3;
	v3 =	vld [tilespmem:s0+$0x40]  }
0x2d2: {  	v7 =	vld [tilespmem:s0+$0x10]  }
0x2d3: {  	v8 =	vld [tilespmem:s0+$0x20];
	v4 =	vmul.f32 $2.771281240e+01, v4  }
0x2d4: {  	v9 =	vld [tilespmem:s0+$0x30];
	v5 =	vmul.f32 $2.771281240e+01, v5  }
0x2d5: {  	v6 =	vmul.f32 $2.771281240e+01, v6;
	[tilespmem:s0+$0x70] =	vst v4  }
0x2d6: {  	v3 =	vmul.f32 $2.771281240e+01, v3;
	[tilespmem:s0+$0x60] =	vst v5  }
0x2d7: {  	v4 =	vmul.f32 $2.771281240e+01, v7;
	[tilespmem:s0+$0x50] =	vst v6  }
0x2d8: {  	v5 =	vmul.f32 $2.771281240e+01, v8;
	[tilespmem:s0+$0x40] =	vst v3  }
0x2d9: {  	[tilespmem:s0+$0x10] =	vst v4;
	v3 =	vmul.f32 $2.771281240e+01, v9  }
0x2da: {  	[tilespmem:s0+$0x20] =	vst v5  }
0x2db: {  	[tilespmem:s0+$0x30] =	vst v3  }
0x2dc: {  	s0 =	sadd.s32 $0x13800, s25;
	v3 =	vld [tilespmem:s25+$0x13800]  }
0x2dd: {  	v4 =	vld [tilespmem:s0+$0x40]  }
0x2de: {  	v5 =	vld [tilespmem:s0+$0x50]  }
0x2df: {  	v6 =	vld [tilespmem:s0+$0x60]  }
0x2e0: {  	v7 =	vld [tilespmem:s0+$0x70]  }
0x2e1: {  	v3 =	vmul.f32 $2.771281240e+01, v3  }
0x2e2: {  	v4 =	vmul.f32 $2.771281240e+01, v4  }
0x2e3: {  	[tilespmem:s25+$0x13800] =	vst v3;
	v3 =	vmul.f32 $2.771281240e+01, v5  }
0x2e4: {  	v5 =	vld [tilespmem:s0+$0x30];
	[tilespmem:s0+$0x40] =	vst v4;
	v4 =	vmul.f32 $2.771281240e+01, v6  }
0x2e5: {  	v6 =	vld [tilespmem:s0+$0x10];
	[tilespmem:s0+$0x50] =	vst v3;
	v3 =	vmul.f32 $2.771281240e+01, v7  }
0x2e6: {  	v7 =	vld [tilespmem:s0+$0x20];
	[tilespmem:s0+$0x60] =	vst v4  }
0x2e7: {  	[tilespmem:s0+$0x70] =	vst v3;
	_ =	sdelay $0x1  }
0x2e8: {  	v3 =	vmul.f32 $2.771281240e+01, v5  }
0x2e9: {  	v4 =	vmul.f32 $2.771281240e+01, v6  }
0x2ea: {  	v5 =	vmul.f32 $2.771281240e+01, v7;
	[tilespmem:s0+$0x30] =	vst v3  }
0x2eb: {  	[tilespmem:s0+$0x10] =	vst v4  }
0x2ec: {  	[tilespmem:s0+$0x20] =	vst v5  }
0x2ed: {  	s0 =	sadd.s32 $0x13C00, s25;
	v4 =	vld [tilespmem:s25+$0x13C00]  }
0x2ee: {  	v5 =	vld [tilespmem:s0+$0x40]  }
0x2ef: {  	v6 =	vld [tilespmem:s0+$0x50]  }
0x2f0: {  	v7 =	vld [tilespmem:s0+$0x60]  }
0x2f1: {  	v3 =	vld [tilespmem:s0+$0x70]  }
0x2f2: {  	v4 =	vmul.f32 $2.771281240e+01, v4  }
.Ltmp3:
0x2f3: {  	v5 =	vmul.f32 $2.771281240e+01, v5;
	(pc) =	sbr.rel @p0 .LBB2_9-.Ltmp3, $4  }
0x2f4: {  	[tilespmem:s25+$0x13C00] =	vst v4;
	v8 =	vmul.f32 $2.771281240e+01, v6  }
0x2f5: {  	v4 =	vld [tilespmem:s0+$0x10];
	[tilespmem:s0+$0x40] =	vst v5;
	v7 =	vmul.f32 $2.771281240e+01, v7  }
0x2f6: {  	v6 =	vld [tilespmem:s0+$0x20];
	[tilespmem:s0+$0x50] =	vst v8  }
0x2f7: {  	v5 =	vld [tilespmem:s0+$0x30];
	[tilespmem:s0+$0x60] =	vst v7  }
0x2f8: {  	_ = 	snop  }
0x2f9: {  	v3 =	vmul.f32 $2.771281240e+01, v3  }
0x2fa: {  	v4 =	vmul.f32 $2.771281240e+01, v4  }
0x2fb: {  	[tilespmem:s0+$0x70] =	vst v3;
	v6 =	vmul.f32 $2.771281240e+01, v6  }
0x2fc: {  	[tilespmem:s0+$0x10] =	vst v4;
	v3 =	vmul.f32 $2.771281240e+01, v5  }
0x2fd: {  	[tilespmem:s0+$0x20] =	vst v6  }
0x2fe: {  	[tilespmem:s0+$0x30] =	vst v3  }
0x2ff: {  	v3 =	vld [tilespmem:s25+$0x14000];
	_ =	sdelay $0x2  }
0x300: {  	s26 =	sadd.s32 $0x14000, s25  }
0x301: {  	v4 =	vld [tilespmem:s26+$0x40]  }
0x302: {  	v52 =	vld [tilespmem:s26+$0x50];
	v3 =	vmul.f32 $2.771281240e+01, v3  }
0x303: {  	v6 =	vld [tilespmem:s26+$0x60]  }
0x304: {  	v7 =	vld [tilespmem:s26+$0x70];
	[tilespmem:s25+$0x14000] =	vst v3  }
0x305: {  	v3 =	vld [tilespmem:s26+$0x10]  }
0x306: {  	v4 =	vmul.f32 $2.771281240e+01, v4;
	v8 =	vld [tilespmem:s26+$0x20]  }
0x307: {  	v5 =	vmul.f32 $2.771281240e+01, v52;
	v9 =	vld [tilespmem:s26+$0x30]  }
0x308: {  	v53 =	vmul.f32 $2.771281240e+01, v6;
	[tilespmem:s26+$0x40] =	vst v4  }
0x309: {  	v54 =	vmul.f32 $2.771281240e+01, v7;
	[tilespmem:s26+$0x50] =	vst v5  }
0x30a: {  	[tilespmem:s26+$0x60] =	vst v53;
	v3 =	vmul.f32 $2.771281240e+01, v3  }
0x30b: {  	[tilespmem:s26+$0x70] =	vst v54;
	v55 =	vmul.f32 $2.771281240e+01, v8  }
0x30c: {  	[tilespmem:s26+$0x10] =	vst v3;
	v3 =	vmul.f32 $2.771281240e+01, v9  }
0x30d: {  	[tilespmem:s26+$0x20] =	vst v55  }
0x30e: {  	[tilespmem:s26+$0x30] =	vst v3  }
0x30f: {  	v3 =	vld [tilespmem:s25+$0x14400];
	_ =	sdelay $0x2  }
0x310: {  	s30 =	sadd.s32 $0x14400, s25  }
0x311: {  	v4 =	vld [tilespmem:s30+$0x50]  }
0x312: {  	v5 =	vld [tilespmem:s30+$0x60];
	v3 =	vmul.f32 $2.771281240e+01, v3  }
0x313: {  	v56 =	vld [tilespmem:s30+$0x70]  }
0x314: {  	v57 =	vld [tilespmem:s30+$0x40];
	[tilespmem:s25+$0x14400] =	vst v3  }
0x315: {  	v3 =	vld [tilespmem:s30+$0x30]  }
0x316: {  	v4 =	vmul.f32 $2.771281240e+01, v4;
	v58 =	vld [tilespmem:s30+$0x20]  }
0x317: {  	v5 =	vmul.f32 $2.771281240e+01, v5;
	v59 =	vld [tilespmem:s30+$0x10]  }
0x318: {  	v60 =	vmul.f32 $2.771281240e+01, v56;
	[tilespmem:s30+$0x50] =	vst v4  }
0x319: {  	s1 =	sshll.u32 s24, $0x5;
	s22 =	sadd.s32 $0x1, s22;
	v61 =	vmul.f32 $2.771281240e+01, v57;
	[tilespmem:s30+$0x60] =	vst v5  }
0x31a: {  	s1 =	sadd.s32 s5, s1;
	p0 =	sne.s32 s22, $0x8;
	[tilespmem:s30+$0x70] =	vst v60;
	v3 =	vmul.f32 $2.771281240e+01, v3  }
.Ltmp4:
0x31b: {  	s1 =	sshrl.u32 s1, $0x3;
	[tilespmem:s30+$0x40] =	vst v61;
	v62 =	vmul.f32 $2.771281240e+01, v58;
	(pc) =	sbr.rel @p0 .LBB2_2-.Ltmp4, $4  }
0x31c: {  	s1 =	smul.u32 $0x300, s1;
	v63 =	vmul.f32 $2.771281240e+01, v59;
	[tilespmem:s30+$0x30] =	vst v3  }
0x31d: {  	[tilespmem:s30+$0x20] =	vst v62  }
0x31e: {  	s31 =	sadd.s32 s3, s1;
	[tilespmem:s30+$0x10] =	vst v63  }
0x31f: {  	[hbm4b:s31+s4] =	stream.linear.scatter [tilespmem:s29], [sflag:$0x8], $0x6000, $0x38;
	[tilespmem:$0x19000] =	vst v63  }
0x320: {  	s0 =	simm.s32 $0x7  }
0x321: {  	_ =	swait.ge [sflag:s0], $0x6000  }
0x322: {  	[sflag:s0] =	ssyncset.done $0x0  }
0x323: {  	s1 =	simm.s32 $0x8;
	[sflag:s0] =	ssyncadd.s32 $0xFFFFA000  }
0x324: {  	_ =	swait.ge [sflag:s1], $0x6000  }
0x325: {  	s12 =	rddreg [dreg:$0x6]  }
0x326: {  	s31 =	rddreg [dreg:$0x5];
	s12 =	sadd.s32 $0x1, s12  }
0x327: {  	p0 =	sne.s32 s12, s31  }
.Ltmp5:
0x328: {  	_ = 	snop;
	(pc) =	sbr.rel @p0 .LBB2_1-.Ltmp5, $3  }
0x329: {  	_ =	sdelay $0x1  }
0x32a: {  	[sflag:s1] =	ssyncset.done $0x0  }
0x32b: {  	[sflag:s1] =	ssyncadd.s32 $0xFFFFA000  }
0x32c: {  	_ =	sfence.sel $0x180000  }
0x32d: {  	[bflag:$0x0] =	sbarrier.arrive $0xFFFF  }
0x32e: {  	_ =	strace $0x90000047  }
0x32f: {  	s0 =	stileid.u32;
	[bflag:$0x2] =	sbarrier.arrive $0xFFFF  }
0x330: {  	p0 =	sne.s32 s0, $0x0;
	s0 =	rddreg [dreg:$0x3]  }
0x331: {  	s0 =	sadd.s32 @!p0 $0x100000, s0  }
0x332: {  	[sflag:s0] =	ssyncadd.tile.s32 @!p0 $0x1;
	_ =	shalt  }
.Lfunc_end2:
_tile_overlayer_lowered:
.L_overlay_start_2:
0x333: {  	(tag) =	ssettag $0x2  }
0x334: {  	s0 =	rddreg [dreg:$0x0];
	s2 =	stileid.u32  }
0x335: {  	s1 =	rddreg [dreg:$0x1];
	p0 =	sne.s32 s2, $0x0  }
0x336: {  	s3 =	rddreg [dreg:$0x2];
	[bflag:$0x3] =	sbarrier.arrive $0xFFFF;
	s2 =	simm.s32 @!p0 $0x1C09  }
0x337: {  	[timem:s3], [sflag:s2] =	dma.local @!p0 [hbm:s0], s1  }
0x338: {  	s0 =	simm.s32 @!p0 $0x9  }
0x339: {  	_ =	swait.ge @!p0 [sflag:s0], s1  }
0x33a: {  	s1 =	ssub.s32 @!p0 $0x0, s1;
	[sflag:s0] =	ssyncset.done @!p0 $0x0  }
0x33b: {  	[sflag:s0] =	ssyncadd.s32 @!p0 s1  }
0x33c: {  	[bflag:$0x3] =	sbarrier.arrive $0xFFFF  }
0x33d: {  	_ =	shalt  }

</sc_bundles>
